<compile_context>
chip_gen: v7x
topology: tpu7x:2x2x1
jax: 0.10.2.dev20260603
libtpu: 0.0.44.dev20260713+nightly
codegen_flags: <defaults>
</compile_context>

<pallas_src>
import jax
import jax.numpy as jnp
from jax import lax
from jax.experimental import pallas as pl
from jax.experimental.pallas import tpu as pltpu
from jax.experimental.pallas import tpu_sc as plsc

NC = 2
NS = 16
NW = NC * NS
LANES = 16

F_IN = 10
F_OUT = 32
N_PASS = 6
TROWS = 200
BATCH = 4096
TTILE = 8
NSTEPS = TROWS // TTILE

_COL_TO_IDX = [0] + [1] * 5 + [2] * 10 + [3] * 10


def _sc_body(data_hbm, lut_hbm, out_hbm, in_v, out_v, lut_v, sin, sout, spass):
    wid = lax.axis_index("s") * NC + lax.axis_index("c")
    b0 = wid * 128

    pltpu.sync_copy(lut_hbm, lut_v)

    def in_copy(s, b):
        return pltpu.make_async_copy(
            data_hbm.at[pl.ds(N_PASS, 4), pl.ds(s * TTILE, TTILE), pl.ds(b0, 128)],
            in_v[b],
            sin[b],
        )

    def pass_copy(s, b, c):
        return pltpu.make_async_copy(
            data_hbm.at[c, pl.ds(s * TTILE, TTILE), pl.ds(b0, 128)],
            out_v[b].at[pl.ds(0, TTILE), c, pl.ds(0, 128)],
            spass[b],
        )

    def out_copy(s, b):
        return pltpu.make_async_copy(
            out_v[b],
            out_hbm.at[pl.ds(s * TTILE, TTILE), pl.ds(0, F_OUT), pl.ds(b0, 128)],
            sout[b],
        )

    def compute(b):
        iv, ov = in_v[b], out_v[b]

        iot = lax.iota(jnp.int32, LANES)

        @plsc.parallel_loop(0, TTILE * 8, unroll=4)
        def _(u):
            tl = u >> 3
            sl = pl.ds((u & 7) * LANES, LANES)
            lut_base = [
                iv[k, tl, sl].astype(jnp.int32) * (F_OUT * LANES) + iot
                for k in range(4)
            ]
            for c in range(N_PASS, F_OUT):
                fi = lut_base[_COL_TO_IDX[c - N_PASS]] + (c * LANES)
                ov[tl, c, sl] = plsc.load_gather(lut_v, [fi])

    in_copy(0, 0).start()
    in_copy(1, 1).start()

    def pair_body(i, carry):
        for b in range(2):
            s = i * 2 + b
            in_copy(s, b).wait()

            @pl.when(i >= 1)
            def _():
                out_copy(s, b).wait()

            for c in range(N_PASS):
                pass_copy(s, b, c).start()
            compute(b)
            for c in range(N_PASS):
                pass_copy(s, b, c).wait()
            out_copy(s, b).start()

            @pl.when(s + 2 < NSTEPS)
            def _():
                in_copy(s + 2, b).start()

        return carry

    lax.fori_loop(0, NSTEPS // 2, pair_body, 0)

    last = NSTEPS - 1
    in_copy(last, 0).wait()
    out_copy(last - 2, 0).wait()
    for c in range(N_PASS):
        pass_copy(last, 0, c).start()
    compute(0)
    for c in range(N_PASS):
        pass_copy(last, 0, c).wait()
    out_copy(last, 0).start()
    out_copy(last - 1, 1).wait()
    out_copy(last, 0).wait()


def kernel(data, year_embedding, month_embedding, day_embedding, hour_embedding):
    b, t, f = data.shape

    lut = jnp.concatenate(
        [
            jnp.zeros((3, N_PASS), jnp.float32),
            year_embedding[:3],
            month_embedding[:3],
            day_embedding[:3],
            hour_embedding[:3],
        ],
        axis=1,
    )
    lut_flat = jnp.broadcast_to(lut[:, :, None], (3, F_OUT, LANES)).reshape(-1)

    data_t = data.transpose((2, 1, 0))

    sc_fn = pl.kernel(
        _sc_body,
        out_type=jax.ShapeDtypeStruct((TROWS, F_OUT, BATCH), jnp.float32),
        mesh=plsc.VectorSubcoreMesh(core_axis_name="c", subcore_axis_name="s"),
        scratch_types=[
            [pltpu.VMEM((4, TTILE, 128), jnp.float32) for _ in range(2)],
            [pltpu.VMEM((TTILE, F_OUT, 128), jnp.float32) for _ in range(2)],
            pltpu.VMEM((3 * F_OUT * LANES,), jnp.float32),
            [pltpu.SemaphoreType.DMA for _ in range(2)],
            [pltpu.SemaphoreType.DMA for _ in range(2)],
            [pltpu.SemaphoreType.DMA for _ in range(2)],
        ],
        compiler_params=pltpu.CompilerParams(needs_layout_passes=False),
    )
    out = sc_fn(data_t, lut_flat)
    return out.transpose((2, 0, 1))

# --- scband reference (transcript-rebuilt; emitter-appended) ---
"""Pipeline reference for scband-weather-date-embedded-2224793060046 (READ-ONLY COPY).

The authoritative reference and input builder live on the scoring server;
editing this copy changes nothing except your own understanding.
"""

import jax, jax.numpy as jnp
import numpy as np

B, T, F = 4096, 200, 10

def setup_inputs(seed: int = 0) -> dict:
    key = jax.random.key(seed)
    k1, k2, k3, k4, k5 = jax.random.split(key, 5)
    data = jax.random.randint(k1, (B, T, F), 0, 3).astype(jnp.float32)
    year_embedding = jax.random.normal(k2, (3, 1), dtype=jnp.float32)
    month_embedding = jax.random.normal(k3, (13, 5), dtype=jnp.float32)
    day_embedding = jax.random.normal(k4, (31, 10), dtype=jnp.float32)
    hour_embedding = jax.random.normal(k5, (24, 10), dtype=jnp.float32)
    return {
        'data': data,
        'year_embedding': year_embedding,
        'month_embedding': month_embedding,
        'day_embedding': day_embedding,
        'hour_embedding': hour_embedding,
    }

def reference(data, year_embedding, month_embedding, day_embedding, hour_embedding):
    raw_data = data
    idx = jax.lax.stop_gradient(data[:, :, -4:]).astype(jnp.int32)
    year_data = idx[:, :, 0]
    month_data = idx[:, :, 1]
    day_data = idx[:, :, 2]
    hour_data = idx[:, :, 3]
    embedded_year = jnp.take(year_embedding, year_data, axis=0)
    embedded_month = jnp.take(month_embedding, month_data, axis=0)
    embedded_day = jnp.take(day_embedding, day_data, axis=0)
    embedded_hour = jnp.take(hour_embedding, hour_data, axis=0)
    encoded_features = jnp.concatenate([embedded_year, embedded_month, embedded_day, embedded_hour], axis=2)
    encoded_features_np = jnp.concatenate([raw_data[:, :, 0:6], encoded_features], axis=2)
    return encoded_features_np

if __name__ == "__main__":
    import jax
    _d = setup_inputs()
    print(jax.jit(kernel)(*tuple(_d.values())))

</pallas_src>

<mosaic_0001>
#map = affine_map<(d0, d1) -> (0, 0, 0)>
#map1 = affine_map<(d0, d1) -> (0)>
module attributes {stable_mosaic.version = 14 : i64} {
  func.func @_sc_body(%arg0: i32, %arg1: i32, %arg2: memref<10x200x4096xf32, #tpu.memory_space<hbm>>, %arg3: memref<1536xf32, #tpu.memory_space<hbm>>, %arg4: memref<200x32x4096xf32, #tpu.memory_space<hbm>>, %arg5: memref<4x8x128xf32, #tpu.memory_space<vmem>>, %arg6: memref<4x8x128xf32, #tpu.memory_space<vmem>>, %arg7: memref<8x32x128xf32, #tpu.memory_space<vmem>>, %arg8: memref<8x32x128xf32, #tpu.memory_space<vmem>>, %arg9: memref<1536xf32, #tpu.memory_space<vmem>>, %arg10: memref<!tpu.dma_semaphore, #tpu.memory_space<semaphore_mem>>, %arg11: memref<!tpu.dma_semaphore, #tpu.memory_space<semaphore_mem>>, %arg12: memref<!tpu.dma_semaphore, #tpu.memory_space<semaphore_mem>>, %arg13: memref<!tpu.dma_semaphore, #tpu.memory_space<semaphore_mem>>, %arg14: memref<!tpu.dma_semaphore, #tpu.memory_space<semaphore_mem>>, %arg15: memref<!tpu.dma_semaphore, #tpu.memory_space<semaphore_mem>>) attributes {dimension_semantics = [#tpu.dimension_semantics<core_parallel>, #tpu.dimension_semantics<subcore_parallel>], iteration_bounds = array<i64: 2, 16>, scalar_prefetch = 0 : i64, scratch_operands = 11 : i64, tpu.core_type = #tpu.core_type<sc_vector_subcore>, window_params = [{transform_indices = #map}, {transform_indices = #map1}, {transform_indices = #map}]} {
    %mul3A = arith.constant 2 : i32
    %mul3A_0 = arith.muli %arg1, %mul3A : i32
    %add3A = arith.addi %mul3A_0, %arg0 : i32
    %mul3A_1 = arith.constant 128 : i32
    %mul3A_2 = arith.muli %add3A, %mul3A_1 : i32
    "tpu.region"() ({
      %run_scoped3A = tpu.sem_alloc : memref<!tpu.dma_semaphore, #tpu.memory_space<semaphore_mem>>
      tpu.enqueue_dma source(%arg3 : memref<1536xf32, #tpu.memory_space<hbm>>) target(%arg9 : memref<1536xf32, #tpu.memory_space<vmem>>) target_semaphore(%run_scoped3A : memref<!tpu.dma_semaphore, #tpu.memory_space<semaphore_mem>>)
      tpu.wait_dma2 semaphore(%run_scoped3A : memref<!tpu.dma_semaphore, #tpu.memory_space<semaphore_mem>>) src(%arg3 : memref<1536xf32, #tpu.memory_space<hbm>>) dst(%arg9 : memref<1536xf32, #tpu.memory_space<vmem>>)
      tpu.yield
    }) : () -> ()
    %dma_start3A = arith.constant 6 : i32
    %dma_start3A_3 = arith.constant 0 : i32
    %dma_start3A_4 = tpu.memref_slice %arg2[%dma_start3A, %dma_start3A_3, %mul3A_2] : memref<10x200x4096xf32, #tpu.memory_space<hbm>> -> memref<4x8x128xf32, #tpu.memory_space<hbm>>
    %dma_start3A_5 = arith.constant 6 : i32
    %dma_start3A_6 = arith.constant 0 : i32
    %dma_start3A_7 = tpu.memref_slice %arg2[%dma_start3A_5, %dma_start3A_6, %mul3A_2] : memref<10x200x4096xf32, #tpu.memory_space<hbm>> -> memref<4x8x128xf32, #tpu.memory_space<hbm>>
    tpu.enqueue_dma source(%dma_start3A_7 : memref<4x8x128xf32, #tpu.memory_space<hbm>>) target(%arg5 : memref<4x8x128xf32, #tpu.memory_space<vmem>>) target_semaphore(%arg10 : memref<!tpu.dma_semaphore, #tpu.memory_space<semaphore_mem>>)
    %dma_start3A_8 = arith.constant 6 : i32
    %dma_start3A_9 = arith.constant 8 : i32
    %dma_start3A_10 = tpu.memref_slice %arg2[%dma_start3A_8, %dma_start3A_9, %mul3A_2] : memref<10x200x4096xf32, #tpu.memory_space<hbm>> -> memref<4x8x128xf32, #tpu.memory_space<hbm>>
    %dma_start3A_11 = arith.constant 6 : i32
    %dma_start3A_12 = arith.constant 8 : i32
    %dma_start3A_13 = tpu.memref_slice %arg2[%dma_start3A_11, %dma_start3A_12, %mul3A_2] : memref<10x200x4096xf32, #tpu.memory_space<hbm>> -> memref<4x8x128xf32, #tpu.memory_space<hbm>>
    tpu.enqueue_dma source(%dma_start3A_13 : memref<4x8x128xf32, #tpu.memory_space<hbm>>) target(%arg6 : memref<4x8x128xf32, #tpu.memory_space<vmem>>) target_semaphore(%arg11 : memref<!tpu.dma_semaphore, #tpu.memory_space<semaphore_mem>>)
    %scan3A = arith.constant 0 : i32
    %scan3A_14 = arith.constant 0 : i32
    %scan3A_15 = arith.constant 12 : i32
    %scan3A_16 = arith.addi %scan3A_14, %scan3A_15 : i32
    %scan3A_17 = arith.constant 1 : i32
    scf.for %scan3A_242 = %scan3A_14 to %scan3A_16 step %scan3A_17  : i32 {
      %mul3A_243 = arith.constant 2 : i32
      %mul3A_244 = arith.muli %scan3A_242, %mul3A_243 : i32
      %add3A_245 = arith.constant 0 : i32
      %add3A_246 = arith.addi %mul3A_244, %add3A_245 : i32
      %mul3A_247 = arith.constant 8 : i32
      %mul3A_248 = arith.muli %add3A_246, %mul3A_247 : i32
      %dma_wait3A_249 = arith.constant 6 : i32
      %dma_wait3A_250 = tpu.memref_slice %arg2[%dma_wait3A_249, %mul3A_248, %mul3A_2] : memref<10x200x4096xf32, #tpu.memory_space<hbm>> -> memref<4x8x128xf32, #tpu.memory_space<hbm>>
      %dma_wait3A_251 = arith.constant 6 : i32
      %dma_wait3A_252 = tpu.memref_slice %arg2[%dma_wait3A_251, %mul3A_248, %mul3A_2] : memref<10x200x4096xf32, #tpu.memory_space<hbm>> -> memref<4x8x128xf32, #tpu.memory_space<hbm>>
      tpu.wait_dma2 semaphore(%arg10 : memref<!tpu.dma_semaphore, #tpu.memory_space<semaphore_mem>>) src(%dma_wait3A_252 : memref<4x8x128xf32, #tpu.memory_space<hbm>>) dst(%arg5 : memref<4x8x128xf32, #tpu.memory_space<vmem>>)
      %ge3A = arith.constant 1 : i32
      %ge3A_253 = arith.cmpi sge, %scan3A_242, %ge3A : i32
      %convert_element_type3A = arith.extui %ge3A_253 : i1 to i32
      %cond3A = arith.constant 0 : i32
      %cond3A_254 = arith.cmpi ne, %convert_element_type3A, %cond3A : i32
      scf.if %cond3A_254 {
        %mul3A_687 = arith.constant 8 : i32
        %mul3A_688 = arith.muli %add3A_246, %mul3A_687 : i32
        %dma_wait3A_689 = arith.constant 0 : i32
        %dma_wait3A_690 = tpu.memref_slice %arg4[%mul3A_688, %dma_wait3A_689, %mul3A_2] : memref<200x32x4096xf32, #tpu.memory_space<hbm>> -> memref<8x32x128xf32, #tpu.memory_space<hbm>>
        %dma_wait3A_691 = arith.constant 0 : i32
        %dma_wait3A_692 = tpu.memref_slice %arg4[%mul3A_688, %dma_wait3A_691, %mul3A_2] : memref<200x32x4096xf32, #tpu.memory_space<hbm>> -> memref<8x32x128xf32, #tpu.memory_space<hbm>>
        tpu.wait_dma2 semaphore(%arg12 : memref<!tpu.dma_semaphore, #tpu.memory_space<semaphore_mem>>) src(%arg7 : memref<8x32x128xf32, #tpu.memory_space<vmem>>) dst(%dma_wait3A_692 : memref<8x32x128xf32, #tpu.memory_space<hbm>>)
      } else {
      }
      %mul3A_255 = arith.constant 8 : i32
      %mul3A_256 = arith.muli %add3A_246, %mul3A_255 : i32
      %dma_start3A_257 = arith.constant 0 : i32
      %dma_start3A_258 = arith.constant 0 : i32
      %dma_start3A_259 = arith.constant 0 : i32
      %dma_start3A_260 = arith.constant 0 : i32
      %dma_start3A_261 = tpu.memref_slice %arg7[%dma_start3A_259, %dma_start3A_258, %dma_start3A_260] : memref<8x32x128xf32, #tpu.memory_space<vmem>> -> memref<8x1x128xf32, #tpu.memory_space<vmem>>
      %dma_start3A_262 = tpu.memref_squeeze %dma_start3A_261 : memref<8x1x128xf32, #tpu.memory_space<vmem>> -> memref<8x128xf32, #tpu.memory_space<vmem>>
      %dma_start3A_263 = tpu.memref_slice %arg2[%dma_start3A_257, %mul3A_256, %mul3A_2] : memref<10x200x4096xf32, #tpu.memory_space<hbm>> -> memref<1x8x128xf32, #tpu.memory_space<hbm>>
      %dma_start3A_264 = tpu.memref_squeeze %dma_start3A_263 : memref<1x8x128xf32, #tpu.memory_space<hbm>> -> memref<8x128xf32, #tpu.memory_space<hbm>>
      %dma_start3A_265 = arith.constant 0 : i32
      %dma_start3A_266 = arith.constant 0 : i32
      %dma_start3A_267 = tpu.memref_slice %arg7[%dma_start3A_265, %dma_start3A_258, %dma_start3A_266] : memref<8x32x128xf32, #tpu.memory_space<vmem>> -> memref<8x1x128xf32, #tpu.memory_space<vmem>>
      %dma_start3A_268 = tpu.memref_squeeze %dma_start3A_267 : memref<8x1x128xf32, #tpu.memory_space<vmem>> -> memref<8x128xf32, #tpu.memory_space<vmem>>
      %dma_start3A_269 = tpu.memref_slice %arg2[%dma_start3A_257, %mul3A_256, %mul3A_2] : memref<10x200x4096xf32, #tpu.memory_space<hbm>> -> memref<1x8x128xf32, #tpu.memory_space<hbm>>
      %dma_start3A_270 = tpu.memref_squeeze %dma_start3A_269 : memref<1x8x128xf32, #tpu.memory_space<hbm>> -> memref<8x128xf32, #tpu.memory_space<hbm>>
      tpu.enqueue_dma source(%dma_start3A_270 : memref<8x128xf32, #tpu.memory_space<hbm>>) target(%dma_start3A_268 : memref<8x128xf32, #tpu.memory_space<vmem>>) target_semaphore(%arg14 : memref<!tpu.dma_semaphore, #tpu.memory_space<semaphore_mem>>)
      %mul3A_271 = arith.constant 8 : i32
      %mul3A_272 = arith.muli %add3A_246, %mul3A_271 : i32
      %dma_start3A_273 = arith.constant 1 : i32
      %dma_start3A_274 = arith.constant 1 : i32
      %dma_start3A_275 = arith.constant 0 : i32
      %dma_start3A_276 = arith.constant 0 : i32
      %dma_start3A_277 = tpu.memref_slice %arg7[%dma_start3A_275, %dma_start3A_274, %dma_start3A_276] : memref<8x32x128xf32, #tpu.memory_space<vmem>> -> memref<8x1x128xf32, #tpu.memory_space<vmem>>
      %dma_start3A_278 = tpu.memref_squeeze %dma_start3A_277 : memref<8x1x128xf32, #tpu.memory_space<vmem>> -> memref<8x128xf32, #tpu.memory_space<vmem>>
      %dma_start3A_279 = tpu.memref_slice %arg2[%dma_start3A_273, %mul3A_272, %mul3A_2] : memref<10x200x4096xf32, #tpu.memory_space<hbm>> -> memref<1x8x128xf32, #tpu.memory_space<hbm>>
      %dma_start3A_280 = tpu.memref_squeeze %dma_start3A_279 : memref<1x8x128xf32, #tpu.memory_space<hbm>> -> memref<8x128xf32, #tpu.memory_space<hbm>>
      %dma_start3A_281 = arith.constant 0 : i32
      %dma_start3A_282 = arith.constant 0 : i32
      %dma_start3A_283 = tpu.memref_slice %arg7[%dma_start3A_281, %dma_start3A_274, %dma_start3A_282] : memref<8x32x128xf32, #tpu.memory_space<vmem>> -> memref<8x1x128xf32, #tpu.memory_space<vmem>>
      %dma_start3A_284 = tpu.memref_squeeze %dma_start3A_283 : memref<8x1x128xf32, #tpu.memory_space<vmem>> -> memref<8x128xf32, #tpu.memory_space<vmem>>
      %dma_start3A_285 = tpu.memref_slice %arg2[%dma_start3A_273, %mul3A_272, %mul3A_2] : memref<10x200x4096xf32, #tpu.memory_space<hbm>> -> memref<1x8x128xf32, #tpu.memory_space<hbm>>
      %dma_start3A_286 = tpu.memref_squeeze %dma_start3A_285 : memref<1x8x128xf32, #tpu.memory_space<hbm>> -> memref<8x128xf32, #tpu.memory_space<hbm>>
      tpu.enqueue_dma source(%dma_start3A_286 : memref<8x128xf32, #tpu.memory_space<hbm>>) target(%dma_start3A_284 : memref<8x128xf32, #tpu.memory_space<vmem>>) target_semaphore(%arg14 : memref<!tpu.dma_semaphore, #tpu.memory_space<semaphore_mem>>)
      %mul3A_287 = arith.constant 8 : i32
      %mul3A_288 = arith.muli %add3A_246, %mul3A_287 : i32
      %dma_start3A_289 = arith.constant 2 : i32
      %dma_start3A_290 = arith.constant 2 : i32
      %dma_start3A_291 = arith.constant 0 : i32
      %dma_start3A_292 = arith.constant 0 : i32
      %dma_start3A_293 = tpu.memref_slice %arg7[%dma_start3A_291, %dma_start3A_290, %dma_start3A_292] : memref<8x32x128xf32, #tpu.memory_space<vmem>> -> memref<8x1x128xf32, #tpu.memory_space<vmem>>
      %dma_start3A_294 = tpu.memref_squeeze %dma_start3A_293 : memref<8x1x128xf32, #tpu.memory_space<vmem>> -> memref<8x128xf32, #tpu.memory_space<vmem>>
      %dma_start3A_295 = tpu.memref_slice %arg2[%dma_start3A_289, %mul3A_288, %mul3A_2] : memref<10x200x4096xf32, #tpu.memory_space<hbm>> -> memref<1x8x128xf32, #tpu.memory_space<hbm>>
      %dma_start3A_296 = tpu.memref_squeeze %dma_start3A_295 : memref<1x8x128xf32, #tpu.memory_space<hbm>> -> memref<8x128xf32, #tpu.memory_space<hbm>>
      %dma_start3A_297 = arith.constant 0 : i32
      %dma_start3A_298 = arith.constant 0 : i32
      %dma_start3A_299 = tpu.memref_slice %arg7[%dma_start3A_297, %dma_start3A_290, %dma_start3A_298] : memref<8x32x128xf32, #tpu.memory_space<vmem>> -> memref<8x1x128xf32, #tpu.memory_space<vmem>>
      %dma_start3A_300 = tpu.memref_squeeze %dma_start3A_299 : memref<8x1x128xf32, #tpu.memory_space<vmem>> -> memref<8x128xf32, #tpu.memory_space<vmem>>
      %dma_start3A_301 = tpu.memref_slice %arg2[%dma_start3A_289, %mul3A_288, %mul3A_2] : memref<10x200x4096xf32, #tpu.memory_space<hbm>> -> memref<1x8x128xf32, #tpu.memory_space<hbm>>
      %dma_start3A_302 = tpu.memref_squeeze %dma_start3A_301 : memref<1x8x128xf32, #tpu.memory_space<hbm>> -> memref<8x128xf32, #tpu.memory_space<hbm>>
      tpu.enqueue_dma source(%dma_start3A_302 : memref<8x128xf32, #tpu.memory_space<hbm>>) target(%dma_start3A_300 : memref<8x128xf32, #tpu.memory_space<vmem>>) target_semaphore(%arg14 : memref<!tpu.dma_semaphore, #tpu.memory_space<semaphore_mem>>)
      %mul3A_303 = arith.constant 8 : i32
      %mul3A_304 = arith.muli %add3A_246, %mul3A_303 : i32
      %dma_start3A_305 = arith.constant 3 : i32
      %dma_start3A_306 = arith.constant 3 : i32
      %dma_start3A_307 = arith.constant 0 : i32
      %dma_start3A_308 = arith.constant 0 : i32
      %dma_start3A_309 = tpu.memref_slice %arg7[%dma_start3A_307, %dma_start3A_306, %dma_start3A_308] : memref<8x32x128xf32, #tpu.memory_space<vmem>> -> memref<8x1x128xf32, #tpu.memory_space<vmem>>
      %dma_start3A_310 = tpu.memref_squeeze %dma_start3A_309 : memref<8x1x128xf32, #tpu.memory_space<vmem>> -> memref<8x128xf32, #tpu.memory_space<vmem>>
      %dma_start3A_311 = tpu.memref_slice %arg2[%dma_start3A_305, %mul3A_304, %mul3A_2] : memref<10x200x4096xf32, #tpu.memory_space<hbm>> -> memref<1x8x128xf32, #tpu.memory_space<hbm>>
      %dma_start3A_312 = tpu.memref_squeeze %dma_start3A_311 : memref<1x8x128xf32, #tpu.memory_space<hbm>> -> memref<8x128xf32, #tpu.memory_space<hbm>>
      %dma_start3A_313 = arith.constant 0 : i32
      %dma_start3A_314 = arith.constant 0 : i32
      %dma_start3A_315 = tpu.memref_slice %arg7[%dma_start3A_313, %dma_start3A_306, %dma_start3A_314] : memref<8x32x128xf32, #tpu.memory_space<vmem>> -> memref<8x1x128xf32, #tpu.memory_space<vmem>>
      %dma_start3A_316 = tpu.memref_squeeze %dma_start3A_315 : memref<8x1x128xf32, #tpu.memory_space<vmem>> -> memref<8x128xf32, #tpu.memory_space<vmem>>
      %dma_start3A_317 = tpu.memref_slice %arg2[%dma_start3A_305, %mul3A_304, %mul3A_2] : memref<10x200x4096xf32, #tpu.memory_space<hbm>> -> memref<1x8x128xf32, #tpu.memory_space<hbm>>
      %dma_start3A_318 = tpu.memref_squeeze %dma_start3A_317 : memref<1x8x128xf32, #tpu.memory_space<hbm>> -> memref<8x128xf32, #tpu.memory_space<hbm>>
      tpu.enqueue_dma source(%dma_start3A_318 : memref<8x128xf32, #tpu.memory_space<hbm>>) target(%dma_start3A_316 : memref<8x128xf32, #tpu.memory_space<vmem>>) target_semaphore(%arg14 : memref<!tpu.dma_semaphore, #tpu.memory_space<semaphore_mem>>)
      %mul3A_319 = arith.constant 8 : i32
      %mul3A_320 = arith.muli %add3A_246, %mul3A_319 : i32
      %dma_start3A_321 = arith.constant 4 : i32
      %dma_start3A_322 = arith.constant 4 : i32
      %dma_start3A_323 = arith.constant 0 : i32
      %dma_start3A_324 = arith.constant 0 : i32
      %dma_start3A_325 = tpu.memref_slice %arg7[%dma_start3A_323, %dma_start3A_322, %dma_start3A_324] : memref<8x32x128xf32, #tpu.memory_space<vmem>> -> memref<8x1x128xf32, #tpu.memory_space<vmem>>
      %dma_start3A_326 = tpu.memref_squeeze %dma_start3A_325 : memref<8x1x128xf32, #tpu.memory_space<vmem>> -> memref<8x128xf32, #tpu.memory_space<vmem>>
      %dma_start3A_327 = tpu.memref_slice %arg2[%dma_start3A_321, %mul3A_320, %mul3A_2] : memref<10x200x4096xf32, #tpu.memory_space<hbm>> -> memref<1x8x128xf32, #tpu.memory_space<hbm>>
      %dma_start3A_328 = tpu.memref_squeeze %dma_start3A_327 : memref<1x8x128xf32, #tpu.memory_space<hbm>> -> memref<8x128xf32, #tpu.memory_space<hbm>>
      %dma_start3A_329 = arith.constant 0 : i32
      %dma_start3A_330 = arith.constant 0 : i32
      %dma_start3A_331 = tpu.memref_slice %arg7[%dma_start3A_329, %dma_start3A_322, %dma_start3A_330] : memref<8x32x128xf32, #tpu.memory_space<vmem>> -> memref<8x1x128xf32, #tpu.memory_space<vmem>>
      %dma_start3A_332 = tpu.memref_squeeze %dma_start3A_331 : memref<8x1x128xf32, #tpu.memory_space<vmem>> -> memref<8x128xf32, #tpu.memory_space<vmem>>
      %dma_start3A_333 = tpu.memref_slice %arg2[%dma_start3A_321, %mul3A_320, %mul3A_2] : memref<10x200x4096xf32, #tpu.memory_space<hbm>> -> memref<1x8x128xf32, #tpu.memory_space<hbm>>
      %dma_start3A_334 = tpu.memref_squeeze %dma_start3A_333 : memref<1x8x128xf32, #tpu.memory_space<hbm>> -> memref<8x128xf32, #tpu.memory_space<hbm>>
      tpu.enqueue_dma source(%dma_start3A_334 : memref<8x128xf32, #tpu.memory_space<hbm>>) target(%dma_start3A_332 : memref<8x128xf32, #tpu.memory_space<vmem>>) target_semaphore(%arg14 : memref<!tpu.dma_semaphore, #tpu.memory_space<semaphore_mem>>)
      %mul3A_335 = arith.constant 8 : i32
      %mul3A_336 = arith.muli %add3A_246, %mul3A_335 : i32
      %dma_start3A_337 = arith.constant 5 : i32
      %dma_start3A_338 = arith.constant 5 : i32
      %dma_start3A_339 = arith.constant 0 : i32
      %dma_start3A_340 = arith.constant 0 : i32
      %dma_start3A_341 = tpu.memref_slice %arg7[%dma_start3A_339, %dma_start3A_338, %dma_start3A_340] : memref<8x32x128xf32, #tpu.memory_space<vmem>> -> memref<8x1x128xf32, #tpu.memory_space<vmem>>
      %dma_start3A_342 = tpu.memref_squeeze %dma_start3A_341 : memref<8x1x128xf32, #tpu.memory_space<vmem>> -> memref<8x128xf32, #tpu.memory_space<vmem>>
      %dma_start3A_343 = tpu.memref_slice %arg2[%dma_start3A_337, %mul3A_336, %mul3A_2] : memref<10x200x4096xf32, #tpu.memory_space<hbm>> -> memref<1x8x128xf32, #tpu.memory_space<hbm>>
      %dma_start3A_344 = tpu.memref_squeeze %dma_start3A_343 : memref<1x8x128xf32, #tpu.memory_space<hbm>> -> memref<8x128xf32, #tpu.memory_space<hbm>>
      %dma_start3A_345 = arith.constant 0 : i32
      %dma_start3A_346 = arith.constant 0 : i32
      %dma_start3A_347 = tpu.memref_slice %arg7[%dma_start3A_345, %dma_start3A_338, %dma_start3A_346] : memref<8x32x128xf32, #tpu.memory_space<vmem>> -> memref<8x1x128xf32, #tpu.memory_space<vmem>>
      %dma_start3A_348 = tpu.memref_squeeze %dma_start3A_347 : memref<8x1x128xf32, #tpu.memory_space<vmem>> -> memref<8x128xf32, #tpu.memory_space<vmem>>
      %dma_start3A_349 = tpu.memref_slice %arg2[%dma_start3A_337, %mul3A_336, %mul3A_2] : memref<10x200x4096xf32, #tpu.memory_space<hbm>> -> memref<1x8x128xf32, #tpu.memory_space<hbm>>
      %dma_start3A_350 = tpu.memref_squeeze %dma_start3A_349 : memref<1x8x128xf32, #tpu.memory_space<hbm>> -> memref<8x128xf32, #tpu.memory_space<hbm>>
      tpu.enqueue_dma source(%dma_start3A_350 : memref<8x128xf32, #tpu.memory_space<hbm>>) target(%dma_start3A_348 : memref<8x128xf32, #tpu.memory_space<vmem>>) target_semaphore(%arg14 : memref<!tpu.dma_semaphore, #tpu.memory_space<semaphore_mem>>)
      %iota3A_351 = tpu.iota {dimensions = array<i32: 0>} : vector<16xi32>
      %parallel_loop3A_352 = arith.constant 0 : i32
      %parallel_loop3A_353 = arith.constant 64 : i32
      %parallel_loop3A_354 = arith.constant 1 : i32
      scf.for %parallel_loop3A_687 = %parallel_loop3A_352 to %parallel_loop3A_353 step %parallel_loop3A_354  : i32 {
        %parallel_loop3A_688 = arith.constant 3 : i32
        %parallel_loop3A_689 = arith.shrsi %parallel_loop3A_687, %parallel_loop3A_688 : i32
        %parallel_loop3A_690 = arith.constant 7 : i32
        %parallel_loop3A_691 = arith.andi %parallel_loop3A_687, %parallel_loop3A_690 : i32
        %parallel_loop3A_692 = arith.constant 16 : i32
        %parallel_loop3A_693 = arith.muli %parallel_loop3A_691, %parallel_loop3A_692 : i32
        %parallel_loop3A_694 = arith.constant 0 : i32
        %parallel_loop3A_695 = arith.index_cast %parallel_loop3A_694 : i32 to index
        %parallel_loop3A_696 = arith.index_cast %parallel_loop3A_689 : i32 to index
        %parallel_loop3A_697 = arith.index_cast %parallel_loop3A_693 : i32 to index
        %parallel_loop3A_698 = tpu.vector_load %arg5[%parallel_loop3A_695, %parallel_loop3A_696, %parallel_loop3A_697] {strides = array<i32>} : memref<4x8x128xf32, #tpu.memory_space<vmem>>, vector<16xf32>,
        %parallel_loop3A_699 = arith.fptosi %parallel_loop3A_698 : vector<16xf32> to vector<16xi32>
        %parallel_loop3A_700 = arith.constant 512 : i32
        %parallel_loop3A_701 = vector.broadcast %parallel_loop3A_700 : i32 to vector<16xi32>
        %parallel_loop3A_702 = arith.muli %parallel_loop3A_699, %parallel_loop3A_701 : vector<16xi32>
        %parallel_loop3A_703 = arith.addi %parallel_loop3A_702, %iota3A_351 : vector<16xi32>
        %parallel_loop3A_704 = arith.constant 1 : i32
        %parallel_loop3A_705 = arith.index_cast %parallel_loop3A_704 : i32 to index
        %parallel_loop3A_706 = arith.index_cast %parallel_loop3A_689 : i32 to index
        %parallel_loop3A_707 = arith.index_cast %parallel_loop3A_693 : i32 to index
        %parallel_loop3A_708 = tpu.vector_load %arg5[%parallel_loop3A_705, %parallel_loop3A_706, %parallel_loop3A_707] {strides = array<i32>} : memref<4x8x128xf32, #tpu.memory_space<vmem>>, vector<16xf32>,
        %parallel_loop3A_709 = arith.fptosi %parallel_loop3A_708 : vector<16xf32> to vector<16xi32>
        %parallel_loop3A_710 = arith.constant 512 : i32
        %parallel_loop3A_711 = vector.broadcast %parallel_loop3A_710 : i32 to vector<16xi32>
        %parallel_loop3A_712 = arith.muli %parallel_loop3A_709, %parallel_loop3A_711 : vector<16xi32>
        %parallel_loop3A_713 = arith.addi %parallel_loop3A_712, %iota3A_351 : vector<16xi32>
        %parallel_loop3A_714 = arith.constant 2 : i32
        %parallel_loop3A_715 = arith.index_cast %parallel_loop3A_714 : i32 to index
        %parallel_loop3A_716 = arith.index_cast %parallel_loop3A_689 : i32 to index
        %parallel_loop3A_717 = arith.index_cast %parallel_loop3A_693 : i32 to index
        %parallel_loop3A_718 = tpu.vector_load %arg5[%parallel_loop3A_715, %parallel_loop3A_716, %parallel_loop3A_717] {strides = array<i32>} : memref<4x8x128xf32, #tpu.memory_space<vmem>>, vector<16xf32>,
        %parallel_loop3A_719 = arith.fptosi %parallel_loop3A_718 : vector<16xf32> to vector<16xi32>
        %parallel_loop3A_720 = arith.constant 512 : i32
        %parallel_loop3A_721 = vector.broadcast %parallel_loop3A_720 : i32 to vector<16xi32>
        %parallel_loop3A_722 = arith.muli %parallel_loop3A_719, %parallel_loop3A_721 : vector<16xi32>
        %parallel_loop3A_723 = arith.addi %parallel_loop3A_722, %iota3A_351 : vector<16xi32>
        %parallel_loop3A_724 = arith.constant 3 : i32
        %parallel_loop3A_725 = arith.index_cast %parallel_loop3A_724 : i32 to index
        %parallel_loop3A_726 = arith.index_cast %parallel_loop3A_689 : i32 to index
        %parallel_loop3A_727 = arith.index_cast %parallel_loop3A_693 : i32 to index
        %parallel_loop3A_728 = tpu.vector_load %arg5[%parallel_loop3A_725, %parallel_loop3A_726, %parallel_loop3A_727] {strides = array<i32>} : memref<4x8x128xf32, #tpu.memory_space<vmem>>, vector<16xf32>,
        %parallel_loop3A_729 = arith.fptosi %parallel_loop3A_728 : vector<16xf32> to vector<16xi32>
        %parallel_loop3A_730 = arith.constant 512 : i32
        %parallel_loop3A_731 = vector.broadcast %parallel_loop3A_730 : i32 to vector<16xi32>
        %parallel_loop3A_732 = arith.muli %parallel_loop3A_729, %parallel_loop3A_731 : vector<16xi32>
        %parallel_loop3A_733 = arith.addi %parallel_loop3A_732, %iota3A_351 : vector<16xi32>
        %parallel_loop3A_734 = arith.constant 96 : i32
        %parallel_loop3A_735 = vector.broadcast %parallel_loop3A_734 : i32 to vector<16xi32>
        %parallel_loop3A_736 = arith.addi %parallel_loop3A_703, %parallel_loop3A_735 : vector<16xi32>
        %parallel_loop3A_737 = tpu.vector_load_idx %arg9[%parallel_loop3A_736] : memref<1536xf32, #tpu.memory_space<vmem>>[vector<16xi32>], vector<16xf32>,
        %parallel_loop3A_738 = arith.constant 6 : i32
        %parallel_loop3A_739 = arith.index_cast %parallel_loop3A_689 : i32 to index
        %parallel_loop3A_740 = arith.index_cast %parallel_loop3A_738 : i32 to index
        %parallel_loop3A_741 = arith.index_cast %parallel_loop3A_693 : i32 to index
        %parallel_loop3A_742 = tpu.vector_load %arg7[%parallel_loop3A_739, %parallel_loop3A_740, %parallel_loop3A_741] {strides = array<i32>} : memref<8x32x128xf32, #tpu.memory_space<vmem>>, vector<16xf32>,
        tpu.vector_store %arg7[%parallel_loop3A_739, %parallel_loop3A_740, %parallel_loop3A_741], %parallel_loop3A_737 {strides = array<i32>} : memref<8x32x128xf32, #tpu.memory_space<vmem>>, vector<16xf32>,
        %parallel_loop3A_743 = arith.constant 112 : i32
        %parallel_loop3A_744 = vector.broadcast %parallel_loop3A_743 : i32 to vector<16xi32>
        %parallel_loop3A_745 = arith.addi %parallel_loop3A_713, %parallel_loop3A_744 : vector<16xi32>
        %parallel_loop3A_746 = tpu.vector_load_idx %arg9[%parallel_loop3A_745] : memref<1536xf32, #tpu.memory_space<vmem>>[vector<16xi32>], vector<16xf32>,
        %parallel_loop3A_747 = arith.constant 7 : i32
        %parallel_loop3A_748 = arith.index_cast %parallel_loop3A_689 : i32 to index
        %parallel_loop3A_749 = arith.index_cast %parallel_loop3A_747 : i32 to index
        %parallel_loop3A_750 = arith.index_cast %parallel_loop3A_693 : i32 to index
        %parallel_loop3A_751 = tpu.vector_load %arg7[%parallel_loop3A_748, %parallel_loop3A_749, %parallel_loop3A_750] {strides = array<i32>} : memref<8x32x128xf32, #tpu.memory_space<vmem>>, vector<16xf32>,
        tpu.vector_store %arg7[%parallel_loop3A_748, %parallel_loop3A_749, %parallel_loop3A_750], %parallel_loop3A_746 {strides = array<i32>} : memref<8x32x128xf32, #tpu.memory_space<vmem>>, vector<16xf32>,
        %parallel_loop3A_752 = arith.constant 128 : i32
        %parallel_loop3A_753 = vector.broadcast %parallel_loop3A_752 : i32 to vector<16xi32>
        %parallel_loop3A_754 = arith.addi %parallel_loop3A_713, %parallel_loop3A_753 : vector<16xi32>
        %parallel_loop3A_755 = tpu.vector_load_idx %arg9[%parallel_loop3A_754] : memref<1536xf32, #tpu.memory_space<vmem>>[vector<16xi32>], vector<16xf32>,
        %parallel_loop3A_756 = arith.constant 8 : i32
        %parallel_loop3A_757 = arith.index_cast %parallel_loop3A_689 : i32 to index
        %parallel_loop3A_758 = arith.index_cast %parallel_loop3A_756 : i32 to index
        %parallel_loop3A_759 = arith.index_cast %parallel_loop3A_693 : i32 to index
        %parallel_loop3A_760 = tpu.vector_load %arg7[%parallel_loop3A_757, %parallel_loop3A_758, %parallel_loop3A_759] {strides = array<i32>} : memref<8x32x128xf32, #tpu.memory_space<vmem>>, vector<16xf32>,
        tpu.vector_store %arg7[%parallel_loop3A_757, %parallel_loop3A_758, %parallel_loop3A_759], %parallel_loop3A_755 {strides = array<i32>} : memref<8x32x128xf32, #tpu.memory_space<vmem>>, vector<16xf32>,
        %parallel_loop3A_761 = arith.constant 144 : i32
        %parallel_loop3A_762 = vector.broadcast %parallel_loop3A_761 : i32 to vector<16xi32>
        %parallel_loop3A_763 = arith.addi %parallel_loop3A_713, %parallel_loop3A_762 : vector<16xi32>
        %parallel_loop3A_764 = tpu.vector_load_idx %arg9[%parallel_loop3A_763] : memref<1536xf32, #tpu.memory_space<vmem>>[vector<16xi32>], vector<16xf32>,
        %parallel_loop3A_765 = arith.constant 9 : i32
        %parallel_loop3A_766 = arith.index_cast %parallel_loop3A_689 : i32 to index
        %parallel_loop3A_767 = arith.index_cast %parallel_loop3A_765 : i32 to index
        %parallel_loop3A_768 = arith.index_cast %parallel_loop3A_693 : i32 to index
        %parallel_loop3A_769 = tpu.vector_load %arg7[%parallel_loop3A_766, %parallel_loop3A_767, %parallel_loop3A_768] {strides = array<i32>} : memref<8x32x128xf32, #tpu.memory_space<vmem>>, vector<16xf32>,
        tpu.vector_store %arg7[%parallel_loop3A_766, %parallel_loop3A_767, %parallel_loop3A_768], %parallel_loop3A_764 {strides = array<i32>} : memref<8x32x128xf32, #tpu.memory_space<vmem>>, vector<16xf32>,
        %parallel_loop3A_770 = arith.constant 160 : i32
        %parallel_loop3A_771 = vector.broadcast %parallel_loop3A_770 : i32 to vector<16xi32>
        %parallel_loop3A_772 = arith.addi %parallel_loop3A_713, %parallel_loop3A_771 : vector<16xi32>
        %parallel_loop3A_773 = tpu.vector_load_idx %arg9[%parallel_loop3A_772] : memref<1536xf32, #tpu.memory_space<vmem>>[vector<16xi32>], vector<16xf32>,
        %parallel_loop3A_774 = arith.constant 10 : i32
        %parallel_loop3A_775 = arith.index_cast %parallel_loop3A_689 : i32 to index
        %parallel_loop3A_776 = arith.index_cast %parallel_loop3A_774 : i32 to index
        %parallel_loop3A_777 = arith.index_cast %parallel_loop3A_693 : i32 to index
        %parallel_loop3A_778 = tpu.vector_load %arg7[%parallel_loop3A_775, %parallel_loop3A_776, %parallel_loop3A_777] {strides = array<i32>} : memref<8x32x128xf32, #tpu.memory_space<vmem>>, vector<16xf32>,
        tpu.vector_store %arg7[%parallel_loop3A_775, %parallel_loop3A_776, %parallel_loop3A_777], %parallel_loop3A_773 {strides = array<i32>} : memref<8x32x128xf32, #tpu.memory_space<vmem>>, vector<16xf32>,
        %parallel_loop3A_779 = arith.constant 176 : i32
        %parallel_loop3A_780 = vector.broadcast %parallel_loop3A_779 : i32 to vector<16xi32>
        %parallel_loop3A_781 = arith.addi %parallel_loop3A_713, %parallel_loop3A_780 : vector<16xi32>
        %parallel_loop3A_782 = tpu.vector_load_idx %arg9[%parallel_loop3A_781] : memref<1536xf32, #tpu.memory_space<vmem>>[vector<16xi32>], vector<16xf32>,
        %parallel_loop3A_783 = arith.constant 11 : i32
        %parallel_loop3A_784 = arith.index_cast %parallel_loop3A_689 : i32 to index
        %parallel_loop3A_785 = arith.index_cast %parallel_loop3A_783 : i32 to index
        %parallel_loop3A_786 = arith.index_cast %parallel_loop3A_693 : i32 to index
        %parallel_loop3A_787 = tpu.vector_load %arg7[%parallel_loop3A_784, %parallel_loop3A_785, %parallel_loop3A_786] {strides = array<i32>} : memref<8x32x128xf32, #tpu.memory_space<vmem>>, vector<16xf32>,
        tpu.vector_store %arg7[%parallel_loop3A_784, %parallel_loop3A_785, %parallel_loop3A_786], %parallel_loop3A_782 {strides = array<i32>} : memref<8x32x128xf32, #tpu.memory_space<vmem>>, vector<16xf32>,
        %parallel_loop3A_788 = arith.constant 192 : i32
        %parallel_loop3A_789 = vector.broadcast %parallel_loop3A_788 : i32 to vector<16xi32>
        %parallel_loop3A_790 = arith.addi %parallel_loop3A_723, %parallel_loop3A_789 : vector<16xi32>
        %parallel_loop3A_791 = tpu.vector_load_idx %arg9[%parallel_loop3A_790] : memref<1536xf32, #tpu.memory_space<vmem>>[vector<16xi32>], vector<16xf32>,
        %parallel_loop3A_792 = arith.constant 12 : i32
        %parallel_loop3A_793 = arith.index_cast %parallel_loop3A_689 : i32 to index
        %parallel_loop3A_794 = arith.index_cast %parallel_loop3A_792 : i32 to index
        %parallel_loop3A_795 = arith.index_cast %parallel_loop3A_693 : i32 to index
        %parallel_loop3A_796 = tpu.vector_load %arg7[%parallel_loop3A_793, %parallel_loop3A_794, %parallel_loop3A_795] {strides = array<i32>} : memref<8x32x128xf32, #tpu.memory_space<vmem>>, vector<16xf32>,
        tpu.vector_store %arg7[%parallel_loop3A_793, %parallel_loop3A_794, %parallel_loop3A_795], %parallel_loop3A_791 {strides = array<i32>} : memref<8x32x128xf32, #tpu.memory_space<vmem>>, vector<16xf32>,
        %parallel_loop3A_797 = arith.constant 208 : i32
        %parallel_loop3A_798 = vector.broadcast %parallel_loop3A_797 : i32 to vector<16xi32>
        %parallel_loop3A_799 = arith.addi %parallel_loop3A_723, %parallel_loop3A_798 : vector<16xi32>
        %parallel_loop3A_800 = tpu.vector_load_idx %arg9[%parallel_loop3A_799] : memref<1536xf32, #tpu.memory_space<vmem>>[vector<16xi32>], vector<16xf32>,
        %parallel_loop3A_801 = arith.constant 13 : i32
        %parallel_loop3A_802 = arith.index_cast %parallel_loop3A_689 : i32 to index
        %parallel_loop3A_803 = arith.index_cast %parallel_loop3A_801 : i32 to index
        %parallel_loop3A_804 = arith.index_cast %parallel_loop3A_693 : i32 to index
        %parallel_loop3A_805 = tpu.vector_load %arg7[%parallel_loop3A_802, %parallel_loop3A_803, %parallel_loop3A_804] {strides = array<i32>} : memref<8x32x128xf32, #tpu.memory_space<vmem>>, vector<16xf32>,
        tpu.vector_store %arg7[%parallel_loop3A_802, %parallel_loop3A_803, %parallel_loop3A_804], %parallel_loop3A_800 {strides = array<i32>} : memref<8x32x128xf32, #tpu.memory_space<vmem>>, vector<16xf32>,
        %parallel_loop3A_806 = arith.constant 224 : i32
        %parallel_loop3A_807 = vector.broadcast %parallel_loop3A_806 : i32 to vector<16xi32>
        %parallel_loop3A_808 = arith.addi %parallel_loop3A_723, %parallel_loop3A_807 : vector<16xi32>
        %parallel_loop3A_809 = tpu.vector_load_idx %arg9[%parallel_loop3A_808] : memref<1536xf32, #tpu.memory_space<vmem>>[vector<16xi32>], vector<16xf32>,
        %parallel_loop3A_810 = arith.constant 14 : i32
        %parallel_loop3A_811 = arith.index_cast %parallel_loop3A_689 : i32 to index
        %parallel_loop3A_812 = arith.index_cast %parallel_loop3A_810 : i32 to index
        %parallel_loop3A_813 = arith.index_cast %parallel_loop3A_693 : i32 to index
        %parallel_loop3A_814 = tpu.vector_load %arg7[%parallel_loop3A_811, %parallel_loop3A_812, %parallel_loop3A_813] {strides = array<i32>} : memref<8x32x128xf32, #tpu.memory_space<vmem>>, vector<16xf32>,
        tpu.vector_store %arg7[%parallel_loop3A_811, %parallel_loop3A_812, %parallel_loop3A_813], %parallel_loop3A_809 {strides = array<i32>} : memref<8x32x128xf32, #tpu.memory_space<vmem>>, vector<16xf32>,
        %parallel_loop3A_815 = arith.constant 240 : i32
        %parallel_loop3A_816 = vector.broadcast %parallel_loop3A_815 : i32 to vector<16xi32>
        %parallel_loop3A_817 = arith.addi %parallel_loop3A_723, %parallel_loop3A_816 : vector<16xi32>
        %parallel_loop3A_818 = tpu.vector_load_idx %arg9[%parallel_loop3A_817] : memref<1536xf32, #tpu.memory_space<vmem>>[vector<16xi32>], vector<16xf32>,
        %parallel_loop3A_819 = arith.constant 15 : i32
        %parallel_loop3A_820 = arith.index_cast %parallel_loop3A_689 : i32 to index
        %parallel_loop3A_821 = arith.index_cast %parallel_loop3A_819 : i32 to index
        %parallel_loop3A_822 = arith.index_cast %parallel_loop3A_693 : i32 to index
        %parallel_loop3A_823 = tpu.vector_load %arg7[%parallel_loop3A_820, %parallel_loop3A_821, %parallel_loop3A_822] {strides = array<i32>} : memref<8x32x128xf32, #tpu.memory_space<vmem>>, vector<16xf32>,
        tpu.vector_store %arg7[%parallel_loop3A_820, %parallel_loop3A_821, %parallel_loop3A_822], %parallel_loop3A_818 {strides = array<i32>} : memref<8x32x128xf32, #tpu.memory_space<vmem>>, vector<16xf32>,
        %parallel_loop3A_824 = arith.constant 256 : i32
        %parallel_loop3A_825 = vector.broadcast %parallel_loop3A_824 : i32 to vector<16xi32>
        %parallel_loop3A_826 = arith.addi %parallel_loop3A_723, %parallel_loop3A_825 : vector<16xi32>
        %parallel_loop3A_827 = tpu.vector_load_idx %arg9[%parallel_loop3A_826] : memref<1536xf32, #tpu.memory_space<vmem>>[vector<16xi32>], vector<16xf32>,
        %parallel_loop3A_828 = arith.constant 16 : i32
        %parallel_loop3A_829 = arith.index_cast %parallel_loop3A_689 : i32 to index
        %parallel_loop3A_830 = arith.index_cast %parallel_loop3A_828 : i32 to index
        %parallel_loop3A_831 = arith.index_cast %parallel_loop3A_693 : i32 to index
        %parallel_loop3A_832 = tpu.vector_load %arg7[%parallel_loop3A_829, %parallel_loop3A_830, %parallel_loop3A_831] {strides = array<i32>} : memref<8x32x128xf32, #tpu.memory_space<vmem>>, vector<16xf32>,
        tpu.vector_store %arg7[%parallel_loop3A_829, %parallel_loop3A_830, %parallel_loop3A_831], %parallel_loop3A_827 {strides = array<i32>} : memref<8x32x128xf32, #tpu.memory_space<vmem>>, vector<16xf32>,
        %parallel_loop3A_833 = arith.constant 272 : i32
        %parallel_loop3A_834 = vector.broadcast %parallel_loop3A_833 : i32 to vector<16xi32>
        %parallel_loop3A_835 = arith.addi %parallel_loop3A_723, %parallel_loop3A_834 : vector<16xi32>
        %parallel_loop3A_836 = tpu.vector_load_idx %arg9[%parallel_loop3A_835] : memref<1536xf32, #tpu.memory_space<vmem>>[vector<16xi32>], vector<16xf32>,
        %parallel_loop3A_837 = arith.constant 17 : i32
        %parallel_loop3A_838 = arith.index_cast %parallel_loop3A_689 : i32 to index
        %parallel_loop3A_839 = arith.index_cast %parallel_loop3A_837 : i32 to index
        %parallel_loop3A_840 = arith.index_cast %parallel_loop3A_693 : i32 to index
        %parallel_loop3A_841 = tpu.vector_load %arg7[%parallel_loop3A_838, %parallel_loop3A_839, %parallel_loop3A_840] {strides = array<i32>} : memref<8x32x128xf32, #tpu.memory_space<vmem>>, vector<16xf32>,
        tpu.vector_store %arg7[%parallel_loop3A_838, %parallel_loop3A_839, %parallel_loop3A_840], %parallel_loop3A_836 {strides = array<i32>} : memref<8x32x128xf32, #tpu.memory_space<vmem>>, vector<16xf32>,
        %parallel_loop3A_842 = arith.constant 288 : i32
        %parallel_loop3A_843 = vector.broadcast %parallel_loop3A_842 : i32 to vector<16xi32>
        %parallel_loop3A_844 = arith.addi %parallel_loop3A_723, %parallel_loop3A_843 : vector<16xi32>
        %parallel_loop3A_845 = tpu.vector_load_idx %arg9[%parallel_loop3A_844] : memref<1536xf32, #tpu.memory_space<vmem>>[vector<16xi32>], vector<16xf32>,
        %parallel_loop3A_846 = arith.constant 18 : i32
        %parallel_loop3A_847 = arith.index_cast %parallel_loop3A_689 : i32 to index
        %parallel_loop3A_848 = arith.index_cast %parallel_loop3A_846 : i32 to index
        %parallel_loop3A_849 = arith.index_cast %parallel_loop3A_693 : i32 to index
        %parallel_loop3A_850 = tpu.vector_load %arg7[%parallel_loop3A_847, %parallel_loop3A_848, %parallel_loop3A_849] {strides = array<i32>} : memref<8x32x128xf32, #tpu.memory_space<vmem>>, vector<16xf32>,
        tpu.vector_store %arg7[%parallel_loop3A_847, %parallel_loop3A_848, %parallel_loop3A_849], %parallel_loop3A_845 {strides = array<i32>} : memref<8x32x128xf32, #tpu.memory_space<vmem>>, vector<16xf32>,
        %parallel_loop3A_851 = arith.constant 304 : i32
        %parallel_loop3A_852 = vector.broadcast %parallel_loop3A_851 : i32 to vector<16xi32>
        %parallel_loop3A_853 = arith.addi %parallel_loop3A_723, %parallel_loop3A_852 : vector<16xi32>
        %parallel_loop3A_854 = tpu.vector_load_idx %arg9[%parallel_loop3A_853] : memref<1536xf32, #tpu.memory_space<vmem>>[vector<16xi32>], vector<16xf32>,
        %parallel_loop3A_855 = arith.constant 19 : i32
        %parallel_loop3A_856 = arith.index_cast %parallel_loop3A_689 : i32 to index
        %parallel_loop3A_857 = arith.index_cast %parallel_loop3A_855 : i32 to index
        %parallel_loop3A_858 = arith.index_cast %parallel_loop3A_693 : i32 to index
        %parallel_loop3A_859 = tpu.vector_load %arg7[%parallel_loop3A_856, %parallel_loop3A_857, %parallel_loop3A_858] {strides = array<i32>} : memref<8x32x128xf32, #tpu.memory_space<vmem>>, vector<16xf32>,
        tpu.vector_store %arg7[%parallel_loop3A_856, %parallel_loop3A_857, %parallel_loop3A_858], %parallel_loop3A_854 {strides = array<i32>} : memref<8x32x128xf32, #tpu.memory_space<vmem>>, vector<16xf32>,
        %parallel_loop3A_860 = arith.constant 320 : i32
        %parallel_loop3A_861 = vector.broadcast %parallel_loop3A_860 : i32 to vector<16xi32>
        %parallel_loop3A_862 = arith.addi %parallel_loop3A_723, %parallel_loop3A_861 : vector<16xi32>
        %parallel_loop3A_863 = tpu.vector_load_idx %arg9[%parallel_loop3A_862] : memref<1536xf32, #tpu.memory_space<vmem>>[vector<16xi32>], vector<16xf32>,
        %parallel_loop3A_864 = arith.constant 20 : i32
        %parallel_loop3A_865 = arith.index_cast %parallel_loop3A_689 : i32 to index
        %parallel_loop3A_866 = arith.index_cast %parallel_loop3A_864 : i32 to index
        %parallel_loop3A_867 = arith.index_cast %parallel_loop3A_693 : i32 to index
        %parallel_loop3A_868 = tpu.vector_load %arg7[%parallel_loop3A_865, %parallel_loop3A_866, %parallel_loop3A_867] {strides = array<i32>} : memref<8x32x128xf32, #tpu.memory_space<vmem>>, vector<16xf32>,
        tpu.vector_store %arg7[%parallel_loop3A_865, %parallel_loop3A_866, %parallel_loop3A_867], %parallel_loop3A_863 {strides = array<i32>} : memref<8x32x128xf32, #tpu.memory_space<vmem>>, vector<16xf32>,
        %parallel_loop3A_869 = arith.constant 336 : i32
        %parallel_loop3A_870 = vector.broadcast %parallel_loop3A_869 : i32 to vector<16xi32>
        %parallel_loop3A_871 = arith.addi %parallel_loop3A_723, %parallel_loop3A_870 : vector<16xi32>
        %parallel_loop3A_872 = tpu.vector_load_idx %arg9[%parallel_loop3A_871] : memref<1536xf32, #tpu.memory_space<vmem>>[vector<16xi32>], vector<16xf32>,
        %parallel_loop3A_873 = arith.constant 21 : i32
        %parallel_loop3A_874 = arith.index_cast %parallel_loop3A_689 : i32 to index
        %parallel_loop3A_875 = arith.index_cast %parallel_loop3A_873 : i32 to index
        %parallel_loop3A_876 = arith.index_cast %parallel_loop3A_693 : i32 to index
        %parallel_loop3A_877 = tpu.vector_load %arg7[%parallel_loop3A_874, %parallel_loop3A_875, %parallel_loop3A_876] {strides = array<i32>} : memref<8x32x128xf32, #tpu.memory_space<vmem>>, vector<16xf32>,
        tpu.vector_store %arg7[%parallel_loop3A_874, %parallel_loop3A_875, %parallel_loop3A_876], %parallel_loop3A_872 {strides = array<i32>} : memref<8x32x128xf32, #tpu.memory_space<vmem>>, vector<16xf32>,
        %parallel_loop3A_878 = arith.constant 352 : i32
        %parallel_loop3A_879 = vector.broadcast %parallel_loop3A_878 : i32 to vector<16xi32>
        %parallel_loop3A_880 = arith.addi %parallel_loop3A_733, %parallel_loop3A_879 : vector<16xi32>
        %parallel_loop3A_881 = tpu.vector_load_idx %arg9[%parallel_loop3A_880] : memref<1536xf32, #tpu.memory_space<vmem>>[vector<16xi32>], vector<16xf32>,
        %parallel_loop3A_882 = arith.constant 22 : i32
        %parallel_loop3A_883 = arith.index_cast %parallel_loop3A_689 : i32 to index
        %parallel_loop3A_884 = arith.index_cast %parallel_loop3A_882 : i32 to index
        %parallel_loop3A_885 = arith.index_cast %parallel_loop3A_693 : i32 to index
        %parallel_loop3A_886 = tpu.vector_load %arg7[%parallel_loop3A_883, %parallel_loop3A_884, %parallel_loop3A_885] {strides = array<i32>} : memref<8x32x128xf32, #tpu.memory_space<vmem>>, vector<16xf32>,
        tpu.vector_store %arg7[%parallel_loop3A_883, %parallel_loop3A_884, %parallel_loop3A_885], %parallel_loop3A_881 {strides = array<i32>} : memref<8x32x128xf32, #tpu.memory_space<vmem>>, vector<16xf32>,
        %parallel_loop3A_887 = arith.constant 368 : i32
        %parallel_loop3A_888 = vector.broadcast %parallel_loop3A_887 : i32 to vector<16xi32>
        %parallel_loop3A_889 = arith.addi %parallel_loop3A_733, %parallel_loop3A_888 : vector<16xi32>
        %parallel_loop3A_890 = tpu.vector_load_idx %arg9[%parallel_loop3A_889] : memref<1536xf32, #tpu.memory_space<vmem>>[vector<16xi32>], vector<16xf32>,
        %parallel_loop3A_891 = arith.constant 23 : i32
        %parallel_loop3A_892 = arith.index_cast %parallel_loop3A_689 : i32 to index
        %parallel_loop3A_893 = arith.index_cast %parallel_loop3A_891 : i32 to index
        %parallel_loop3A_894 = arith.index_cast %parallel_loop3A_693 : i32 to index
        %parallel_loop3A_895 = tpu.vector_load %arg7[%parallel_loop3A_892, %parallel_loop3A_893, %parallel_loop3A_894] {strides = array<i32>} : memref<8x32x128xf32, #tpu.memory_space<vmem>>, vector<16xf32>,
        tpu.vector_store %arg7[%parallel_loop3A_892, %parallel_loop3A_893, %parallel_loop3A_894], %parallel_loop3A_890 {strides = array<i32>} : memref<8x32x128xf32, #tpu.memory_space<vmem>>, vector<16xf32>,
        %parallel_loop3A_896 = arith.constant 384 : i32
        %parallel_loop3A_897 = vector.broadcast %parallel_loop3A_896 : i32 to vector<16xi32>
        %parallel_loop3A_898 = arith.addi %parallel_loop3A_733, %parallel_loop3A_897 : vector<16xi32>
        %parallel_loop3A_899 = tpu.vector_load_idx %arg9[%parallel_loop3A_898] : memref<1536xf32, #tpu.memory_space<vmem>>[vector<16xi32>], vector<16xf32>,
        %parallel_loop3A_900 = arith.constant 24 : i32
        %parallel_loop3A_901 = arith.index_cast %parallel_loop3A_689 : i32 to index
        %parallel_loop3A_902 = arith.index_cast %parallel_loop3A_900 : i32 to index
        %parallel_loop3A_903 = arith.index_cast %parallel_loop3A_693 : i32 to index
        %parallel_loop3A_904 = tpu.vector_load %arg7[%parallel_loop3A_901, %parallel_loop3A_902, %parallel_loop3A_903] {strides = array<i32>} : memref<8x32x128xf32, #tpu.memory_space<vmem>>, vector<16xf32>,
        tpu.vector_store %arg7[%parallel_loop3A_901, %parallel_loop3A_902, %parallel_loop3A_903], %parallel_loop3A_899 {strides = array<i32>} : memref<8x32x128xf32, #tpu.memory_space<vmem>>, vector<16xf32>,
        %parallel_loop3A_905 = arith.constant 400 : i32
        %parallel_loop3A_906 = vector.broadcast %parallel_loop3A_905 : i32 to vector<16xi32>
        %parallel_loop3A_907 = arith.addi %parallel_loop3A_733, %parallel_loop3A_906 : vector<16xi32>
        %parallel_loop3A_908 = tpu.vector_load_idx %arg9[%parallel_loop3A_907] : memref<1536xf32, #tpu.memory_space<vmem>>[vector<16xi32>], vector<16xf32>,
        %parallel_loop3A_909 = arith.constant 25 : i32
        %parallel_loop3A_910 = arith.index_cast %parallel_loop3A_689 : i32 to index
        %parallel_loop3A_911 = arith.index_cast %parallel_loop3A_909 : i32 to index
        %parallel_loop3A_912 = arith.index_cast %parallel_loop3A_693 : i32 to index
        %parallel_loop3A_913 = tpu.vector_load %arg7[%parallel_loop3A_910, %parallel_loop3A_911, %parallel_loop3A_912] {strides = array<i32>} : memref<8x32x128xf32, #tpu.memory_space<vmem>>, vector<16xf32>,
        tpu.vector_store %arg7[%parallel_loop3A_910, %parallel_loop3A_911, %parallel_loop3A_912], %parallel_loop3A_908 {strides = array<i32>} : memref<8x32x128xf32, #tpu.memory_space<vmem>>, vector<16xf32>,
        %parallel_loop3A_914 = arith.constant 416 : i32
        %parallel_loop3A_915 = vector.broadcast %parallel_loop3A_914 : i32 to vector<16xi32>
        %parallel_loop3A_916 = arith.addi %parallel_loop3A_733, %parallel_loop3A_915 : vector<16xi32>
        %parallel_loop3A_917 = tpu.vector_load_idx %arg9[%parallel_loop3A_916] : memref<1536xf32, #tpu.memory_space<vmem>>[vector<16xi32>], vector<16xf32>,
        %parallel_loop3A_918 = arith.constant 26 : i32
        %parallel_loop3A_919 = arith.index_cast %parallel_loop3A_689 : i32 to index
        %parallel_loop3A_920 = arith.index_cast %parallel_loop3A_918 : i32 to index
        %parallel_loop3A_921 = arith.index_cast %parallel_loop3A_693 : i32 to index
        %parallel_loop3A_922 = tpu.vector_load %arg7[%parallel_loop3A_919, %parallel_loop3A_920, %parallel_loop3A_921] {strides = array<i32>} : memref<8x32x128xf32, #tpu.memory_space<vmem>>, vector<16xf32>,
        tpu.vector_store %arg7[%parallel_loop3A_919, %parallel_loop3A_920, %parallel_loop3A_921], %parallel_loop3A_917 {strides = array<i32>} : memref<8x32x128xf32, #tpu.memory_space<vmem>>, vector<16xf32>,
        %parallel_loop3A_923 = arith.constant 432 : i32
        %parallel_loop3A_924 = vector.broadcast %parallel_loop3A_923 : i32 to vector<16xi32>
        %parallel_loop3A_925 = arith.addi %parallel_loop3A_733, %parallel_loop3A_924 : vector<16xi32>
        %parallel_loop3A_926 = tpu.vector_load_idx %arg9[%parallel_loop3A_925] : memref<1536xf32, #tpu.memory_space<vmem>>[vector<16xi32>], vector<16xf32>,
        %parallel_loop3A_927 = arith.constant 27 : i32
        %parallel_loop3A_928 = arith.index_cast %parallel_loop3A_689 : i32 to index
        %parallel_loop3A_929 = arith.index_cast %parallel_loop3A_927 : i32 to index
        %parallel_loop3A_930 = arith.index_cast %parallel_loop3A_693 : i32 to index
        %parallel_loop3A_931 = tpu.vector_load %arg7[%parallel_loop3A_928, %parallel_loop3A_929, %parallel_loop3A_930] {strides = array<i32>} : memref<8x32x128xf32, #tpu.memory_space<vmem>>, vector<16xf32>,
        tpu.vector_store %arg7[%parallel_loop3A_928, %parallel_loop3A_929, %parallel_loop3A_930], %parallel_loop3A_926 {strides = array<i32>} : memref<8x32x128xf32, #tpu.memory_space<vmem>>, vector<16xf32>,
        %parallel_loop3A_932 = arith.constant 448 : i32
        %parallel_loop3A_933 = vector.broadcast %parallel_loop3A_932 : i32 to vector<16xi32>
        %parallel_loop3A_934 = arith.addi %parallel_loop3A_733, %parallel_loop3A_933 : vector<16xi32>
        %parallel_loop3A_935 = tpu.vector_load_idx %arg9[%parallel_loop3A_934] : memref<1536xf32, #tpu.memory_space<vmem>>[vector<16xi32>], vector<16xf32>,
        %parallel_loop3A_936 = arith.constant 28 : i32
        %parallel_loop3A_937 = arith.index_cast %parallel_loop3A_689 : i32 to index
        %parallel_loop3A_938 = arith.index_cast %parallel_loop3A_936 : i32 to index
        %parallel_loop3A_939 = arith.index_cast %parallel_loop3A_693 : i32 to index
        %parallel_loop3A_940 = tpu.vector_load %arg7[%parallel_loop3A_937, %parallel_loop3A_938, %parallel_loop3A_939] {strides = array<i32>} : memref<8x32x128xf32, #tpu.memory_space<vmem>>, vector<16xf32>,
        tpu.vector_store %arg7[%parallel_loop3A_937, %parallel_loop3A_938, %parallel_loop3A_939], %parallel_loop3A_935 {strides = array<i32>} : memref<8x32x128xf32, #tpu.memory_space<vmem>>, vector<16xf32>,
        %parallel_loop3A_941 = arith.constant 464 : i32
        %parallel_loop3A_942 = vector.broadcast %parallel_loop3A_941 : i32 to vector<16xi32>
        %parallel_loop3A_943 = arith.addi %parallel_loop3A_733, %parallel_loop3A_942 : vector<16xi32>
        %parallel_loop3A_944 = tpu.vector_load_idx %arg9[%parallel_loop3A_943] : memref<1536xf32, #tpu.memory_space<vmem>>[vector<16xi32>], vector<16xf32>,
        %parallel_loop3A_945 = arith.constant 29 : i32
        %parallel_loop3A_946 = arith.index_cast %parallel_loop3A_689 : i32 to index
        %parallel_loop3A_947 = arith.index_cast %parallel_loop3A_945 : i32 to index
        %parallel_loop3A_948 = arith.index_cast %parallel_loop3A_693 : i32 to index
        %parallel_loop3A_949 = tpu.vector_load %arg7[%parallel_loop3A_946, %parallel_loop3A_947, %parallel_loop3A_948] {strides = array<i32>} : memref<8x32x128xf32, #tpu.memory_space<vmem>>, vector<16xf32>,
        tpu.vector_store %arg7[%parallel_loop3A_946, %parallel_loop3A_947, %parallel_loop3A_948], %parallel_loop3A_944 {strides = array<i32>} : memref<8x32x128xf32, #tpu.memory_space<vmem>>, vector<16xf32>,
        %parallel_loop3A_950 = arith.constant 480 : i32
        %parallel_loop3A_951 = vector.broadcast %parallel_loop3A_950 : i32 to vector<16xi32>
        %parallel_loop3A_952 = arith.addi %parallel_loop3A_733, %parallel_loop3A_951 : vector<16xi32>
        %parallel_loop3A_953 = tpu.vector_load_idx %arg9[%parallel_loop3A_952] : memref<1536xf32, #tpu.memory_space<vmem>>[vector<16xi32>], vector<16xf32>,
        %parallel_loop3A_954 = arith.constant 30 : i32
        %parallel_loop3A_955 = arith.index_cast %parallel_loop3A_689 : i32 to index
        %parallel_loop3A_956 = arith.index_cast %parallel_loop3A_954 : i32 to index
        %parallel_loop3A_957 = arith.index_cast %parallel_loop3A_693 : i32 to index
        %parallel_loop3A_958 = tpu.vector_load %arg7[%parallel_loop3A_955, %parallel_loop3A_956, %parallel_loop3A_957] {strides = array<i32>} : memref<8x32x128xf32, #tpu.memory_space<vmem>>, vector<16xf32>,
        tpu.vector_store %arg7[%parallel_loop3A_955, %parallel_loop3A_956, %parallel_loop3A_957], %parallel_loop3A_953 {strides = array<i32>} : memref<8x32x128xf32, #tpu.memory_space<vmem>>, vector<16xf32>,
        %parallel_loop3A_959 = arith.constant 496 : i32
        %parallel_loop3A_960 = vector.broadcast %parallel_loop3A_959 : i32 to vector<16xi32>
        %parallel_loop3A_961 = arith.addi %parallel_loop3A_733, %parallel_loop3A_960 : vector<16xi32>
        %parallel_loop3A_962 = tpu.vector_load_idx %arg9[%parallel_loop3A_961] : memref<1536xf32, #tpu.memory_space<vmem>>[vector<16xi32>], vector<16xf32>,
        %parallel_loop3A_963 = arith.constant 31 : i32
        %parallel_loop3A_964 = arith.index_cast %parallel_loop3A_689 : i32 to index
        %parallel_loop3A_965 = arith.index_cast %parallel_loop3A_963 : i32 to index
        %parallel_loop3A_966 = arith.index_cast %parallel_loop3A_693 : i32 to index
        %parallel_loop3A_967 = tpu.vector_load %arg7[%parallel_loop3A_964, %parallel_loop3A_965, %parallel_loop3A_966] {strides = array<i32>} : memref<8x32x128xf32, #tpu.memory_space<vmem>>, vector<16xf32>,
        tpu.vector_store %arg7[%parallel_loop3A_964, %parallel_loop3A_965, %parallel_loop3A_966], %parallel_loop3A_962 {strides = array<i32>} : memref<8x32x128xf32, #tpu.memory_space<vmem>>, vector<16xf32>,
      } {sc.loop_unroll_factor = 4 : i64, sc.parallel_access}
      %mul3A_355 = arith.constant 8 : i32
      %mul3A_356 = arith.muli %add3A_246, %mul3A_355 : i32
      %dma_wait3A_357 = arith.constant 0 : i32
      %dma_wait3A_358 = arith.constant 0 : i32
      %dma_wait3A_359 = arith.constant 0 : i32
      %dma_wait3A_360 = arith.constant 0 : i32
      %dma_wait3A_361 = tpu.memref_slice %arg7[%dma_wait3A_359, %dma_wait3A_358, %dma_wait3A_360] : memref<8x32x128xf32, #tpu.memory_space<vmem>> -> memref<8x1x128xf32, #tpu.memory_space<vmem>>
      %dma_wait3A_362 = tpu.memref_squeeze %dma_wait3A_361 : memref<8x1x128xf32, #tpu.memory_space<vmem>> -> memref<8x128xf32, #tpu.memory_space<vmem>>
      %dma_wait3A_363 = tpu.memref_slice %arg2[%dma_wait3A_357, %mul3A_356, %mul3A_2] : memref<10x200x4096xf32, #tpu.memory_space<hbm>> -> memref<1x8x128xf32, #tpu.memory_space<hbm>>
      %dma_wait3A_364 = tpu.memref_squeeze %dma_wait3A_363 : memref<1x8x128xf32, #tpu.memory_space<hbm>> -> memref<8x128xf32, #tpu.memory_space<hbm>>
      %dma_wait3A_365 = arith.constant 0 : i32
      %dma_wait3A_366 = arith.constant 0 : i32
      %dma_wait3A_367 = tpu.memref_slice %arg7[%dma_wait3A_365, %dma_wait3A_358, %dma_wait3A_366] : memref<8x32x128xf32, #tpu.memory_space<vmem>> -> memref<8x1x128xf32, #tpu.memory_space<vmem>>
      %dma_wait3A_368 = tpu.memref_squeeze %dma_wait3A_367 : memref<8x1x128xf32, #tpu.memory_space<vmem>> -> memref<8x128xf32, #tpu.memory_space<vmem>>
      %dma_wait3A_369 = tpu.memref_slice %arg2[%dma_wait3A_357, %mul3A_356, %mul3A_2] : memref<10x200x4096xf32, #tpu.memory_space<hbm>> -> memref<1x8x128xf32, #tpu.memory_space<hbm>>
      %dma_wait3A_370 = tpu.memref_squeeze %dma_wait3A_369 : memref<1x8x128xf32, #tpu.memory_space<hbm>> -> memref<8x128xf32, #tpu.memory_space<hbm>>
      tpu.wait_dma2 semaphore(%arg14 : memref<!tpu.dma_semaphore, #tpu.memory_space<semaphore_mem>>) src(%dma_wait3A_370 : memref<8x128xf32, #tpu.memory_space<hbm>>) dst(%dma_wait3A_368 : memref<8x128xf32, #tpu.memory_space<vmem>>)
      %mul3A_371 = arith.constant 8 : i32
      %mul3A_372 = arith.muli %add3A_246, %mul3A_371 : i32
      %dma_wait3A_373 = arith.constant 1 : i32
      %dma_wait3A_374 = arith.constant 1 : i32
      %dma_wait3A_375 = arith.constant 0 : i32
      %dma_wait3A_376 = arith.constant 0 : i32
      %dma_wait3A_377 = tpu.memref_slice %arg7[%dma_wait3A_375, %dma_wait3A_374, %dma_wait3A_376] : memref<8x32x128xf32, #tpu.memory_space<vmem>> -> memref<8x1x128xf32, #tpu.memory_space<vmem>>
      %dma_wait3A_378 = tpu.memref_squeeze %dma_wait3A_377 : memref<8x1x128xf32, #tpu.memory_space<vmem>> -> memref<8x128xf32, #tpu.memory_space<vmem>>
      %dma_wait3A_379 = tpu.memref_slice %arg2[%dma_wait3A_373, %mul3A_372, %mul3A_2] : memref<10x200x4096xf32, #tpu.memory_space<hbm>> -> memref<1x8x128xf32, #tpu.memory_space<hbm>>
      %dma_wait3A_380 = tpu.memref_squeeze %dma_wait3A_379 : memref<1x8x128xf32, #tpu.memory_space<hbm>> -> memref<8x128xf32, #tpu.memory_space<hbm>>
      %dma_wait3A_381 = arith.constant 0 : i32
      %dma_wait3A_382 = arith.constant 0 : i32
      %dma_wait3A_383 = tpu.memref_slice %arg7[%dma_wait3A_381, %dma_wait3A_374, %dma_wait3A_382] : memref<8x32x128xf32, #tpu.memory_space<vmem>> -> memref<8x1x128xf32, #tpu.memory_space<vmem>>
      %dma_wait3A_384 = tpu.memref_squeeze %dma_wait3A_383 : memref<8x1x128xf32, #tpu.memory_space<vmem>> -> memref<8x128xf32, #tpu.memory_space<vmem>>
      %dma_wait3A_385 = tpu.memref_slice %arg2[%dma_wait3A_373, %mul3A_372, %mul3A_2] : memref<10x200x4096xf32, #tpu.memory_space<hbm>> -> memref<1x8x128xf32, #tpu.memory_space<hbm>>
      %dma_wait3A_386 = tpu.memref_squeeze %dma_wait3A_385 : memref<1x8x128xf32, #tpu.memory_space<hbm>> -> memref<8x128xf32, #tpu.memory_space<hbm>>
      tpu.wait_dma2 semaphore(%arg14 : memref<!tpu.dma_semaphore, #tpu.memory_space<semaphore_mem>>) src(%dma_wait3A_386 : memref<8x128xf32, #tpu.memory_space<hbm>>) dst(%dma_wait3A_384 : memref<8x128xf32, #tpu.memory_space<vmem>>)
      %mul3A_387 = arith.constant 8 : i32
      %mul3A_388 = arith.muli %add3A_246, %mul3A_387 : i32
      %dma_wait3A_389 = arith.constant 2 : i32
      %dma_wait3A_390 = arith.constant 2 : i32
      %dma_wait3A_391 = arith.constant 0 : i32
      %dma_wait3A_392 = arith.constant 0 : i32
      %dma_wait3A_393 = tpu.memref_slice %arg7[%dma_wait3A_391, %dma_wait3A_390, %dma_wait3A_392] : memref<8x32x128xf32, #tpu.memory_space<vmem>> -> memref<8x1x128xf32, #tpu.memory_space<vmem>>
      %dma_wait3A_394 = tpu.memref_squeeze %dma_wait3A_393 : memref<8x1x128xf32, #tpu.memory_space<vmem>> -> memref<8x128xf32, #tpu.memory_space<vmem>>
      %dma_wait3A_395 = tpu.memref_slice %arg2[%dma_wait3A_389, %mul3A_388, %mul3A_2] : memref<10x200x4096xf32, #tpu.memory_space<hbm>> -> memref<1x8x128xf32, #tpu.memory_space<hbm>>
      %dma_wait3A_396 = tpu.memref_squeeze %dma_wait3A_395 : memref<1x8x128xf32, #tpu.memory_space<hbm>> -> memref<8x128xf32, #tpu.memory_space<hbm>>
      %dma_wait3A_397 = arith.constant 0 : i32
      %dma_wait3A_398 = arith.constant 0 : i32
      %dma_wait3A_399 = tpu.memref_slice %arg7[%dma_wait3A_397, %dma_wait3A_390, %dma_wait3A_398] : memref<8x32x128xf32, #tpu.memory_space<vmem>> -> memref<8x1x128xf32, #tpu.memory_space<vmem>>
      %dma_wait3A_400 = tpu.memref_squeeze %dma_wait3A_399 : memref<8x1x128xf32, #tpu.memory_space<vmem>> -> memref<8x128xf32, #tpu.memory_space<vmem>>
      %dma_wait3A_401 = tpu.memref_slice %arg2[%dma_wait3A_389, %mul3A_388, %mul3A_2] : memref<10x200x4096xf32, #tpu.memory_space<hbm>> -> memref<1x8x128xf32, #tpu.memory_space<hbm>>
      %dma_wait3A_402 = tpu.memref_squeeze %dma_wait3A_401 : memref<1x8x128xf32, #tpu.memory_space<hbm>> -> memref<8x128xf32, #tpu.memory_space<hbm>>
      tpu.wait_dma2 semaphore(%arg14 : memref<!tpu.dma_semaphore, #tpu.memory_space<semaphore_mem>>) src(%dma_wait3A_402 : memref<8x128xf32, #tpu.memory_space<hbm>>) dst(%dma_wait3A_400 : memref<8x128xf32, #tpu.memory_space<vmem>>)
      %mul3A_403 = arith.constant 8 : i32
      %mul3A_404 = arith.muli %add3A_246, %mul3A_403 : i32
      %dma_wait3A_405 = arith.constant 3 : i32
      %dma_wait3A_406 = arith.constant 3 : i32
      %dma_wait3A_407 = arith.constant 0 : i32
      %dma_wait3A_408 = arith.constant 0 : i32
      %dma_wait3A_409 = tpu.memref_slice %arg7[%dma_wait3A_407, %dma_wait3A_406, %dma_wait3A_408] : memref<8x32x128xf32, #tpu.memory_space<vmem>> -> memref<8x1x128xf32, #tpu.memory_space<vmem>>
      %dma_wait3A_410 = tpu.memref_squeeze %dma_wait3A_409 : memref<8x1x128xf32, #tpu.memory_space<vmem>> -> memref<8x128xf32, #tpu.memory_space<vmem>>
      %dma_wait3A_411 = tpu.memref_slice %arg2[%dma_wait3A_405, %mul3A_404, %mul3A_2] : memref<10x200x4096xf32, #tpu.memory_space<hbm>> -> memref<1x8x128xf32, #tpu.memory_space<hbm>>
      %dma_wait3A_412 = tpu.memref_squeeze %dma_wait3A_411 : memref<1x8x128xf32, #tpu.memory_space<hbm>> -> memref<8x128xf32, #tpu.memory_space<hbm>>
      %dma_wait3A_413 = arith.constant 0 : i32
      %dma_wait3A_414 = arith.constant 0 : i32
      %dma_wait3A_415 = tpu.memref_slice %arg7[%dma_wait3A_413, %dma_wait3A_406, %dma_wait3A_414] : memref<8x32x128xf32, #tpu.memory_space<vmem>> -> memref<8x1x128xf32, #tpu.memory_space<vmem>>
      %dma_wait3A_416 = tpu.memref_squeeze %dma_wait3A_415 : memref<8x1x128xf32, #tpu.memory_space<vmem>> -> memref<8x128xf32, #tpu.memory_space<vmem>>
      %dma_wait3A_417 = tpu.memref_slice %arg2[%dma_wait3A_405, %mul3A_404, %mul3A_2] : memref<10x200x4096xf32, #tpu.memory_space<hbm>> -> memref<1x8x128xf32, #tpu.memory_space<hbm>>
      %dma_wait3A_418 = tpu.memref_squeeze %dma_wait3A_417 : memref<1x8x128xf32, #tpu.memory_space<hbm>> -> memref<8x128xf32, #tpu.memory_space<hbm>>
      tpu.wait_dma2 semaphore(%arg14 : memref<!tpu.dma_semaphore, #tpu.memory_space<semaphore_mem>>) src(%dma_wait3A_418 : memref<8x128xf32, #tpu.memory_space<hbm>>) dst(%dma_wait3A_416 : memref<8x128xf32, #tpu.memory_space<vmem>>)
      %mul3A_419 = arith.constant 8 : i32
      %mul3A_420 = arith.muli %add3A_246, %mul3A_419 : i32
      %dma_wait3A_421 = arith.constant 4 : i32
      %dma_wait3A_422 = arith.constant 4 : i32
      %dma_wait3A_423 = arith.constant 0 : i32
      %dma_wait3A_424 = arith.constant 0 : i32
      %dma_wait3A_425 = tpu.memref_slice %arg7[%dma_wait3A_423, %dma_wait3A_422, %dma_wait3A_424] : memref<8x32x128xf32, #tpu.memory_space<vmem>> -> memref<8x1x128xf32, #tpu.memory_space<vmem>>
      %dma_wait3A_426 = tpu.memref_squeeze %dma_wait3A_425 : memref<8x1x128xf32, #tpu.memory_space<vmem>> -> memref<8x128xf32, #tpu.memory_space<vmem>>
      %dma_wait3A_427 = tpu.memref_slice %arg2[%dma_wait3A_421, %mul3A_420, %mul3A_2] : memref<10x200x4096xf32, #tpu.memory_space<hbm>> -> memref<1x8x128xf32, #tpu.memory_space<hbm>>
      %dma_wait3A_428 = tpu.memref_squeeze %dma_wait3A_427 : memref<1x8x128xf32, #tpu.memory_space<hbm>> -> memref<8x128xf32, #tpu.memory_space<hbm>>
      %dma_wait3A_429 = arith.constant 0 : i32
      %dma_wait3A_430 = arith.constant 0 : i32
      %dma_wait3A_431 = tpu.memref_slice %arg7[%dma_wait3A_429, %dma_wait3A_422, %dma_wait3A_430] : memref<8x32x128xf32, #tpu.memory_space<vmem>> -> memref<8x1x128xf32, #tpu.memory_space<vmem>>
      %dma_wait3A_432 = tpu.memref_squeeze %dma_wait3A_431 : memref<8x1x128xf32, #tpu.memory_space<vmem>> -> memref<8x128xf32, #tpu.memory_space<vmem>>
      %dma_wait3A_433 = tpu.memref_slice %arg2[%dma_wait3A_421, %mul3A_420, %mul3A_2] : memref<10x200x4096xf32, #tpu.memory_space<hbm>> -> memref<1x8x128xf32, #tpu.memory_space<hbm>>
      %dma_wait3A_434 = tpu.memref_squeeze %dma_wait3A_433 : memref<1x8x128xf32, #tpu.memory_space<hbm>> -> memref<8x128xf32, #tpu.memory_space<hbm>>
      tpu.wait_dma2 semaphore(%arg14 : memref<!tpu.dma_semaphore, #tpu.memory_space<semaphore_mem>>) src(%dma_wait3A_434 : memref<8x128xf32, #tpu.memory_space<hbm>>) dst(%dma_wait3A_432 : memref<8x128xf32, #tpu.memory_space<vmem>>)
      %mul3A_435 = arith.constant 8 : i32
      %mul3A_436 = arith.muli %add3A_246, %mul3A_435 : i32
      %dma_wait3A_437 = arith.constant 5 : i32
      %dma_wait3A_438 = arith.constant 5 : i32
      %dma_wait3A_439 = arith.constant 0 : i32
      %dma_wait3A_440 = arith.constant 0 : i32
      %dma_wait3A_441 = tpu.memref_slice %arg7[%dma_wait3A_439, %dma_wait3A_438, %dma_wait3A_440] : memref<8x32x128xf32, #tpu.memory_space<vmem>> -> memref<8x1x128xf32, #tpu.memory_space<vmem>>
      %dma_wait3A_442 = tpu.memref_squeeze %dma_wait3A_441 : memref<8x1x128xf32, #tpu.memory_space<vmem>> -> memref<8x128xf32, #tpu.memory_space<vmem>>
      %dma_wait3A_443 = tpu.memref_slice %arg2[%dma_wait3A_437, %mul3A_436, %mul3A_2] : memref<10x200x4096xf32, #tpu.memory_space<hbm>> -> memref<1x8x128xf32, #tpu.memory_space<hbm>>
      %dma_wait3A_444 = tpu.memref_squeeze %dma_wait3A_443 : memref<1x8x128xf32, #tpu.memory_space<hbm>> -> memref<8x128xf32, #tpu.memory_space<hbm>>
      %dma_wait3A_445 = arith.constant 0 : i32
      %dma_wait3A_446 = arith.constant 0 : i32
      %dma_wait3A_447 = tpu.memref_slice %arg7[%dma_wait3A_445, %dma_wait3A_438, %dma_wait3A_446] : memref<8x32x128xf32, #tpu.memory_space<vmem>> -> memref<8x1x128xf32, #tpu.memory_space<vmem>>
      %dma_wait3A_448 = tpu.memref_squeeze %dma_wait3A_447 : memref<8x1x128xf32, #tpu.memory_space<vmem>> -> memref<8x128xf32, #tpu.memory_space<vmem>>
      %dma_wait3A_449 = tpu.memref_slice %arg2[%dma_wait3A_437, %mul3A_436, %mul3A_2] : memref<10x200x4096xf32, #tpu.memory_space<hbm>> -> memref<1x8x128xf32, #tpu.memory_space<hbm>>
      %dma_wait3A_450 = tpu.memref_squeeze %dma_wait3A_449 : memref<1x8x128xf32, #tpu.memory_space<hbm>> -> memref<8x128xf32, #tpu.memory_space<hbm>>
      tpu.wait_dma2 semaphore(%arg14 : memref<!tpu.dma_semaphore, #tpu.memory_space<semaphore_mem>>) src(%dma_wait3A_450 : memref<8x128xf32, #tpu.memory_space<hbm>>) dst(%dma_wait3A_448 : memref<8x128xf32, #tpu.memory_space<vmem>>)
      %mul3A_451 = arith.constant 8 : i32
      %mul3A_452 = arith.muli %add3A_246, %mul3A_451 : i32
      %dma_start3A_453 = arith.constant 0 : i32
      %dma_start3A_454 = tpu.memref_slice %arg4[%mul3A_452, %dma_start3A_453, %mul3A_2] : memref<200x32x4096xf32, #tpu.memory_space<hbm>> -> memref<8x32x128xf32, #tpu.memory_space<hbm>>
      %dma_start3A_455 = arith.constant 0 : i32
      %dma_start3A_456 = tpu.memref_slice %arg4[%mul3A_452, %dma_start3A_455, %mul3A_2] : memref<200x32x4096xf32, #tpu.memory_space<hbm>> -> memref<8x32x128xf32, #tpu.memory_space<hbm>>
      tpu.enqueue_dma source(%arg7 : memref<8x32x128xf32, #tpu.memory_space<vmem>>) target(%dma_start3A_456 : memref<8x32x128xf32, #tpu.memory_space<hbm>>) target_semaphore(%arg12 : memref<!tpu.dma_semaphore, #tpu.memory_space<semaphore_mem>>)
      %add3A_457 = arith.constant 2 : i32
      %add3A_458 = arith.addi %add3A_246, %add3A_457 : i32
      %lt3A = arith.constant 25 : i32
      %lt3A_459 = arith.cmpi slt, %add3A_458, %lt3A : i32
      %convert_element_type3A_460 = arith.extui %lt3A_459 : i1 to i32
      %cond3A_461 = arith.constant 0 : i32
      %cond3A_462 = arith.cmpi ne, %convert_element_type3A_460, %cond3A_461 : i32
      scf.if %cond3A_462 {
        %add3A_687 = arith.constant 2 : i32
        %add3A_688 = arith.addi %add3A_246, %add3A_687 : i32
        %mul3A_689 = arith.constant 8 : i32
        %mul3A_690 = arith.muli %add3A_688, %mul3A_689 : i32
        %dma_start3A_691 = arith.constant 6 : i32
        %dma_start3A_692 = tpu.memref_slice %arg2[%dma_start3A_691, %mul3A_690, %mul3A_2] : memref<10x200x4096xf32, #tpu.memory_space<hbm>> -> memref<4x8x128xf32, #tpu.memory_space<hbm>>
        %dma_start3A_693 = arith.constant 6 : i32
        %dma_start3A_694 = tpu.memref_slice %arg2[%dma_start3A_693, %mul3A_690, %mul3A_2] : memref<10x200x4096xf32, #tpu.memory_space<hbm>> -> memref<4x8x128xf32, #tpu.memory_space<hbm>>
        tpu.enqueue_dma source(%dma_start3A_694 : memref<4x8x128xf32, #tpu.memory_space<hbm>>) target(%arg5 : memref<4x8x128xf32, #tpu.memory_space<vmem>>) target_semaphore(%arg10 : memref<!tpu.dma_semaphore, #tpu.memory_space<semaphore_mem>>)
      } else {
      }
      %mul3A_463 = arith.constant 2 : i32
      %mul3A_464 = arith.muli %scan3A_242, %mul3A_463 : i32
      %add3A_465 = arith.constant 1 : i32
      %add3A_466 = arith.addi %mul3A_464, %add3A_465 : i32
      %mul3A_467 = arith.constant 8 : i32
      %mul3A_468 = arith.muli %add3A_466, %mul3A_467 : i32
      %dma_wait3A_469 = arith.constant 6 : i32
      %dma_wait3A_470 = tpu.memref_slice %arg2[%dma_wait3A_469, %mul3A_468, %mul3A_2] : memref<10x200x4096xf32, #tpu.memory_space<hbm>> -> memref<4x8x128xf32, #tpu.memory_space<hbm>>
      %dma_wait3A_471 = arith.constant 6 : i32
      %dma_wait3A_472 = tpu.memref_slice %arg2[%dma_wait3A_471, %mul3A_468, %mul3A_2] : memref<10x200x4096xf32, #tpu.memory_space<hbm>> -> memref<4x8x128xf32, #tpu.memory_space<hbm>>
      tpu.wait_dma2 semaphore(%arg11 : memref<!tpu.dma_semaphore, #tpu.memory_space<semaphore_mem>>) src(%dma_wait3A_472 : memref<4x8x128xf32, #tpu.memory_space<hbm>>) dst(%arg6 : memref<4x8x128xf32, #tpu.memory_space<vmem>>)
      %ge3A_473 = arith.constant 1 : i32
      %ge3A_474 = arith.cmpi sge, %scan3A_242, %ge3A_473 : i32
      %convert_element_type3A_475 = arith.extui %ge3A_474 : i1 to i32
      %cond3A_476 = arith.constant 0 : i32
      %cond3A_477 = arith.cmpi ne, %convert_element_type3A_475, %cond3A_476 : i32
      scf.if %cond3A_477 {
        %mul3A_687 = arith.constant 8 : i32
        %mul3A_688 = arith.muli %add3A_466, %mul3A_687 : i32
        %dma_wait3A_689 = arith.constant 0 : i32
        %dma_wait3A_690 = tpu.memref_slice %arg4[%mul3A_688, %dma_wait3A_689, %mul3A_2] : memref<200x32x4096xf32, #tpu.memory_space<hbm>> -> memref<8x32x128xf32, #tpu.memory_space<hbm>>
        %dma_wait3A_691 = arith.constant 0 : i32
        %dma_wait3A_692 = tpu.memref_slice %arg4[%mul3A_688, %dma_wait3A_691, %mul3A_2] : memref<200x32x4096xf32, #tpu.memory_space<hbm>> -> memref<8x32x128xf32, #tpu.memory_space<hbm>>
        tpu.wait_dma2 semaphore(%arg13 : memref<!tpu.dma_semaphore, #tpu.memory_space<semaphore_mem>>) src(%arg8 : memref<8x32x128xf32, #tpu.memory_space<vmem>>) dst(%dma_wait3A_692 : memref<8x32x128xf32, #tpu.memory_space<hbm>>)
      } else {
      }
      %mul3A_478 = arith.constant 8 : i32
      %mul3A_479 = arith.muli %add3A_466, %mul3A_478 : i32
      %dma_start3A_480 = arith.constant 0 : i32
      %dma_start3A_481 = arith.constant 0 : i32
      %dma_start3A_482 = arith.constant 0 : i32
      %dma_start3A_483 = arith.constant 0 : i32
      %dma_start3A_484 = tpu.memref_slice %arg8[%dma_start3A_482, %dma_start3A_481, %dma_start3A_483] : memref<8x32x128xf32, #tpu.memory_space<vmem>> -> memref<8x1x128xf32, #tpu.memory_space<vmem>>
      %dma_start3A_485 = tpu.memref_squeeze %dma_start3A_484 : memref<8x1x128xf32, #tpu.memory_space<vmem>> -> memref<8x128xf32, #tpu.memory_space<vmem>>
      %dma_start3A_486 = tpu.memref_slice %arg2[%dma_start3A_480, %mul3A_479, %mul3A_2] : memref<10x200x4096xf32, #tpu.memory_space<hbm>> -> memref<1x8x128xf32, #tpu.memory_space<hbm>>
      %dma_start3A_487 = tpu.memref_squeeze %dma_start3A_486 : memref<1x8x128xf32, #tpu.memory_space<hbm>> -> memref<8x128xf32, #tpu.memory_space<hbm>>
      %dma_start3A_488 = arith.constant 0 : i32
      %dma_start3A_489 = arith.constant 0 : i32
      %dma_start3A_490 = tpu.memref_slice %arg8[%dma_start3A_488, %dma_start3A_481, %dma_start3A_489] : memref<8x32x128xf32, #tpu.memory_space<vmem>> -> memref<8x1x128xf32, #tpu.memory_space<vmem>>
      %dma_start3A_491 = tpu.memref_squeeze %dma_start3A_490 : memref<8x1x128xf32, #tpu.memory_space<vmem>> -> memref<8x128xf32, #tpu.memory_space<vmem>>
      %dma_start3A_492 = tpu.memref_slice %arg2[%dma_start3A_480, %mul3A_479, %mul3A_2] : memref<10x200x4096xf32, #tpu.memory_space<hbm>> -> memref<1x8x128xf32, #tpu.memory_space<hbm>>
      %dma_start3A_493 = tpu.memref_squeeze %dma_start3A_492 : memref<1x8x128xf32, #tpu.memory_space<hbm>> -> memref<8x128xf32, #tpu.memory_space<hbm>>
      tpu.enqueue_dma source(%dma_start3A_493 : memref<8x128xf32, #tpu.memory_space<hbm>>) target(%dma_start3A_491 : memref<8x128xf32, #tpu.memory_space<vmem>>) target_semaphore(%arg15 : memref<!tpu.dma_semaphore, #tpu.memory_space<semaphore_mem>>)
      %mul3A_494 = arith.constant 8 : i32
      %mul3A_495 = arith.muli %add3A_466, %mul3A_494 : i32
      %dma_start3A_496 = arith.constant 1 : i32
      %dma_start3A_497 = arith.constant 1 : i32
      %dma_start3A_498 = arith.constant 0 : i32
      %dma_start3A_499 = arith.constant 0 : i32
      %dma_start3A_500 = tpu.memref_slice %arg8[%dma_start3A_498, %dma_start3A_497, %dma_start3A_499] : memref<8x32x128xf32, #tpu.memory_space<vmem>> -> memref<8x1x128xf32, #tpu.memory_space<vmem>>
      %dma_start3A_501 = tpu.memref_squeeze %dma_start3A_500 : memref<8x1x128xf32, #tpu.memory_space<vmem>> -> memref<8x128xf32, #tpu.memory_space<vmem>>
      %dma_start3A_502 = tpu.memref_slice %arg2[%dma_start3A_496, %mul3A_495, %mul3A_2] : memref<10x200x4096xf32, #tpu.memory_space<hbm>> -> memref<1x8x128xf32, #tpu.memory_space<hbm>>
      %dma_start3A_503 = tpu.memref_squeeze %dma_start3A_502 : memref<1x8x128xf32, #tpu.memory_space<hbm>> -> memref<8x128xf32, #tpu.memory_space<hbm>>
      %dma_start3A_504 = arith.constant 0 : i32
      %dma_start3A_505 = arith.constant 0 : i32
      %dma_start3A_506 = tpu.memref_slice %arg8[%dma_start3A_504, %dma_start3A_497, %dma_start3A_505] : memref<8x32x128xf32, #tpu.memory_space<vmem>> -> memref<8x1x128xf32, #tpu.memory_space<vmem>>
      %dma_start3A_507 = tpu.memref_squeeze %dma_start3A_506 : memref<8x1x128xf32, #tpu.memory_space<vmem>> -> memref<8x128xf32, #tpu.memory_space<vmem>>
      %dma_start3A_508 = tpu.memref_slice %arg2[%dma_start3A_496, %mul3A_495, %mul3A_2] : memref<10x200x4096xf32, #tpu.memory_space<hbm>> -> memref<1x8x128xf32, #tpu.memory_space<hbm>>
      %dma_start3A_509 = tpu.memref_squeeze %dma_start3A_508 : memref<1x8x128xf32, #tpu.memory_space<hbm>> -> memref<8x128xf32, #tpu.memory_space<hbm>>
      tpu.enqueue_dma source(%dma_start3A_509 : memref<8x128xf32, #tpu.memory_space<hbm>>) target(%dma_start3A_507 : memref<8x128xf32, #tpu.memory_space<vmem>>) target_semaphore(%arg15 : memref<!tpu.dma_semaphore, #tpu.memory_space<semaphore_mem>>)
      %mul3A_510 = arith.constant 8 : i32
      %mul3A_511 = arith.muli %add3A_466, %mul3A_510 : i32
      %dma_start3A_512 = arith.constant 2 : i32
      %dma_start3A_513 = arith.constant 2 : i32
      %dma_start3A_514 = arith.constant 0 : i32
      %dma_start3A_515 = arith.constant 0 : i32
      %dma_start3A_516 = tpu.memref_slice %arg8[%dma_start3A_514, %dma_start3A_513, %dma_start3A_515] : memref<8x32x128xf32, #tpu.memory_space<vmem>> -> memref<8x1x128xf32, #tpu.memory_space<vmem>>
      %dma_start3A_517 = tpu.memref_squeeze %dma_start3A_516 : memref<8x1x128xf32, #tpu.memory_space<vmem>> -> memref<8x128xf32, #tpu.memory_space<vmem>>
      %dma_start3A_518 = tpu.memref_slice %arg2[%dma_start3A_512, %mul3A_511, %mul3A_2] : memref<10x200x4096xf32, #tpu.memory_space<hbm>> -> memref<1x8x128xf32, #tpu.memory_space<hbm>>
      %dma_start3A_519 = tpu.memref_squeeze %dma_start3A_518 : memref<1x8x128xf32, #tpu.memory_space<hbm>> -> memref<8x128xf32, #tpu.memory_space<hbm>>
      %dma_start3A_520 = arith.constant 0 : i32
      %dma_start3A_521 = arith.constant 0 : i32
      %dma_start3A_522 = tpu.memref_slice %arg8[%dma_start3A_520, %dma_start3A_513, %dma_start3A_521] : memref<8x32x128xf32, #tpu.memory_space<vmem>> -> memref<8x1x128xf32, #tpu.memory_space<vmem>>
      %dma_start3A_523 = tpu.memref_squeeze %dma_start3A_522 : memref<8x1x128xf32, #tpu.memory_space<vmem>> -> memref<8x128xf32, #tpu.memory_space<vmem>>
      %dma_start3A_524 = tpu.memref_slice %arg2[%dma_start3A_512, %mul3A_511, %mul3A_2] : memref<10x200x4096xf32, #tpu.memory_space<hbm>> -> memref<1x8x128xf32, #tpu.memory_space<hbm>>
      %dma_start3A_525 = tpu.memref_squeeze %dma_start3A_524 : memref<1x8x128xf32, #tpu.memory_space<hbm>> -> memref<8x128xf32, #tpu.memory_space<hbm>>
      tpu.enqueue_dma source(%dma_start3A_525 : memref<8x128xf32, #tpu.memory_space<hbm>>) target(%dma_start3A_523 : memref<8x128xf32, #tpu.memory_space<vmem>>) target_semaphore(%arg15 : memref<!tpu.dma_semaphore, #tpu.memory_space<semaphore_mem>>)
      %mul3A_526 = arith.constant 8 : i32
      %mul3A_527 = arith.muli %add3A_466, %mul3A_526 : i32
      %dma_start3A_528 = arith.constant 3 : i32
      %dma_start3A_529 = arith.constant 3 : i32
      %dma_start3A_530 = arith.constant 0 : i32
      %dma_start3A_531 = arith.constant 0 : i32
      %dma_start3A_532 = tpu.memref_slice %arg8[%dma_start3A_530, %dma_start3A_529, %dma_start3A_531] : memref<8x32x128xf32, #tpu.memory_space<vmem>> -> memref<8x1x128xf32, #tpu.memory_space<vmem>>
      %dma_start3A_533 = tpu.memref_squeeze %dma_start3A_532 : memref<8x1x128xf32, #tpu.memory_space<vmem>> -> memref<8x128xf32, #tpu.memory_space<vmem>>
      %dma_start3A_534 = tpu.memref_slice %arg2[%dma_start3A_528, %mul3A_527, %mul3A_2] : memref<10x200x4096xf32, #tpu.memory_space<hbm>> -> memref<1x8x128xf32, #tpu.memory_space<hbm>>
      %dma_start3A_535 = tpu.memref_squeeze %dma_start3A_534 : memref<1x8x128xf32, #tpu.memory_space<hbm>> -> memref<8x128xf32, #tpu.memory_space<hbm>>
      %dma_start3A_536 = arith.constant 0 : i32
      %dma_start3A_537 = arith.constant 0 : i32
      %dma_start3A_538 = tpu.memref_slice %arg8[%dma_start3A_536, %dma_start3A_529, %dma_start3A_537] : memref<8x32x128xf32, #tpu.memory_space<vmem>> -> memref<8x1x128xf32, #tpu.memory_space<vmem>>
      %dma_start3A_539 = tpu.memref_squeeze %dma_start3A_538 : memref<8x1x128xf32, #tpu.memory_space<vmem>> -> memref<8x128xf32, #tpu.memory_space<vmem>>
      %dma_start3A_540 = tpu.memref_slice %arg2[%dma_start3A_528, %mul3A_527, %mul3A_2] : memref<10x200x4096xf32, #tpu.memory_space<hbm>> -> memref<1x8x128xf32, #tpu.memory_space<hbm>>
      %dma_start3A_541 = tpu.memref_squeeze %dma_start3A_540 : memref<1x8x128xf32, #tpu.memory_space<hbm>> -> memref<8x128xf32, #tpu.memory_space<hbm>>
      tpu.enqueue_dma source(%dma_start3A_541 : memref<8x128xf32, #tpu.memory_space<hbm>>) target(%dma_start3A_539 : memref<8x128xf32, #tpu.memory_space<vmem>>) target_semaphore(%arg15 : memref<!tpu.dma_semaphore, #tpu.memory_space<semaphore_mem>>)
      %mul3A_542 = arith.constant 8 : i32
      %mul3A_543 = arith.muli %add3A_466, %mul3A_542 : i32
      %dma_start3A_544 = arith.constant 4 : i32
      %dma_start3A_545 = arith.constant 4 : i32
      %dma_start3A_546 = arith.constant 0 : i32
      %dma_start3A_547 = arith.constant 0 : i32
      %dma_start3A_548 = tpu.memref_slice %arg8[%dma_start3A_546, %dma_start3A_545, %dma_start3A_547] : memref<8x32x128xf32, #tpu.memory_space<vmem>> -> memref<8x1x128xf32, #tpu.memory_space<vmem>>
      %dma_start3A_549 = tpu.memref_squeeze %dma_start3A_548 : memref<8x1x128xf32, #tpu.memory_space<vmem>> -> memref<8x128xf32, #tpu.memory_space<vmem>>
      %dma_start3A_550 = tpu.memref_slice %arg2[%dma_start3A_544, %mul3A_543, %mul3A_2] : memref<10x200x4096xf32, #tpu.memory_space<hbm>> -> memref<1x8x128xf32, #tpu.memory_space<hbm>>
      %dma_start3A_551 = tpu.memref_squeeze %dma_start3A_550 : memref<1x8x128xf32, #tpu.memory_space<hbm>> -> memref<8x128xf32, #tpu.memory_space<hbm>>
      %dma_start3A_552 = arith.constant 0 : i32
      %dma_start3A_553 = arith.constant 0 : i32
      %dma_start3A_554 = tpu.memref_slice %arg8[%dma_start3A_552, %dma_start3A_545, %dma_start3A_553] : memref<8x32x128xf32, #tpu.memory_space<vmem>> -> memref<8x1x128xf32, #tpu.memory_space<vmem>>
      %dma_start3A_555 = tpu.memref_squeeze %dma_start3A_554 : memref<8x1x128xf32, #tpu.memory_space<vmem>> -> memref<8x128xf32, #tpu.memory_space<vmem>>
      %dma_start3A_556 = tpu.memref_slice %arg2[%dma_start3A_544, %mul3A_543, %mul3A_2] : memref<10x200x4096xf32, #tpu.memory_space<hbm>> -> memref<1x8x128xf32, #tpu.memory_space<hbm>>
      %dma_start3A_557 = tpu.memref_squeeze %dma_start3A_556 : memref<1x8x128xf32, #tpu.memory_space<hbm>> -> memref<8x128xf32, #tpu.memory_space<hbm>>
      tpu.enqueue_dma source(%dma_start3A_557 : memref<8x128xf32, #tpu.memory_space<hbm>>) target(%dma_start3A_555 : memref<8x128xf32, #tpu.memory_space<vmem>>) target_semaphore(%arg15 : memref<!tpu.dma_semaphore, #tpu.memory_space<semaphore_mem>>)
      %mul3A_558 = arith.constant 8 : i32
      %mul3A_559 = arith.muli %add3A_466, %mul3A_558 : i32
      %dma_start3A_560 = arith.constant 5 : i32
      %dma_start3A_561 = arith.constant 5 : i32
      %dma_start3A_562 = arith.constant 0 : i32
      %dma_start3A_563 = arith.constant 0 : i32
      %dma_start3A_564 = tpu.memref_slice %arg8[%dma_start3A_562, %dma_start3A_561, %dma_start3A_563] : memref<8x32x128xf32, #tpu.memory_space<vmem>> -> memref<8x1x128xf32, #tpu.memory_space<vmem>>
      %dma_start3A_565 = tpu.memref_squeeze %dma_start3A_564 : memref<8x1x128xf32, #tpu.memory_space<vmem>> -> memref<8x128xf32, #tpu.memory_space<vmem>>
      %dma_start3A_566 = tpu.memref_slice %arg2[%dma_start3A_560, %mul3A_559, %mul3A_2] : memref<10x200x4096xf32, #tpu.memory_space<hbm>> -> memref<1x8x128xf32, #tpu.memory_space<hbm>>
      %dma_start3A_567 = tpu.memref_squeeze %dma_start3A_566 : memref<1x8x128xf32, #tpu.memory_space<hbm>> -> memref<8x128xf32, #tpu.memory_space<hbm>>
      %dma_start3A_568 = arith.constant 0 : i32
      %dma_start3A_569 = arith.constant 0 : i32
      %dma_start3A_570 = tpu.memref_slice %arg8[%dma_start3A_568, %dma_start3A_561, %dma_start3A_569] : memref<8x32x128xf32, #tpu.memory_space<vmem>> -> memref<8x1x128xf32, #tpu.memory_space<vmem>>
      %dma_start3A_571 = tpu.memref_squeeze %dma_start3A_570 : memref<8x1x128xf32, #tpu.memory_space<vmem>> -> memref<8x128xf32, #tpu.memory_space<vmem>>
      %dma_start3A_572 = tpu.memref_slice %arg2[%dma_start3A_560, %mul3A_559, %mul3A_2] : memref<10x200x4096xf32, #tpu.memory_space<hbm>> -> memref<1x8x128xf32, #tpu.memory_space<hbm>>
      %dma_start3A_573 = tpu.memref_squeeze %dma_start3A_572 : memref<1x8x128xf32, #tpu.memory_space<hbm>> -> memref<8x128xf32, #tpu.memory_space<hbm>>
      tpu.enqueue_dma source(%dma_start3A_573 : memref<8x128xf32, #tpu.memory_space<hbm>>) target(%dma_start3A_571 : memref<8x128xf32, #tpu.memory_space<vmem>>) target_semaphore(%arg15 : memref<!tpu.dma_semaphore, #tpu.memory_space<semaphore_mem>>)
      %iota3A_574 = tpu.iota {dimensions = array<i32: 0>} : vector<16xi32>
      %parallel_loop3A_575 = arith.constant 0 : i32
      %parallel_loop3A_576 = arith.constant 64 : i32
      %parallel_loop3A_577 = arith.constant 1 : i32
      scf.for %parallel_loop3A_687 = %parallel_loop3A_575 to %parallel_loop3A_576 step %parallel_loop3A_577  : i32 {
        %parallel_loop3A_688 = arith.constant 3 : i32
        %parallel_loop3A_689 = arith.shrsi %parallel_loop3A_687, %parallel_loop3A_688 : i32
        %parallel_loop3A_690 = arith.constant 7 : i32
        %parallel_loop3A_691 = arith.andi %parallel_loop3A_687, %parallel_loop3A_690 : i32
        %parallel_loop3A_692 = arith.constant 16 : i32
        %parallel_loop3A_693 = arith.muli %parallel_loop3A_691, %parallel_loop3A_692 : i32
        %parallel_loop3A_694 = arith.constant 0 : i32
        %parallel_loop3A_695 = arith.index_cast %parallel_loop3A_694 : i32 to index
        %parallel_loop3A_696 = arith.index_cast %parallel_loop3A_689 : i32 to index
        %parallel_loop3A_697 = arith.index_cast %parallel_loop3A_693 : i32 to index
        %parallel_loop3A_698 = tpu.vector_load %arg6[%parallel_loop3A_695, %parallel_loop3A_696, %parallel_loop3A_697] {strides = array<i32>} : memref<4x8x128xf32, #tpu.memory_space<vmem>>, vector<16xf32>,
        %parallel_loop3A_699 = arith.fptosi %parallel_loop3A_698 : vector<16xf32> to vector<16xi32>
        %parallel_loop3A_700 = arith.constant 512 : i32
        %parallel_loop3A_701 = vector.broadcast %parallel_loop3A_700 : i32 to vector<16xi32>
        %parallel_loop3A_702 = arith.muli %parallel_loop3A_699, %parallel_loop3A_701 : vector<16xi32>
        %parallel_loop3A_703 = arith.addi %parallel_loop3A_702, %iota3A_574 : vector<16xi32>
        %parallel_loop3A_704 = arith.constant 1 : i32
        %parallel_loop3A_705 = arith.index_cast %parallel_loop3A_704 : i32 to index
        %parallel_loop3A_706 = arith.index_cast %parallel_loop3A_689 : i32 to index
        %parallel_loop3A_707 = arith.index_cast %parallel_loop3A_693 : i32 to index
        %parallel_loop3A_708 = tpu.vector_load %arg6[%parallel_loop3A_705, %parallel_loop3A_706, %parallel_loop3A_707] {strides = array<i32>} : memref<4x8x128xf32, #tpu.memory_space<vmem>>, vector<16xf32>,
        %parallel_loop3A_709 = arith.fptosi %parallel_loop3A_708 : vector<16xf32> to vector<16xi32>
        %parallel_loop3A_710 = arith.constant 512 : i32
        %parallel_loop3A_711 = vector.broadcast %parallel_loop3A_710 : i32 to vector<16xi32>
        %parallel_loop3A_712 = arith.muli %parallel_loop3A_709, %parallel_loop3A_711 : vector<16xi32>
        %parallel_loop3A_713 = arith.addi %parallel_loop3A_712, %iota3A_574 : vector<16xi32>
        %parallel_loop3A_714 = arith.constant 2 : i32
        %parallel_loop3A_715 = arith.index_cast %parallel_loop3A_714 : i32 to index
        %parallel_loop3A_716 = arith.index_cast %parallel_loop3A_689 : i32 to index
        %parallel_loop3A_717 = arith.index_cast %parallel_loop3A_693 : i32 to index
        %parallel_loop3A_718 = tpu.vector_load %arg6[%parallel_loop3A_715, %parallel_loop3A_716, %parallel_loop3A_717] {strides = array<i32>} : memref<4x8x128xf32, #tpu.memory_space<vmem>>, vector<16xf32>,
        %parallel_loop3A_719 = arith.fptosi %parallel_loop3A_718 : vector<16xf32> to vector<16xi32>
        %parallel_loop3A_720 = arith.constant 512 : i32
        %parallel_loop3A_721 = vector.broadcast %parallel_loop3A_720 : i32 to vector<16xi32>
        %parallel_loop3A_722 = arith.muli %parallel_loop3A_719, %parallel_loop3A_721 : vector<16xi32>
        %parallel_loop3A_723 = arith.addi %parallel_loop3A_722, %iota3A_574 : vector<16xi32>
        %parallel_loop3A_724 = arith.constant 3 : i32
        %parallel_loop3A_725 = arith.index_cast %parallel_loop3A_724 : i32 to index
        %parallel_loop3A_726 = arith.index_cast %parallel_loop3A_689 : i32 to index
        %parallel_loop3A_727 = arith.index_cast %parallel_loop3A_693 : i32 to index
        %parallel_loop3A_728 = tpu.vector_load %arg6[%parallel_loop3A_725, %parallel_loop3A_726, %parallel_loop3A_727] {strides = array<i32>} : memref<4x8x128xf32, #tpu.memory_space<vmem>>, vector<16xf32>,
        %parallel_loop3A_729 = arith.fptosi %parallel_loop3A_728 : vector<16xf32> to vector<16xi32>
        %parallel_loop3A_730 = arith.constant 512 : i32
        %parallel_loop3A_731 = vector.broadcast %parallel_loop3A_730 : i32 to vector<16xi32>
        %parallel_loop3A_732 = arith.muli %parallel_loop3A_729, %parallel_loop3A_731 : vector<16xi32>
        %parallel_loop3A_733 = arith.addi %parallel_loop3A_732, %iota3A_574 : vector<16xi32>
        %parallel_loop3A_734 = arith.constant 96 : i32
        %parallel_loop3A_735 = vector.broadcast %parallel_loop3A_734 : i32 to vector<16xi32>
        %parallel_loop3A_736 = arith.addi %parallel_loop3A_703, %parallel_loop3A_735 : vector<16xi32>
        %parallel_loop3A_737 = tpu.vector_load_idx %arg9[%parallel_loop3A_736] : memref<1536xf32, #tpu.memory_space<vmem>>[vector<16xi32>], vector<16xf32>,
        %parallel_loop3A_738 = arith.constant 6 : i32
        %parallel_loop3A_739 = arith.index_cast %parallel_loop3A_689 : i32 to index
        %parallel_loop3A_740 = arith.index_cast %parallel_loop3A_738 : i32 to index
        %parallel_loop3A_741 = arith.index_cast %parallel_loop3A_693 : i32 to index
        %parallel_loop3A_742 = tpu.vector_load %arg8[%parallel_loop3A_739, %parallel_loop3A_740, %parallel_loop3A_741] {strides = array<i32>} : memref<8x32x128xf32, #tpu.memory_space<vmem>>, vector<16xf32>,
        tpu.vector_store %arg8[%parallel_loop3A_739, %parallel_loop3A_740, %parallel_loop3A_741], %parallel_loop3A_737 {strides = array<i32>} : memref<8x32x128xf32, #tpu.memory_space<vmem>>, vector<16xf32>,
        %parallel_loop3A_743 = arith.constant 112 : i32
        %parallel_loop3A_744 = vector.broadcast %parallel_loop3A_743 : i32 to vector<16xi32>
        %parallel_loop3A_745 = arith.addi %parallel_loop3A_713, %parallel_loop3A_744 : vector<16xi32>
        %parallel_loop3A_746 = tpu.vector_load_idx %arg9[%parallel_loop3A_745] : memref<1536xf32, #tpu.memory_space<vmem>>[vector<16xi32>], vector<16xf32>,
        %parallel_loop3A_747 = arith.constant 7 : i32
        %parallel_loop3A_748 = arith.index_cast %parallel_loop3A_689 : i32 to index
        %parallel_loop3A_749 = arith.index_cast %parallel_loop3A_747 : i32 to index
        %parallel_loop3A_750 = arith.index_cast %parallel_loop3A_693 : i32 to index
        %parallel_loop3A_751 = tpu.vector_load %arg8[%parallel_loop3A_748, %parallel_loop3A_749, %parallel_loop3A_750] {strides = array<i32>} : memref<8x32x128xf32, #tpu.memory_space<vmem>>, vector<16xf32>,
        tpu.vector_store %arg8[%parallel_loop3A_748, %parallel_loop3A_749, %parallel_loop3A_750], %parallel_loop3A_746 {strides = array<i32>} : memref<8x32x128xf32, #tpu.memory_space<vmem>>, vector<16xf32>,
        %parallel_loop3A_752 = arith.constant 128 : i32
        %parallel_loop3A_753 = vector.broadcast %parallel_loop3A_752 : i32 to vector<16xi32>
        %parallel_loop3A_754 = arith.addi %parallel_loop3A_713, %parallel_loop3A_753 : vector<16xi32>
        %parallel_loop3A_755 = tpu.vector_load_idx %arg9[%parallel_loop3A_754] : memref<1536xf32, #tpu.memory_space<vmem>>[vector<16xi32>], vector<16xf32>,
        %parallel_loop3A_756 = arith.constant 8 : i32
        %parallel_loop3A_757 = arith.index_cast %parallel_loop3A_689 : i32 to index
        %parallel_loop3A_758 = arith.index_cast %parallel_loop3A_756 : i32 to index
        %parallel_loop3A_759 = arith.index_cast %parallel_loop3A_693 : i32 to index
        %parallel_loop3A_760 = tpu.vector_load %arg8[%parallel_loop3A_757, %parallel_loop3A_758, %parallel_loop3A_759] {strides = array<i32>} : memref<8x32x128xf32, #tpu.memory_space<vmem>>, vector<16xf32>,
        tpu.vector_store %arg8[%parallel_loop3A_757, %parallel_loop3A_758, %parallel_loop3A_759], %parallel_loop3A_755 {strides = array<i32>} : memref<8x32x128xf32, #tpu.memory_space<vmem>>, vector<16xf32>,
        %parallel_loop3A_761 = arith.constant 144 : i32
        %parallel_loop3A_762 = vector.broadcast %parallel_loop3A_761 : i32 to vector<16xi32>
        %parallel_loop3A_763 = arith.addi %parallel_loop3A_713, %parallel_loop3A_762 : vector<16xi32>
        %parallel_loop3A_764 = tpu.vector_load_idx %arg9[%parallel_loop3A_763] : memref<1536xf32, #tpu.memory_space<vmem>>[vector<16xi32>], vector<16xf32>,
        %parallel_loop3A_765 = arith.constant 9 : i32
        %parallel_loop3A_766 = arith.index_cast %parallel_loop3A_689 : i32 to index
        %parallel_loop3A_767 = arith.index_cast %parallel_loop3A_765 : i32 to index
        %parallel_loop3A_768 = arith.index_cast %parallel_loop3A_693 : i32 to index
        %parallel_loop3A_769 = tpu.vector_load %arg8[%parallel_loop3A_766, %parallel_loop3A_767, %parallel_loop3A_768] {strides = array<i32>} : memref<8x32x128xf32, #tpu.memory_space<vmem>>, vector<16xf32>,
        tpu.vector_store %arg8[%parallel_loop3A_766, %parallel_loop3A_767, %parallel_loop3A_768], %parallel_loop3A_764 {strides = array<i32>} : memref<8x32x128xf32, #tpu.memory_space<vmem>>, vector<16xf32>,
        %parallel_loop3A_770 = arith.constant 160 : i32
        %parallel_loop3A_771 = vector.broadcast %parallel_loop3A_770 : i32 to vector<16xi32>
        %parallel_loop3A_772 = arith.addi %parallel_loop3A_713, %parallel_loop3A_771 : vector<16xi32>
        %parallel_loop3A_773 = tpu.vector_load_idx %arg9[%parallel_loop3A_772] : memref<1536xf32, #tpu.memory_space<vmem>>[vector<16xi32>], vector<16xf32>,
        %parallel_loop3A_774 = arith.constant 10 : i32
        %parallel_loop3A_775 = arith.index_cast %parallel_loop3A_689 : i32 to index
        %parallel_loop3A_776 = arith.index_cast %parallel_loop3A_774 : i32 to index
        %parallel_loop3A_777 = arith.index_cast %parallel_loop3A_693 : i32 to index
        %parallel_loop3A_778 = tpu.vector_load %arg8[%parallel_loop3A_775, %parallel_loop3A_776, %parallel_loop3A_777] {strides = array<i32>} : memref<8x32x128xf32, #tpu.memory_space<vmem>>, vector<16xf32>,
        tpu.vector_store %arg8[%parallel_loop3A_775, %parallel_loop3A_776, %parallel_loop3A_777], %parallel_loop3A_773 {strides = array<i32>} : memref<8x32x128xf32, #tpu.memory_space<vmem>>, vector<16xf32>,
        %parallel_loop3A_779 = arith.constant 176 : i32
        %parallel_loop3A_780 = vector.broadcast %parallel_loop3A_779 : i32 to vector<16xi32>
        %parallel_loop3A_781 = arith.addi %parallel_loop3A_713, %parallel_loop3A_780 : vector<16xi32>
        %parallel_loop3A_782 = tpu.vector_load_idx %arg9[%parallel_loop3A_781] : memref<1536xf32, #tpu.memory_space<vmem>>[vector<16xi32>], vector<16xf32>,
        %parallel_loop3A_783 = arith.constant 11 : i32
        %parallel_loop3A_784 = arith.index_cast %parallel_loop3A_689 : i32 to index
        %parallel_loop3A_785 = arith.index_cast %parallel_loop3A_783 : i32 to index
        %parallel_loop3A_786 = arith.index_cast %parallel_loop3A_693 : i32 to index
        %parallel_loop3A_787 = tpu.vector_load %arg8[%parallel_loop3A_784, %parallel_loop3A_785, %parallel_loop3A_786] {strides = array<i32>} : memref<8x32x128xf32, #tpu.memory_space<vmem>>, vector<16xf32>,
        tpu.vector_store %arg8[%parallel_loop3A_784, %parallel_loop3A_785, %parallel_loop3A_786], %parallel_loop3A_782 {strides = array<i32>} : memref<8x32x128xf32, #tpu.memory_space<vmem>>, vector<16xf32>,
        %parallel_loop3A_788 = arith.constant 192 : i32
        %parallel_loop3A_789 = vector.broadcast %parallel_loop3A_788 : i32 to vector<16xi32>
        %parallel_loop3A_790 = arith.addi %parallel_loop3A_723, %parallel_loop3A_789 : vector<16xi32>
        %parallel_loop3A_791 = tpu.vector_load_idx %arg9[%parallel_loop3A_790] : memref<1536xf32, #tpu.memory_space<vmem>>[vector<16xi32>], vector<16xf32>,
        %parallel_loop3A_792 = arith.constant 12 : i32
        %parallel_loop3A_793 = arith.index_cast %parallel_loop3A_689 : i32 to index
        %parallel_loop3A_794 = arith.index_cast %parallel_loop3A_792 : i32 to index
        %parallel_loop3A_795 = arith.index_cast %parallel_loop3A_693 : i32 to index
        %parallel_loop3A_796 = tpu.vector_load %arg8[%parallel_loop3A_793, %parallel_loop3A_794, %parallel_loop3A_795] {strides = array<i32>} : memref<8x32x128xf32, #tpu.memory_space<vmem>>, vector<16xf32>,
        tpu.vector_store %arg8[%parallel_loop3A_793, %parallel_loop3A_794, %parallel_loop3A_795], %parallel_loop3A_791 {strides = array<i32>} : memref<8x32x128xf32, #tpu.memory_space<vmem>>, vector<16xf32>,
        %parallel_loop3A_797 = arith.constant 208 : i32
        %parallel_loop3A_798 = vector.broadcast %parallel_loop3A_797 : i32 to vector<16xi32>
        %parallel_loop3A_799 = arith.addi %parallel_loop3A_723, %parallel_loop3A_798 : vector<16xi32>
        %parallel_loop3A_800 = tpu.vector_load_idx %arg9[%parallel_loop3A_799] : memref<1536xf32, #tpu.memory_space<vmem>>[vector<16xi32>], vector<16xf32>,
        %parallel_loop3A_801 = arith.constant 13 : i32
        %parallel_loop3A_802 = arith.index_cast %parallel_loop3A_689 : i32 to index
        %parallel_loop3A_803 = arith.index_cast %parallel_loop3A_801 : i32 to index
        %parallel_loop3A_804 = arith.index_cast %parallel_loop3A_693 : i32 to index
        %parallel_loop3A_805 = tpu.vector_load %arg8[%parallel_loop3A_802, %parallel_loop3A_803, %parallel_loop3A_804] {strides = array<i32>} : memref<8x32x128xf32, #tpu.memory_space<vmem>>, vector<16xf32>,
        tpu.vector_store %arg8[%parallel_loop3A_802, %parallel_loop3A_803, %parallel_loop3A_804], %parallel_loop3A_800 {strides = array<i32>} : memref<8x32x128xf32, #tpu.memory_space<vmem>>, vector<16xf32>,
        %parallel_loop3A_806 = arith.constant 224 : i32
        %parallel_loop3A_807 = vector.broadcast %parallel_loop3A_806 : i32 to vector<16xi32>
        %parallel_loop3A_808 = arith.addi %parallel_loop3A_723, %parallel_loop3A_807 : vector<16xi32>
        %parallel_loop3A_809 = tpu.vector_load_idx %arg9[%parallel_loop3A_808] : memref<1536xf32, #tpu.memory_space<vmem>>[vector<16xi32>], vector<16xf32>,
        %parallel_loop3A_810 = arith.constant 14 : i32
        %parallel_loop3A_811 = arith.index_cast %parallel_loop3A_689 : i32 to index
        %parallel_loop3A_812 = arith.index_cast %parallel_loop3A_810 : i32 to index
        %parallel_loop3A_813 = arith.index_cast %parallel_loop3A_693 : i32 to index
        %parallel_loop3A_814 = tpu.vector_load %arg8[%parallel_loop3A_811, %parallel_loop3A_812, %parallel_loop3A_813] {strides = array<i32>} : memref<8x32x128xf32, #tpu.memory_space<vmem>>, vector<16xf32>,
        tpu.vector_store %arg8[%parallel_loop3A_811, %parallel_loop3A_812, %parallel_loop3A_813], %parallel_loop3A_809 {strides = array<i32>} : memref<8x32x128xf32, #tpu.memory_space<vmem>>, vector<16xf32>,
        %parallel_loop3A_815 = arith.constant 240 : i32
        %parallel_loop3A_816 = vector.broadcast %parallel_loop3A_815 : i32 to vector<16xi32>
        %parallel_loop3A_817 = arith.addi %parallel_loop3A_723, %parallel_loop3A_816 : vector<16xi32>
        %parallel_loop3A_818 = tpu.vector_load_idx %arg9[%parallel_loop3A_817] : memref<1536xf32, #tpu.memory_space<vmem>>[vector<16xi32>], vector<16xf32>,
        %parallel_loop3A_819 = arith.constant 15 : i32
        %parallel_loop3A_820 = arith.index_cast %parallel_loop3A_689 : i32 to index
        %parallel_loop3A_821 = arith.index_cast %parallel_loop3A_819 : i32 to index
        %parallel_loop3A_822 = arith.index_cast %parallel_loop3A_693 : i32 to index
        %parallel_loop3A_823 = tpu.vector_load %arg8[%parallel_loop3A_820, %parallel_loop3A_821, %parallel_loop3A_822] {strides = array<i32>} : memref<8x32x128xf32, #tpu.memory_space<vmem>>, vector<16xf32>,
        tpu.vector_store %arg8[%parallel_loop3A_820, %parallel_loop3A_821, %parallel_loop3A_822], %parallel_loop3A_818 {strides = array<i32>} : memref<8x32x128xf32, #tpu.memory_space<vmem>>, vector<16xf32>,
        %parallel_loop3A_824 = arith.constant 256 : i32
        %parallel_loop3A_825 = vector.broadcast %parallel_loop3A_824 : i32 to vector<16xi32>
        %parallel_loop3A_826 = arith.addi %parallel_loop3A_723, %parallel_loop3A_825 : vector<16xi32>
        %parallel_loop3A_827 = tpu.vector_load_idx %arg9[%parallel_loop3A_826] : memref<1536xf32, #tpu.memory_space<vmem>>[vector<16xi32>], vector<16xf32>,
        %parallel_loop3A_828 = arith.constant 16 : i32
        %parallel_loop3A_829 = arith.index_cast %parallel_loop3A_689 : i32 to index
        %parallel_loop3A_830 = arith.index_cast %parallel_loop3A_828 : i32 to index
        %parallel_loop3A_831 = arith.index_cast %parallel_loop3A_693 : i32 to index
        %parallel_loop3A_832 = tpu.vector_load %arg8[%parallel_loop3A_829, %parallel_loop3A_830, %parallel_loop3A_831] {strides = array<i32>} : memref<8x32x128xf32, #tpu.memory_space<vmem>>, vector<16xf32>,
        tpu.vector_store %arg8[%parallel_loop3A_829, %parallel_loop3A_830, %parallel_loop3A_831], %parallel_loop3A_827 {strides = array<i32>} : memref<8x32x128xf32, #tpu.memory_space<vmem>>, vector<16xf32>,
        %parallel_loop3A_833 = arith.constant 272 : i32
        %parallel_loop3A_834 = vector.broadcast %parallel_loop3A_833 : i32 to vector<16xi32>
        %parallel_loop3A_835 = arith.addi %parallel_loop3A_723, %parallel_loop3A_834 : vector<16xi32>
        %parallel_loop3A_836 = tpu.vector_load_idx %arg9[%parallel_loop3A_835] : memref<1536xf32, #tpu.memory_space<vmem>>[vector<16xi32>], vector<16xf32>,
        %parallel_loop3A_837 = arith.constant 17 : i32
        %parallel_loop3A_838 = arith.index_cast %parallel_loop3A_689 : i32 to index
        %parallel_loop3A_839 = arith.index_cast %parallel_loop3A_837 : i32 to index
        %parallel_loop3A_840 = arith.index_cast %parallel_loop3A_693 : i32 to index
        %parallel_loop3A_841 = tpu.vector_load %arg8[%parallel_loop3A_838, %parallel_loop3A_839, %parallel_loop3A_840] {strides = array<i32>} : memref<8x32x128xf32, #tpu.memory_space<vmem>>, vector<16xf32>,
        tpu.vector_store %arg8[%parallel_loop3A_838, %parallel_loop3A_839, %parallel_loop3A_840], %parallel_loop3A_836 {strides = array<i32>} : memref<8x32x128xf32, #tpu.memory_space<vmem>>, vector<16xf32>,
        %parallel_loop3A_842 = arith.constant 288 : i32
        %parallel_loop3A_843 = vector.broadcast %parallel_loop3A_842 : i32 to vector<16xi32>
        %parallel_loop3A_844 = arith.addi %parallel_loop3A_723, %parallel_loop3A_843 : vector<16xi32>
        %parallel_loop3A_845 = tpu.vector_load_idx %arg9[%parallel_loop3A_844] : memref<1536xf32, #tpu.memory_space<vmem>>[vector<16xi32>], vector<16xf32>,
        %parallel_loop3A_846 = arith.constant 18 : i32
        %parallel_loop3A_847 = arith.index_cast %parallel_loop3A_689 : i32 to index
        %parallel_loop3A_848 = arith.index_cast %parallel_loop3A_846 : i32 to index
        %parallel_loop3A_849 = arith.index_cast %parallel_loop3A_693 : i32 to index
        %parallel_loop3A_850 = tpu.vector_load %arg8[%parallel_loop3A_847, %parallel_loop3A_848, %parallel_loop3A_849] {strides = array<i32>} : memref<8x32x128xf32, #tpu.memory_space<vmem>>, vector<16xf32>,
        tpu.vector_store %arg8[%parallel_loop3A_847, %parallel_loop3A_848, %parallel_loop3A_849], %parallel_loop3A_845 {strides = array<i32>} : memref<8x32x128xf32, #tpu.memory_space<vmem>>, vector<16xf32>,
        %parallel_loop3A_851 = arith.constant 304 : i32
        %parallel_loop3A_852 = vector.broadcast %parallel_loop3A_851 : i32 to vector<16xi32>
        %parallel_loop3A_853 = arith.addi %parallel_loop3A_723, %parallel_loop3A_852 : vector<16xi32>
        %parallel_loop3A_854 = tpu.vector_load_idx %arg9[%parallel_loop3A_853] : memref<1536xf32, #tpu.memory_space<vmem>>[vector<16xi32>], vector<16xf32>,
        %parallel_loop3A_855 = arith.constant 19 : i32
        %parallel_loop3A_856 = arith.index_cast %parallel_loop3A_689 : i32 to index
        %parallel_loop3A_857 = arith.index_cast %parallel_loop3A_855 : i32 to index
        %parallel_loop3A_858 = arith.index_cast %parallel_loop3A_693 : i32 to index
        %parallel_loop3A_859 = tpu.vector_load %arg8[%parallel_loop3A_856, %parallel_loop3A_857, %parallel_loop3A_858] {strides = array<i32>} : memref<8x32x128xf32, #tpu.memory_space<vmem>>, vector<16xf32>,
        tpu.vector_store %arg8[%parallel_loop3A_856, %parallel_loop3A_857, %parallel_loop3A_858], %parallel_loop3A_854 {strides = array<i32>} : memref<8x32x128xf32, #tpu.memory_space<vmem>>, vector<16xf32>,
        %parallel_loop3A_860 = arith.constant 320 : i32
        %parallel_loop3A_861 = vector.broadcast %parallel_loop3A_860 : i32 to vector<16xi32>
        %parallel_loop3A_862 = arith.addi %parallel_loop3A_723, %parallel_loop3A_861 : vector<16xi32>
        %parallel_loop3A_863 = tpu.vector_load_idx %arg9[%parallel_loop3A_862] : memref<1536xf32, #tpu.memory_space<vmem>>[vector<16xi32>], vector<16xf32>,
        %parallel_loop3A_864 = arith.constant 20 : i32
        %parallel_loop3A_865 = arith.index_cast %parallel_loop3A_689 : i32 to index
        %parallel_loop3A_866 = arith.index_cast %parallel_loop3A_864 : i32 to index
        %parallel_loop3A_867 = arith.index_cast %parallel_loop3A_693 : i32 to index
        %parallel_loop3A_868 = tpu.vector_load %arg8[%parallel_loop3A_865, %parallel_loop3A_866, %parallel_loop3A_867] {strides = array<i32>} : memref<8x32x128xf32, #tpu.memory_space<vmem>>, vector<16xf32>,
        tpu.vector_store %arg8[%parallel_loop3A_865, %parallel_loop3A_866, %parallel_loop3A_867], %parallel_loop3A_863 {strides = array<i32>} : memref<8x32x128xf32, #tpu.memory_space<vmem>>, vector<16xf32>,
        %parallel_loop3A_869 = arith.constant 336 : i32
        %parallel_loop3A_870 = vector.broadcast %parallel_loop3A_869 : i32 to vector<16xi32>
        %parallel_loop3A_871 = arith.addi %parallel_loop3A_723, %parallel_loop3A_870 : vector<16xi32>
        %parallel_loop3A_872 = tpu.vector_load_idx %arg9[%parallel_loop3A_871] : memref<1536xf32, #tpu.memory_space<vmem>>[vector<16xi32>], vector<16xf32>,
        %parallel_loop3A_873 = arith.constant 21 : i32
        %parallel_loop3A_874 = arith.index_cast %parallel_loop3A_689 : i32 to index
        %parallel_loop3A_875 = arith.index_cast %parallel_loop3A_873 : i32 to index
        %parallel_loop3A_876 = arith.index_cast %parallel_loop3A_693 : i32 to index
        %parallel_loop3A_877 = tpu.vector_load %arg8[%parallel_loop3A_874, %parallel_loop3A_875, %parallel_loop3A_876] {strides = array<i32>} : memref<8x32x128xf32, #tpu.memory_space<vmem>>, vector<16xf32>,
        tpu.vector_store %arg8[%parallel_loop3A_874, %parallel_loop3A_875, %parallel_loop3A_876], %parallel_loop3A_872 {strides = array<i32>} : memref<8x32x128xf32, #tpu.memory_space<vmem>>, vector<16xf32>,
        %parallel_loop3A_878 = arith.constant 352 : i32
        %parallel_loop3A_879 = vector.broadcast %parallel_loop3A_878 : i32 to vector<16xi32>
        %parallel_loop3A_880 = arith.addi %parallel_loop3A_733, %parallel_loop3A_879 : vector<16xi32>
        %parallel_loop3A_881 = tpu.vector_load_idx %arg9[%parallel_loop3A_880] : memref<1536xf32, #tpu.memory_space<vmem>>[vector<16xi32>], vector<16xf32>,
        %parallel_loop3A_882 = arith.constant 22 : i32
        %parallel_loop3A_883 = arith.index_cast %parallel_loop3A_689 : i32 to index
        %parallel_loop3A_884 = arith.index_cast %parallel_loop3A_882 : i32 to index
        %parallel_loop3A_885 = arith.index_cast %parallel_loop3A_693 : i32 to index
        %parallel_loop3A_886 = tpu.vector_load %arg8[%parallel_loop3A_883, %parallel_loop3A_884, %parallel_loop3A_885] {strides = array<i32>} : memref<8x32x128xf32, #tpu.memory_space<vmem>>, vector<16xf32>,
        tpu.vector_store %arg8[%parallel_loop3A_883, %parallel_loop3A_884, %parallel_loop3A_885], %parallel_loop3A_881 {strides = array<i32>} : memref<8x32x128xf32, #tpu.memory_space<vmem>>, vector<16xf32>,
        %parallel_loop3A_887 = arith.constant 368 : i32
        %parallel_loop3A_888 = vector.broadcast %parallel_loop3A_887 : i32 to vector<16xi32>
        %parallel_loop3A_889 = arith.addi %parallel_loop3A_733, %parallel_loop3A_888 : vector<16xi32>
        %parallel_loop3A_890 = tpu.vector_load_idx %arg9[%parallel_loop3A_889] : memref<1536xf32, #tpu.memory_space<vmem>>[vector<16xi32>], vector<16xf32>,
        %parallel_loop3A_891 = arith.constant 23 : i32
        %parallel_loop3A_892 = arith.index_cast %parallel_loop3A_689 : i32 to index
        %parallel_loop3A_893 = arith.index_cast %parallel_loop3A_891 : i32 to index
        %parallel_loop3A_894 = arith.index_cast %parallel_loop3A_693 : i32 to index
        %parallel_loop3A_895 = tpu.vector_load %arg8[%parallel_loop3A_892, %parallel_loop3A_893, %parallel_loop3A_894] {strides = array<i32>} : memref<8x32x128xf32, #tpu.memory_space<vmem>>, vector<16xf32>,
        tpu.vector_store %arg8[%parallel_loop3A_892, %parallel_loop3A_893, %parallel_loop3A_894], %parallel_loop3A_890 {strides = array<i32>} : memref<8x32x128xf32, #tpu.memory_space<vmem>>, vector<16xf32>,
        %parallel_loop3A_896 = arith.constant 384 : i32
        %parallel_loop3A_897 = vector.broadcast %parallel_loop3A_896 : i32 to vector<16xi32>
        %parallel_loop3A_898 = arith.addi %parallel_loop3A_733, %parallel_loop3A_897 : vector<16xi32>
        %parallel_loop3A_899 = tpu.vector_load_idx %arg9[%parallel_loop3A_898] : memref<1536xf32, #tpu.memory_space<vmem>>[vector<16xi32>], vector<16xf32>,
        %parallel_loop3A_900 = arith.constant 24 : i32
        %parallel_loop3A_901 = arith.index_cast %parallel_loop3A_689 : i32 to index
        %parallel_loop3A_902 = arith.index_cast %parallel_loop3A_900 : i32 to index
        %parallel_loop3A_903 = arith.index_cast %parallel_loop3A_693 : i32 to index
        %parallel_loop3A_904 = tpu.vector_load %arg8[%parallel_loop3A_901, %parallel_loop3A_902, %parallel_loop3A_903] {strides = array<i32>} : memref<8x32x128xf32, #tpu.memory_space<vmem>>, vector<16xf32>,
        tpu.vector_store %arg8[%parallel_loop3A_901, %parallel_loop3A_902, %parallel_loop3A_903], %parallel_loop3A_899 {strides = array<i32>} : memref<8x32x128xf32, #tpu.memory_space<vmem>>, vector<16xf32>,
        %parallel_loop3A_905 = arith.constant 400 : i32
        %parallel_loop3A_906 = vector.broadcast %parallel_loop3A_905 : i32 to vector<16xi32>
        %parallel_loop3A_907 = arith.addi %parallel_loop3A_733, %parallel_loop3A_906 : vector<16xi32>
        %parallel_loop3A_908 = tpu.vector_load_idx %arg9[%parallel_loop3A_907] : memref<1536xf32, #tpu.memory_space<vmem>>[vector<16xi32>], vector<16xf32>,
        %parallel_loop3A_909 = arith.constant 25 : i32
        %parallel_loop3A_910 = arith.index_cast %parallel_loop3A_689 : i32 to index
        %parallel_loop3A_911 = arith.index_cast %parallel_loop3A_909 : i32 to index
        %parallel_loop3A_912 = arith.index_cast %parallel_loop3A_693 : i32 to index
        %parallel_loop3A_913 = tpu.vector_load %arg8[%parallel_loop3A_910, %parallel_loop3A_911, %parallel_loop3A_912] {strides = array<i32>} : memref<8x32x128xf32, #tpu.memory_space<vmem>>, vector<16xf32>,
        tpu.vector_store %arg8[%parallel_loop3A_910, %parallel_loop3A_911, %parallel_loop3A_912], %parallel_loop3A_908 {strides = array<i32>} : memref<8x32x128xf32, #tpu.memory_space<vmem>>, vector<16xf32>,
        %parallel_loop3A_914 = arith.constant 416 : i32
        %parallel_loop3A_915 = vector.broadcast %parallel_loop3A_914 : i32 to vector<16xi32>
        %parallel_loop3A_916 = arith.addi %parallel_loop3A_733, %parallel_loop3A_915 : vector<16xi32>
        %parallel_loop3A_917 = tpu.vector_load_idx %arg9[%parallel_loop3A_916] : memref<1536xf32, #tpu.memory_space<vmem>>[vector<16xi32>], vector<16xf32>,
        %parallel_loop3A_918 = arith.constant 26 : i32
        %parallel_loop3A_919 = arith.index_cast %parallel_loop3A_689 : i32 to index
        %parallel_loop3A_920 = arith.index_cast %parallel_loop3A_918 : i32 to index
        %parallel_loop3A_921 = arith.index_cast %parallel_loop3A_693 : i32 to index
        %parallel_loop3A_922 = tpu.vector_load %arg8[%parallel_loop3A_919, %parallel_loop3A_920, %parallel_loop3A_921] {strides = array<i32>} : memref<8x32x128xf32, #tpu.memory_space<vmem>>, vector<16xf32>,
        tpu.vector_store %arg8[%parallel_loop3A_919, %parallel_loop3A_920, %parallel_loop3A_921], %parallel_loop3A_917 {strides = array<i32>} : memref<8x32x128xf32, #tpu.memory_space<vmem>>, vector<16xf32>,
        %parallel_loop3A_923 = arith.constant 432 : i32
        %parallel_loop3A_924 = vector.broadcast %parallel_loop3A_923 : i32 to vector<16xi32>
        %parallel_loop3A_925 = arith.addi %parallel_loop3A_733, %parallel_loop3A_924 : vector<16xi32>
        %parallel_loop3A_926 = tpu.vector_load_idx %arg9[%parallel_loop3A_925] : memref<1536xf32, #tpu.memory_space<vmem>>[vector<16xi32>], vector<16xf32>,
        %parallel_loop3A_927 = arith.constant 27 : i32
        %parallel_loop3A_928 = arith.index_cast %parallel_loop3A_689 : i32 to index
        %parallel_loop3A_929 = arith.index_cast %parallel_loop3A_927 : i32 to index
        %parallel_loop3A_930 = arith.index_cast %parallel_loop3A_693 : i32 to index
        %parallel_loop3A_931 = tpu.vector_load %arg8[%parallel_loop3A_928, %parallel_loop3A_929, %parallel_loop3A_930] {strides = array<i32>} : memref<8x32x128xf32, #tpu.memory_space<vmem>>, vector<16xf32>,
        tpu.vector_store %arg8[%parallel_loop3A_928, %parallel_loop3A_929, %parallel_loop3A_930], %parallel_loop3A_926 {strides = array<i32>} : memref<8x32x128xf32, #tpu.memory_space<vmem>>, vector<16xf32>,
        %parallel_loop3A_932 = arith.constant 448 : i32
        %parallel_loop3A_933 = vector.broadcast %parallel_loop3A_932 : i32 to vector<16xi32>
        %parallel_loop3A_934 = arith.addi %parallel_loop3A_733, %parallel_loop3A_933 : vector<16xi32>
        %parallel_loop3A_935 = tpu.vector_load_idx %arg9[%parallel_loop3A_934] : memref<1536xf32, #tpu.memory_space<vmem>>[vector<16xi32>], vector<16xf32>,
        %parallel_loop3A_936 = arith.constant 28 : i32
        %parallel_loop3A_937 = arith.index_cast %parallel_loop3A_689 : i32 to index
        %parallel_loop3A_938 = arith.index_cast %parallel_loop3A_936 : i32 to index
        %parallel_loop3A_939 = arith.index_cast %parallel_loop3A_693 : i32 to index
        %parallel_loop3A_940 = tpu.vector_load %arg8[%parallel_loop3A_937, %parallel_loop3A_938, %parallel_loop3A_939] {strides = array<i32>} : memref<8x32x128xf32, #tpu.memory_space<vmem>>, vector<16xf32>,
        tpu.vector_store %arg8[%parallel_loop3A_937, %parallel_loop3A_938, %parallel_loop3A_939], %parallel_loop3A_935 {strides = array<i32>} : memref<8x32x128xf32, #tpu.memory_space<vmem>>, vector<16xf32>,
        %parallel_loop3A_941 = arith.constant 464 : i32
        %parallel_loop3A_942 = vector.broadcast %parallel_loop3A_941 : i32 to vector<16xi32>
        %parallel_loop3A_943 = arith.addi %parallel_loop3A_733, %parallel_loop3A_942 : vector<16xi32>
        %parallel_loop3A_944 = tpu.vector_load_idx %arg9[%parallel_loop3A_943] : memref<1536xf32, #tpu.memory_space<vmem>>[vector<16xi32>], vector<16xf32>,
        %parallel_loop3A_945 = arith.constant 29 : i32
        %parallel_loop3A_946 = arith.index_cast %parallel_loop3A_689 : i32 to index
        %parallel_loop3A_947 = arith.index_cast %parallel_loop3A_945 : i32 to index
        %parallel_loop3A_948 = arith.index_cast %parallel_loop3A_693 : i32 to index
        %parallel_loop3A_949 = tpu.vector_load %arg8[%parallel_loop3A_946, %parallel_loop3A_947, %parallel_loop3A_948] {strides = array<i32>} : memref<8x32x128xf32, #tpu.memory_space<vmem>>, vector<16xf32>,
        tpu.vector_store %arg8[%parallel_loop3A_946, %parallel_loop3A_947, %parallel_loop3A_948], %parallel_loop3A_944 {strides = array<i32>} : memref<8x32x128xf32, #tpu.memory_space<vmem>>, vector<16xf32>,
        %parallel_loop3A_950 = arith.constant 480 : i32
        %parallel_loop3A_951 = vector.broadcast %parallel_loop3A_950 : i32 to vector<16xi32>
        %parallel_loop3A_952 = arith.addi %parallel_loop3A_733, %parallel_loop3A_951 : vector<16xi32>
        %parallel_loop3A_953 = tpu.vector_load_idx %arg9[%parallel_loop3A_952] : memref<1536xf32, #tpu.memory_space<vmem>>[vector<16xi32>], vector<16xf32>,
        %parallel_loop3A_954 = arith.constant 30 : i32
        %parallel_loop3A_955 = arith.index_cast %parallel_loop3A_689 : i32 to index
        %parallel_loop3A_956 = arith.index_cast %parallel_loop3A_954 : i32 to index
        %parallel_loop3A_957 = arith.index_cast %parallel_loop3A_693 : i32 to index
        %parallel_loop3A_958 = tpu.vector_load %arg8[%parallel_loop3A_955, %parallel_loop3A_956, %parallel_loop3A_957] {strides = array<i32>} : memref<8x32x128xf32, #tpu.memory_space<vmem>>, vector<16xf32>,
        tpu.vector_store %arg8[%parallel_loop3A_955, %parallel_loop3A_956, %parallel_loop3A_957], %parallel_loop3A_953 {strides = array<i32>} : memref<8x32x128xf32, #tpu.memory_space<vmem>>, vector<16xf32>,
        %parallel_loop3A_959 = arith.constant 496 : i32
        %parallel_loop3A_960 = vector.broadcast %parallel_loop3A_959 : i32 to vector<16xi32>
        %parallel_loop3A_961 = arith.addi %parallel_loop3A_733, %parallel_loop3A_960 : vector<16xi32>
        %parallel_loop3A_962 = tpu.vector_load_idx %arg9[%parallel_loop3A_961] : memref<1536xf32, #tpu.memory_space<vmem>>[vector<16xi32>], vector<16xf32>,
        %parallel_loop3A_963 = arith.constant 31 : i32
        %parallel_loop3A_964 = arith.index_cast %parallel_loop3A_689 : i32 to index
        %parallel_loop3A_965 = arith.index_cast %parallel_loop3A_963 : i32 to index
        %parallel_loop3A_966 = arith.index_cast %parallel_loop3A_693 : i32 to index
        %parallel_loop3A_967 = tpu.vector_load %arg8[%parallel_loop3A_964, %parallel_loop3A_965, %parallel_loop3A_966] {strides = array<i32>} : memref<8x32x128xf32, #tpu.memory_space<vmem>>, vector<16xf32>,
        tpu.vector_store %arg8[%parallel_loop3A_964, %parallel_loop3A_965, %parallel_loop3A_966], %parallel_loop3A_962 {strides = array<i32>} : memref<8x32x128xf32, #tpu.memory_space<vmem>>, vector<16xf32>,
      } {sc.loop_unroll_factor = 4 : i64, sc.parallel_access}
      %mul3A_578 = arith.constant 8 : i32
      %mul3A_579 = arith.muli %add3A_466, %mul3A_578 : i32
      %dma_wait3A_580 = arith.constant 0 : i32
      %dma_wait3A_581 = arith.constant 0 : i32
      %dma_wait3A_582 = arith.constant 0 : i32
      %dma_wait3A_583 = arith.constant 0 : i32
      %dma_wait3A_584 = tpu.memref_slice %arg8[%dma_wait3A_582, %dma_wait3A_581, %dma_wait3A_583] : memref<8x32x128xf32, #tpu.memory_space<vmem>> -> memref<8x1x128xf32, #tpu.memory_space<vmem>>
      %dma_wait3A_585 = tpu.memref_squeeze %dma_wait3A_584 : memref<8x1x128xf32, #tpu.memory_space<vmem>> -> memref<8x128xf32, #tpu.memory_space<vmem>>
      %dma_wait3A_586 = tpu.memref_slice %arg2[%dma_wait3A_580, %mul3A_579, %mul3A_2] : memref<10x200x4096xf32, #tpu.memory_space<hbm>> -> memref<1x8x128xf32, #tpu.memory_space<hbm>>
      %dma_wait3A_587 = tpu.memref_squeeze %dma_wait3A_586 : memref<1x8x128xf32, #tpu.memory_space<hbm>> -> memref<8x128xf32, #tpu.memory_space<hbm>>
      %dma_wait3A_588 = arith.constant 0 : i32
      %dma_wait3A_589 = arith.constant 0 : i32
      %dma_wait3A_590 = tpu.memref_slice %arg8[%dma_wait3A_588, %dma_wait3A_581, %dma_wait3A_589] : memref<8x32x128xf32, #tpu.memory_space<vmem>> -> memref<8x1x128xf32, #tpu.memory_space<vmem>>
      %dma_wait3A_591 = tpu.memref_squeeze %dma_wait3A_590 : memref<8x1x128xf32, #tpu.memory_space<vmem>> -> memref<8x128xf32, #tpu.memory_space<vmem>>
      %dma_wait3A_592 = tpu.memref_slice %arg2[%dma_wait3A_580, %mul3A_579, %mul3A_2] : memref<10x200x4096xf32, #tpu.memory_space<hbm>> -> memref<1x8x128xf32, #tpu.memory_space<hbm>>
      %dma_wait3A_593 = tpu.memref_squeeze %dma_wait3A_592 : memref<1x8x128xf32, #tpu.memory_space<hbm>> -> memref<8x128xf32, #tpu.memory_space<hbm>>
      tpu.wait_dma2 semaphore(%arg15 : memref<!tpu.dma_semaphore, #tpu.memory_space<semaphore_mem>>) src(%dma_wait3A_593 : memref<8x128xf32, #tpu.memory_space<hbm>>) dst(%dma_wait3A_591 : memref<8x128xf32, #tpu.memory_space<vmem>>)
      %mul3A_594 = arith.constant 8 : i32
      %mul3A_595 = arith.muli %add3A_466, %mul3A_594 : i32
      %dma_wait3A_596 = arith.constant 1 : i32
      %dma_wait3A_597 = arith.constant 1 : i32
      %dma_wait3A_598 = arith.constant 0 : i32
      %dma_wait3A_599 = arith.constant 0 : i32
      %dma_wait3A_600 = tpu.memref_slice %arg8[%dma_wait3A_598, %dma_wait3A_597, %dma_wait3A_599] : memref<8x32x128xf32, #tpu.memory_space<vmem>> -> memref<8x1x128xf32, #tpu.memory_space<vmem>>
      %dma_wait3A_601 = tpu.memref_squeeze %dma_wait3A_600 : memref<8x1x128xf32, #tpu.memory_space<vmem>> -> memref<8x128xf32, #tpu.memory_space<vmem>>
      %dma_wait3A_602 = tpu.memref_slice %arg2[%dma_wait3A_596, %mul3A_595, %mul3A_2] : memref<10x200x4096xf32, #tpu.memory_space<hbm>> -> memref<1x8x128xf32, #tpu.memory_space<hbm>>
      %dma_wait3A_603 = tpu.memref_squeeze %dma_wait3A_602 : memref<1x8x128xf32, #tpu.memory_space<hbm>> -> memref<8x128xf32, #tpu.memory_space<hbm>>
      %dma_wait3A_604 = arith.constant 0 : i32
      %dma_wait3A_605 = arith.constant 0 : i32
      %dma_wait3A_606 = tpu.memref_slice %arg8[%dma_wait3A_604, %dma_wait3A_597, %dma_wait3A_605] : memref<8x32x128xf32, #tpu.memory_space<vmem>> -> memref<8x1x128xf32, #tpu.memory_space<vmem>>
      %dma_wait3A_607 = tpu.memref_squeeze %dma_wait3A_606 : memref<8x1x128xf32, #tpu.memory_space<vmem>> -> memref<8x128xf32, #tpu.memory_space<vmem>>
      %dma_wait3A_608 = tpu.memref_slice %arg2[%dma_wait3A_596, %mul3A_595, %mul3A_2] : memref<10x200x4096xf32, #tpu.memory_space<hbm>> -> memref<1x8x128xf32, #tpu.memory_space<hbm>>
      %dma_wait3A_609 = tpu.memref_squeeze %dma_wait3A_608 : memref<1x8x128xf32, #tpu.memory_space<hbm>> -> memref<8x128xf32, #tpu.memory_space<hbm>>
      tpu.wait_dma2 semaphore(%arg15 : memref<!tpu.dma_semaphore, #tpu.memory_space<semaphore_mem>>) src(%dma_wait3A_609 : memref<8x128xf32, #tpu.memory_space<hbm>>) dst(%dma_wait3A_607 : memref<8x128xf32, #tpu.memory_space<vmem>>)
      %mul3A_610 = arith.constant 8 : i32
      %mul3A_611 = arith.muli %add3A_466, %mul3A_610 : i32
      %dma_wait3A_612 = arith.constant 2 : i32
      %dma_wait3A_613 = arith.constant 2 : i32
      %dma_wait3A_614 = arith.constant 0 : i32
      %dma_wait3A_615 = arith.constant 0 : i32
      %dma_wait3A_616 = tpu.memref_slice %arg8[%dma_wait3A_614, %dma_wait3A_613, %dma_wait3A_615] : memref<8x32x128xf32, #tpu.memory_space<vmem>> -> memref<8x1x128xf32, #tpu.memory_space<vmem>>
      %dma_wait3A_617 = tpu.memref_squeeze %dma_wait3A_616 : memref<8x1x128xf32, #tpu.memory_space<vmem>> -> memref<8x128xf32, #tpu.memory_space<vmem>>
      %dma_wait3A_618 = tpu.memref_slice %arg2[%dma_wait3A_612, %mul3A_611, %mul3A_2] : memref<10x200x4096xf32, #tpu.memory_space<hbm>> -> memref<1x8x128xf32, #tpu.memory_space<hbm>>
      %dma_wait3A_619 = tpu.memref_squeeze %dma_wait3A_618 : memref<1x8x128xf32, #tpu.memory_space<hbm>> -> memref<8x128xf32, #tpu.memory_space<hbm>>
      %dma_wait3A_620 = arith.constant 0 : i32
      %dma_wait3A_621 = arith.constant 0 : i32
      %dma_wait3A_622 = tpu.memref_slice %arg8[%dma_wait3A_620, %dma_wait3A_613, %dma_wait3A_621] : memref<8x32x128xf32, #tpu.memory_space<vmem>> -> memref<8x1x128xf32, #tpu.memory_space<vmem>>
      %dma_wait3A_623 = tpu.memref_squeeze %dma_wait3A_622 : memref<8x1x128xf32, #tpu.memory_space<vmem>> -> memref<8x128xf32, #tpu.memory_space<vmem>>
      %dma_wait3A_624 = tpu.memref_slice %arg2[%dma_wait3A_612, %mul3A_611, %mul3A_2] : memref<10x200x4096xf32, #tpu.memory_space<hbm>> -> memref<1x8x128xf32, #tpu.memory_space<hbm>>
      %dma_wait3A_625 = tpu.memref_squeeze %dma_wait3A_624 : memref<1x8x128xf32, #tpu.memory_space<hbm>> -> memref<8x128xf32, #tpu.memory_space<hbm>>
      tpu.wait_dma2 semaphore(%arg15 : memref<!tpu.dma_semaphore, #tpu.memory_space<semaphore_mem>>) src(%dma_wait3A_625 : memref<8x128xf32, #tpu.memory_space<hbm>>) dst(%dma_wait3A_623 : memref<8x128xf32, #tpu.memory_space<vmem>>)
      %mul3A_626 = arith.constant 8 : i32
      %mul3A_627 = arith.muli %add3A_466, %mul3A_626 : i32
      %dma_wait3A_628 = arith.constant 3 : i32
      %dma_wait3A_629 = arith.constant 3 : i32
      %dma_wait3A_630 = arith.constant 0 : i32
      %dma_wait3A_631 = arith.constant 0 : i32
      %dma_wait3A_632 = tpu.memref_slice %arg8[%dma_wait3A_630, %dma_wait3A_629, %dma_wait3A_631] : memref<8x32x128xf32, #tpu.memory_space<vmem>> -> memref<8x1x128xf32, #tpu.memory_space<vmem>>
      %dma_wait3A_633 = tpu.memref_squeeze %dma_wait3A_632 : memref<8x1x128xf32, #tpu.memory_space<vmem>> -> memref<8x128xf32, #tpu.memory_space<vmem>>
      %dma_wait3A_634 = tpu.memref_slice %arg2[%dma_wait3A_628, %mul3A_627, %mul3A_2] : memref<10x200x4096xf32, #tpu.memory_space<hbm>> -> memref<1x8x128xf32, #tpu.memory_space<hbm>>
      %dma_wait3A_635 = tpu.memref_squeeze %dma_wait3A_634 : memref<1x8x128xf32, #tpu.memory_space<hbm>> -> memref<8x128xf32, #tpu.memory_space<hbm>>
      %dma_wait3A_636 = arith.constant 0 : i32
      %dma_wait3A_637 = arith.constant 0 : i32
      %dma_wait3A_638 = tpu.memref_slice %arg8[%dma_wait3A_636, %dma_wait3A_629, %dma_wait3A_637] : memref<8x32x128xf32, #tpu.memory_space<vmem>> -> memref<8x1x128xf32, #tpu.memory_space<vmem>>
      %dma_wait3A_639 = tpu.memref_squeeze %dma_wait3A_638 : memref<8x1x128xf32, #tpu.memory_space<vmem>> -> memref<8x128xf32, #tpu.memory_space<vmem>>
      %dma_wait3A_640 = tpu.memref_slice %arg2[%dma_wait3A_628, %mul3A_627, %mul3A_2] : memref<10x200x4096xf32, #tpu.memory_space<hbm>> -> memref<1x8x128xf32, #tpu.memory_space<hbm>>
      %dma_wait3A_641 = tpu.memref_squeeze %dma_wait3A_640 : memref<1x8x128xf32, #tpu.memory_space<hbm>> -> memref<8x128xf32, #tpu.memory_space<hbm>>
      tpu.wait_dma2 semaphore(%arg15 : memref<!tpu.dma_semaphore, #tpu.memory_space<semaphore_mem>>) src(%dma_wait3A_641 : memref<8x128xf32, #tpu.memory_space<hbm>>) dst(%dma_wait3A_639 : memref<8x128xf32, #tpu.memory_space<vmem>>)
      %mul3A_642 = arith.constant 8 : i32
      %mul3A_643 = arith.muli %add3A_466, %mul3A_642 : i32
      %dma_wait3A_644 = arith.constant 4 : i32
      %dma_wait3A_645 = arith.constant 4 : i32
      %dma_wait3A_646 = arith.constant 0 : i32
      %dma_wait3A_647 = arith.constant 0 : i32
      %dma_wait3A_648 = tpu.memref_slice %arg8[%dma_wait3A_646, %dma_wait3A_645, %dma_wait3A_647] : memref<8x32x128xf32, #tpu.memory_space<vmem>> -> memref<8x1x128xf32, #tpu.memory_space<vmem>>
      %dma_wait3A_649 = tpu.memref_squeeze %dma_wait3A_648 : memref<8x1x128xf32, #tpu.memory_space<vmem>> -> memref<8x128xf32, #tpu.memory_space<vmem>>
      %dma_wait3A_650 = tpu.memref_slice %arg2[%dma_wait3A_644, %mul3A_643, %mul3A_2] : memref<10x200x4096xf32, #tpu.memory_space<hbm>> -> memref<1x8x128xf32, #tpu.memory_space<hbm>>
      %dma_wait3A_651 = tpu.memref_squeeze %dma_wait3A_650 : memref<1x8x128xf32, #tpu.memory_space<hbm>> -> memref<8x128xf32, #tpu.memory_space<hbm>>
      %dma_wait3A_652 = arith.constant 0 : i32
      %dma_wait3A_653 = arith.constant 0 : i32
      %dma_wait3A_654 = tpu.memref_slice %arg8[%dma_wait3A_652, %dma_wait3A_645, %dma_wait3A_653] : memref<8x32x128xf32, #tpu.memory_space<vmem>> -> memref<8x1x128xf32, #tpu.memory_space<vmem>>
      %dma_wait3A_655 = tpu.memref_squeeze %dma_wait3A_654 : memref<8x1x128xf32, #tpu.memory_space<vmem>> -> memref<8x128xf32, #tpu.memory_space<vmem>>
      %dma_wait3A_656 = tpu.memref_slice %arg2[%dma_wait3A_644, %mul3A_643, %mul3A_2] : memref<10x200x4096xf32, #tpu.memory_space<hbm>> -> memref<1x8x128xf32, #tpu.memory_space<hbm>>
      %dma_wait3A_657 = tpu.memref_squeeze %dma_wait3A_656 : memref<1x8x128xf32, #tpu.memory_space<hbm>> -> memref<8x128xf32, #tpu.memory_space<hbm>>
      tpu.wait_dma2 semaphore(%arg15 : memref<!tpu.dma_semaphore, #tpu.memory_space<semaphore_mem>>) src(%dma_wait3A_657 : memref<8x128xf32, #tpu.memory_space<hbm>>) dst(%dma_wait3A_655 : memref<8x128xf32, #tpu.memory_space<vmem>>)
      %mul3A_658 = arith.constant 8 : i32
      %mul3A_659 = arith.muli %add3A_466, %mul3A_658 : i32
      %dma_wait3A_660 = arith.constant 5 : i32
      %dma_wait3A_661 = arith.constant 5 : i32
      %dma_wait3A_662 = arith.constant 0 : i32
      %dma_wait3A_663 = arith.constant 0 : i32
      %dma_wait3A_664 = tpu.memref_slice %arg8[%dma_wait3A_662, %dma_wait3A_661, %dma_wait3A_663] : memref<8x32x128xf32, #tpu.memory_space<vmem>> -> memref<8x1x128xf32, #tpu.memory_space<vmem>>
      %dma_wait3A_665 = tpu.memref_squeeze %dma_wait3A_664 : memref<8x1x128xf32, #tpu.memory_space<vmem>> -> memref<8x128xf32, #tpu.memory_space<vmem>>
      %dma_wait3A_666 = tpu.memref_slice %arg2[%dma_wait3A_660, %mul3A_659, %mul3A_2] : memref<10x200x4096xf32, #tpu.memory_space<hbm>> -> memref<1x8x128xf32, #tpu.memory_space<hbm>>
      %dma_wait3A_667 = tpu.memref_squeeze %dma_wait3A_666 : memref<1x8x128xf32, #tpu.memory_space<hbm>> -> memref<8x128xf32, #tpu.memory_space<hbm>>
      %dma_wait3A_668 = arith.constant 0 : i32
      %dma_wait3A_669 = arith.constant 0 : i32
      %dma_wait3A_670 = tpu.memref_slice %arg8[%dma_wait3A_668, %dma_wait3A_661, %dma_wait3A_669] : memref<8x32x128xf32, #tpu.memory_space<vmem>> -> memref<8x1x128xf32, #tpu.memory_space<vmem>>
      %dma_wait3A_671 = tpu.memref_squeeze %dma_wait3A_670 : memref<8x1x128xf32, #tpu.memory_space<vmem>> -> memref<8x128xf32, #tpu.memory_space<vmem>>
      %dma_wait3A_672 = tpu.memref_slice %arg2[%dma_wait3A_660, %mul3A_659, %mul3A_2] : memref<10x200x4096xf32, #tpu.memory_space<hbm>> -> memref<1x8x128xf32, #tpu.memory_space<hbm>>
      %dma_wait3A_673 = tpu.memref_squeeze %dma_wait3A_672 : memref<1x8x128xf32, #tpu.memory_space<hbm>> -> memref<8x128xf32, #tpu.memory_space<hbm>>
      tpu.wait_dma2 semaphore(%arg15 : memref<!tpu.dma_semaphore, #tpu.memory_space<semaphore_mem>>) src(%dma_wait3A_673 : memref<8x128xf32, #tpu.memory_space<hbm>>) dst(%dma_wait3A_671 : memref<8x128xf32, #tpu.memory_space<vmem>>)
      %mul3A_674 = arith.constant 8 : i32
      %mul3A_675 = arith.muli %add3A_466, %mul3A_674 : i32
      %dma_start3A_676 = arith.constant 0 : i32
      %dma_start3A_677 = tpu.memref_slice %arg4[%mul3A_675, %dma_start3A_676, %mul3A_2] : memref<200x32x4096xf32, #tpu.memory_space<hbm>> -> memref<8x32x128xf32, #tpu.memory_space<hbm>>
      %dma_start3A_678 = arith.constant 0 : i32
      %dma_start3A_679 = tpu.memref_slice %arg4[%mul3A_675, %dma_start3A_678, %mul3A_2] : memref<200x32x4096xf32, #tpu.memory_space<hbm>> -> memref<8x32x128xf32, #tpu.memory_space<hbm>>
      tpu.enqueue_dma source(%arg8 : memref<8x32x128xf32, #tpu.memory_space<vmem>>) target(%dma_start3A_679 : memref<8x32x128xf32, #tpu.memory_space<hbm>>) target_semaphore(%arg13 : memref<!tpu.dma_semaphore, #tpu.memory_space<semaphore_mem>>)
      %add3A_680 = arith.constant 2 : i32
      %add3A_681 = arith.addi %add3A_466, %add3A_680 : i32
      %lt3A_682 = arith.constant 25 : i32
      %lt3A_683 = arith.cmpi slt, %add3A_681, %lt3A_682 : i32
      %convert_element_type3A_684 = arith.extui %lt3A_683 : i1 to i32
      %cond3A_685 = arith.constant 0 : i32
      %cond3A_686 = arith.cmpi ne, %convert_element_type3A_684, %cond3A_685 : i32
      scf.if %cond3A_686 {
        %add3A_687 = arith.constant 2 : i32
        %add3A_688 = arith.addi %add3A_466, %add3A_687 : i32
        %mul3A_689 = arith.constant 8 : i32
        %mul3A_690 = arith.muli %add3A_688, %mul3A_689 : i32
        %dma_start3A_691 = arith.constant 6 : i32
        %dma_start3A_692 = tpu.memref_slice %arg2[%dma_start3A_691, %mul3A_690, %mul3A_2] : memref<10x200x4096xf32, #tpu.memory_space<hbm>> -> memref<4x8x128xf32, #tpu.memory_space<hbm>>
        %dma_start3A_693 = arith.constant 6 : i32
        %dma_start3A_694 = tpu.memref_slice %arg2[%dma_start3A_693, %mul3A_690, %mul3A_2] : memref<10x200x4096xf32, #tpu.memory_space<hbm>> -> memref<4x8x128xf32, #tpu.memory_space<hbm>>
        tpu.enqueue_dma source(%dma_start3A_694 : memref<4x8x128xf32, #tpu.memory_space<hbm>>) target(%arg6 : memref<4x8x128xf32, #tpu.memory_space<vmem>>) target_semaphore(%arg11 : memref<!tpu.dma_semaphore, #tpu.memory_space<semaphore_mem>>)
      } else {
      }
    }
    %scan3A_18 = arith.constant 12 : i32
    %dma_wait3A = arith.constant 6 : i32
    %dma_wait3A_19 = arith.constant 192 : i32
    %dma_wait3A_20 = tpu.memref_slice %arg2[%dma_wait3A, %dma_wait3A_19, %mul3A_2] : memref<10x200x4096xf32, #tpu.memory_space<hbm>> -> memref<4x8x128xf32, #tpu.memory_space<hbm>>
    %dma_wait3A_21 = arith.constant 6 : i32
    %dma_wait3A_22 = arith.constant 192 : i32
    %dma_wait3A_23 = tpu.memref_slice %arg2[%dma_wait3A_21, %dma_wait3A_22, %mul3A_2] : memref<10x200x4096xf32, #tpu.memory_space<hbm>> -> memref<4x8x128xf32, #tpu.memory_space<hbm>>
    tpu.wait_dma2 semaphore(%arg10 : memref<!tpu.dma_semaphore, #tpu.memory_space<semaphore_mem>>) src(%dma_wait3A_23 : memref<4x8x128xf32, #tpu.memory_space<hbm>>) dst(%arg5 : memref<4x8x128xf32, #tpu.memory_space<vmem>>)
    %dma_wait3A_24 = arith.constant 176 : i32
    %dma_wait3A_25 = arith.constant 0 : i32
    %dma_wait3A_26 = tpu.memref_slice %arg4[%dma_wait3A_24, %dma_wait3A_25, %mul3A_2] : memref<200x32x4096xf32, #tpu.memory_space<hbm>> -> memref<8x32x128xf32, #tpu.memory_space<hbm>>
    %dma_wait3A_27 = arith.constant 176 : i32
    %dma_wait3A_28 = arith.constant 0 : i32
    %dma_wait3A_29 = tpu.memref_slice %arg4[%dma_wait3A_27, %dma_wait3A_28, %mul3A_2] : memref<200x32x4096xf32, #tpu.memory_space<hbm>> -> memref<8x32x128xf32, #tpu.memory_space<hbm>>
    tpu.wait_dma2 semaphore(%arg12 : memref<!tpu.dma_semaphore, #tpu.memory_space<semaphore_mem>>) src(%arg7 : memref<8x32x128xf32, #tpu.memory_space<vmem>>) dst(%dma_wait3A_29 : memref<8x32x128xf32, #tpu.memory_space<hbm>>)
    %dma_start3A_30 = arith.constant 0 : i32
    %dma_start3A_31 = arith.constant 0 : i32
    %dma_start3A_32 = arith.constant 0 : i32
    %dma_start3A_33 = arith.constant 0 : i32
    %dma_start3A_34 = tpu.memref_slice %arg7[%dma_start3A_32, %dma_start3A_31, %dma_start3A_33] : memref<8x32x128xf32, #tpu.memory_space<vmem>> -> memref<8x1x128xf32, #tpu.memory_space<vmem>>
    %dma_start3A_35 = tpu.memref_squeeze %dma_start3A_34 : memref<8x1x128xf32, #tpu.memory_space<vmem>> -> memref<8x128xf32, #tpu.memory_space<vmem>>
    %dma_start3A_36 = arith.constant 192 : i32
    %dma_start3A_37 = tpu.memref_slice %arg2[%dma_start3A_30, %dma_start3A_36, %mul3A_2] : memref<10x200x4096xf32, #tpu.memory_space<hbm>> -> memref<1x8x128xf32, #tpu.memory_space<hbm>>
    %dma_start3A_38 = tpu.memref_squeeze %dma_start3A_37 : memref<1x8x128xf32, #tpu.memory_space<hbm>> -> memref<8x128xf32, #tpu.memory_space<hbm>>
    %dma_start3A_39 = arith.constant 0 : i32
    %dma_start3A_40 = arith.constant 0 : i32
    %dma_start3A_41 = tpu.memref_slice %arg7[%dma_start3A_39, %dma_start3A_31, %dma_start3A_40] : memref<8x32x128xf32, #tpu.memory_space<vmem>> -> memref<8x1x128xf32, #tpu.memory_space<vmem>>
    %dma_start3A_42 = tpu.memref_squeeze %dma_start3A_41 : memref<8x1x128xf32, #tpu.memory_space<vmem>> -> memref<8x128xf32, #tpu.memory_space<vmem>>
    %dma_start3A_43 = arith.constant 192 : i32
    %dma_start3A_44 = tpu.memref_slice %arg2[%dma_start3A_30, %dma_start3A_43, %mul3A_2] : memref<10x200x4096xf32, #tpu.memory_space<hbm>> -> memref<1x8x128xf32, #tpu.memory_space<hbm>>
    %dma_start3A_45 = tpu.memref_squeeze %dma_start3A_44 : memref<1x8x128xf32, #tpu.memory_space<hbm>> -> memref<8x128xf32, #tpu.memory_space<hbm>>
    tpu.enqueue_dma source(%dma_start3A_45 : memref<8x128xf32, #tpu.memory_space<hbm>>) target(%dma_start3A_42 : memref<8x128xf32, #tpu.memory_space<vmem>>) target_semaphore(%arg14 : memref<!tpu.dma_semaphore, #tpu.memory_space<semaphore_mem>>)
    %dma_start3A_46 = arith.constant 1 : i32
    %dma_start3A_47 = arith.constant 1 : i32
    %dma_start3A_48 = arith.constant 0 : i32
    %dma_start3A_49 = arith.constant 0 : i32
    %dma_start3A_50 = tpu.memref_slice %arg7[%dma_start3A_48, %dma_start3A_47, %dma_start3A_49] : memref<8x32x128xf32, #tpu.memory_space<vmem>> -> memref<8x1x128xf32, #tpu.memory_space<vmem>>
    %dma_start3A_51 = tpu.memref_squeeze %dma_start3A_50 : memref<8x1x128xf32, #tpu.memory_space<vmem>> -> memref<8x128xf32, #tpu.memory_space<vmem>>
    %dma_start3A_52 = arith.constant 192 : i32
    %dma_start3A_53 = tpu.memref_slice %arg2[%dma_start3A_46, %dma_start3A_52, %mul3A_2] : memref<10x200x4096xf32, #tpu.memory_space<hbm>> -> memref<1x8x128xf32, #tpu.memory_space<hbm>>
    %dma_start3A_54 = tpu.memref_squeeze %dma_start3A_53 : memref<1x8x128xf32, #tpu.memory_space<hbm>> -> memref<8x128xf32, #tpu.memory_space<hbm>>
    %dma_start3A_55 = arith.constant 0 : i32
    %dma_start3A_56 = arith.constant 0 : i32
    %dma_start3A_57 = tpu.memref_slice %arg7[%dma_start3A_55, %dma_start3A_47, %dma_start3A_56] : memref<8x32x128xf32, #tpu.memory_space<vmem>> -> memref<8x1x128xf32, #tpu.memory_space<vmem>>
    %dma_start3A_58 = tpu.memref_squeeze %dma_start3A_57 : memref<8x1x128xf32, #tpu.memory_space<vmem>> -> memref<8x128xf32, #tpu.memory_space<vmem>>
    %dma_start3A_59 = arith.constant 192 : i32
    %dma_start3A_60 = tpu.memref_slice %arg2[%dma_start3A_46, %dma_start3A_59, %mul3A_2] : memref<10x200x4096xf32, #tpu.memory_space<hbm>> -> memref<1x8x128xf32, #tpu.memory_space<hbm>>
    %dma_start3A_61 = tpu.memref_squeeze %dma_start3A_60 : memref<1x8x128xf32, #tpu.memory_space<hbm>> -> memref<8x128xf32, #tpu.memory_space<hbm>>
    tpu.enqueue_dma source(%dma_start3A_61 : memref<8x128xf32, #tpu.memory_space<hbm>>) target(%dma_start3A_58 : memref<8x128xf32, #tpu.memory_space<vmem>>) target_semaphore(%arg14 : memref<!tpu.dma_semaphore, #tpu.memory_space<semaphore_mem>>)
    %dma_start3A_62 = arith.constant 2 : i32
    %dma_start3A_63 = arith.constant 2 : i32
    %dma_start3A_64 = arith.constant 0 : i32
    %dma_start3A_65 = arith.constant 0 : i32
    %dma_start3A_66 = tpu.memref_slice %arg7[%dma_start3A_64, %dma_start3A_63, %dma_start3A_65] : memref<8x32x128xf32, #tpu.memory_space<vmem>> -> memref<8x1x128xf32, #tpu.memory_space<vmem>>
    %dma_start3A_67 = tpu.memref_squeeze %dma_start3A_66 : memref<8x1x128xf32, #tpu.memory_space<vmem>> -> memref<8x128xf32, #tpu.memory_space<vmem>>
    %dma_start3A_68 = arith.constant 192 : i32
    %dma_start3A_69 = tpu.memref_slice %arg2[%dma_start3A_62, %dma_start3A_68, %mul3A_2] : memref<10x200x4096xf32, #tpu.memory_space<hbm>> -> memref<1x8x128xf32, #tpu.memory_space<hbm>>
    %dma_start3A_70 = tpu.memref_squeeze %dma_start3A_69 : memref<1x8x128xf32, #tpu.memory_space<hbm>> -> memref<8x128xf32, #tpu.memory_space<hbm>>
    %dma_start3A_71 = arith.constant 0 : i32
    %dma_start3A_72 = arith.constant 0 : i32
    %dma_start3A_73 = tpu.memref_slice %arg7[%dma_start3A_71, %dma_start3A_63, %dma_start3A_72] : memref<8x32x128xf32, #tpu.memory_space<vmem>> -> memref<8x1x128xf32, #tpu.memory_space<vmem>>
    %dma_start3A_74 = tpu.memref_squeeze %dma_start3A_73 : memref<8x1x128xf32, #tpu.memory_space<vmem>> -> memref<8x128xf32, #tpu.memory_space<vmem>>
    %dma_start3A_75 = arith.constant 192 : i32
    %dma_start3A_76 = tpu.memref_slice %arg2[%dma_start3A_62, %dma_start3A_75, %mul3A_2] : memref<10x200x4096xf32, #tpu.memory_space<hbm>> -> memref<1x8x128xf32, #tpu.memory_space<hbm>>
    %dma_start3A_77 = tpu.memref_squeeze %dma_start3A_76 : memref<1x8x128xf32, #tpu.memory_space<hbm>> -> memref<8x128xf32, #tpu.memory_space<hbm>>
    tpu.enqueue_dma source(%dma_start3A_77 : memref<8x128xf32, #tpu.memory_space<hbm>>) target(%dma_start3A_74 : memref<8x128xf32, #tpu.memory_space<vmem>>) target_semaphore(%arg14 : memref<!tpu.dma_semaphore, #tpu.memory_space<semaphore_mem>>)
    %dma_start3A_78 = arith.constant 3 : i32
    %dma_start3A_79 = arith.constant 3 : i32
    %dma_start3A_80 = arith.constant 0 : i32
    %dma_start3A_81 = arith.constant 0 : i32
    %dma_start3A_82 = tpu.memref_slice %arg7[%dma_start3A_80, %dma_start3A_79, %dma_start3A_81] : memref<8x32x128xf32, #tpu.memory_space<vmem>> -> memref<8x1x128xf32, #tpu.memory_space<vmem>>
    %dma_start3A_83 = tpu.memref_squeeze %dma_start3A_82 : memref<8x1x128xf32, #tpu.memory_space<vmem>> -> memref<8x128xf32, #tpu.memory_space<vmem>>
    %dma_start3A_84 = arith.constant 192 : i32
    %dma_start3A_85 = tpu.memref_slice %arg2[%dma_start3A_78, %dma_start3A_84, %mul3A_2] : memref<10x200x4096xf32, #tpu.memory_space<hbm>> -> memref<1x8x128xf32, #tpu.memory_space<hbm>>
    %dma_start3A_86 = tpu.memref_squeeze %dma_start3A_85 : memref<1x8x128xf32, #tpu.memory_space<hbm>> -> memref<8x128xf32, #tpu.memory_space<hbm>>
    %dma_start3A_87 = arith.constant 0 : i32
    %dma_start3A_88 = arith.constant 0 : i32
    %dma_start3A_89 = tpu.memref_slice %arg7[%dma_start3A_87, %dma_start3A_79, %dma_start3A_88] : memref<8x32x128xf32, #tpu.memory_space<vmem>> -> memref<8x1x128xf32, #tpu.memory_space<vmem>>
    %dma_start3A_90 = tpu.memref_squeeze %dma_start3A_89 : memref<8x1x128xf32, #tpu.memory_space<vmem>> -> memref<8x128xf32, #tpu.memory_space<vmem>>
    %dma_start3A_91 = arith.constant 192 : i32
    %dma_start3A_92 = tpu.memref_slice %arg2[%dma_start3A_78, %dma_start3A_91, %mul3A_2] : memref<10x200x4096xf32, #tpu.memory_space<hbm>> -> memref<1x8x128xf32, #tpu.memory_space<hbm>>
    %dma_start3A_93 = tpu.memref_squeeze %dma_start3A_92 : memref<1x8x128xf32, #tpu.memory_space<hbm>> -> memref<8x128xf32, #tpu.memory_space<hbm>>
    tpu.enqueue_dma source(%dma_start3A_93 : memref<8x128xf32, #tpu.memory_space<hbm>>) target(%dma_start3A_90 : memref<8x128xf32, #tpu.memory_space<vmem>>) target_semaphore(%arg14 : memref<!tpu.dma_semaphore, #tpu.memory_space<semaphore_mem>>)
    %dma_start3A_94 = arith.constant 4 : i32
    %dma_start3A_95 = arith.constant 4 : i32
    %dma_start3A_96 = arith.constant 0 : i32
    %dma_start3A_97 = arith.constant 0 : i32
    %dma_start3A_98 = tpu.memref_slice %arg7[%dma_start3A_96, %dma_start3A_95, %dma_start3A_97] : memref<8x32x128xf32, #tpu.memory_space<vmem>> -> memref<8x1x128xf32, #tpu.memory_space<vmem>>
    %dma_start3A_99 = tpu.memref_squeeze %dma_start3A_98 : memref<8x1x128xf32, #tpu.memory_space<vmem>> -> memref<8x128xf32, #tpu.memory_space<vmem>>
    %dma_start3A_100 = arith.constant 192 : i32
    %dma_start3A_101 = tpu.memref_slice %arg2[%dma_start3A_94, %dma_start3A_100, %mul3A_2] : memref<10x200x4096xf32, #tpu.memory_space<hbm>> -> memref<1x8x128xf32, #tpu.memory_space<hbm>>
    %dma_start3A_102 = tpu.memref_squeeze %dma_start3A_101 : memref<1x8x128xf32, #tpu.memory_space<hbm>> -> memref<8x128xf32, #tpu.memory_space<hbm>>
    %dma_start3A_103 = arith.constant 0 : i32
    %dma_start3A_104 = arith.constant 0 : i32
    %dma_start3A_105 = tpu.memref_slice %arg7[%dma_start3A_103, %dma_start3A_95, %dma_start3A_104] : memref<8x32x128xf32, #tpu.memory_space<vmem>> -> memref<8x1x128xf32, #tpu.memory_space<vmem>>
    %dma_start3A_106 = tpu.memref_squeeze %dma_start3A_105 : memref<8x1x128xf32, #tpu.memory_space<vmem>> -> memref<8x128xf32, #tpu.memory_space<vmem>>
    %dma_start3A_107 = arith.constant 192 : i32
    %dma_start3A_108 = tpu.memref_slice %arg2[%dma_start3A_94, %dma_start3A_107, %mul3A_2] : memref<10x200x4096xf32, #tpu.memory_space<hbm>> -> memref<1x8x128xf32, #tpu.memory_space<hbm>>
    %dma_start3A_109 = tpu.memref_squeeze %dma_start3A_108 : memref<1x8x128xf32, #tpu.memory_space<hbm>> -> memref<8x128xf32, #tpu.memory_space<hbm>>
    tpu.enqueue_dma source(%dma_start3A_109 : memref<8x128xf32, #tpu.memory_space<hbm>>) target(%dma_start3A_106 : memref<8x128xf32, #tpu.memory_space<vmem>>) target_semaphore(%arg14 : memref<!tpu.dma_semaphore, #tpu.memory_space<semaphore_mem>>)
    %dma_start3A_110 = arith.constant 5 : i32
    %dma_start3A_111 = arith.constant 5 : i32
    %dma_start3A_112 = arith.constant 0 : i32
    %dma_start3A_113 = arith.constant 0 : i32
    %dma_start3A_114 = tpu.memref_slice %arg7[%dma_start3A_112, %dma_start3A_111, %dma_start3A_113] : memref<8x32x128xf32, #tpu.memory_space<vmem>> -> memref<8x1x128xf32, #tpu.memory_space<vmem>>
    %dma_start3A_115 = tpu.memref_squeeze %dma_start3A_114 : memref<8x1x128xf32, #tpu.memory_space<vmem>> -> memref<8x128xf32, #tpu.memory_space<vmem>>
    %dma_start3A_116 = arith.constant 192 : i32
    %dma_start3A_117 = tpu.memref_slice %arg2[%dma_start3A_110, %dma_start3A_116, %mul3A_2] : memref<10x200x4096xf32, #tpu.memory_space<hbm>> -> memref<1x8x128xf32, #tpu.memory_space<hbm>>
    %dma_start3A_118 = tpu.memref_squeeze %dma_start3A_117 : memref<1x8x128xf32, #tpu.memory_space<hbm>> -> memref<8x128xf32, #tpu.memory_space<hbm>>
    %dma_start3A_119 = arith.constant 0 : i32
    %dma_start3A_120 = arith.constant 0 : i32
    %dma_start3A_121 = tpu.memref_slice %arg7[%dma_start3A_119, %dma_start3A_111, %dma_start3A_120] : memref<8x32x128xf32, #tpu.memory_space<vmem>> -> memref<8x1x128xf32, #tpu.memory_space<vmem>>
    %dma_start3A_122 = tpu.memref_squeeze %dma_start3A_121 : memref<8x1x128xf32, #tpu.memory_space<vmem>> -> memref<8x128xf32, #tpu.memory_space<vmem>>
    %dma_start3A_123 = arith.constant 192 : i32
    %dma_start3A_124 = tpu.memref_slice %arg2[%dma_start3A_110, %dma_start3A_123, %mul3A_2] : memref<10x200x4096xf32, #tpu.memory_space<hbm>> -> memref<1x8x128xf32, #tpu.memory_space<hbm>>
    %dma_start3A_125 = tpu.memref_squeeze %dma_start3A_124 : memref<1x8x128xf32, #tpu.memory_space<hbm>> -> memref<8x128xf32, #tpu.memory_space<hbm>>
    tpu.enqueue_dma source(%dma_start3A_125 : memref<8x128xf32, #tpu.memory_space<hbm>>) target(%dma_start3A_122 : memref<8x128xf32, #tpu.memory_space<vmem>>) target_semaphore(%arg14 : memref<!tpu.dma_semaphore, #tpu.memory_space<semaphore_mem>>)
    %iota3A = tpu.iota {dimensions = array<i32: 0>} : vector<16xi32>
    %parallel_loop3A = arith.constant 0 : i32
    %parallel_loop3A_126 = arith.constant 64 : i32
    %parallel_loop3A_127 = arith.constant 1 : i32
    scf.for %parallel_loop3A_242 = %parallel_loop3A to %parallel_loop3A_126 step %parallel_loop3A_127  : i32 {
      %parallel_loop3A_243 = arith.constant 3 : i32
      %parallel_loop3A_244 = arith.shrsi %parallel_loop3A_242, %parallel_loop3A_243 : i32
      %parallel_loop3A_245 = arith.constant 7 : i32
      %parallel_loop3A_246 = arith.andi %parallel_loop3A_242, %parallel_loop3A_245 : i32
      %parallel_loop3A_247 = arith.constant 16 : i32
      %parallel_loop3A_248 = arith.muli %parallel_loop3A_246, %parallel_loop3A_247 : i32
      %parallel_loop3A_249 = arith.constant 0 : i32
      %parallel_loop3A_250 = arith.index_cast %parallel_loop3A_249 : i32 to index
      %parallel_loop3A_251 = arith.index_cast %parallel_loop3A_244 : i32 to index
      %parallel_loop3A_252 = arith.index_cast %parallel_loop3A_248 : i32 to index
      %parallel_loop3A_253 = tpu.vector_load %arg5[%parallel_loop3A_250, %parallel_loop3A_251, %parallel_loop3A_252] {strides = array<i32>} : memref<4x8x128xf32, #tpu.memory_space<vmem>>, vector<16xf32>,
      %parallel_loop3A_254 = arith.fptosi %parallel_loop3A_253 : vector<16xf32> to vector<16xi32>
      %parallel_loop3A_255 = arith.constant 512 : i32
      %parallel_loop3A_256 = vector.broadcast %parallel_loop3A_255 : i32 to vector<16xi32>
      %parallel_loop3A_257 = arith.muli %parallel_loop3A_254, %parallel_loop3A_256 : vector<16xi32>
      %parallel_loop3A_258 = arith.addi %parallel_loop3A_257, %iota3A : vector<16xi32>
      %parallel_loop3A_259 = arith.constant 1 : i32
      %parallel_loop3A_260 = arith.index_cast %parallel_loop3A_259 : i32 to index
      %parallel_loop3A_261 = arith.index_cast %parallel_loop3A_244 : i32 to index
      %parallel_loop3A_262 = arith.index_cast %parallel_loop3A_248 : i32 to index
      %parallel_loop3A_263 = tpu.vector_load %arg5[%parallel_loop3A_260, %parallel_loop3A_261, %parallel_loop3A_262] {strides = array<i32>} : memref<4x8x128xf32, #tpu.memory_space<vmem>>, vector<16xf32>,
      %parallel_loop3A_264 = arith.fptosi %parallel_loop3A_263 : vector<16xf32> to vector<16xi32>
      %parallel_loop3A_265 = arith.constant 512 : i32
      %parallel_loop3A_266 = vector.broadcast %parallel_loop3A_265 : i32 to vector<16xi32>
      %parallel_loop3A_267 = arith.muli %parallel_loop3A_264, %parallel_loop3A_266 : vector<16xi32>
      %parallel_loop3A_268 = arith.addi %parallel_loop3A_267, %iota3A : vector<16xi32>
      %parallel_loop3A_269 = arith.constant 2 : i32
      %parallel_loop3A_270 = arith.index_cast %parallel_loop3A_269 : i32 to index
      %parallel_loop3A_271 = arith.index_cast %parallel_loop3A_244 : i32 to index
      %parallel_loop3A_272 = arith.index_cast %parallel_loop3A_248 : i32 to index
      %parallel_loop3A_273 = tpu.vector_load %arg5[%parallel_loop3A_270, %parallel_loop3A_271, %parallel_loop3A_272] {strides = array<i32>} : memref<4x8x128xf32, #tpu.memory_space<vmem>>, vector<16xf32>,
      %parallel_loop3A_274 = arith.fptosi %parallel_loop3A_273 : vector<16xf32> to vector<16xi32>
      %parallel_loop3A_275 = arith.constant 512 : i32
      %parallel_loop3A_276 = vector.broadcast %parallel_loop3A_275 : i32 to vector<16xi32>
      %parallel_loop3A_277 = arith.muli %parallel_loop3A_274, %parallel_loop3A_276 : vector<16xi32>
      %parallel_loop3A_278 = arith.addi %parallel_loop3A_277, %iota3A : vector<16xi32>
      %parallel_loop3A_279 = arith.constant 3 : i32
      %parallel_loop3A_280 = arith.index_cast %parallel_loop3A_279 : i32 to index
      %parallel_loop3A_281 = arith.index_cast %parallel_loop3A_244 : i32 to index
      %parallel_loop3A_282 = arith.index_cast %parallel_loop3A_248 : i32 to index
      %parallel_loop3A_283 = tpu.vector_load %arg5[%parallel_loop3A_280, %parallel_loop3A_281, %parallel_loop3A_282] {strides = array<i32>} : memref<4x8x128xf32, #tpu.memory_space<vmem>>, vector<16xf32>,
      %parallel_loop3A_284 = arith.fptosi %parallel_loop3A_283 : vector<16xf32> to vector<16xi32>
      %parallel_loop3A_285 = arith.constant 512 : i32
      %parallel_loop3A_286 = vector.broadcast %parallel_loop3A_285 : i32 to vector<16xi32>
      %parallel_loop3A_287 = arith.muli %parallel_loop3A_284, %parallel_loop3A_286 : vector<16xi32>
      %parallel_loop3A_288 = arith.addi %parallel_loop3A_287, %iota3A : vector<16xi32>
      %parallel_loop3A_289 = arith.constant 96 : i32
      %parallel_loop3A_290 = vector.broadcast %parallel_loop3A_289 : i32 to vector<16xi32>
      %parallel_loop3A_291 = arith.addi %parallel_loop3A_258, %parallel_loop3A_290 : vector<16xi32>
      %parallel_loop3A_292 = tpu.vector_load_idx %arg9[%parallel_loop3A_291] : memref<1536xf32, #tpu.memory_space<vmem>>[vector<16xi32>], vector<16xf32>,
      %parallel_loop3A_293 = arith.constant 6 : i32
      %parallel_loop3A_294 = arith.index_cast %parallel_loop3A_244 : i32 to index
      %parallel_loop3A_295 = arith.index_cast %parallel_loop3A_293 : i32 to index
      %parallel_loop3A_296 = arith.index_cast %parallel_loop3A_248 : i32 to index
      %parallel_loop3A_297 = tpu.vector_load %arg7[%parallel_loop3A_294, %parallel_loop3A_295, %parallel_loop3A_296] {strides = array<i32>} : memref<8x32x128xf32, #tpu.memory_space<vmem>>, vector<16xf32>,
      tpu.vector_store %arg7[%parallel_loop3A_294, %parallel_loop3A_295, %parallel_loop3A_296], %parallel_loop3A_292 {strides = array<i32>} : memref<8x32x128xf32, #tpu.memory_space<vmem>>, vector<16xf32>,
      %parallel_loop3A_298 = arith.constant 112 : i32
      %parallel_loop3A_299 = vector.broadcast %parallel_loop3A_298 : i32 to vector<16xi32>
      %parallel_loop3A_300 = arith.addi %parallel_loop3A_268, %parallel_loop3A_299 : vector<16xi32>
      %parallel_loop3A_301 = tpu.vector_load_idx %arg9[%parallel_loop3A_300] : memref<1536xf32, #tpu.memory_space<vmem>>[vector<16xi32>], vector<16xf32>,
      %parallel_loop3A_302 = arith.constant 7 : i32
      %parallel_loop3A_303 = arith.index_cast %parallel_loop3A_244 : i32 to index
      %parallel_loop3A_304 = arith.index_cast %parallel_loop3A_302 : i32 to index
      %parallel_loop3A_305 = arith.index_cast %parallel_loop3A_248 : i32 to index
      %parallel_loop3A_306 = tpu.vector_load %arg7[%parallel_loop3A_303, %parallel_loop3A_304, %parallel_loop3A_305] {strides = array<i32>} : memref<8x32x128xf32, #tpu.memory_space<vmem>>, vector<16xf32>,
      tpu.vector_store %arg7[%parallel_loop3A_303, %parallel_loop3A_304, %parallel_loop3A_305], %parallel_loop3A_301 {strides = array<i32>} : memref<8x32x128xf32, #tpu.memory_space<vmem>>, vector<16xf32>,
      %parallel_loop3A_307 = arith.constant 128 : i32
      %parallel_loop3A_308 = vector.broadcast %parallel_loop3A_307 : i32 to vector<16xi32>
      %parallel_loop3A_309 = arith.addi %parallel_loop3A_268, %parallel_loop3A_308 : vector<16xi32>
      %parallel_loop3A_310 = tpu.vector_load_idx %arg9[%parallel_loop3A_309] : memref<1536xf32, #tpu.memory_space<vmem>>[vector<16xi32>], vector<16xf32>,
      %parallel_loop3A_311 = arith.constant 8 : i32
      %parallel_loop3A_312 = arith.index_cast %parallel_loop3A_244 : i32 to index
      %parallel_loop3A_313 = arith.index_cast %parallel_loop3A_311 : i32 to index
      %parallel_loop3A_314 = arith.index_cast %parallel_loop3A_248 : i32 to index
      %parallel_loop3A_315 = tpu.vector_load %arg7[%parallel_loop3A_312, %parallel_loop3A_313, %parallel_loop3A_314] {strides = array<i32>} : memref<8x32x128xf32, #tpu.memory_space<vmem>>, vector<16xf32>,
      tpu.vector_store %arg7[%parallel_loop3A_312, %parallel_loop3A_313, %parallel_loop3A_314], %parallel_loop3A_310 {strides = array<i32>} : memref<8x32x128xf32, #tpu.memory_space<vmem>>, vector<16xf32>,
      %parallel_loop3A_316 = arith.constant 144 : i32
      %parallel_loop3A_317 = vector.broadcast %parallel_loop3A_316 : i32 to vector<16xi32>
      %parallel_loop3A_318 = arith.addi %parallel_loop3A_268, %parallel_loop3A_317 : vector<16xi32>
      %parallel_loop3A_319 = tpu.vector_load_idx %arg9[%parallel_loop3A_318] : memref<1536xf32, #tpu.memory_space<vmem>>[vector<16xi32>], vector<16xf32>,
      %parallel_loop3A_320 = arith.constant 9 : i32
      %parallel_loop3A_321 = arith.index_cast %parallel_loop3A_244 : i32 to index
      %parallel_loop3A_322 = arith.index_cast %parallel_loop3A_320 : i32 to index
      %parallel_loop3A_323 = arith.index_cast %parallel_loop3A_248 : i32 to index
      %parallel_loop3A_324 = tpu.vector_load %arg7[%parallel_loop3A_321, %parallel_loop3A_322, %parallel_loop3A_323] {strides = array<i32>} : memref<8x32x128xf32, #tpu.memory_space<vmem>>, vector<16xf32>,
      tpu.vector_store %arg7[%parallel_loop3A_321, %parallel_loop3A_322, %parallel_loop3A_323], %parallel_loop3A_319 {strides = array<i32>} : memref<8x32x128xf32, #tpu.memory_space<vmem>>, vector<16xf32>,
      %parallel_loop3A_325 = arith.constant 160 : i32
      %parallel_loop3A_326 = vector.broadcast %parallel_loop3A_325 : i32 to vector<16xi32>
      %parallel_loop3A_327 = arith.addi %parallel_loop3A_268, %parallel_loop3A_326 : vector<16xi32>
      %parallel_loop3A_328 = tpu.vector_load_idx %arg9[%parallel_loop3A_327] : memref<1536xf32, #tpu.memory_space<vmem>>[vector<16xi32>], vector<16xf32>,
      %parallel_loop3A_329 = arith.constant 10 : i32
      %parallel_loop3A_330 = arith.index_cast %parallel_loop3A_244 : i32 to index
      %parallel_loop3A_331 = arith.index_cast %parallel_loop3A_329 : i32 to index
      %parallel_loop3A_332 = arith.index_cast %parallel_loop3A_248 : i32 to index
      %parallel_loop3A_333 = tpu.vector_load %arg7[%parallel_loop3A_330, %parallel_loop3A_331, %parallel_loop3A_332] {strides = array<i32>} : memref<8x32x128xf32, #tpu.memory_space<vmem>>, vector<16xf32>,
      tpu.vector_store %arg7[%parallel_loop3A_330, %parallel_loop3A_331, %parallel_loop3A_332], %parallel_loop3A_328 {strides = array<i32>} : memref<8x32x128xf32, #tpu.memory_space<vmem>>, vector<16xf32>,
      %parallel_loop3A_334 = arith.constant 176 : i32
      %parallel_loop3A_335 = vector.broadcast %parallel_loop3A_334 : i32 to vector<16xi32>
      %parallel_loop3A_336 = arith.addi %parallel_loop3A_268, %parallel_loop3A_335 : vector<16xi32>
      %parallel_loop3A_337 = tpu.vector_load_idx %arg9[%parallel_loop3A_336] : memref<1536xf32, #tpu.memory_space<vmem>>[vector<16xi32>], vector<16xf32>,
      %parallel_loop3A_338 = arith.constant 11 : i32
      %parallel_loop3A_339 = arith.index_cast %parallel_loop3A_244 : i32 to index
      %parallel_loop3A_340 = arith.index_cast %parallel_loop3A_338 : i32 to index
      %parallel_loop3A_341 = arith.index_cast %parallel_loop3A_248 : i32 to index
      %parallel_loop3A_342 = tpu.vector_load %arg7[%parallel_loop3A_339, %parallel_loop3A_340, %parallel_loop3A_341] {strides = array<i32>} : memref<8x32x128xf32, #tpu.memory_space<vmem>>, vector<16xf32>,
      tpu.vector_store %arg7[%parallel_loop3A_339, %parallel_loop3A_340, %parallel_loop3A_341], %parallel_loop3A_337 {strides = array<i32>} : memref<8x32x128xf32, #tpu.memory_space<vmem>>, vector<16xf32>,
      %parallel_loop3A_343 = arith.constant 192 : i32
      %parallel_loop3A_344 = vector.broadcast %parallel_loop3A_343 : i32 to vector<16xi32>
      %parallel_loop3A_345 = arith.addi %parallel_loop3A_278, %parallel_loop3A_344 : vector<16xi32>
      %parallel_loop3A_346 = tpu.vector_load_idx %arg9[%parallel_loop3A_345] : memref<1536xf32, #tpu.memory_space<vmem>>[vector<16xi32>], vector<16xf32>,
      %parallel_loop3A_347 = arith.constant 12 : i32
      %parallel_loop3A_348 = arith.index_cast %parallel_loop3A_244 : i32 to index
      %parallel_loop3A_349 = arith.index_cast %parallel_loop3A_347 : i32 to index
      %parallel_loop3A_350 = arith.index_cast %parallel_loop3A_248 : i32 to index
      %parallel_loop3A_351 = tpu.vector_load %arg7[%parallel_loop3A_348, %parallel_loop3A_349, %parallel_loop3A_350] {strides = array<i32>} : memref<8x32x128xf32, #tpu.memory_space<vmem>>, vector<16xf32>,
      tpu.vector_store %arg7[%parallel_loop3A_348, %parallel_loop3A_349, %parallel_loop3A_350], %parallel_loop3A_346 {strides = array<i32>} : memref<8x32x128xf32, #tpu.memory_space<vmem>>, vector<16xf32>,
      %parallel_loop3A_352 = arith.constant 208 : i32
      %parallel_loop3A_353 = vector.broadcast %parallel_loop3A_352 : i32 to vector<16xi32>
      %parallel_loop3A_354 = arith.addi %parallel_loop3A_278, %parallel_loop3A_353 : vector<16xi32>
      %parallel_loop3A_355 = tpu.vector_load_idx %arg9[%parallel_loop3A_354] : memref<1536xf32, #tpu.memory_space<vmem>>[vector<16xi32>], vector<16xf32>,
      %parallel_loop3A_356 = arith.constant 13 : i32
      %parallel_loop3A_357 = arith.index_cast %parallel_loop3A_244 : i32 to index
      %parallel_loop3A_358 = arith.index_cast %parallel_loop3A_356 : i32 to index
      %parallel_loop3A_359 = arith.index_cast %parallel_loop3A_248 : i32 to index
      %parallel_loop3A_360 = tpu.vector_load %arg7[%parallel_loop3A_357, %parallel_loop3A_358, %parallel_loop3A_359] {strides = array<i32>} : memref<8x32x128xf32, #tpu.memory_space<vmem>>, vector<16xf32>,
      tpu.vector_store %arg7[%parallel_loop3A_357, %parallel_loop3A_358, %parallel_loop3A_359], %parallel_loop3A_355 {strides = array<i32>} : memref<8x32x128xf32, #tpu.memory_space<vmem>>, vector<16xf32>,
      %parallel_loop3A_361 = arith.constant 224 : i32
      %parallel_loop3A_362 = vector.broadcast %parallel_loop3A_361 : i32 to vector<16xi32>
      %parallel_loop3A_363 = arith.addi %parallel_loop3A_278, %parallel_loop3A_362 : vector<16xi32>
      %parallel_loop3A_364 = tpu.vector_load_idx %arg9[%parallel_loop3A_363] : memref<1536xf32, #tpu.memory_space<vmem>>[vector<16xi32>], vector<16xf32>,
      %parallel_loop3A_365 = arith.constant 14 : i32
      %parallel_loop3A_366 = arith.index_cast %parallel_loop3A_244 : i32 to index
      %parallel_loop3A_367 = arith.index_cast %parallel_loop3A_365 : i32 to index
      %parallel_loop3A_368 = arith.index_cast %parallel_loop3A_248 : i32 to index
      %parallel_loop3A_369 = tpu.vector_load %arg7[%parallel_loop3A_366, %parallel_loop3A_367, %parallel_loop3A_368] {strides = array<i32>} : memref<8x32x128xf32, #tpu.memory_space<vmem>>, vector<16xf32>,
      tpu.vector_store %arg7[%parallel_loop3A_366, %parallel_loop3A_367, %parallel_loop3A_368], %parallel_loop3A_364 {strides = array<i32>} : memref<8x32x128xf32, #tpu.memory_space<vmem>>, vector<16xf32>,
      %parallel_loop3A_370 = arith.constant 240 : i32
      %parallel_loop3A_371 = vector.broadcast %parallel_loop3A_370 : i32 to vector<16xi32>
      %parallel_loop3A_372 = arith.addi %parallel_loop3A_278, %parallel_loop3A_371 : vector<16xi32>
      %parallel_loop3A_373 = tpu.vector_load_idx %arg9[%parallel_loop3A_372] : memref<1536xf32, #tpu.memory_space<vmem>>[vector<16xi32>], vector<16xf32>,
      %parallel_loop3A_374 = arith.constant 15 : i32
      %parallel_loop3A_375 = arith.index_cast %parallel_loop3A_244 : i32 to index
      %parallel_loop3A_376 = arith.index_cast %parallel_loop3A_374 : i32 to index
      %parallel_loop3A_377 = arith.index_cast %parallel_loop3A_248 : i32 to index
      %parallel_loop3A_378 = tpu.vector_load %arg7[%parallel_loop3A_375, %parallel_loop3A_376, %parallel_loop3A_377] {strides = array<i32>} : memref<8x32x128xf32, #tpu.memory_space<vmem>>, vector<16xf32>,
      tpu.vector_store %arg7[%parallel_loop3A_375, %parallel_loop3A_376, %parallel_loop3A_377], %parallel_loop3A_373 {strides = array<i32>} : memref<8x32x128xf32, #tpu.memory_space<vmem>>, vector<16xf32>,
      %parallel_loop3A_379 = arith.constant 256 : i32
      %parallel_loop3A_380 = vector.broadcast %parallel_loop3A_379 : i32 to vector<16xi32>
      %parallel_loop3A_381 = arith.addi %parallel_loop3A_278, %parallel_loop3A_380 : vector<16xi32>
      %parallel_loop3A_382 = tpu.vector_load_idx %arg9[%parallel_loop3A_381] : memref<1536xf32, #tpu.memory_space<vmem>>[vector<16xi32>], vector<16xf32>,
      %parallel_loop3A_383 = arith.constant 16 : i32
      %parallel_loop3A_384 = arith.index_cast %parallel_loop3A_244 : i32 to index
      %parallel_loop3A_385 = arith.index_cast %parallel_loop3A_383 : i32 to index
      %parallel_loop3A_386 = arith.index_cast %parallel_loop3A_248 : i32 to index
      %parallel_loop3A_387 = tpu.vector_load %arg7[%parallel_loop3A_384, %parallel_loop3A_385, %parallel_loop3A_386] {strides = array<i32>} : memref<8x32x128xf32, #tpu.memory_space<vmem>>, vector<16xf32>,
      tpu.vector_store %arg7[%parallel_loop3A_384, %parallel_loop3A_385, %parallel_loop3A_386], %parallel_loop3A_382 {strides = array<i32>} : memref<8x32x128xf32, #tpu.memory_space<vmem>>, vector<16xf32>,
      %parallel_loop3A_388 = arith.constant 272 : i32
      %parallel_loop3A_389 = vector.broadcast %parallel_loop3A_388 : i32 to vector<16xi32>
      %parallel_loop3A_390 = arith.addi %parallel_loop3A_278, %parallel_loop3A_389 : vector<16xi32>
      %parallel_loop3A_391 = tpu.vector_load_idx %arg9[%parallel_loop3A_390] : memref<1536xf32, #tpu.memory_space<vmem>>[vector<16xi32>], vector<16xf32>,
      %parallel_loop3A_392 = arith.constant 17 : i32
      %parallel_loop3A_393 = arith.index_cast %parallel_loop3A_244 : i32 to index
      %parallel_loop3A_394 = arith.index_cast %parallel_loop3A_392 : i32 to index
      %parallel_loop3A_395 = arith.index_cast %parallel_loop3A_248 : i32 to index
      %parallel_loop3A_396 = tpu.vector_load %arg7[%parallel_loop3A_393, %parallel_loop3A_394, %parallel_loop3A_395] {strides = array<i32>} : memref<8x32x128xf32, #tpu.memory_space<vmem>>, vector<16xf32>,
      tpu.vector_store %arg7[%parallel_loop3A_393, %parallel_loop3A_394, %parallel_loop3A_395], %parallel_loop3A_391 {strides = array<i32>} : memref<8x32x128xf32, #tpu.memory_space<vmem>>, vector<16xf32>,
      %parallel_loop3A_397 = arith.constant 288 : i32
      %parallel_loop3A_398 = vector.broadcast %parallel_loop3A_397 : i32 to vector<16xi32>
      %parallel_loop3A_399 = arith.addi %parallel_loop3A_278, %parallel_loop3A_398 : vector<16xi32>
      %parallel_loop3A_400 = tpu.vector_load_idx %arg9[%parallel_loop3A_399] : memref<1536xf32, #tpu.memory_space<vmem>>[vector<16xi32>], vector<16xf32>,
      %parallel_loop3A_401 = arith.constant 18 : i32
      %parallel_loop3A_402 = arith.index_cast %parallel_loop3A_244 : i32 to index
      %parallel_loop3A_403 = arith.index_cast %parallel_loop3A_401 : i32 to index
      %parallel_loop3A_404 = arith.index_cast %parallel_loop3A_248 : i32 to index
      %parallel_loop3A_405 = tpu.vector_load %arg7[%parallel_loop3A_402, %parallel_loop3A_403, %parallel_loop3A_404] {strides = array<i32>} : memref<8x32x128xf32, #tpu.memory_space<vmem>>, vector<16xf32>,
      tpu.vector_store %arg7[%parallel_loop3A_402, %parallel_loop3A_403, %parallel_loop3A_404], %parallel_loop3A_400 {strides = array<i32>} : memref<8x32x128xf32, #tpu.memory_space<vmem>>, vector<16xf32>,
      %parallel_loop3A_406 = arith.constant 304 : i32
      %parallel_loop3A_407 = vector.broadcast %parallel_loop3A_406 : i32 to vector<16xi32>
      %parallel_loop3A_408 = arith.addi %parallel_loop3A_278, %parallel_loop3A_407 : vector<16xi32>
      %parallel_loop3A_409 = tpu.vector_load_idx %arg9[%parallel_loop3A_408] : memref<1536xf32, #tpu.memory_space<vmem>>[vector<16xi32>], vector<16xf32>,
      %parallel_loop3A_410 = arith.constant 19 : i32
      %parallel_loop3A_411 = arith.index_cast %parallel_loop3A_244 : i32 to index
      %parallel_loop3A_412 = arith.index_cast %parallel_loop3A_410 : i32 to index
      %parallel_loop3A_413 = arith.index_cast %parallel_loop3A_248 : i32 to index
      %parallel_loop3A_414 = tpu.vector_load %arg7[%parallel_loop3A_411, %parallel_loop3A_412, %parallel_loop3A_413] {strides = array<i32>} : memref<8x32x128xf32, #tpu.memory_space<vmem>>, vector<16xf32>,
      tpu.vector_store %arg7[%parallel_loop3A_411, %parallel_loop3A_412, %parallel_loop3A_413], %parallel_loop3A_409 {strides = array<i32>} : memref<8x32x128xf32, #tpu.memory_space<vmem>>, vector<16xf32>,
      %parallel_loop3A_415 = arith.constant 320 : i32
      %parallel_loop3A_416 = vector.broadcast %parallel_loop3A_415 : i32 to vector<16xi32>
      %parallel_loop3A_417 = arith.addi %parallel_loop3A_278, %parallel_loop3A_416 : vector<16xi32>
      %parallel_loop3A_418 = tpu.vector_load_idx %arg9[%parallel_loop3A_417] : memref<1536xf32, #tpu.memory_space<vmem>>[vector<16xi32>], vector<16xf32>,
      %parallel_loop3A_419 = arith.constant 20 : i32
      %parallel_loop3A_420 = arith.index_cast %parallel_loop3A_244 : i32 to index
      %parallel_loop3A_421 = arith.index_cast %parallel_loop3A_419 : i32 to index
      %parallel_loop3A_422 = arith.index_cast %parallel_loop3A_248 : i32 to index
      %parallel_loop3A_423 = tpu.vector_load %arg7[%parallel_loop3A_420, %parallel_loop3A_421, %parallel_loop3A_422] {strides = array<i32>} : memref<8x32x128xf32, #tpu.memory_space<vmem>>, vector<16xf32>,
      tpu.vector_store %arg7[%parallel_loop3A_420, %parallel_loop3A_421, %parallel_loop3A_422], %parallel_loop3A_418 {strides = array<i32>} : memref<8x32x128xf32, #tpu.memory_space<vmem>>, vector<16xf32>,
      %parallel_loop3A_424 = arith.constant 336 : i32
      %parallel_loop3A_425 = vector.broadcast %parallel_loop3A_424 : i32 to vector<16xi32>
      %parallel_loop3A_426 = arith.addi %parallel_loop3A_278, %parallel_loop3A_425 : vector<16xi32>
      %parallel_loop3A_427 = tpu.vector_load_idx %arg9[%parallel_loop3A_426] : memref<1536xf32, #tpu.memory_space<vmem>>[vector<16xi32>], vector<16xf32>,
      %parallel_loop3A_428 = arith.constant 21 : i32
      %parallel_loop3A_429 = arith.index_cast %parallel_loop3A_244 : i32 to index
      %parallel_loop3A_430 = arith.index_cast %parallel_loop3A_428 : i32 to index
      %parallel_loop3A_431 = arith.index_cast %parallel_loop3A_248 : i32 to index
      %parallel_loop3A_432 = tpu.vector_load %arg7[%parallel_loop3A_429, %parallel_loop3A_430, %parallel_loop3A_431] {strides = array<i32>} : memref<8x32x128xf32, #tpu.memory_space<vmem>>, vector<16xf32>,
      tpu.vector_store %arg7[%parallel_loop3A_429, %parallel_loop3A_430, %parallel_loop3A_431], %parallel_loop3A_427 {strides = array<i32>} : memref<8x32x128xf32, #tpu.memory_space<vmem>>, vector<16xf32>,
      %parallel_loop3A_433 = arith.constant 352 : i32
      %parallel_loop3A_434 = vector.broadcast %parallel_loop3A_433 : i32 to vector<16xi32>
      %parallel_loop3A_435 = arith.addi %parallel_loop3A_288, %parallel_loop3A_434 : vector<16xi32>
      %parallel_loop3A_436 = tpu.vector_load_idx %arg9[%parallel_loop3A_435] : memref<1536xf32, #tpu.memory_space<vmem>>[vector<16xi32>], vector<16xf32>,
      %parallel_loop3A_437 = arith.constant 22 : i32
      %parallel_loop3A_438 = arith.index_cast %parallel_loop3A_244 : i32 to index
      %parallel_loop3A_439 = arith.index_cast %parallel_loop3A_437 : i32 to index
      %parallel_loop3A_440 = arith.index_cast %parallel_loop3A_248 : i32 to index
      %parallel_loop3A_441 = tpu.vector_load %arg7[%parallel_loop3A_438, %parallel_loop3A_439, %parallel_loop3A_440] {strides = array<i32>} : memref<8x32x128xf32, #tpu.memory_space<vmem>>, vector<16xf32>,
      tpu.vector_store %arg7[%parallel_loop3A_438, %parallel_loop3A_439, %parallel_loop3A_440], %parallel_loop3A_436 {strides = array<i32>} : memref<8x32x128xf32, #tpu.memory_space<vmem>>, vector<16xf32>,
      %parallel_loop3A_442 = arith.constant 368 : i32
      %parallel_loop3A_443 = vector.broadcast %parallel_loop3A_442 : i32 to vector<16xi32>
      %parallel_loop3A_444 = arith.addi %parallel_loop3A_288, %parallel_loop3A_443 : vector<16xi32>
      %parallel_loop3A_445 = tpu.vector_load_idx %arg9[%parallel_loop3A_444] : memref<1536xf32, #tpu.memory_space<vmem>>[vector<16xi32>], vector<16xf32>,
      %parallel_loop3A_446 = arith.constant 23 : i32
      %parallel_loop3A_447 = arith.index_cast %parallel_loop3A_244 : i32 to index
      %parallel_loop3A_448 = arith.index_cast %parallel_loop3A_446 : i32 to index
      %parallel_loop3A_449 = arith.index_cast %parallel_loop3A_248 : i32 to index
      %parallel_loop3A_450 = tpu.vector_load %arg7[%parallel_loop3A_447, %parallel_loop3A_448, %parallel_loop3A_449] {strides = array<i32>} : memref<8x32x128xf32, #tpu.memory_space<vmem>>, vector<16xf32>,
      tpu.vector_store %arg7[%parallel_loop3A_447, %parallel_loop3A_448, %parallel_loop3A_449], %parallel_loop3A_445 {strides = array<i32>} : memref<8x32x128xf32, #tpu.memory_space<vmem>>, vector<16xf32>,
      %parallel_loop3A_451 = arith.constant 384 : i32
      %parallel_loop3A_452 = vector.broadcast %parallel_loop3A_451 : i32 to vector<16xi32>
      %parallel_loop3A_453 = arith.addi %parallel_loop3A_288, %parallel_loop3A_452 : vector<16xi32>
      %parallel_loop3A_454 = tpu.vector_load_idx %arg9[%parallel_loop3A_453] : memref<1536xf32, #tpu.memory_space<vmem>>[vector<16xi32>], vector<16xf32>,
      %parallel_loop3A_455 = arith.constant 24 : i32
      %parallel_loop3A_456 = arith.index_cast %parallel_loop3A_244 : i32 to index
      %parallel_loop3A_457 = arith.index_cast %parallel_loop3A_455 : i32 to index
      %parallel_loop3A_458 = arith.index_cast %parallel_loop3A_248 : i32 to index
      %parallel_loop3A_459 = tpu.vector_load %arg7[%parallel_loop3A_456, %parallel_loop3A_457, %parallel_loop3A_458] {strides = array<i32>} : memref<8x32x128xf32, #tpu.memory_space<vmem>>, vector<16xf32>,
      tpu.vector_store %arg7[%parallel_loop3A_456, %parallel_loop3A_457, %parallel_loop3A_458], %parallel_loop3A_454 {strides = array<i32>} : memref<8x32x128xf32, #tpu.memory_space<vmem>>, vector<16xf32>,
      %parallel_loop3A_460 = arith.constant 400 : i32
      %parallel_loop3A_461 = vector.broadcast %parallel_loop3A_460 : i32 to vector<16xi32>
      %parallel_loop3A_462 = arith.addi %parallel_loop3A_288, %parallel_loop3A_461 : vector<16xi32>
      %parallel_loop3A_463 = tpu.vector_load_idx %arg9[%parallel_loop3A_462] : memref<1536xf32, #tpu.memory_space<vmem>>[vector<16xi32>], vector<16xf32>,
      %parallel_loop3A_464 = arith.constant 25 : i32
      %parallel_loop3A_465 = arith.index_cast %parallel_loop3A_244 : i32 to index
      %parallel_loop3A_466 = arith.index_cast %parallel_loop3A_464 : i32 to index
      %parallel_loop3A_467 = arith.index_cast %parallel_loop3A_248 : i32 to index
      %parallel_loop3A_468 = tpu.vector_load %arg7[%parallel_loop3A_465, %parallel_loop3A_466, %parallel_loop3A_467] {strides = array<i32>} : memref<8x32x128xf32, #tpu.memory_space<vmem>>, vector<16xf32>,
      tpu.vector_store %arg7[%parallel_loop3A_465, %parallel_loop3A_466, %parallel_loop3A_467], %parallel_loop3A_463 {strides = array<i32>} : memref<8x32x128xf32, #tpu.memory_space<vmem>>, vector<16xf32>,
      %parallel_loop3A_469 = arith.constant 416 : i32
      %parallel_loop3A_470 = vector.broadcast %parallel_loop3A_469 : i32 to vector<16xi32>
      %parallel_loop3A_471 = arith.addi %parallel_loop3A_288, %parallel_loop3A_470 : vector<16xi32>
      %parallel_loop3A_472 = tpu.vector_load_idx %arg9[%parallel_loop3A_471] : memref<1536xf32, #tpu.memory_space<vmem>>[vector<16xi32>], vector<16xf32>,
      %parallel_loop3A_473 = arith.constant 26 : i32
      %parallel_loop3A_474 = arith.index_cast %parallel_loop3A_244 : i32 to index
      %parallel_loop3A_475 = arith.index_cast %parallel_loop3A_473 : i32 to index
      %parallel_loop3A_476 = arith.index_cast %parallel_loop3A_248 : i32 to index
      %parallel_loop3A_477 = tpu.vector_load %arg7[%parallel_loop3A_474, %parallel_loop3A_475, %parallel_loop3A_476] {strides = array<i32>} : memref<8x32x128xf32, #tpu.memory_space<vmem>>, vector<16xf32>,
      tpu.vector_store %arg7[%parallel_loop3A_474, %parallel_loop3A_475, %parallel_loop3A_476], %parallel_loop3A_472 {strides = array<i32>} : memref<8x32x128xf32, #tpu.memory_space<vmem>>, vector<16xf32>,
      %parallel_loop3A_478 = arith.constant 432 : i32
      %parallel_loop3A_479 = vector.broadcast %parallel_loop3A_478 : i32 to vector<16xi32>
      %parallel_loop3A_480 = arith.addi %parallel_loop3A_288, %parallel_loop3A_479 : vector<16xi32>
      %parallel_loop3A_481 = tpu.vector_load_idx %arg9[%parallel_loop3A_480] : memref<1536xf32, #tpu.memory_space<vmem>>[vector<16xi32>], vector<16xf32>,
      %parallel_loop3A_482 = arith.constant 27 : i32
      %parallel_loop3A_483 = arith.index_cast %parallel_loop3A_244 : i32 to index
      %parallel_loop3A_484 = arith.index_cast %parallel_loop3A_482 : i32 to index
      %parallel_loop3A_485 = arith.index_cast %parallel_loop3A_248 : i32 to index
      %parallel_loop3A_486 = tpu.vector_load %arg7[%parallel_loop3A_483, %parallel_loop3A_484, %parallel_loop3A_485] {strides = array<i32>} : memref<8x32x128xf32, #tpu.memory_space<vmem>>, vector<16xf32>,
      tpu.vector_store %arg7[%parallel_loop3A_483, %parallel_loop3A_484, %parallel_loop3A_485], %parallel_loop3A_481 {strides = array<i32>} : memref<8x32x128xf32, #tpu.memory_space<vmem>>, vector<16xf32>,
      %parallel_loop3A_487 = arith.constant 448 : i32
      %parallel_loop3A_488 = vector.broadcast %parallel_loop3A_487 : i32 to vector<16xi32>
      %parallel_loop3A_489 = arith.addi %parallel_loop3A_288, %parallel_loop3A_488 : vector<16xi32>
      %parallel_loop3A_490 = tpu.vector_load_idx %arg9[%parallel_loop3A_489] : memref<1536xf32, #tpu.memory_space<vmem>>[vector<16xi32>], vector<16xf32>,
      %parallel_loop3A_491 = arith.constant 28 : i32
      %parallel_loop3A_492 = arith.index_cast %parallel_loop3A_244 : i32 to index
      %parallel_loop3A_493 = arith.index_cast %parallel_loop3A_491 : i32 to index
      %parallel_loop3A_494 = arith.index_cast %parallel_loop3A_248 : i32 to index
      %parallel_loop3A_495 = tpu.vector_load %arg7[%parallel_loop3A_492, %parallel_loop3A_493, %parallel_loop3A_494] {strides = array<i32>} : memref<8x32x128xf32, #tpu.memory_space<vmem>>, vector<16xf32>,
      tpu.vector_store %arg7[%parallel_loop3A_492, %parallel_loop3A_493, %parallel_loop3A_494], %parallel_loop3A_490 {strides = array<i32>} : memref<8x32x128xf32, #tpu.memory_space<vmem>>, vector<16xf32>,
      %parallel_loop3A_496 = arith.constant 464 : i32
      %parallel_loop3A_497 = vector.broadcast %parallel_loop3A_496 : i32 to vector<16xi32>
      %parallel_loop3A_498 = arith.addi %parallel_loop3A_288, %parallel_loop3A_497 : vector<16xi32>
      %parallel_loop3A_499 = tpu.vector_load_idx %arg9[%parallel_loop3A_498] : memref<1536xf32, #tpu.memory_space<vmem>>[vector<16xi32>], vector<16xf32>,
      %parallel_loop3A_500 = arith.constant 29 : i32
      %parallel_loop3A_501 = arith.index_cast %parallel_loop3A_244 : i32 to index
      %parallel_loop3A_502 = arith.index_cast %parallel_loop3A_500 : i32 to index
      %parallel_loop3A_503 = arith.index_cast %parallel_loop3A_248 : i32 to index
      %parallel_loop3A_504 = tpu.vector_load %arg7[%parallel_loop3A_501, %parallel_loop3A_502, %parallel_loop3A_503] {strides = array<i32>} : memref<8x32x128xf32, #tpu.memory_space<vmem>>, vector<16xf32>,
      tpu.vector_store %arg7[%parallel_loop3A_501, %parallel_loop3A_502, %parallel_loop3A_503], %parallel_loop3A_499 {strides = array<i32>} : memref<8x32x128xf32, #tpu.memory_space<vmem>>, vector<16xf32>,
      %parallel_loop3A_505 = arith.constant 480 : i32
      %parallel_loop3A_506 = vector.broadcast %parallel_loop3A_505 : i32 to vector<16xi32>
      %parallel_loop3A_507 = arith.addi %parallel_loop3A_288, %parallel_loop3A_506 : vector<16xi32>
      %parallel_loop3A_508 = tpu.vector_load_idx %arg9[%parallel_loop3A_507] : memref<1536xf32, #tpu.memory_space<vmem>>[vector<16xi32>], vector<16xf32>,
      %parallel_loop3A_509 = arith.constant 30 : i32
      %parallel_loop3A_510 = arith.index_cast %parallel_loop3A_244 : i32 to index
      %parallel_loop3A_511 = arith.index_cast %parallel_loop3A_509 : i32 to index
      %parallel_loop3A_512 = arith.index_cast %parallel_loop3A_248 : i32 to index
      %parallel_loop3A_513 = tpu.vector_load %arg7[%parallel_loop3A_510, %parallel_loop3A_511, %parallel_loop3A_512] {strides = array<i32>} : memref<8x32x128xf32, #tpu.memory_space<vmem>>, vector<16xf32>,
      tpu.vector_store %arg7[%parallel_loop3A_510, %parallel_loop3A_511, %parallel_loop3A_512], %parallel_loop3A_508 {strides = array<i32>} : memref<8x32x128xf32, #tpu.memory_space<vmem>>, vector<16xf32>,
      %parallel_loop3A_514 = arith.constant 496 : i32
      %parallel_loop3A_515 = vector.broadcast %parallel_loop3A_514 : i32 to vector<16xi32>
      %parallel_loop3A_516 = arith.addi %parallel_loop3A_288, %parallel_loop3A_515 : vector<16xi32>
      %parallel_loop3A_517 = tpu.vector_load_idx %arg9[%parallel_loop3A_516] : memref<1536xf32, #tpu.memory_space<vmem>>[vector<16xi32>], vector<16xf32>,
      %parallel_loop3A_518 = arith.constant 31 : i32
      %parallel_loop3A_519 = arith.index_cast %parallel_loop3A_244 : i32 to index
      %parallel_loop3A_520 = arith.index_cast %parallel_loop3A_518 : i32 to index
      %parallel_loop3A_521 = arith.index_cast %parallel_loop3A_248 : i32 to index
      %parallel_loop3A_522 = tpu.vector_load %arg7[%parallel_loop3A_519, %parallel_loop3A_520, %parallel_loop3A_521] {strides = array<i32>} : memref<8x32x128xf32, #tpu.memory_space<vmem>>, vector<16xf32>,
      tpu.vector_store %arg7[%parallel_loop3A_519, %parallel_loop3A_520, %parallel_loop3A_521], %parallel_loop3A_517 {strides = array<i32>} : memref<8x32x128xf32, #tpu.memory_space<vmem>>, vector<16xf32>,
    } {sc.loop_unroll_factor = 4 : i64, sc.parallel_access}
    %dma_wait3A_128 = arith.constant 0 : i32
    %dma_wait3A_129 = arith.constant 0 : i32
    %dma_wait3A_130 = arith.constant 0 : i32
    %dma_wait3A_131 = arith.constant 0 : i32
    %dma_wait3A_132 = tpu.memref_slice %arg7[%dma_wait3A_130, %dma_wait3A_129, %dma_wait3A_131] : memref<8x32x128xf32, #tpu.memory_space<vmem>> -> memref<8x1x128xf32, #tpu.memory_space<vmem>>
    %dma_wait3A_133 = tpu.memref_squeeze %dma_wait3A_132 : memref<8x1x128xf32, #tpu.memory_space<vmem>> -> memref<8x128xf32, #tpu.memory_space<vmem>>
    %dma_wait3A_134 = arith.constant 192 : i32
    %dma_wait3A_135 = tpu.memref_slice %arg2[%dma_wait3A_128, %dma_wait3A_134, %mul3A_2] : memref<10x200x4096xf32, #tpu.memory_space<hbm>> -> memref<1x8x128xf32, #tpu.memory_space<hbm>>
    %dma_wait3A_136 = tpu.memref_squeeze %dma_wait3A_135 : memref<1x8x128xf32, #tpu.memory_space<hbm>> -> memref<8x128xf32, #tpu.memory_space<hbm>>
    %dma_wait3A_137 = arith.constant 0 : i32
    %dma_wait3A_138 = arith.constant 0 : i32
    %dma_wait3A_139 = tpu.memref_slice %arg7[%dma_wait3A_137, %dma_wait3A_129, %dma_wait3A_138] : memref<8x32x128xf32, #tpu.memory_space<vmem>> -> memref<8x1x128xf32, #tpu.memory_space<vmem>>
    %dma_wait3A_140 = tpu.memref_squeeze %dma_wait3A_139 : memref<8x1x128xf32, #tpu.memory_space<vmem>> -> memref<8x128xf32, #tpu.memory_space<vmem>>
    %dma_wait3A_141 = arith.constant 192 : i32
    %dma_wait3A_142 = tpu.memref_slice %arg2[%dma_wait3A_128, %dma_wait3A_141, %mul3A_2] : memref<10x200x4096xf32, #tpu.memory_space<hbm>> -> memref<1x8x128xf32, #tpu.memory_space<hbm>>
    %dma_wait3A_143 = tpu.memref_squeeze %dma_wait3A_142 : memref<1x8x128xf32, #tpu.memory_space<hbm>> -> memref<8x128xf32, #tpu.memory_space<hbm>>
    tpu.wait_dma2 semaphore(%arg14 : memref<!tpu.dma_semaphore, #tpu.memory_space<semaphore_mem>>) src(%dma_wait3A_143 : memref<8x128xf32, #tpu.memory_space<hbm>>) dst(%dma_wait3A_140 : memref<8x128xf32, #tpu.memory_space<vmem>>)
    %dma_wait3A_144 = arith.constant 1 : i32
    %dma_wait3A_145 = arith.constant 1 : i32
    %dma_wait3A_146 = arith.constant 0 : i32
    %dma_wait3A_147 = arith.constant 0 : i32
    %dma_wait3A_148 = tpu.memref_slice %arg7[%dma_wait3A_146, %dma_wait3A_145, %dma_wait3A_147] : memref<8x32x128xf32, #tpu.memory_space<vmem>> -> memref<8x1x128xf32, #tpu.memory_space<vmem>>
    %dma_wait3A_149 = tpu.memref_squeeze %dma_wait3A_148 : memref<8x1x128xf32, #tpu.memory_space<vmem>> -> memref<8x128xf32, #tpu.memory_space<vmem>>
    %dma_wait3A_150 = arith.constant 192 : i32
    %dma_wait3A_151 = tpu.memref_slice %arg2[%dma_wait3A_144, %dma_wait3A_150, %mul3A_2] : memref<10x200x4096xf32, #tpu.memory_space<hbm>> -> memref<1x8x128xf32, #tpu.memory_space<hbm>>
    %dma_wait3A_152 = tpu.memref_squeeze %dma_wait3A_151 : memref<1x8x128xf32, #tpu.memory_space<hbm>> -> memref<8x128xf32, #tpu.memory_space<hbm>>
    %dma_wait3A_153 = arith.constant 0 : i32
    %dma_wait3A_154 = arith.constant 0 : i32
    %dma_wait3A_155 = tpu.memref_slice %arg7[%dma_wait3A_153, %dma_wait3A_145, %dma_wait3A_154] : memref<8x32x128xf32, #tpu.memory_space<vmem>> -> memref<8x1x128xf32, #tpu.memory_space<vmem>>
    %dma_wait3A_156 = tpu.memref_squeeze %dma_wait3A_155 : memref<8x1x128xf32, #tpu.memory_space<vmem>> -> memref<8x128xf32, #tpu.memory_space<vmem>>
    %dma_wait3A_157 = arith.constant 192 : i32
    %dma_wait3A_158 = tpu.memref_slice %arg2[%dma_wait3A_144, %dma_wait3A_157, %mul3A_2] : memref<10x200x4096xf32, #tpu.memory_space<hbm>> -> memref<1x8x128xf32, #tpu.memory_space<hbm>>
    %dma_wait3A_159 = tpu.memref_squeeze %dma_wait3A_158 : memref<1x8x128xf32, #tpu.memory_space<hbm>> -> memref<8x128xf32, #tpu.memory_space<hbm>>
    tpu.wait_dma2 semaphore(%arg14 : memref<!tpu.dma_semaphore, #tpu.memory_space<semaphore_mem>>) src(%dma_wait3A_159 : memref<8x128xf32, #tpu.memory_space<hbm>>) dst(%dma_wait3A_156 : memref<8x128xf32, #tpu.memory_space<vmem>>)
    %dma_wait3A_160 = arith.constant 2 : i32
    %dma_wait3A_161 = arith.constant 2 : i32
    %dma_wait3A_162 = arith.constant 0 : i32
    %dma_wait3A_163 = arith.constant 0 : i32
    %dma_wait3A_164 = tpu.memref_slice %arg7[%dma_wait3A_162, %dma_wait3A_161, %dma_wait3A_163] : memref<8x32x128xf32, #tpu.memory_space<vmem>> -> memref<8x1x128xf32, #tpu.memory_space<vmem>>
    %dma_wait3A_165 = tpu.memref_squeeze %dma_wait3A_164 : memref<8x1x128xf32, #tpu.memory_space<vmem>> -> memref<8x128xf32, #tpu.memory_space<vmem>>
    %dma_wait3A_166 = arith.constant 192 : i32
    %dma_wait3A_167 = tpu.memref_slice %arg2[%dma_wait3A_160, %dma_wait3A_166, %mul3A_2] : memref<10x200x4096xf32, #tpu.memory_space<hbm>> -> memref<1x8x128xf32, #tpu.memory_space<hbm>>
    %dma_wait3A_168 = tpu.memref_squeeze %dma_wait3A_167 : memref<1x8x128xf32, #tpu.memory_space<hbm>> -> memref<8x128xf32, #tpu.memory_space<hbm>>
    %dma_wait3A_169 = arith.constant 0 : i32
    %dma_wait3A_170 = arith.constant 0 : i32
    %dma_wait3A_171 = tpu.memref_slice %arg7[%dma_wait3A_169, %dma_wait3A_161, %dma_wait3A_170] : memref<8x32x128xf32, #tpu.memory_space<vmem>> -> memref<8x1x128xf32, #tpu.memory_space<vmem>>
    %dma_wait3A_172 = tpu.memref_squeeze %dma_wait3A_171 : memref<8x1x128xf32, #tpu.memory_space<vmem>> -> memref<8x128xf32, #tpu.memory_space<vmem>>
    %dma_wait3A_173 = arith.constant 192 : i32
    %dma_wait3A_174 = tpu.memref_slice %arg2[%dma_wait3A_160, %dma_wait3A_173, %mul3A_2] : memref<10x200x4096xf32, #tpu.memory_space<hbm>> -> memref<1x8x128xf32, #tpu.memory_space<hbm>>
    %dma_wait3A_175 = tpu.memref_squeeze %dma_wait3A_174 : memref<1x8x128xf32, #tpu.memory_space<hbm>> -> memref<8x128xf32, #tpu.memory_space<hbm>>
    tpu.wait_dma2 semaphore(%arg14 : memref<!tpu.dma_semaphore, #tpu.memory_space<semaphore_mem>>) src(%dma_wait3A_175 : memref<8x128xf32, #tpu.memory_space<hbm>>) dst(%dma_wait3A_172 : memref<8x128xf32, #tpu.memory_space<vmem>>)
    %dma_wait3A_176 = arith.constant 3 : i32
    %dma_wait3A_177 = arith.constant 3 : i32
    %dma_wait3A_178 = arith.constant 0 : i32
    %dma_wait3A_179 = arith.constant 0 : i32
    %dma_wait3A_180 = tpu.memref_slice %arg7[%dma_wait3A_178, %dma_wait3A_177, %dma_wait3A_179] : memref<8x32x128xf32, #tpu.memory_space<vmem>> -> memref<8x1x128xf32, #tpu.memory_space<vmem>>
    %dma_wait3A_181 = tpu.memref_squeeze %dma_wait3A_180 : memref<8x1x128xf32, #tpu.memory_space<vmem>> -> memref<8x128xf32, #tpu.memory_space<vmem>>
    %dma_wait3A_182 = arith.constant 192 : i32
    %dma_wait3A_183 = tpu.memref_slice %arg2[%dma_wait3A_176, %dma_wait3A_182, %mul3A_2] : memref<10x200x4096xf32, #tpu.memory_space<hbm>> -> memref<1x8x128xf32, #tpu.memory_space<hbm>>
    %dma_wait3A_184 = tpu.memref_squeeze %dma_wait3A_183 : memref<1x8x128xf32, #tpu.memory_space<hbm>> -> memref<8x128xf32, #tpu.memory_space<hbm>>
    %dma_wait3A_185 = arith.constant 0 : i32
    %dma_wait3A_186 = arith.constant 0 : i32
    %dma_wait3A_187 = tpu.memref_slice %arg7[%dma_wait3A_185, %dma_wait3A_177, %dma_wait3A_186] : memref<8x32x128xf32, #tpu.memory_space<vmem>> -> memref<8x1x128xf32, #tpu.memory_space<vmem>>
    %dma_wait3A_188 = tpu.memref_squeeze %dma_wait3A_187 : memref<8x1x128xf32, #tpu.memory_space<vmem>> -> memref<8x128xf32, #tpu.memory_space<vmem>>
    %dma_wait3A_189 = arith.constant 192 : i32
    %dma_wait3A_190 = tpu.memref_slice %arg2[%dma_wait3A_176, %dma_wait3A_189, %mul3A_2] : memref<10x200x4096xf32, #tpu.memory_space<hbm>> -> memref<1x8x128xf32, #tpu.memory_space<hbm>>
    %dma_wait3A_191 = tpu.memref_squeeze %dma_wait3A_190 : memref<1x8x128xf32, #tpu.memory_space<hbm>> -> memref<8x128xf32, #tpu.memory_space<hbm>>
    tpu.wait_dma2 semaphore(%arg14 : memref<!tpu.dma_semaphore, #tpu.memory_space<semaphore_mem>>) src(%dma_wait3A_191 : memref<8x128xf32, #tpu.memory_space<hbm>>) dst(%dma_wait3A_188 : memref<8x128xf32, #tpu.memory_space<vmem>>)
    %dma_wait3A_192 = arith.constant 4 : i32
    %dma_wait3A_193 = arith.constant 4 : i32
    %dma_wait3A_194 = arith.constant 0 : i32
    %dma_wait3A_195 = arith.constant 0 : i32
    %dma_wait3A_196 = tpu.memref_slice %arg7[%dma_wait3A_194, %dma_wait3A_193, %dma_wait3A_195] : memref<8x32x128xf32, #tpu.memory_space<vmem>> -> memref<8x1x128xf32, #tpu.memory_space<vmem>>
    %dma_wait3A_197 = tpu.memref_squeeze %dma_wait3A_196 : memref<8x1x128xf32, #tpu.memory_space<vmem>> -> memref<8x128xf32, #tpu.memory_space<vmem>>
    %dma_wait3A_198 = arith.constant 192 : i32
    %dma_wait3A_199 = tpu.memref_slice %arg2[%dma_wait3A_192, %dma_wait3A_198, %mul3A_2] : memref<10x200x4096xf32, #tpu.memory_space<hbm>> -> memref<1x8x128xf32, #tpu.memory_space<hbm>>
    %dma_wait3A_200 = tpu.memref_squeeze %dma_wait3A_199 : memref<1x8x128xf32, #tpu.memory_space<hbm>> -> memref<8x128xf32, #tpu.memory_space<hbm>>
    %dma_wait3A_201 = arith.constant 0 : i32
    %dma_wait3A_202 = arith.constant 0 : i32
    %dma_wait3A_203 = tpu.memref_slice %arg7[%dma_wait3A_201, %dma_wait3A_193, %dma_wait3A_202] : memref<8x32x128xf32, #tpu.memory_space<vmem>> -> memref<8x1x128xf32, #tpu.memory_space<vmem>>
    %dma_wait3A_204 = tpu.memref_squeeze %dma_wait3A_203 : memref<8x1x128xf32, #tpu.memory_space<vmem>> -> memref<8x128xf32, #tpu.memory_space<vmem>>
    %dma_wait3A_205 = arith.constant 192 : i32
    %dma_wait3A_206 = tpu.memref_slice %arg2[%dma_wait3A_192, %dma_wait3A_205, %mul3A_2] : memref<10x200x4096xf32, #tpu.memory_space<hbm>> -> memref<1x8x128xf32, #tpu.memory_space<hbm>>
    %dma_wait3A_207 = tpu.memref_squeeze %dma_wait3A_206 : memref<1x8x128xf32, #tpu.memory_space<hbm>> -> memref<8x128xf32, #tpu.memory_space<hbm>>
    tpu.wait_dma2 semaphore(%arg14 : memref<!tpu.dma_semaphore, #tpu.memory_space<semaphore_mem>>) src(%dma_wait3A_207 : memref<8x128xf32, #tpu.memory_space<hbm>>) dst(%dma_wait3A_204 : memref<8x128xf32, #tpu.memory_space<vmem>>)
    %dma_wait3A_208 = arith.constant 5 : i32
    %dma_wait3A_209 = arith.constant 5 : i32
    %dma_wait3A_210 = arith.constant 0 : i32
    %dma_wait3A_211 = arith.constant 0 : i32
    %dma_wait3A_212 = tpu.memref_slice %arg7[%dma_wait3A_210, %dma_wait3A_209, %dma_wait3A_211] : memref<8x32x128xf32, #tpu.memory_space<vmem>> -> memref<8x1x128xf32, #tpu.memory_space<vmem>>
    %dma_wait3A_213 = tpu.memref_squeeze %dma_wait3A_212 : memref<8x1x128xf32, #tpu.memory_space<vmem>> -> memref<8x128xf32, #tpu.memory_space<vmem>>
    %dma_wait3A_214 = arith.constant 192 : i32
    %dma_wait3A_215 = tpu.memref_slice %arg2[%dma_wait3A_208, %dma_wait3A_214, %mul3A_2] : memref<10x200x4096xf32, #tpu.memory_space<hbm>> -> memref<1x8x128xf32, #tpu.memory_space<hbm>>
    %dma_wait3A_216 = tpu.memref_squeeze %dma_wait3A_215 : memref<1x8x128xf32, #tpu.memory_space<hbm>> -> memref<8x128xf32, #tpu.memory_space<hbm>>
    %dma_wait3A_217 = arith.constant 0 : i32
    %dma_wait3A_218 = arith.constant 0 : i32
    %dma_wait3A_219 = tpu.memref_slice %arg7[%dma_wait3A_217, %dma_wait3A_209, %dma_wait3A_218] : memref<8x32x128xf32, #tpu.memory_space<vmem>> -> memref<8x1x128xf32, #tpu.memory_space<vmem>>
    %dma_wait3A_220 = tpu.memref_squeeze %dma_wait3A_219 : memref<8x1x128xf32, #tpu.memory_space<vmem>> -> memref<8x128xf32, #tpu.memory_space<vmem>>
    %dma_wait3A_221 = arith.constant 192 : i32
    %dma_wait3A_222 = tpu.memref_slice %arg2[%dma_wait3A_208, %dma_wait3A_221, %mul3A_2] : memref<10x200x4096xf32, #tpu.memory_space<hbm>> -> memref<1x8x128xf32, #tpu.memory_space<hbm>>
    %dma_wait3A_223 = tpu.memref_squeeze %dma_wait3A_222 : memref<1x8x128xf32, #tpu.memory_space<hbm>> -> memref<8x128xf32, #tpu.memory_space<hbm>>
    tpu.wait_dma2 semaphore(%arg14 : memref<!tpu.dma_semaphore, #tpu.memory_space<semaphore_mem>>) src(%dma_wait3A_223 : memref<8x128xf32, #tpu.memory_space<hbm>>) dst(%dma_wait3A_220 : memref<8x128xf32, #tpu.memory_space<vmem>>)
    %dma_start3A_224 = arith.constant 192 : i32
    %dma_start3A_225 = arith.constant 0 : i32
    %dma_start3A_226 = tpu.memref_slice %arg4[%dma_start3A_224, %dma_start3A_225, %mul3A_2] : memref<200x32x4096xf32, #tpu.memory_space<hbm>> -> memref<8x32x128xf32, #tpu.memory_space<hbm>>
    %dma_start3A_227 = arith.constant 192 : i32
    %dma_start3A_228 = arith.constant 0 : i32
    %dma_start3A_229 = tpu.memref_slice %arg4[%dma_start3A_227, %dma_start3A_228, %mul3A_2] : memref<200x32x4096xf32, #tpu.memory_space<hbm>> -> memref<8x32x128xf32, #tpu.memory_space<hbm>>
    tpu.enqueue_dma source(%arg7 : memref<8x32x128xf32, #tpu.memory_space<vmem>>) target(%dma_start3A_229 : memref<8x32x128xf32, #tpu.memory_space<hbm>>) target_semaphore(%arg12 : memref<!tpu.dma_semaphore, #tpu.memory_space<semaphore_mem>>)
    %dma_wait3A_230 = arith.constant 184 : i32
    %dma_wait3A_231 = arith.constant 0 : i32
    %dma_wait3A_232 = tpu.memref_slice %arg4[%dma_wait3A_230, %dma_wait3A_231, %mul3A_2] : memref<200x32x4096xf32, #tpu.memory_space<hbm>> -> memref<8x32x128xf32, #tpu.memory_space<hbm>>
    %dma_wait3A_233 = arith.constant 184 : i32
    %dma_wait3A_234 = arith.constant 0 : i32
    %dma_wait3A_235 = tpu.memref_slice %arg4[%dma_wait3A_233, %dma_wait3A_234, %mul3A_2] : memref<200x32x4096xf32, #tpu.memory_space<hbm>> -> memref<8x32x128xf32, #tpu.memory_space<hbm>>
    tpu.wait_dma2 semaphore(%arg13 : memref<!tpu.dma_semaphore, #tpu.memory_space<semaphore_mem>>) src(%arg8 : memref<8x32x128xf32, #tpu.memory_space<vmem>>) dst(%dma_wait3A_235 : memref<8x32x128xf32, #tpu.memory_space<hbm>>)
    %dma_wait3A_236 = arith.constant 192 : i32
    %dma_wait3A_237 = arith.constant 0 : i32
    %dma_wait3A_238 = tpu.memref_slice %arg4[%dma_wait3A_236, %dma_wait3A_237, %mul3A_2] : memref<200x32x4096xf32, #tpu.memory_space<hbm>> -> memref<8x32x128xf32, #tpu.memory_space<hbm>>
    %dma_wait3A_239 = arith.constant 192 : i32
    %dma_wait3A_240 = arith.constant 0 : i32
    %dma_wait3A_241 = tpu.memref_slice %arg4[%dma_wait3A_239, %dma_wait3A_240, %mul3A_2] : memref<200x32x4096xf32, #tpu.memory_space<hbm>> -> memref<8x32x128xf32, #tpu.memory_space<hbm>>
    tpu.wait_dma2 semaphore(%arg12 : memref<!tpu.dma_semaphore, #tpu.memory_space<semaphore_mem>>) src(%arg7 : memref<8x32x128xf32, #tpu.memory_space<vmem>>) dst(%dma_wait3A_241 : memref<8x32x128xf32, #tpu.memory_space<hbm>>)
    return
  }
}

</mosaic_0001>

<sc_bundles>
// kernel: kernel.3.cloned.1.call-start
scs
__scs_entry_jumppad:
0x0: {  	(pc) =	sbr.rel $0x88, $3  }
0x1: {  	(tag) =	ssettag $0x0;
	lr =	simm.s32 $0x1  }
0x2: {  	[smem:$0x3F9C] =	sst lr;
	_ =	strace $0xD0000000  }
0x3: {  	_ = 	snop  }
0x4: {  	_ = 	snop  }
0x5: {  	_ = 	snop  }
0x6: {  	_ = 	snop  }
0x7: {  	_ = 	snop  }
__scs_overlays_trampoline_lowered:
0x8: {  	[smem:$0x3FAB] =	sst s0  }
0x9: {  	[smem:$0x3FAC] =	sst s1  }
0xa: {  	[smem:$0x3FAD] =	sst s2  }
0xb: {  	[smem:$0x3FAE] =	sst s3  }
0xc: {  	[smem:$0x3FAF] =	sst s4  }
0xd: {  	[smem:$0x3FB0] =	sst s5  }
0xe: {  	[smem:$0x3FB1] =	sst s6  }
0xf: {  	[smem:$0x3FB2] =	sst s7  }
0x10: {  	[smem:$0x3FB3] =	sst s8  }
0x11: {  	[smem:$0x3FB4] =	sst s9;
	s0 =	simm.s32 @!p0 $0x0  }
0x12: {  	s1 =	sld [smem:$0x3F9A];
	s0 =	simm.s32 @p0 $0x1  }
0x13: {  	[smem:$0x3FB5] =	sst s0;
	s0 =	simm.s32 @!p1 $0x0  }
0x14: {  	s2 =	sld [smem:$0x3F99];
	s0 =	simm.s32 @p1 $0x1  }
0x15: {  	[smem:$0x3FB6] =	sst s0;
	s0 =	simm.s32 @!p2 $0x0  }
0x16: {  	s3 =	sld [smem:$0x3FDB];
	s0 =	simm.s32 @p2 $0x1  }
0x17: {  	s4 =	simm.s32 $0x1BF5;
	[smem:$0x3FB8] =	sst s0  }
0x18: {  	s0 =	sld [smem:$0x3F9B];
	_ =	swait.ge [sflag:s4], $0x0  }
0x19: {  	s7 =	sld [smem:$0x3F9C]  }
0x1a: {  	s8 =	sadd.s32 $0xFFFFE003, lr  }
0x1b: {  	s9 =	sadd.s32 $0xFFFFFEF7, lr;
	s5 =	simm.s32 $0xFFFFFFFF;
	p2 =	slt.u32 s8, $0xFFFFF086  }
0x1c: {  	p1 =	slt.u32 s9, $0xF7A;
	s5 =	simm.s32 @!p2 $0x0  }
0x1d: {  	s5 =	simm.s32 @p1 $0x1;
	p0 =	seq.s32 s7, s2  }
0x1e: {  	s7 =	smul.u32 @!p0 $0xF7A, s2;
	p2 =	seq.s32 @!p0 s5, $0x0  }
0x1f: {  	s9 =	smul.u32 $0xF7A, s1;
	s8 =	simm.s32 @!p0 $0x1BF5;
	p2 =	por !p2, p0  }
0x20: {  	[sflag:s8] =	ssyncset.s32 @!p0 $0xFFFFF086;
	s6 =	sadd.s32 @!p0 s3, s7;
	s7 =	simm.s32 @!p0 $0x108  }
0x21: {  	s3 =	sadd.s32 s3, s9;
	s6 =	sadd.s32 @!p0 $0x88, s6;
	s7 =	simm.s32 @p2 $0x1082  }
0x22: {  	[simem:s7], [sflag:s8] =	dma.local @!p0 [hbm:s6], $0xF7A  }
0x23: {  	s9 =	sor.u32 $0xD0000000, s2;
	s6 =	simm.s32 $0x108;
	_ =	swait.ge @!p0 [sflag:s8], $0x0  }
0x24: {  	s3 =	sadd.s32 $0x88, s3;
	s6 =	simm.s32 @!p1 $0x1082;
	[sflag:s4] =	ssyncset.s32 $0xFFFFF086  }
0x25: {  	[simem:s6], [sflag:s4] =	dma.local [hbm:s3], $0xF7A  }
0x26: {  	[smem:$0x3F9C] =	sst s1;
	(tag) =	ssettag s2;
	_ =	strace s9  }
0x27: {  	s1 =	sld [smem:$0x3FAC]  }
0x28: {  	s2 =	sld [smem:$0x3FAD]  }
0x29: {  	s4 =	sld [smem:$0x3FAF]  }
0x2a: {  	p0 =	seq.s32 s5, $0x0;
	s5 =	sld [smem:$0x3FB0]  }
0x2b: {  	s6 =	sld [smem:$0x3FB1]  }
0x2c: {  	s7 =	sld [smem:$0x3FB2]  }
0x2d: {  	s3 =	simm.s32 $0x108;
	s8 =	sld [smem:$0x3FB3]  }
0x2e: {  	s3 =	simm.s32 @!p0 $0x1082;
	s9 =	sld [smem:$0x3FB4]  }
0x2f: {  	lr =	sadd.s32 s0, s3;
	s0 =	sld [smem:$0x3FAB]  }
0x30: {  	s3 =	sld [smem:$0x3FAE]  }
0x31: {  	[smem:$0x3FB7] =	sst s10  }
0x32: {  	s10 =	sld [smem:$0x3FB5];
	_ =	sdelay $0x3  }
0x33: {  	p0 =	seq.s32 s10, $0x1;
	s10 =	sld [smem:$0x3FB7];
	_ =	sdelay $0x3  }
0x34: {  	[smem:$0x3FB7] =	sst s10  }
0x35: {  	s10 =	sld [smem:$0x3FB6];
	_ =	sdelay $0x3  }
0x36: {  	p1 =	seq.s32 s10, $0x1;
	s10 =	sld [smem:$0x3FB7];
	_ =	sdelay $0x3  }
0x37: {  	[smem:$0x3FB7] =	sst s10  }
0x38: {  	s10 =	sld [smem:$0x3FB8]  }
0x39: {  	_ = 	snop;
	(pc) =	sbr.ind lr, $3  }
0x3a: {  	_ = 	snop  }
0x3b: {  	_ = 	snop  }
0x3c: {  	p2 =	seq.s32 s10, $0x1;
	s10 =	sld [smem:$0x3FB7]  }
0x3d: {  	_ =	shalt  }
0x3e: {  	_ =	shalt  }
0x3f: {  	_ =	shalt  }
0x40: {  	_ =	shalt  }
0x41: {  	_ =	shalt  }
0x42: {  	_ =	shalt  }
0x43: {  	_ =	shalt  }
0x44: {  	_ =	shalt  }
0x45: {  	_ =	shalt  }
0x46: {  	_ =	shalt  }
0x47: {  	_ =	shalt  }
0x48: {  	_ =	shalt  }
0x49: {  	_ =	shalt  }
0x4a: {  	_ =	shalt  }
0x4b: {  	_ =	shalt  }
0x4c: {  	_ =	shalt  }
0x4d: {  	_ =	shalt  }
0x4e: {  	_ =	shalt  }
0x4f: {  	_ =	shalt  }
0x50: {  	_ =	shalt  }
0x51: {  	_ =	shalt  }
0x52: {  	_ =	shalt  }
0x53: {  	_ =	shalt  }
0x54: {  	_ =	shalt  }
0x55: {  	_ =	shalt  }
0x56: {  	_ =	shalt  }
0x57: {  	_ =	shalt  }
0x58: {  	_ =	shalt  }
0x59: {  	_ =	shalt  }
0x5a: {  	_ =	shalt  }
0x5b: {  	_ =	shalt  }
0x5c: {  	_ =	shalt  }
0x5d: {  	_ =	shalt  }
0x5e: {  	_ =	shalt  }
0x5f: {  	_ =	shalt  }
0x60: {  	_ =	shalt  }
0x61: {  	_ =	shalt  }
0x62: {  	_ =	shalt  }
0x63: {  	_ =	shalt  }
0x64: {  	_ =	shalt  }
0x65: {  	_ =	shalt  }
0x66: {  	_ =	shalt  }
0x67: {  	_ =	shalt  }
0x68: {  	_ =	shalt  }
0x69: {  	_ =	shalt  }
0x6a: {  	_ =	shalt  }
0x6b: {  	_ =	shalt  }
0x6c: {  	_ =	shalt  }
0x6d: {  	_ =	shalt  }
0x6e: {  	_ =	shalt  }
0x6f: {  	_ =	shalt  }
0x70: {  	_ =	shalt  }
0x71: {  	_ =	shalt  }
0x72: {  	_ =	shalt  }
0x73: {  	_ =	shalt  }
0x74: {  	_ =	shalt  }
0x75: {  	_ =	shalt  }
0x76: {  	_ =	shalt  }
0x77: {  	_ =	shalt  }
0x78: {  	_ =	shalt  }
0x79: {  	_ =	shalt  }
0x7a: {  	_ =	shalt  }
0x7b: {  	_ =	shalt  }
0x7c: {  	_ =	shalt  }
0x7d: {  	_ =	shalt  }
0x7e: {  	_ =	shalt  }
0x7f: {  	_ =	shalt  }
0x80: {  	_ =	shalt  }
0x81: {  	_ =	shalt  }
0x82: {  	_ =	shalt  }
0x83: {  	_ =	shalt  }
0x84: {  	_ =	shalt  }
0x85: {  	_ =	shalt  }
0x86: {  	_ =	shalt  }
0x87: {  	_ =	shalt  }
.Lfunc_end0:
.L_simem_size_0:
called_computation_lowered:
.L_overlay_start_0:
0x88: {  	s2 =	sld [smem:$0x3FD9]  }
0x89: {  	s3 =	sld [smem:$0x3FFE];
	_ =	sdelay $0x1  }
0x8a: {  	s1 =	srdreg.scid  }
0x8b: {  	s0 =	sand.u32 $0x1, s1  }
0x8c: {  	s17 =	sshll.u32 s0, $0xA;
	s2 =	sadd.s32 s3, s2  }
0x8d: {  	s2 =	sadd.s32 s2, s17  }
0x8e: {  	[smem:$0x3FC3] =	sst s2  }
0x8f: {  	_ = 	snop  }
0x90: {  	s2 =	sld [smem:$0x3FC9]  }
0x91: {  	s18 =	sld [smem:$0x3FD0];
	(tm) =	ssettm $0x1  }
0x92: {  	s4 =	sld [smem:$0x3FFB];
	_ =	sdelay $0x3  }
0x93: {  	_ =	strace s4  }
0x94: {  	s4 =	sld [smem:$0x3FFC];
	_ =	sdelay $0x3  }
0x95: {  	_ =	strace s4  }
0x96: {  	s4 =	sld [smem:$0x3FFD];
	_ =	sdelay $0x3  }
0x97: {  	_ =	strace s4  }
0x98: {  	_ =	strace $0x8FFFFFFF  }
0x99: {  	s19 =	sld [smem:$0x3FDB];
	_ =	sdelay $0x1  }
0x9a: {  	s5 =	simm.s32 $_scs_section_size  }
0x9b: {  	s6 =	simm.s32 $_size__tile_overlayer_lowered;
	s7 =	simm.s32 $_tile_overlayer_lowered  }
0x9c: {  	s22 =	simm.s32 $0x1BFF;
	s21 =	sshll.u32 s7, $0x1;
	s4 =	sadd.s32 s5, s19  }
0x9d: {  	s8 =	simm.s32 $0x0;
	s20 =	sshll.u32 s6, $0x1;
	s6 =	sadd.s32 s21, s4  }
0x9e: {  	[timem:s8], [sflag:s22] =	dma.local [hbm:s6], s20  }
0x9f: {  	_ =	swait.ge [sflag:s22], s20  }
0xa0: {  	s5 =	ssub.s32 $0x0, s20;
	[sflag:s22] =	ssyncset.done $0x0  }
0xa1: {  	[sflag:s22] =	ssyncadd.s32 s5;
	_ =	sdelay $0x1  }
0xa2: {  	s23 =	simm.s32 $0x1B8B  }
0xa3: {  	_ =	swait.ge [sflag:s23], $0x1  }
0xa4: {  	[sflag:s23] =	ssyncset.done $0x0  }
0xa5: {  	s25 =	simm.s32 $0x1B8E;
	s24 =	sld [smem:$0x3FFE];
	[sflag:s23] =	ssyncadd.s32 $0xFFFFFFFF  }
0xa6: {  	s26 =	simm.s32 $execute0_lowered;
	[smem:$0x3FD2] =	sst s25  }
0xa7: {  	s6 =	sshll.u32 s26, $0x1;
	_ =	strace $0x80000046;
	[dreg:$0x1] =	wrdreg $0xFFFFFFFF  }
0xa8: {  	s28 =	simm.s32 $_size_execute0_lowered;
	s4 =	sadd.s32 s4, s6;
	[dreg:$0x0] =	wrdreg $0x0  }
0xa9: {  	s6 =	sshll.u32 s28, $0x1;
	[dreg:$0x2] =	wrdreg s4  }
0xaa: {  	[dreg:$0x3] =	wrdreg s6  }
0xab: {  	[dreg:$0x4] =	wrdreg $0xC0  }
0xac: {  	_ =	task [dreg:s8], $0x5FFFF  }
0xad: {  	[dreg:$0x1] =	wrdreg $0xFFFFFFFF  }
0xae: {  	[dreg:$0x0] =	wrdreg $0x60  }
0xaf: {  	[dreg:$0x2] =	wrdreg s2  }
0xb0: {  	[dreg:$0x3] =	wrdreg s24  }
0xb1: {  	[dreg:$0x4] =	wrdreg s18  }
0xb2: {  	[dreg:$0x5] =	wrdreg $0x9  }
0xb3: {  	_ =	task.clear_ibuf [dreg:s8], $0x6FFFF;
	_ =	strace $0x90000046  }
0xb4: {  	s29 =	simm.s32 $0x9;
	_ =	strace $0x80000048  }
0xb5: {  	_ =	swait.ge [sflag:s29], $0x1  }
0xb6: {  	[sflag:s29] =	ssyncadd.s32 $0xFFFFFFFF  }
0xb7: {  	_ =	strace $0x90000048  }
0xb8: {  	_ =	sfence  }
0xb9: {  	s30 =	sld [smem:$0x0];
	_ =	sdelay $0x2  }
0xba: {  	s31 =	sshll.u32 s1, $0xD;
	s1 =	sshrl.u32 s1, $0x2  }
0xbb: {  	s3 =	sand.u32 $0x4000, s31;
	s1 =	sadd.s32 s1, s30  }
0xbc: {  	s0 =	sor.u32 s3, s0;
	s1 =	sshll.u32 s1, $0x11  }
0xbd: {  	s0 =	sor.u32 s1, s0  }
0xbe: {  	s0 =	sadd.s32 $0x8F2B, s0  }
0xbf: {  	[sflag:s0] =	ssyncadd.remote.s32 $0x1  }
0xc0: {  	_ =	sfence.sel $0xFFFF  }
0xc1: {  	[dreg:$0x0] =	wrdreg $0xFFFFFFFF;
	(pc) =	sbr.abs _section_cstart, $3  }
0xc2: {  	[dreg:$0x1] =	wrdreg $0xFFFFFFFF  }
0xc3: {  	_ =	task.clear_ibuf [dreg:s8], $0x2FFFF;
	_ =	strace $0x9FFFFFFF  }
0xc4: {  	(tm) =	ssettm $0x7FFFFFFF  }
0xc5: {  	_ =	shalt  }
tec
execute0_lowered:
.L_overlay_start_1:
0x0: {  	(tag) =	ssettag $0x1  }
0x1: {  	s21 =	rddreg [dreg:$0x0];
	s0 =	srdreg.scid  }
0x2: {  	s2 =	rddreg [dreg:$0x1];
	s1 =	stileid.u32  }
0x3: {  	s5 =	rddreg [dreg:$0x2];
	s14 =	simm.s32 $0x0;
	s0 =	sand.u32 $0x1, s0  }
0x4: {  	s3 =	sshll.u32 s1, $0xB;
	[smem:$0x7FF] =	sst s14;
	s16 =	sadd.s32 $0x400, s2  }
0x5: {  	s4 =	sshll.u32 s0, $0xA;
	s0 =	ssub.s32 $0x2, s0;
	_ =	strace $0x80000047  }
0x6: {  	[dreg:$0x5] =	wrdreg s16;
	s24 =	sor.u32 s4, s3;
	s15 =	sshrl.u32 s0, $0x1  }
0x7: {  	s3 =	sshrl.u32 s24, $0x3;
	s19 =	sor.u32 $0x4C0000, s24;
	[dreg:$0x4] =	wrdreg s24  }
0x8: {  	s0 =	ssub.s32 s0, s15;
	s20 =	sor.u32 $0x4C8000, s24;
	[dreg:$0x8] =	wrdreg s19  }
0x9: {  	s6 =	sadd.s32 s3, s21;
	[dreg:$0x9] =	wrdreg s20;
	s0 =	smax.u32 s0, $0x1  }
0xa: {  	v25 =	vlaneseq.u32;
	s17 =	sadd.s32 $0x96000, s6;
	[dreg:$0x11] =	wrdreg s0  }
0xb: {  	v0 =	vor.u32 $0x60, v25;
	v1 =	vor.u32 $0x70, v25;
	s18 =	sadd.s32 $0x97000, s6;
	[dreg:$0x6] =	wrdreg s17  }
0xc: {  	v2 =	vor.u32 $0x80, v25;
	v3 =	vor.u32 $0x90, v25;
	v4 =	vor.u32 $0xA0, v25;
	s22 =	sadd.s32 $0x18000, s6;
	[dreg:$0x7] =	wrdreg s18  }
0xd: {  	v5 =	vor.u32 $0xB0, v25;
	v6 =	vor.u32 $0xC0, v25;
	v7 =	vor.u32 $0xD0, v25;
	s23 =	sadd.s32 $0x31000, s6;
	[dreg:$0xa] =	wrdreg s22  }
0xe: {  	v8 =	vor.u32 $0xE0, v25;
	v9 =	vor.u32 $0xF0, v25;
	v10 =	vor.u32 $0x100, v25;
	s25 =	sadd.s32 $0x4A000, s6;
	[dreg:$0xb] =	wrdreg s23  }
0xf: {  	v11 =	vor.u32 $0x110, v25;
	v12 =	vor.u32 $0x120, v25;
	v13 =	vor.u32 $0x130, v25;
	s26 =	sadd.s32 $0x63000, s6;
	[dreg:$0xc] =	wrdreg s25  }
0x10: {  	v14 =	vor.u32 $0x140, v25;
	v15 =	vor.u32 $0x150, v25;
	v16 =	vor.u32 $0x160, v25;
	s28 =	sadd.s32 $0x7C000, s6;
	[dreg:$0xd] =	wrdreg s26  }
0x11: {  	v17 =	vor.u32 $0x170, v25;
	v18 =	vor.u32 $0x180, v25;
	v19 =	vor.u32 $0x190, v25;
	s29 =	sadd.s32 s3, s5;
	s30 =	sadd.s32 $0x95000, s6;
	[dreg:$0xe] =	wrdreg s28  }
0x12: {  	s2 =	simm.s32 $0x400;
	v20 =	vor.u32 $0x1A0, v25;
	v21 =	vor.u32 $0x1B0, v25;
	v22 =	vor.u32 $0x1C0, v25;
	s31 =	sadd.s32 $0x300000, s29;
	[dreg:$0xf] =	wrdreg s30  }
0x13: {  	v23 =	vor.u32 $0x1D0, v25;
	v24 =	vor.u32 $0x1E0, v25;
	v25 =	vor.u32 $0x1F0, v25;
	s1 =	simm.s32 $0x0;
	s19 =	simm.s32 $0x12000;
	[dreg:$0x10] =	wrdreg s31  }
.LBB2_1:
0x14: {  	[dreg:$0x12] =	wrdreg s1  }
0x15: {  	s0 =	simm.s32 $0x0;
	s26 =	rddreg [dreg:$0x5];
	s28 =	simm.s32 $0x7  }
0x16: {  	[tilespmem:s19], [sflag:$0x7] =	stream.linear.gather [hbm4b:s26+s0], $0x600, $0x38;
	[tilespmem:$0x12600] =	vst v63  }
0x17: {  	_ =	swait.ge [sflag:s28], $0x600  }
0x18: {  	[sflag:s28] =	ssyncset.done $0x0  }
0x19: {  	s3 =	simm.s32 $0xC8000;
	s29 =	rddreg [dreg:$0x6];
	[sflag:s28] =	ssyncadd.s32 $0xFFFFFA00  }
0x1a: {  	[tilespmem:s0], [sflag:$0x1] =	stream.strided.gather [hbm4b:s29+s2], $0x1000, s3, s2, $0x38;
	[tilespmem:$0x12600] =	vst v63  }
0x1b: {  	s31 =	simm.s32 $0x1000;
	s11 =	simm.s32 $0x0;
	s30 =	rddreg [dreg:$0x7]  }
0x1c: {  	[tilespmem:s31], [sflag:$0x2] =	stream.strided.gather [hbm4b:s30+s2], $0x1000, s3, s2, $0x38;
	[tilespmem:$0x12600] =	vst v63  }
.LBB2_2:
0x1d: {  	s0 =	simm.s32 $0x1  }
0x1e: {  	_ =	swait.ge [sflag:s0], $0x1000  }
0x1f: {  	p0 =	seq.s32 s11, $0x0;
	[sflag:s0] =	ssyncset.done $0x0  }
0x20: {  	s1 =	sshll.u32 s11, $0x10;
	[sflag:s0] =	ssyncadd.s32 $0xFFFFF000;
	s0 =	simm.s32 @!p0 $0x3  }
0x21: {  	s3 =	sor.u32 s24, s1;
	_ =	swait.ge @!p0 [sflag:s0], $0x8000  }
0x22: {  	s7 =	simm.s32 $0x2000;
	s3 =	sshrl.u32 s3, $0x3;
	[sflag:s0] =	ssyncset.done @!p0 $0x0  }
0x23: {  	s3 =	sadd.s32 s21, s3;
	[sflag:s0] =	ssyncadd.s32 @!p0 $0xFFFF8000;
	s0 =	simm.s32 $0x0  }
0x24: {  	[tilespmem:s7], [sflag:$0x5] =	stream.linear.gather [hbm4b:s3+s0], $0x80, $0x38;
	[tilespmem:$0x12600] =	vst v63  }
0x25: {  	s8 =	simm.s32 $0x3000;
	s4 =	sadd.s32 $0x10, s3  }
0x26: {  	[tilespmem:s8], [sflag:$0x5] =	stream.linear.gather [hbm4b:s4+s0], $0x80, $0x38;
	[tilespmem:$0x12600] =	vst v63  }
0x27: {  	s10 =	simm.s32 $0x4000;
	s9 =	sadd.s32 $0x20, s3  }
0x28: {  	[tilespmem:s10], [sflag:$0x5] =	stream.linear.gather [hbm4b:s9+s0], $0x80, $0x38;
	[tilespmem:$0x12600] =	vst v63  }
0x29: {  	s13 =	simm.s32 $0x5000;
	s12 =	sadd.s32 $0x30, s3  }
0x2a: {  	[tilespmem:s13], [sflag:$0x5] =	stream.linear.gather [hbm4b:s12+s0], $0x80, $0x38;
	[tilespmem:$0x12600] =	vst v63  }
0x2b: {  	s15 =	simm.s32 $0x6000;
	s14 =	sadd.s32 $0x40, s3  }
0x2c: {  	[tilespmem:s15], [sflag:$0x5] =	stream.linear.gather [hbm4b:s14+s0], $0x80, $0x38;
	[tilespmem:$0x12600] =	vst v63  }
0x2d: {  	s17 =	simm.s32 $0x7000;
	s16 =	sadd.s32 $0x50, s3  }
0x2e: {  	[tilespmem:s17], [sflag:$0x5] =	stream.linear.gather [hbm4b:s16+s0], $0x80, $0x38;
	[tilespmem:$0x12600] =	vst v63  }
0x2f: {  	s20 =	simm.s32 $0x8000;
	s18 =	sadd.s32 $0x60, s3  }
0x30: {  	[tilespmem:s20], [sflag:$0x5] =	stream.linear.gather [hbm4b:s18+s0], $0x80, $0x38;
	[tilespmem:$0x12600] =	vst v63  }
0x31: {  	s22 =	simm.s32 $0x9000;
	s21 =	sadd.s32 $0x70, s3  }
0x32: {  	[tilespmem:s22], [sflag:$0x5] =	stream.linear.gather [hbm4b:s21+s0], $0x80, $0x38;
	[tilespmem:$0x12600] =	vst v63  }
0x33: {  	s24 =	simm.s32 $0x2080;
	s23 =	sadd.s32 $0x19000, s3  }
0x34: {  	[tilespmem:s24], [sflag:$0x5] =	stream.linear.gather [hbm4b:s23+s0], $0x80, $0x38;
	[tilespmem:$0x12600] =	vst v63  }
0x35: {  	s25 =	simm.s32 $0x3080;
	s6 =	sadd.s32 $0x10, s23  }
0x36: {  	[tilespmem:s25], [sflag:$0x5] =	stream.linear.gather [hbm4b:s6+s0], $0x80, $0x38;
	[tilespmem:$0x12600] =	vst v63  }
0x37: {  	s31 =	simm.s32 $0x4080;
	s26 =	sadd.s32 $0x20, s23  }
0x38: {  	[tilespmem:s31], [sflag:$0x5] =	stream.linear.gather [hbm4b:s26+s0], $0x80, $0x38;
	[tilespmem:$0x12600] =	vst v63  }
0x39: {  	s5 =	simm.s32 $0x5080;
	s2 =	sadd.s32 $0x30, s23  }
0x3a: {  	[tilespmem:s5], [sflag:$0x5] =	stream.linear.gather [hbm4b:s2+s0], $0x80, $0x38;
	[tilespmem:$0x12600] =	vst v63  }
0x3b: {  	s7 =	sadd.s32 $0x40, s23;
	s8 =	simm.s32 $0x6080  }
0x3c: {  	[tilespmem:s8], [sflag:$0x5] =	stream.linear.gather [hbm4b:s7+s0], $0x80, $0x38;
	[tilespmem:$0x12600] =	vst v63  }
0x3d: {  	s9 =	sadd.s32 $0x50, s23;
	s10 =	simm.s32 $0x7080  }
0x3e: {  	[tilespmem:s10], [sflag:$0x5] =	stream.linear.gather [hbm4b:s9+s0], $0x80, $0x38;
	[tilespmem:$0x12600] =	vst v63  }
0x3f: {  	s12 =	sadd.s32 $0x60, s23;
	s13 =	simm.s32 $0x8080  }
0x40: {  	[tilespmem:s13], [sflag:$0x5] =	stream.linear.gather [hbm4b:s12+s0], $0x80, $0x38;
	[tilespmem:$0x12600] =	vst v63  }
0x41: {  	s4 =	sadd.s32 $0x70, s23;
	s14 =	simm.s32 $0x9080  }
0x42: {  	[tilespmem:s14], [sflag:$0x5] =	stream.linear.gather [hbm4b:s4+s0], $0x80, $0x38;
	[tilespmem:$0x12600] =	vst v63  }
0x43: {  	s15 =	sadd.s32 $0x32000, s3;
	s16 =	simm.s32 $0x2100  }
0x44: {  	[tilespmem:s16], [sflag:$0x5] =	stream.linear.gather [hbm4b:s15+s0], $0x80, $0x38;
	[tilespmem:$0x12600] =	vst v63  }
0x45: {  	s17 =	sadd.s32 $0x10, s15;
	s18 =	simm.s32 $0x3100  }
0x46: {  	[tilespmem:s18], [sflag:$0x5] =	stream.linear.gather [hbm4b:s17+s0], $0x80, $0x38;
	[tilespmem:$0x12600] =	vst v63  }
0x47: {  	s20 =	sadd.s32 $0x20, s15;
	s21 =	simm.s32 $0x4100  }
0x48: {  	[tilespmem:s21], [sflag:$0x5] =	stream.linear.gather [hbm4b:s20+s0], $0x80, $0x38;
	[tilespmem:$0x12600] =	vst v63  }
0x49: {  	s22 =	sadd.s32 $0x30, s15;
	s23 =	simm.s32 $0x5100  }
0x4a: {  	[tilespmem:s23], [sflag:$0x5] =	stream.linear.gather [hbm4b:s22+s0], $0x80, $0x38;
	[tilespmem:$0x12600] =	vst v63  }
0x4b: {  	s24 =	sadd.s32 $0x40, s15;
	s25 =	simm.s32 $0x6100  }
0x4c: {  	[tilespmem:s25], [sflag:$0x5] =	stream.linear.gather [hbm4b:s24+s0], $0x80, $0x38;
	[tilespmem:$0x12600] =	vst v63  }
0x4d: {  	s26 =	sadd.s32 $0x50, s15;
	s31 =	simm.s32 $0x7100  }
0x4e: {  	[tilespmem:s31], [sflag:$0x5] =	stream.linear.gather [hbm4b:s26+s0], $0x80, $0x38;
	[tilespmem:$0x12600] =	vst v63  }
0x4f: {  	s2 =	sadd.s32 $0x60, s15;
	s5 =	simm.s32 $0x8100  }
0x50: {  	[tilespmem:s5], [sflag:$0x5] =	stream.linear.gather [hbm4b:s2+s0], $0x80, $0x38;
	[tilespmem:$0x12600] =	vst v63  }
0x51: {  	s6 =	simm.s32 $0x9100;
	s4 =	sadd.s32 $0x70, s15  }
0x52: {  	[tilespmem:s6], [sflag:$0x5] =	stream.linear.gather [hbm4b:s4+s0], $0x80, $0x38;
	[tilespmem:$0x12600] =	vst v63  }
0x53: {  	s7 =	sadd.s32 $0x4B000, s3;
	s8 =	simm.s32 $0x2180  }
0x54: {  	[tilespmem:s8], [sflag:$0x5] =	stream.linear.gather [hbm4b:s7+s0], $0x80, $0x38;
	[tilespmem:$0x12600] =	vst v63  }
0x55: {  	s9 =	sadd.s32 $0x10, s7;
	s10 =	simm.s32 $0x3180  }
0x56: {  	[tilespmem:s10], [sflag:$0x5] =	stream.linear.gather [hbm4b:s9+s0], $0x80, $0x38;
	[tilespmem:$0x12600] =	vst v63  }
0x57: {  	s12 =	sadd.s32 $0x20, s7;
	s13 =	simm.s32 $0x4180  }
0x58: {  	[tilespmem:s13], [sflag:$0x5] =	stream.linear.gather [hbm4b:s12+s0], $0x80, $0x38;
	[tilespmem:$0x12600] =	vst v63  }
0x59: {  	s14 =	sadd.s32 $0x30, s7;
	s15 =	simm.s32 $0x5180  }
0x5a: {  	[tilespmem:s15], [sflag:$0x5] =	stream.linear.gather [hbm4b:s14+s0], $0x80, $0x38;
	[tilespmem:$0x12600] =	vst v63  }
0x5b: {  	s16 =	sadd.s32 $0x40, s7;
	s17 =	simm.s32 $0x6180  }
0x5c: {  	[tilespmem:s17], [sflag:$0x5] =	stream.linear.gather [hbm4b:s16+s0], $0x80, $0x38;
	[tilespmem:$0x12600] =	vst v63  }
0x5d: {  	s18 =	sadd.s32 $0x50, s7;
	s20 =	simm.s32 $0x7180  }
0x5e: {  	[tilespmem:s20], [sflag:$0x5] =	stream.linear.gather [hbm4b:s18+s0], $0x80, $0x38;
	[tilespmem:$0x12600] =	vst v63  }
0x5f: {  	s21 =	sadd.s32 $0x60, s7;
	s22 =	simm.s32 $0x8180  }
0x60: {  	[tilespmem:s22], [sflag:$0x5] =	stream.linear.gather [hbm4b:s21+s0], $0x80, $0x38;
	[tilespmem:$0x12600] =	vst v63  }
0x61: {  	s23 =	simm.s32 $0x9180;
	s4 =	sadd.s32 $0x70, s7  }
0x62: {  	[tilespmem:s23], [sflag:$0x5] =	stream.linear.gather [hbm4b:s4+s0], $0x80, $0x38;
	[tilespmem:$0x12600] =	vst v63  }
0x63: {  	s24 =	sadd.s32 $0x64000, s3;
	s25 =	simm.s32 $0x2200  }
0x64: {  	[tilespmem:s25], [sflag:$0x5] =	stream.linear.gather [hbm4b:s24+s0], $0x80, $0x38;
	[tilespmem:$0x12600] =	vst v63  }
0x65: {  	s26 =	sadd.s32 $0x10, s24;
	s31 =	simm.s32 $0x3200  }
0x66: {  	[tilespmem:s31], [sflag:$0x5] =	stream.linear.gather [hbm4b:s26+s0], $0x80, $0x38;
	[tilespmem:$0x12600] =	vst v63  }
0x67: {  	[dreg:$0x13] =	wrdreg s1;
	s1 =	sadd.s32 $0x20, s24;
	s2 =	simm.s32 $0x4200  }
0x68: {  	[tilespmem:s2], [sflag:$0x5] =	stream.linear.gather [hbm4b:s1+s0], $0x80, $0x38;
	[tilespmem:$0x12600] =	vst v63  }
0x69: {  	s5 =	sadd.s32 $0x30, s24;
	s7 =	simm.s32 $0x5200  }
0x6a: {  	[tilespmem:s7], [sflag:$0x5] =	stream.linear.gather [hbm4b:s5+s0], $0x80, $0x38;
	[tilespmem:$0x12600] =	vst v63  }
0x6b: {  	s8 =	sadd.s32 $0x40, s24;
	s9 =	simm.s32 $0x6200  }
0x6c: {  	[tilespmem:s9], [sflag:$0x5] =	stream.linear.gather [hbm4b:s8+s0], $0x80, $0x38;
	[tilespmem:$0x12600] =	vst v63  }
0x6d: {  	s10 =	sadd.s32 $0x50, s24;
	s12 =	simm.s32 $0x7200  }
0x6e: {  	[tilespmem:s12], [sflag:$0x5] =	stream.linear.gather [hbm4b:s10+s0], $0x80, $0x38;
	[tilespmem:$0x12600] =	vst v63  }
0x6f: {  	s13 =	sadd.s32 $0x60, s24;
	s14 =	simm.s32 $0x8200  }
0x70: {  	[tilespmem:s14], [sflag:$0x5] =	stream.linear.gather [hbm4b:s13+s0], $0x80, $0x38;
	[tilespmem:$0x12600] =	vst v63  }
0x71: {  	s15 =	simm.s32 $0x9200;
	s4 =	sadd.s32 $0x70, s24  }
0x72: {  	[tilespmem:s15], [sflag:$0x5] =	stream.linear.gather [hbm4b:s4+s0], $0x80, $0x38;
	[tilespmem:$0x12600] =	vst v63  }
0x73: {  	s3 =	sadd.s32 $0x7D000, s3;
	s16 =	simm.s32 $0x2280  }
0x74: {  	[tilespmem:s16], [sflag:$0x5] =	stream.linear.gather [hbm4b:s3+s0], $0x80, $0x38;
	[tilespmem:$0x12600] =	vst v63  }
0x75: {  	s17 =	sadd.s32 $0x10, s3;
	s18 =	simm.s32 $0x3280  }
0x76: {  	[tilespmem:s18], [sflag:$0x5] =	stream.linear.gather [hbm4b:s17+s0], $0x80, $0x38;
	[tilespmem:$0x12600] =	vst v63  }
0x77: {  	s20 =	sadd.s32 $0x20, s3;
	s21 =	simm.s32 $0x4280  }
0x78: {  	[tilespmem:s21], [sflag:$0x5] =	stream.linear.gather [hbm4b:s20+s0], $0x80, $0x38;
	[tilespmem:$0x12600] =	vst v63  }
0x79: {  	s22 =	sadd.s32 $0x30, s3;
	s23 =	simm.s32 $0x5280  }
0x7a: {  	[tilespmem:s23], [sflag:$0x5] =	stream.linear.gather [hbm4b:s22+s0], $0x80, $0x38;
	[tilespmem:$0x12600] =	vst v63  }
0x7b: {  	s24 =	sadd.s32 $0x40, s3;
	s25 =	simm.s32 $0x6280  }
0x7c: {  	[tilespmem:s25], [sflag:$0x5] =	stream.linear.gather [hbm4b:s24+s0], $0x80, $0x38;
	[tilespmem:$0x12600] =	vst v63  }
0x7d: {  	s26 =	sadd.s32 $0x50, s3;
	s31 =	simm.s32 $0x7280  }
0x7e: {  	[tilespmem:s31], [sflag:$0x5] =	stream.linear.gather [hbm4b:s26+s0], $0x80, $0x38;
	[tilespmem:$0x12600] =	vst v63  }
0x7f: {  	s2 =	sadd.s32 $0x60, s3;
	s5 =	simm.s32 $0x8280  }
0x80: {  	[tilespmem:s5], [sflag:$0x5] =	stream.linear.gather [hbm4b:s2+s0], $0x80, $0x38;
	[tilespmem:$0x12600] =	vst v63  }
0x81: {  	s6 =	simm.s32 $0x9280;
	s3 =	sadd.s32 $0x70, s3  }
0x82: {  	[tilespmem:s6], [sflag:$0x5] =	stream.linear.gather [hbm4b:s3+s0], $0x80, $0x38;
	[tilespmem:$0x12600] =	vst v63  }
0x83: {  	s7 =	simm.s32 $0x0;
	s0 =	sand.u32 $0x40, s0  }
0x84: {  	s8 =	sand.u32 $0x3FFFFF80, s7;
	s7 =	sor.u32 $0x30, s0  }
0x85: {  	s3 =	sor.u32 s7, s8  }
0x86: {  	s10 =	sor.u32 s0, s8;
	v26 =	vld [tilespmem:s3+$0x0]  }
0x87: {  	s12 =	sor.u32 $0x20, s0;
	v27 =	vld [tilespmem:s10+$0x0]  }
0x88: {  	s15 =	sor.u32 s12, s8  }
0x89: {  	v28 =	vld [tilespmem:s15+$0x0]  }
0x8a: {  	s9 =	sadd.s32 $0x400, s8  }
0x8b: {  	s16 =	sor.u32 s7, s9;
	v26 =	vtrunc.f32 v26  }
0x8c: {  	s10 =	sor.u32 s0, s9;
	v29 =	vld [tilespmem:s16+$0x0];
	v27 =	vtrunc.f32 v27;
	v26 =	vcvt.f32.s32 v26  }
0x8d: {  	v30 =	vld [tilespmem:s10+$0x0];
	v27 =	vcvt.f32.s32 v27  }
0x8e: {  	s6 =	sadd.s32 $0x800, s8;
	s13 =	sor.u32 s12, s9;
	v28 =	vtrunc.f32 v28;
	v26 =	vshll.u32 v26, $0x9  }
0x8f: {  	s17 =	sor.u32 $0x10, s0;
	s25 =	sor.u32 s0, s6;
	v31 =	vld [tilespmem:s13+$0x0];
	v28 =	vcvt.f32.s32 v28;
	v27 =	vshll.u32 v27, $0x9;
	v26 =	vor.u32 v0, v26  }
0x90: {  	s18 =	sor.u32 s17, s8;
	v56 =	vld [tilespmem:s25+$0x0];
	v27 =	vor.u32 v0, v27  }
0x91: {  	s9 =	sor.u32 s17, s9;
	v32 =	vld [tilespmem:s18+$0x0];
	v29 =	vtrunc.f32 v29;
	v28 =	vshll.u32 v28, $0x9  }
0x92: {  	s14 =	sor.u32 s7, s6;
	v33 =	vld [tilespmem:s9+$0x0];
	v29 =	vcvt.f32.s32 v29;
	v34 =	vor.u32 v0, v28;
	v28 =	vtrunc.f32 v30  }
0x93: {  	v37 =	vld [tilespmem:s14+$0x0];
	v36 =	vcvt.f32.s32 v28  }
0x94: {  	v31 =	vtrunc.f32 v31;
	v29 =	vshll.u32 v29, $0x9;
	v35 =	vld.idx.msk [tilespmem:v26+s19+$0x0], $0xffff  }
0x95: {  	s22 =	simm.s32 $0x0;
	s26 =	sor.u32 s12, s6;
	v31 =	vcvt.f32.s32 v31;
	v30 =	vor.u32 v1, v29;
	v36 =	vshll.u32 v36, $0x9;
	v27 =	vld.idx.msk [tilespmem:v27+s19+$0x0], $0xffff  }
0x96: {  	s20 =	sadd.s32 $0xC00, s8;
	s23 =	sand.u32 $0x3FFFF000, s22;
	v41 =	vld [tilespmem:s26+$0x0];
	v38 =	vor.u32 v1, v36  }
0x97: {  	s24 =	sor.u32 s7, s20;
	s9 =	sadd.s32 $0x2000, s23;
	v31 =	vshll.u32 v31, $0x9;
	v34 =	vld.idx.msk [tilespmem:v34+s19+$0x0], $0xffff  }
0x98: {  	s21 =	sor.u32 s0, s20;
	s15 =	sor.u32 s7, s9;
	v55 =	vor.u32 v1, v31;
	v28 =	vld [tilespmem:s24+$0x0]  }
0x99: {  	s13 =	sor.u32 s0, s9;
	v32 =	vtrunc.f32 v32;
	v26 =	vld [tilespmem:s21+$0x0];
	[tilespmem:s15+$0x300] =	vst v35  }
0x9a: {  	[tilespmem:s13+$0x300] =	vst v27;
	v39 =	vld.idx.msk [tilespmem:v30+s19+$0x0], $0xffff;
	v30 =	vcvt.f32.s32 v32  }
0x9b: {  	s31 =	sor.u32 s12, s20;
	s0 =	sor.u32 s12, s9;
	v40 =	vor.u32 v2, v29;
	v38 =	vld.idx.msk [tilespmem:v38+s19+$0x0], $0xffff  }
0x9c: {  	v57 =	vor.u32 v2, v36;
	v42 =	vshll.u32 v30, $0x9;
	v30 =	vld [tilespmem:s31+$0x0];
	[tilespmem:s0+$0x300] =	vst v34  }
0x9d: {  	v42 =	vor.u32 v0, v42;
	v35 =	vld.idx.msk [tilespmem:v55+s19+$0x0], $0xffff  }
0x9e: {  	v58 =	vor.u32 v2, v31  }
0x9f: {  	v27 =	vtrunc.f32 v33;
	[tilespmem:s15+$0x380] =	vst v39  }
0xa0: {  	v59 =	vcvt.f32.s32 v27;
	[tilespmem:s13+$0x380] =	vst v38;
	v39 =	vld.idx.msk [tilespmem:v40+s19+$0x0], $0xffff  }
0xa1: {  	v43 =	vor.u32 v3, v29;
	v34 =	vld.idx.msk [tilespmem:v57+s19+$0x0], $0xffff  }
0xa2: {  	v61 =	vor.u32 v3, v36;
	v40 =	vshll.u32 v59, $0x9;
	v42 =	vld.idx.msk [tilespmem:v42+s19+$0x0], $0xffff;
	[tilespmem:s0+$0x380] =	vst v35  }
0xa3: {  	s2 =	sor.u32 s17, s6;
	v60 =	vor.u32 v1, v40;
	v33 =	vld.idx.msk [tilespmem:v58+s19+$0x0], $0xffff  }
0xa4: {  	s1 =	sor.u32 s17, s20;
	v44 =	vld [tilespmem:s2+$0x0];
	v62 =	vor.u32 v3, v31  }
0xa5: {  	v27 =	vld [tilespmem:s1+$0x0];
	[tilespmem:s15+$0x400] =	vst v39  }
0xa6: {  	s14 =	sor.u32 s17, s9;
	[tilespmem:s13+$0x400] =	vst v34;
	v43 =	vld.idx.msk [tilespmem:v43+s19+$0x0], $0xffff  }
0xa7: {  	v45 =	vor.u32 v4, v29;
	v35 =	vld.idx.msk [tilespmem:v61+s19+$0x0], $0xffff;
	[tilespmem:s14+$0x300] =	vst v42  }
0xa8: {  	v46 =	vor.u32 v4, v36;
	v38 =	vld.idx.msk [tilespmem:v60+s19+$0x0], $0xffff;
	[tilespmem:s0+$0x400] =	vst v33  }
0xa9: {  	v63 =	vor.u32 v2, v40;
	v39 =	vld.idx.msk [tilespmem:v62+s19+$0x0], $0xffff  }
0xaa: {  	v47 =	vor.u32 v4, v31  }
0xab: {  	[tilespmem:s15+$0x480] =	vst v43  }
0xac: {  	[tilespmem:s13+$0x480] =	vst v35;
	v43 =	vld.idx.msk [tilespmem:v45+s19+$0x0], $0xffff  }
0xad: {  	v29 =	vor.u32 v5, v29;
	v33 =	vld.idx.msk [tilespmem:v46+s19+$0x0], $0xffff;
	[tilespmem:s14+$0x380] =	vst v38  }
0xae: {  	v50 =	vor.u32 v5, v36;
	v38 =	vld.idx.msk [tilespmem:v63+s19+$0x0], $0xffff;
	[tilespmem:s0+$0x480] =	vst v39  }
0xaf: {  	v37 =	vtrunc.f32 v37;
	v49 =	vor.u32 v3, v40;
	v39 =	vld.idx.msk [tilespmem:v47+s19+$0x0], $0xffff  }
0xb0: {  	v48 =	vcvt.f32.s32 v37;
	v31 =	vor.u32 v5, v31;
	v32 =	vtrunc.f32 v56  }
0xb1: {  	v32 =	vcvt.f32.s32 v32;
	[tilespmem:s15+$0x500] =	vst v43  }
0xb2: {  	v34 =	vshll.u32 v48, $0x9;
	[tilespmem:s13+$0x500] =	vst v33;
	v29 =	vld.idx.msk [tilespmem:v29+s19+$0x0], $0xffff  }
0xb3: {  	v52 =	vtrunc.f32 v41;
	v36 =	vshll.u32 v32, $0x9;
	v51 =	vor.u32 v6, v34;
	v33 =	vld.idx.msk [tilespmem:v50+s19+$0x0], $0xffff;
	[tilespmem:s14+$0x400] =	vst v38  }
0xb4: {  	v53 =	vcvt.f32.s32 v52;
	v55 =	vor.u32 v6, v36;
	v35 =	vld.idx.msk [tilespmem:v49+s19+$0x0], $0xffff;
	[tilespmem:s0+$0x500] =	vst v39  }
0xb5: {  	v31 =	vld.idx.msk [tilespmem:v31+s19+$0x0], $0xffff  }
0xb6: {  	v54 =	vor.u32 v4, v40;
	v38 =	vshll.u32 v53, $0x9  }
0xb7: {  	s28 =	simm.s32 $0x40;
	[tilespmem:s15+$0x580] =	vst v29;
	v29 =	vor.u32 v6, v38  }
0xb8: {  	s5 =	simm.s32 $0x40;
	s6 =	sand.u32 $0x40, s28;
	[tilespmem:s13+$0x580] =	vst v33;
	v56 =	vld.idx.msk [tilespmem:v51+s19+$0x0], $0xffff  }
0xb9: {  	s3 =	sor.u32 $0x20, s6;
	s2 =	sor.u32 $0x30, s6;
	s24 =	sand.u32 $0x3FFFFF80, s5;
	v57 =	vor.u32 v7, v34;
	v33 =	vld.idx.msk [tilespmem:v55+s19+$0x0], $0xffff;
	[tilespmem:s14+$0x480] =	vst v35  }
0xba: {  	s25 =	sadd.s32 $0x400, s24;
	s26 =	sor.u32 s6, s24;
	s16 =	sor.u32 s3, s24;
	[tilespmem:s0+$0x580] =	vst v31;
	v31 =	vor.u32 v7, v36  }
0xbb: {  	s8 =	sor.u32 s2, s24;
	s9 =	sadd.s32 $0x800, s24;
	s1 =	sor.u32 $0x10, s6;
	v32 =	vld.idx.msk [tilespmem:v54+s19+$0x0], $0xffff  }
0xbc: {  	s18 =	sadd.s32 $0xC00, s24;
	s5 =	sor.u32 s1, s24;
	s24 =	sor.u32 s6, s9;
	v58 =	vor.u32 v5, v40;
	v59 =	vld.idx.msk [tilespmem:v29+s19+$0x0], $0xffff  }
0xbd: {  	v41 =	vld [tilespmem:s24+$0x0];
	v60 =	vor.u32 v7, v38;
	[tilespmem:s15+$0x600] =	vst v56  }
0xbe: {  	s12 =	sor.u32 s2, s25;
	s17 =	sor.u32 s6, s25;
	v29 =	vtrunc.f32 v44;
	[tilespmem:s13+$0x600] =	vst v33;
	v61 =	vld.idx.msk [tilespmem:v57+s19+$0x0], $0xffff  }
0xbf: {  	s10 =	sor.u32 s1, s25;
	s31 =	sor.u32 s3, s25;
	s25 =	sor.u32 s1, s9;
	v62 =	vor.u32 v8, v34;
	v29 =	vcvt.f32.s32 v29;
	v31 =	vld.idx.msk [tilespmem:v31+s19+$0x0], $0xffff  }
0xc0: {  	v39 =	vld [tilespmem:s25+$0x0];
	v44 =	vor.u32 v8, v36;
	[tilespmem:s14+$0x500] =	vst v32  }
0xc1: {  	v29 =	vshll.u32 v29, $0x9;
	v32 =	vld.idx.msk [tilespmem:v58+s19+$0x0], $0xffff;
	[tilespmem:s0+$0x600] =	vst v59  }
0xc2: {  	v63 =	vor.u32 v6, v29;
	v37 =	vld.idx.msk [tilespmem:v60+s19+$0x0], $0xffff  }
0xc3: {  	v45 =	vor.u32 v8, v38;
	[tilespmem:s15+$0x680] =	vst v61;
	v61 =	vld [tilespmem:s26+$0x0]  }
0xc4: {  	v40 =	vld.idx.msk [tilespmem:v62+s19+$0x0], $0xffff;
	[tilespmem:s13+$0x680] =	vst v31  }
0xc5: {  	v46 =	vor.u32 v9, v34;
	v47 =	vld.idx.msk [tilespmem:v44+s19+$0x0], $0xffff  }
0xc6: {  	[tilespmem:s14+$0x580] =	vst v32;
	v44 =	vld [tilespmem:s31+$0x0]  }
0xc7: {  	v32 =	vld.idx.msk [tilespmem:v63+s19+$0x0], $0xffff;
	[tilespmem:s0+$0x680] =	vst v37  }
0xc8: {  	v48 =	vor.u32 v9, v36;
	v37 =	vld.idx.msk [tilespmem:v45+s19+$0x0], $0xffff  }
0xc9: {  	v45 =	vld [tilespmem:s16+$0x0];
	[tilespmem:s15+$0x700] =	vst v40  }
0xca: {  	v31 =	vor.u32 v7, v29;
	v40 =	vld.idx.msk [tilespmem:v46+s19+$0x0], $0xffff  }
0xcb: {  	v49 =	vor.u32 v9, v38;
	v46 =	vld [tilespmem:s5+$0x0]  }
0xcc: {  	[tilespmem:s13+$0x700] =	vst v47;
	v47 =	vld [tilespmem:s8+$0x0]  }
0xcd: {  	v50 =	vor.u32 v10, v34;
	v33 =	vld.idx.msk [tilespmem:v48+s19+$0x0], $0xffff  }
0xce: {  	v52 =	vor.u32 v10, v36;
	[tilespmem:s14+$0x600] =	vst v32;
	v48 =	vld [tilespmem:s12+$0x0]  }
0xcf: {  	v31 =	vld.idx.msk [tilespmem:v31+s19+$0x0], $0xffff;
	[tilespmem:s0+$0x700] =	vst v37  }
0xd0: {  	s20 =	sor.u32 s6, s18;
	v51 =	vor.u32 v8, v29;
	v37 =	vld.idx.msk [tilespmem:v49+s19+$0x0], $0xffff  }
0xd1: {  	v53 =	vor.u32 v10, v38;
	v32 =	vld [tilespmem:s20+$0x0];
	[tilespmem:s15+$0x780] =	vst v40  }
0xd2: {  	v40 =	vld.idx.msk [tilespmem:v50+s19+$0x0], $0xffff;
	[tilespmem:s13+$0x780] =	vst v33  }
0xd3: {  	v54 =	vor.u32 v11, v34;
	v33 =	vld.idx.msk [tilespmem:v52+s19+$0x0], $0xffff  }
0xd4: {  	v56 =	vor.u32 v11, v36;
	v49 =	vld [tilespmem:s17+$0x0];
	[tilespmem:s14+$0x680] =	vst v31  }
0xd5: {  	v46 =	vtrunc.f32 v46;
	v31 =	vld.idx.msk [tilespmem:v51+s19+$0x0], $0xffff;
	[tilespmem:s0+$0x780] =	vst v37  }
0xd6: {  	v46 =	vcvt.f32.s32 v46;
	v37 =	vld.idx.msk [tilespmem:v53+s19+$0x0], $0xffff  }
0xd7: {  	v57 =	vor.u32 v11, v38;
	v47 =	vtrunc.f32 v47;
	v50 =	vld [tilespmem:s10+$0x0];
	[tilespmem:s15+$0x800] =	vst v40  }
0xd8: {  	v55 =	vor.u32 v9, v29;
	v47 =	vcvt.f32.s32 v47;
	v46 =	vshll.u32 v46, $0x9;
	v40 =	vld.idx.msk [tilespmem:v54+s19+$0x0], $0xffff;
	[tilespmem:s13+$0x800] =	vst v33  }
0xd9: {  	s21 =	sor.u32 s2, s18;
	v46 =	vor.u32 v0, v46;
	v35 =	vld.idx.msk [tilespmem:v56+s19+$0x0], $0xffff  }
0xda: {  	s23 =	sor.u32 s1, s18;
	v58 =	vor.u32 v12, v34;
	v47 =	vshll.u32 v47, $0x9;
	v33 =	vtrunc.f32 v61;
	[tilespmem:s14+$0x700] =	vst v31;
	v31 =	vld [tilespmem:s21+$0x0]  }
0xdb: {  	v47 =	vor.u32 v0, v47;
	v62 =	vcvt.f32.s32 v33;
	v33 =	vld [tilespmem:s23+$0x0];
	[tilespmem:s0+$0x800] =	vst v37  }
0xdc: {  	v60 =	vld.idx.msk [tilespmem:v57+s19+$0x0], $0xffff  }
0xdd: {  	v51 =	vor.u32 v12, v38;
	v59 =	vld.idx.msk [tilespmem:v55+s19+$0x0], $0xffff  }
0xde: {  	v52 =	vor.u32 v10, v29;
	v46 =	vld.idx.msk [tilespmem:v46+s19+$0x0], $0xffff;
	[tilespmem:s15+$0x880] =	vst v40  }
0xdf: {  	v53 =	vor.u32 v12, v36;
	v40 =	vld.idx.msk [tilespmem:v58+s19+$0x0], $0xffff  }
0xe0: {  	s22 =	sor.u32 s2, s9;
	v54 =	vor.u32 v13, v34;
	v47 =	vld.idx.msk [tilespmem:v47+s19+$0x0], $0xffff;
	v55 =	vshll.u32 v62, $0x9  }
0xe1: {  	v37 =	vld [tilespmem:s22+$0x0];
	v63 =	vor.u32 v0, v55;
	[tilespmem:s0+$0x880] =	vst v60  }
0xe2: {  	[tilespmem:s14+$0x780] =	vst v59;
	v57 =	vld.idx.msk [tilespmem:v51+s19+$0x0], $0xffff  }
0xe3: {  	[tilespmem:s13+$0x880] =	vst v35;
	v58 =	vor.u32 v13, v38;
	v59 =	vtrunc.f32 v49;
	v51 =	vld.idx.msk [tilespmem:v52+s19+$0x0], $0xffff  }
0xe4: {  	v60 =	vor.u32 v11, v29;
	v52 =	vld.idx.msk [tilespmem:v53+s19+$0x0], $0xffff;
	[tilespmem:s15+$0x900] =	vst v40;
	v40 =	vcvt.f32.s32 v59  }
0xe5: {  	v45 =	vtrunc.f32 v45;
	v62 =	vor.u32 v13, v36;
	v61 =	vld.idx.msk [tilespmem:v54+s19+$0x0], $0xffff  }
0xe6: {  	s9 =	sor.u32 s3, s9;
	v45 =	vcvt.f32.s32 v45;
	v43 =	vld.idx.msk [tilespmem:v63+s19+$0x0], $0xffff;
	v63 =	vor.u32 v14, v34;
	v55 =	vshll.u32 v40, $0x9  }
0xe7: {  	s26 =	simm.s32 $0x800;
	v40 =	vld [tilespmem:s9+$0x0];
	[tilespmem:s0+$0x900] =	vst v57;
	v57 =	vor.u32 v1, v55  }
0xe8: {  	v45 =	vshll.u32 v45, $0x9;
	s9 =	sand.u32 $0x3FFFF000, s26;
	[tilespmem:s14+$0x800] =	vst v51;
	v56 =	vld.idx.msk [tilespmem:v58+s19+$0x0], $0xffff  }
0xe9: {  	v45 =	vor.u32 v0, v45;
	s9 =	sadd.s32 $0x2000, s9;
	[tilespmem:s13+$0x900] =	vst v52;
	v49 =	vld.idx.msk [tilespmem:v60+s19+$0x0], $0xffff  }
0xea: {  	v50 =	vtrunc.f32 v50;
	v59 =	vor.u32 v14, v38;
	s16 =	sor.u32 s6, s9;
	v52 =	vld.idx.msk [tilespmem:v62+s19+$0x0], $0xffff;
	[tilespmem:s15+$0x980] =	vst v61  }
0xeb: {  	[tilespmem:s16+$0x300] =	vst v43;
	v60 =	vtrunc.f32 v48;
	v62 =	vor.u32 v14, v36;
	v61 =	vcvt.f32.s32 v50;
	v53 =	vld.idx.msk [tilespmem:v63+s19+$0x0], $0xffff  }
0xec: {  	s31 =	sor.u32 s3, s18;
	v34 =	vor.u32 v15, v34;
	v42 =	vcvt.f32.s32 v60;
	v50 =	vld.idx.msk [tilespmem:v57+s19+$0x0], $0xffff  }
0xed: {  	v44 =	vtrunc.f32 v44;
	v35 =	vld [tilespmem:s31+$0x0];
	v63 =	vor.u32 v2, v55;
	v43 =	vshll.u32 v61, $0x9;
	[tilespmem:s0+$0x980] =	vst v56  }
0xee: {  	v44 =	vcvt.f32.s32 v44;
	v60 =	vld.idx.msk [tilespmem:v45+s19+$0x0], $0xffff;
	[tilespmem:s14+$0x880] =	vst v49;
	v49 =	vshll.u32 v42, $0x9;
	v56 =	vor.u32 v1, v43  }
0xef: {  	[tilespmem:s13+$0x980] =	vst v52;
	v51 =	vld.idx.msk [tilespmem:v59+s19+$0x0], $0xffff;
	v61 =	vor.u32 v1, v49  }
0xf0: {  	v30 =	vtrunc.f32 v30;
	v38 =	vor.u32 v15, v38;
	v42 =	vshll.u32 v44, $0x9;
	v48 =	vld.idx.msk [tilespmem:v62+s19+$0x0], $0xffff;
	[tilespmem:s15+$0xA00] =	vst v53  }
0xf1: {  	v30 =	vcvt.f32.s32 v30;
	s23 =	sor.u32 s1, s9;
	v62 =	vor.u32 v1, v42;
	v34 =	vld.idx.msk [tilespmem:v34+s19+$0x0], $0xffff;
	[tilespmem:s16+$0x380] =	vst v50  }
0xf2: {  	s29 =	sor.u32 s2, s9;
	[tilespmem:s23+$0x300] =	vst v46;
	v50 =	vld.idx.msk [tilespmem:v63+s19+$0x0], $0xffff;
	v63 =	vor.u32 v15, v36  }
0xf3: {  	[tilespmem:s29+$0x300] =	vst v47;
	v36 =	vshll.u32 v30, $0x9;
	v30 =	vor.u32 v3, v55;
	v57 =	vld.idx.msk [tilespmem:v56+s19+$0x0], $0xffff  }
0xf4: {  	v28 =	vtrunc.f32 v28;
	s26 =	sor.u32 s3, s9;
	v59 =	vor.u32 v2, v43;
	[tilespmem:s0+$0xA00] =	vst v51;
	v45 =	vld.idx.msk [tilespmem:v61+s19+$0x0], $0xffff  }
0xf5: {  	v28 =	vcvt.f32.s32 v28;
	[tilespmem:s26+$0x300] =	vst v60;
	v60 =	vor.u32 v2, v49;
	v51 =	vld.idx.msk [tilespmem:v38+s19+$0x0], $0xffff  }
0xf6: {  	v58 =	vor.u32 v16, v36;
	v52 =	vld.idx.msk [tilespmem:v62+s19+$0x0], $0xffff;
	[tilespmem:s13+$0xA00] =	vst v48  }
0xf7: {  	v26 =	vtrunc.f32 v26;
	v61 =	vor.u32 v12, v29;
	v38 =	vshll.u32 v28, $0x9;
	[tilespmem:s16+$0x400] =	vst v50;
	v28 =	vld.idx.msk [tilespmem:v63+s19+$0x0], $0xffff  }
0xf8: {  	v26 =	vcvt.f32.s32 v26;
	v62 =	vor.u32 v16, v38;
	[tilespmem:s23+$0x380] =	vst v57;
	v30 =	vld.idx.msk [tilespmem:v30+s19+$0x0], $0xffff  }
0xf9: {  	v63 =	vor.u32 v2, v42;
	v56 =	vld.idx.msk [tilespmem:v59+s19+$0x0], $0xffff;
	[tilespmem:s29+$0x380] =	vst v45  }
0xfa: {  	v26 =	vshll.u32 v26, $0x9;
	v59 =	vor.u32 v4, v55;
	[tilespmem:s0+$0xA80] =	vst v51;
	v48 =	vld.idx.msk [tilespmem:v60+s19+$0x0], $0xffff  }
0xfb: {  	[tilespmem:s15+$0xA80] =	vst v34;
	v44 =	vld.idx.msk [tilespmem:v58+s19+$0x0], $0xffff;
	v58 =	vor.u32 v16, v26  }
0xfc: {  	[tilespmem:s26+$0x380] =	vst v52;
	v46 =	vld.idx.msk [tilespmem:v61+s19+$0x0], $0xffff;
	v61 =	vor.u32 v3, v49  }
0xfd: {  	v60 =	vor.u32 v17, v36;
	[tilespmem:s13+$0xA80] =	vst v28;
	v28 =	vld.idx.msk [tilespmem:v62+s19+$0x0], $0xffff  }
0xfe: {  	v62 =	vor.u32 v3, v43;
	[tilespmem:s16+$0x480] =	vst v30;
	v30 =	vld.idx.msk [tilespmem:v63+s19+$0x0], $0xffff  }
0xff: {  	v63 =	vor.u32 v13, v29;
	[tilespmem:s23+$0x400] =	vst v56;
	v57 =	vld.idx.msk [tilespmem:v59+s19+$0x0], $0xffff  }
0x100: {  	[tilespmem:s29+$0x400] =	vst v48;
	v45 =	vld.idx.msk [tilespmem:v58+s19+$0x0], $0xffff;
	v58 =	vor.u32 v17, v38  }
0x101: {  	v59 =	vor.u32 v17, v26;
	[tilespmem:s0+$0xB00] =	vst v44;
	v34 =	vld.idx.msk [tilespmem:v61+s19+$0x0], $0xffff  }
0x102: {  	[tilespmem:s14+$0x900] =	vst v46;
	v52 =	vld.idx.msk [tilespmem:v60+s19+$0x0], $0xffff;
	v60 =	vor.u32 v5, v55  }
0x103: {  	v61 =	vor.u32 v18, v36;
	v46 =	vld.idx.msk [tilespmem:v62+s19+$0x0], $0xffff;
	[tilespmem:s15+$0xB00] =	vst v28  }
0x104: {  	v62 =	vor.u32 v3, v42;
	[tilespmem:s26+$0x400] =	vst v30;
	v30 =	vld.idx.msk [tilespmem:v63+s19+$0x0], $0xffff  }
0x105: {  	v28 =	vtrunc.f32 v41;
	v63 =	vor.u32 v4, v43;
	[tilespmem:s13+$0xB00] =	vst v45;
	v45 =	vld.idx.msk [tilespmem:v58+s19+$0x0], $0xffff  }
0x106: {  	v56 =	vor.u32 v14, v29;
	v28 =	vcvt.f32.s32 v28;
	[tilespmem:s16+$0x500] =	vst v57;
	v44 =	vld.idx.msk [tilespmem:v59+s19+$0x0], $0xffff  }
0x107: {  	v58 =	vor.u32 v4, v49;
	v57 =	vld.idx.msk [tilespmem:v60+s19+$0x0], $0xffff;
	[tilespmem:s0+$0xB80] =	vst v52  }
0x108: {  	v28 =	vshll.u32 v28, $0x9;
	[tilespmem:s29+$0x480] =	vst v34;
	v60 =	vor.u32 v18, v38;
	v59 =	vld.idx.msk [tilespmem:v61+s19+$0x0], $0xffff  }
0x109: {  	v61 =	vor.u32 v6, v28;
	[tilespmem:s23+$0x480] =	vst v46;
	v62 =	vld.idx.msk [tilespmem:v62+s19+$0x0], $0xffff  }
0x10a: {  	v41 =	vld.idx.msk [tilespmem:v63+s19+$0x0], $0xffff;
	[tilespmem:s14+$0x980] =	vst v30;
	v30 =	vor.u32 v19, v36  }
0x10b: {  	v63 =	vor.u32 v18, v26;
	v47 =	vld.idx.msk [tilespmem:v56+s19+$0x0], $0xffff;
	[tilespmem:s15+$0xB80] =	vst v45  }
0x10c: {  	v54 =	vor.u32 v4, v42;
	v51 =	vld.idx.msk [tilespmem:v58+s19+$0x0], $0xffff;
	[tilespmem:s13+$0xB80] =	vst v44  }
0x10d: {  	v29 =	vor.u32 v15, v29;
	[tilespmem:s16+$0x580] =	vst v57;
	v55 =	vld.idx.msk [tilespmem:v60+s19+$0x0], $0xffff  }
0x10e: {  	v49 =	vor.u32 v5, v49;
	v48 =	vld.idx.msk [tilespmem:v61+s19+$0x0], $0xffff;
	[tilespmem:s0+$0xC00] =	vst v59  }
0x10f: {  	v27 =	vtrunc.f32 v27;
	v57 =	vor.u32 v5, v43;
	[tilespmem:s26+$0x480] =	vst v62;
	v30 =	vld.idx.msk [tilespmem:v30+s19+$0x0], $0xffff  }
0x110: {  	v27 =	vcvt.f32.s32 v27;
	v56 =	vor.u32 v19, v38;
	[tilespmem:s23+$0x500] =	vst v41;
	v58 =	vld.idx.msk [tilespmem:v63+s19+$0x0], $0xffff  }
0x111: {  	v59 =	vor.u32 v20, v36;
	v45 =	vld.idx.msk [tilespmem:v54+s19+$0x0], $0xffff;
	[tilespmem:s14+$0xA00] =	vst v47  }
0x112: {  	v27 =	vshll.u32 v27, $0x9;
	v37 =	vtrunc.f32 v37;
	v60 =	vor.u32 v19, v26;
	[tilespmem:s29+$0x500] =	vst v51;
	v61 =	vld.idx.msk [tilespmem:v29+s19+$0x0], $0xffff  }
0x113: {  	v62 =	vtrunc.f32 v39;
	v63 =	vor.u32 v5, v42;
	v29 =	vcvt.f32.s32 v37;
	v52 =	vld.idx.msk [tilespmem:v49+s19+$0x0], $0xffff;
	[tilespmem:s15+$0xC00] =	vst v55  }
0x114: {  	v53 =	vor.u32 v16, v27;
	v37 =	vcvt.f32.s32 v62;
	v41 =	vld.idx.msk [tilespmem:v57+s19+$0x0], $0xffff;
	[tilespmem:s16+$0x600] =	vst v48  }
0x115: {  	v55 =	vor.u32 v7, v28;
	v54 =	vld.idx.msk [tilespmem:v56+s19+$0x0], $0xffff;
	v29 =	vshll.u32 v29, $0x9;
	[tilespmem:s0+$0xC80] =	vst v30  }
0x116: {  	v56 =	vtrunc.f32 v40;
	v30 =	vshll.u32 v37, $0x9;
	v57 =	vor.u32 v6, v29;
	[tilespmem:s13+$0xC00] =	vst v58;
	v58 =	vld.idx.msk [tilespmem:v59+s19+$0x0], $0xffff  }
0x117: {  	v34 =	vcvt.f32.s32 v56;
	[tilespmem:s26+$0x500] =	vst v45;
	v59 =	vor.u32 v6, v30;
	v60 =	vld.idx.msk [tilespmem:v60+s19+$0x0], $0xffff  }
0x118: {  	v39 =	vld.idx.msk [tilespmem:v63+s19+$0x0], $0xffff;
	[tilespmem:s14+$0xA80] =	vst v61;
	v61 =	vor.u32 v21, v36  }
0x119: {  	v62 =	vor.u32 v20, v26;
	v34 =	vshll.u32 v34, $0x9;
	[tilespmem:s29+$0x580] =	vst v52;
	v44 =	vld.idx.msk [tilespmem:v53+s19+$0x0], $0xffff  }
0x11a: {  	v63 =	vld.idx.msk [tilespmem:v55+s19+$0x0], $0xffff;
	v52 =	vor.u32 v6, v34;
	[tilespmem:s23+$0x580] =	vst v41  }
0x11b: {  	v53 =	vor.u32 v20, v38;
	[tilespmem:s15+$0xC80] =	vst v54;
	v37 =	vld.idx.msk [tilespmem:v57+s19+$0x0], $0xffff  }
0x11c: {  	v54 =	vor.u32 v17, v27;
	v43 =	vld.idx.msk [tilespmem:v59+s19+$0x0], $0xffff;
	[tilespmem:s0+$0xD00] =	vst v58  }
0x11d: {  	v55 =	vor.u32 v7, v29;
	[tilespmem:s13+$0xC80] =	vst v60;
	v56 =	vld.idx.msk [tilespmem:v61+s19+$0x0], $0xffff  }
0x11e: {  	v57 =	vor.u32 v7, v30;
	[tilespmem:s26+$0x580] =	vst v39;
	v58 =	vld.idx.msk [tilespmem:v62+s19+$0x0], $0xffff  }
0x11f: {  	v61 =	vor.u32 v8, v28;
	v59 =	vld.idx.msk [tilespmem:v52+s19+$0x0], $0xffff;
	[tilespmem:s14+$0xB00] =	vst v44  }
0x120: {  	v60 =	vor.u32 v22, v36;
	[tilespmem:s16+$0x680] =	vst v63;
	v41 =	vld.idx.msk [tilespmem:v53+s19+$0x0], $0xffff  }
0x121: {  	v62 =	vor.u32 v7, v34;
	v63 =	vld.idx.msk [tilespmem:v54+s19+$0x0], $0xffff;
	[tilespmem:s29+$0x600] =	vst v37  }
0x122: {  	v52 =	vor.u32 v21, v38;
	[tilespmem:s23+$0x600] =	vst v43;
	v40 =	vld.idx.msk [tilespmem:v55+s19+$0x0], $0xffff  }
0x123: {  	v53 =	vor.u32 v18, v27;
	v46 =	vld.idx.msk [tilespmem:v57+s19+$0x0], $0xffff;
	[tilespmem:s0+$0xD80] =	vst v56  }
0x124: {  	v54 =	vor.u32 v8, v29;
	[tilespmem:s13+$0xD00] =	vst v58;
	v56 =	vld.idx.msk [tilespmem:v61+s19+$0x0], $0xffff  }
0x125: {  	v57 =	vor.u32 v8, v30;
	v55 =	vld.idx.msk [tilespmem:v60+s19+$0x0], $0xffff;
	[tilespmem:s26+$0x600] =	vst v59  }
0x126: {  	[tilespmem:s15+$0xD00] =	vst v41;
	v59 =	vor.u32 v9, v28;
	v42 =	vld.idx.msk [tilespmem:v62+s19+$0x0], $0xffff  }
0x127: {  	v58 =	vor.u32 v23, v36;
	[tilespmem:s14+$0xB80] =	vst v63;
	v60 =	vld.idx.msk [tilespmem:v52+s19+$0x0], $0xffff  }
0x128: {  	v61 =	vor.u32 v8, v34;
	v62 =	vld.idx.msk [tilespmem:v53+s19+$0x0], $0xffff;
	[tilespmem:s29+$0x680] =	vst v40  }
0x129: {  	v63 =	vor.u32 v22, v38;
	[tilespmem:s23+$0x680] =	vst v46;
	v45 =	vld.idx.msk [tilespmem:v54+s19+$0x0], $0xffff  }
0x12a: {  	v52 =	vor.u32 v19, v27;
	[tilespmem:s16+$0x700] =	vst v56;
	v47 =	vld.idx.msk [tilespmem:v57+s19+$0x0], $0xffff  }
0x12b: {  	v53 =	vor.u32 v9, v29;
	[tilespmem:s0+$0xE00] =	vst v55;
	v41 =	vld.idx.msk [tilespmem:v59+s19+$0x0], $0xffff  }
0x12c: {  	v55 =	vor.u32 v9, v30;
	v54 =	vld.idx.msk [tilespmem:v58+s19+$0x0], $0xffff;
	[tilespmem:s26+$0x680] =	vst v42  }
0x12d: {  	v57 =	vor.u32 v10, v28;
	[tilespmem:s15+$0xD80] =	vst v60;
	v42 =	vld.idx.msk [tilespmem:v61+s19+$0x0], $0xffff  }
0x12e: {  	v56 =	vor.u32 v24, v36;
	[tilespmem:s14+$0xC00] =	vst v62;
	v58 =	vld.idx.msk [tilespmem:v63+s19+$0x0], $0xffff  }
0x12f: {  	v59 =	vor.u32 v9, v34;
	v60 =	vld.idx.msk [tilespmem:v52+s19+$0x0], $0xffff;
	[tilespmem:s29+$0x700] =	vst v45  }
0x130: {  	v61 =	vor.u32 v23, v38;
	[tilespmem:s23+$0x700] =	vst v47;
	v39 =	vld.idx.msk [tilespmem:v53+s19+$0x0], $0xffff  }
0x131: {  	v63 =	vor.u32 v20, v27;
	[tilespmem:s16+$0x780] =	vst v41;
	v62 =	vld.idx.msk [tilespmem:v55+s19+$0x0], $0xffff  }
0x132: {  	v52 =	vor.u32 v10, v29;
	[tilespmem:s0+$0xE80] =	vst v54;
	v37 =	vld.idx.msk [tilespmem:v57+s19+$0x0], $0xffff  }
0x133: {  	v53 =	vor.u32 v10, v30;
	v43 =	vld.idx.msk [tilespmem:v56+s19+$0x0], $0xffff;
	[tilespmem:s26+$0x700] =	vst v42  }
0x134: {  	v54 =	vor.u32 v11, v28;
	[tilespmem:s15+$0xE00] =	vst v58;
	v42 =	vld.idx.msk [tilespmem:v59+s19+$0x0], $0xffff  }
0x135: {  	v58 =	vor.u32 v21, v26;
	[tilespmem:s14+$0xC80] =	vst v60;
	v55 =	vld.idx.msk [tilespmem:v61+s19+$0x0], $0xffff  }
0x136: {  	v36 =	vor.u32 v25, v36;
	v57 =	vld.idx.msk [tilespmem:v63+s19+$0x0], $0xffff;
	[tilespmem:s29+$0x780] =	vst v39  }
0x137: {  	v56 =	vor.u32 v10, v34;
	[tilespmem:s23+$0x780] =	vst v62;
	v41 =	vld.idx.msk [tilespmem:v52+s19+$0x0], $0xffff  }
0x138: {  	v45 =	vor.u32 v24, v38;
	[tilespmem:s16+$0x800] =	vst v37;
	v44 =	vld.idx.msk [tilespmem:v53+s19+$0x0], $0xffff  }
0x139: {  	v59 =	vor.u32 v21, v27;
	[tilespmem:s0+$0xF00] =	vst v43;
	v40 =	vld.idx.msk [tilespmem:v54+s19+$0x0], $0xffff  }
0x13a: {  	v60 =	vor.u32 v11, v29;
	v47 =	vld.idx.msk [tilespmem:v58+s19+$0x0], $0xffff;
	[tilespmem:s26+$0x780] =	vst v42  }
0x13b: {  	v61 =	vor.u32 v11, v30;
	v36 =	vld.idx.msk [tilespmem:v36+s19+$0x0], $0xffff;
	[tilespmem:s15+$0xE80] =	vst v55  }
0x13c: {  	v62 =	vor.u32 v12, v28;
	v42 =	vld.idx.msk [tilespmem:v56+s19+$0x0], $0xffff;
	[tilespmem:s14+$0xD00] =	vst v57  }
0x13d: {  	v57 =	vor.u32 v22, v26;
	v39 =	vld.idx.msk [tilespmem:v45+s19+$0x0], $0xffff;
	[tilespmem:s29+$0x800] =	vst v41  }
0x13e: {  	v31 =	vtrunc.f32 v31;
	v63 =	vor.u32 v11, v34;
	v48 =	vld.idx.msk [tilespmem:v59+s19+$0x0], $0xffff;
	[tilespmem:s23+$0x800] =	vst v44  }
0x13f: {  	v31 =	vcvt.f32.s32 v31;
	v59 =	vor.u32 v22, v27;
	v56 =	vld.idx.msk [tilespmem:v60+s19+$0x0], $0xffff;
	[tilespmem:s16+$0x880] =	vst v40  }
0x140: {  	v32 =	vtrunc.f32 v32;
	[tilespmem:s13+$0xD80] =	vst v47;
	v58 =	vld.idx.msk [tilespmem:v61+s19+$0x0], $0xffff;
	v61 =	vor.u32 v12, v29  }
0x141: {  	v32 =	vcvt.f32.s32 v32;
	v33 =	vtrunc.f32 v33;
	v31 =	vshll.u32 v31, $0x9;
	[tilespmem:s0+$0xF80] =	vst v36;
	v44 =	vld.idx.msk [tilespmem:v62+s19+$0x0], $0xffff  }
0x142: {  	v60 =	vcvt.f32.s32 v33;
	v47 =	vor.u32 v25, v38;
	v62 =	vtrunc.f32 v35;
	[tilespmem:s26+$0x800] =	vst v42;
	v41 =	vld.idx.msk [tilespmem:v57+s19+$0x0], $0xffff  }
0x143: {  	v46 =	vor.u32 v23, v26;
	v38 =	vor.u32 v13, v28;
	v40 =	vld.idx.msk [tilespmem:v63+s19+$0x0], $0xffff;
	v63 =	vcvt.f32.s32 v62;
	[tilespmem:s14+$0xD80] =	vst v48  }
0x144: {  	v45 =	vor.u32 v12, v34;
	v33 =	vor.u32 v23, v27;
	v36 =	vshll.u32 v60, $0x9;
	v43 =	vld.idx.msk [tilespmem:v59+s19+$0x0], $0xffff;
	[tilespmem:s29+$0x880] =	vst v56  }
0x145: {  	s30 =	simm.s32 $0x4;
	v35 =	vshll.u32 v32, $0x9;
	v37 =	vor.u32 v23, v36;
	v32 =	vshll.u32 v63, $0x9;
	[tilespmem:s23+$0x880] =	vst v58;
	v42 =	vld.idx.msk [tilespmem:v61+s19+$0x0], $0xffff  }
.LBB2_3:
0x146: {  	s30 =	sadd.s32 $0x4, s30;
	[tilespmem:s15+$0xF00] =	vst v39  }
0x147: {  	s28 =	sadd.s32 $0x40, s28;
	s0 =	sshll.u32 s30, $0x4;
	s3 =	sshll.u32 s30, $0x9;
	[tilespmem:s16+$0x900] =	vst v44;
	v39 =	vld.idx.msk [tilespmem:v47+s19+$0x0], $0xffff  }
0x148: {  	s10 =	sand.u32 $0x40, s28;
	s6 =	sand.u32 $0x3FFFFF80, s0;
	s0 =	sand.u32 $0x3FFFF000, s3;
	v38 =	vld.idx.msk [tilespmem:v38+s19+$0x0], $0xffff;
	[tilespmem:s26+$0x880] =	vst v40  }
0x149: {  	v44 =	vor.u32 v13, v29;
	s2 =	sadd.s32 $0x400, s6;
	s3 =	sadd.s32 $0xC00, s6;
	s0 =	sadd.s32 $0x2000, s0;
	v40 =	vld.idx.msk [tilespmem:v45+s19+$0x0], $0xffff;
	[tilespmem:s13+$0xE00] =	vst v41  }
0x14a: {  	s4 =	sor.u32 $0x20, s10;
	s7 =	sor.u32 s10, s6;
	s24 =	sadd.s32 $0x800, s6;
	v41 =	vld.idx.msk [tilespmem:v46+s19+$0x0], $0xffff;
	[tilespmem:s14+$0xE00] =	vst v43  }
0x14b: {  	s18 =	sor.u32 $0x30, s10;
	s21 =	sor.u32 s4, s6;
	s1 =	sor.u32 s10, s2;
	[tilespmem:s29+$0x900] =	vst v42;
	v42 =	vld.idx.msk [tilespmem:v33+s19+$0x0], $0xffff;
	v33 =	vmov v37  }
0x14c: {  	s9 =	sor.u32 $0x10, s10;
	s5 =	sor.u32 s18, s6;
	v43 =	vor.u32 v24, v26;
	v37 =	vld [tilespmem:s7+$0x0];
	s7 =	sor.u32 s4, s2  }
0x14d: {  	s12 =	sor.u32 s9, s6;
	s20 =	sor.u32 s9, s2;
	s17 =	sor.u32 s18, s3;
	v45 =	vld [tilespmem:s7+$0x0];
	[tilespmem:s15+$0xF80] =	vst v39  }
0x14e: {  	s6 =	sor.u32 s9, s24;
	s22 =	sor.u32 s9, s3;
	s25 =	sor.u32 s18, s24;
	v39 =	vor.u32 v24, v27;
	[tilespmem:s16+$0x980] =	vst v38;
	v38 =	vld.idx.msk [tilespmem:v44+s19+$0x0], $0xffff  }
0x14f: {  	s31 =	sor.u32 s10, s24;
	s8 =	sor.u32 s10, s3;
	s3 =	sor.u32 s4, s3;
	v44 =	vld [tilespmem:s21+$0x0];
	[tilespmem:s26+$0x900] =	vst v40  }
0x150: {  	p1 =	slt.u32 s30, $0x3C;
	s7 =	sor.u32 s4, s24;
	s15 =	smov.u32 s29;
	v40 =	vld [tilespmem:s12+$0x0];
	[tilespmem:s13+$0xE80] =	vst v41  }
0x151: {  	v41 =	vld.idx.msk [tilespmem:v43+s19+$0x0], $0xffff;
	[tilespmem:s14+$0xE80] =	vst v42  }
0x152: {  	s2 =	sor.u32 s18, s2;
	v42 =	vld [tilespmem:s5+$0x0]  }
0x153: {  	v37 =	vtrunc.f32 v37;
	v43 =	vor.u32 v25, v26;
	v26 =	vmov v35;
	v39 =	vld.idx.msk [tilespmem:v39+s19+$0x0], $0xffff  }
0x154: {  	v46 =	vor.u32 v13, v34;
	v35 =	vcvt.f32.s32 v37;
	v37 =	vtrunc.f32 v44;
	v44 =	vld [tilespmem:s2+$0x0];
	[tilespmem:s15+$0x980] =	vst v38  }
0x155: {  	v47 =	vor.u32 v25, v27;
	v27 =	vmovc v36;
	v38 =	vld [tilespmem:s1+$0x0];
	v40 =	vtrunc.f32 v40;
	v37 =	vcvt.f32.s32 v37  }
0x156: {  	v48 =	vor.u32 v14, v29;
	v35 =	vshll.u32 v35, $0x9;
	v36 =	vcvt.f32.s32 v40;
	v40 =	vld [tilespmem:s20+$0x0]  }
0x157: {  	v35 =	vor.u32 v0, v35;
	v49 =	vld [tilespmem:s8+$0x0];
	v37 =	vshll.u32 v37, $0x9;
	v42 =	vtrunc.f32 v42;
	[tilespmem:s13+$0xF00] =	vst v41  }
0x158: {  	v36 =	vshll.u32 v36, $0x9;
	v37 =	vor.u32 v0, v37;
	v41 =	vcvt.f32.s32 v42;
	v50 =	vld.idx.msk [tilespmem:v43+s19+$0x0], $0xffff  }
0x159: {  	v42 =	vtrunc.f32 v45;
	v43 =	vtrunc.f32 v44;
	v44 =	vld.idx.msk [tilespmem:v46+s19+$0x0], $0xffff;
	[tilespmem:s14+$0xF00] =	vst v39  }
0x15a: {  	v39 =	vcvt.f32.s32 v42;
	v38 =	vtrunc.f32 v38;
	v45 =	vshll.u32 v41, $0x9;
	v46 =	vld.idx.msk [tilespmem:v47+s19+$0x0], $0xffff  }
0x15b: {  	v38 =	vcvt.f32.s32 v38;
	v40 =	vtrunc.f32 v40;
	v47 =	vld.idx.msk [tilespmem:v48+s19+$0x0], $0xffff  }
0x15c: {  	v48 =	vld.idx.msk [tilespmem:v35+s19+$0x0], $0xffff;
	v35 =	vcvt.f32.s32 v40;
	v40 =	vshll.u32 v39, $0x9;
	v39 =	vcvt.f32.s32 v43  }
0x15d: {  	s1 =	sor.u32 s10, s0;
	v43 =	vshll.u32 v38, $0x9;
	v38 =	vtrunc.f32 v49;
	v49 =	vld.idx.msk [tilespmem:v37+s19+$0x0], $0xffff;
	v37 =	vor.u32 v14, v34  }
0x15e: {  	v51 =	vor.u32 v1, v43;
	v41 =	vshll.u32 v35, $0x9;
	v42 =	vshll.u32 v39, $0x9;
	v39 =	vld [tilespmem:s17+$0x0];
	[tilespmem:s13+$0xF80] =	vst v50;
	s13 =	smov.u32 s16;
	s16 =	smov.u32 s1  }
0x15f: {  	v36 =	vor.u32 v0, v36;
	v35 =	vcvt.f32.s32 v38;
	v50 =	vor.u32 v1, v41;
	v38 =	vld [tilespmem:s25+$0x0];
	[tilespmem:s26+$0x980] =	vst v44  }
0x160: {  	s29 =	sor.u32 s18, s0;
	v45 =	vor.u32 v0, v45;
	v44 =	vld [tilespmem:s22+$0x0];
	[tilespmem:s14+$0xF80] =	vst v46;
	s14 =	smov.u32 s23  }
0x161: {  	v52 =	vor.u32 v14, v28;
	v35 =	vshll.u32 v35, $0x9;
	v46 =	vld [tilespmem:s31+$0x0];
	[tilespmem:s15+$0xA00] =	vst v47  }
0x162: {  	s23 =	sor.u32 s9, s0;
	[tilespmem:s16+$0x300] =	vst v48;
	v37 =	vld.idx.msk [tilespmem:v37+s19+$0x0], $0xffff  }
0x163: {  	v47 =	vld.idx.msk [tilespmem:v51+s19+$0x0], $0xffff;
	v39 =	vtrunc.f32 v39  }
0x164: {  	v48 =	vld.idx.msk [tilespmem:v36+s19+$0x0], $0xffff;
	v36 =	vtrunc.f32 v38;
	v38 =	vcvt.f32.s32 v39  }
0x165: {  	v39 =	vor.u32 v2, v43;
	v44 =	vtrunc.f32 v44;
	v36 =	vcvt.f32.s32 v36;
	v45 =	vld.idx.msk [tilespmem:v45+s19+$0x0], $0xffff  }
0x166: {  	v34 =	vor.u32 v15, v34;
	v51 =	vor.u32 v2, v41;
	v46 =	vtrunc.f32 v46;
	v52 =	vld.idx.msk [tilespmem:v52+s19+$0x0], $0xffff  }
0x167: {  	v38 =	vshll.u32 v38, $0x9;
	v46 =	vcvt.f32.s32 v46;
	v53 =	vld [tilespmem:s6+$0x0];
	v54 =	vshll.u32 v36, $0x9  }
0x168: {  	v55 =	vor.u32 v1, v40;
	v56 =	vor.u32 v1, v42;
	v36 =	vcvt.f32.s32 v44;
	v44 =	vld [tilespmem:s7+$0x0];
	[tilespmem:s26+$0xA00] =	vst v37  }
0x169: {  	v46 =	vshll.u32 v46, $0x9;
	[tilespmem:s16+$0x380] =	vst v47;
	v47 =	vld [tilespmem:s3+$0x0]  }
0x16a: {  	v36 =	vshll.u32 v36, $0x9;
	v39 =	vld.idx.msk [tilespmem:v39+s19+$0x0], $0xffff;
	[tilespmem:s23+$0x300] =	vst v48;
	v48 =	vor.u32 v15, v29;
	v29 =	vmov v54  }
0x16b: {  	s0 =	sor.u32 s4, s0;
	v37 =	vor.u32 v23, v36;
	[tilespmem:s29+$0x300] =	vst v45;
	v45 =	vor.u32 v15, v28;
	v54 =	vld.idx.msk [tilespmem:v34+s19+$0x0], $0xffff;
	v28 =	vmov v46  }
0x16c: {  	v46 =	vor.u32 v3, v43;
	v34 =	vtrunc.f32 v53;
	v50 =	vld.idx.msk [tilespmem:v50+s19+$0x0], $0xffff;
	[tilespmem:s0+$0x300] =	vst v49;
	v49 =	vor.u32 v16, v32  }
0x16d: {  	v53 =	vor.u32 v3, v41;
	v34 =	vcvt.f32.s32 v34;
	v44 =	vtrunc.f32 v44;
	v56 =	vld.idx.msk [tilespmem:v56+s19+$0x0], $0xffff;
	[tilespmem:s13+$0xA00] =	vst v52  }
0x16e: {  	v44 =	vcvt.f32.s32 v44;
	v47 =	vtrunc.f32 v47;
	v52 =	vld.idx.msk [tilespmem:v55+s19+$0x0], $0xffff  }
0x16f: {  	v57 =	vor.u32 v2, v42;
	v55 =	vshll.u32 v34, $0x9;
	v47 =	vcvt.f32.s32 v47;
	v48 =	vld.idx.msk [tilespmem:v48+s19+$0x0], $0xffff  }
0x170: {  	[tilespmem:s16+$0x400] =	vst v39;
	v34 =	vshll.u32 v44, $0x9;
	v44 =	vld.idx.msk [tilespmem:v45+s19+$0x0], $0xffff;
	v45 =	vor.u32 v12, v30  }
0x171: {  	v46 =	vld.idx.msk [tilespmem:v46+s19+$0x0], $0xffff;
	v39 =	vshll.u32 v47, $0x9;
	[tilespmem:s26+$0xA80] =	vst v54;
	v47 =	vor.u32 v16, v31  }
0x172: {  	[tilespmem:s23+$0x380] =	vst v50;
	v50 =	vor.u32 v2, v40;
	v49 =	vld.idx.msk [tilespmem:v49+s19+$0x0], $0xffff  }
0x173: {  	v54 =	vor.u32 v16, v26;
	v51 =	vld.idx.msk [tilespmem:v51+s19+$0x0], $0xffff;
	[tilespmem:s29+$0x380] =	vst v56  }
0x174: {  	v58 =	vor.u32 v4, v41;
	v56 =	vor.u32 v4, v43;
	[tilespmem:s0+$0x380] =	vst v52;
	v52 =	vld.idx.msk [tilespmem:v57+s19+$0x0], $0xffff  }
0x175: {  	v57 =	vor.u32 v17, v32;
	v45 =	vld.idx.msk [tilespmem:v45+s19+$0x0], $0xffff;
	[tilespmem:s15+$0xA80] =	vst v48  }
0x176: {  	v48 =	vor.u32 v3, v42;
	[tilespmem:s13+$0xA80] =	vst v44;
	v44 =	vld.idx.msk [tilespmem:v47+s19+$0x0], $0xffff  }
0x177: {  	[tilespmem:s16+$0x480] =	vst v46;
	v46 =	vld.idx.msk [tilespmem:v50+s19+$0x0], $0xffff  }
0x178: {  	v50 =	vor.u32 v13, v30;
	v47 =	vld.idx.msk [tilespmem:v54+s19+$0x0], $0xffff;
	[tilespmem:s26+$0xB00] =	vst v49  }
0x179: {  	v49 =	vld.idx.msk [tilespmem:v56+s19+$0x0], $0xffff;
	[tilespmem:s23+$0x400] =	vst v51;
	v51 =	vor.u32 v17, v31  }
0x17a: {  	[tilespmem:s29+$0x400] =	vst v52;
	v52 =	vor.u32 v17, v26;
	v54 =	vld.idx.msk [tilespmem:v57+s19+$0x0], $0xffff  }
0x17b: {  	v43 =	vor.u32 v5, v43;
	v56 =	vor.u32 v3, v40;
	v48 =	vld.idx.msk [tilespmem:v48+s19+$0x0], $0xffff;
	[tilespmem:s14+$0x900] =	vst v45  }
0x17c: {  	v45 =	vld.idx.msk [tilespmem:v53+s19+$0x0], $0xffff;
	v53 =	vor.u32 v18, v32;
	[tilespmem:s15+$0xB00] =	vst v44  }
0x17d: {  	[tilespmem:s0+$0x400] =	vst v46;
	v44 =	vld.idx.msk [tilespmem:v50+s19+$0x0], $0xffff  }
0x17e: {  	[tilespmem:s13+$0xB00] =	vst v47;
	v46 =	vld.idx.msk [tilespmem:v51+s19+$0x0], $0xffff  }
0x17f: {  	[tilespmem:s16+$0x500] =	vst v49;
	v47 =	vld.idx.msk [tilespmem:v52+s19+$0x0], $0xffff;
	v49 =	vor.u32 v14, v30  }
0x180: {  	v50 =	vor.u32 v4, v42;
	v43 =	vld.idx.msk [tilespmem:v43+s19+$0x0], $0xffff;
	[tilespmem:s26+$0xB80] =	vst v54  }
0x181: {  	v51 =	vor.u32 v6, v28;
	v52 =	vor.u32 v18, v31;
	[tilespmem:s29+$0x480] =	vst v48;
	v48 =	vld.idx.msk [tilespmem:v53+s19+$0x0], $0xffff  }
0x182: {  	[tilespmem:s23+$0x480] =	vst v45;
	v45 =	vld.idx.msk [tilespmem:v56+s19+$0x0], $0xffff  }
0x183: {  	v53 =	vld.idx.msk [tilespmem:v58+s19+$0x0], $0xffff;
	[tilespmem:s14+$0x980] =	vst v44;
	v44 =	vor.u32 v19, v32  }
0x184: {  	v54 =	vor.u32 v18, v26;
	v49 =	vld.idx.msk [tilespmem:v49+s19+$0x0], $0xffff;
	[tilespmem:s15+$0xB80] =	vst v46  }
0x185: {  	v46 =	vor.u32 v4, v40;
	v50 =	vld.idx.msk [tilespmem:v50+s19+$0x0], $0xffff;
	[tilespmem:s13+$0xB80] =	vst v47  }
0x186: {  	[tilespmem:s16+$0x580] =	vst v43;
	v43 =	vor.u32 v15, v30;
	v47 =	vld.idx.msk [tilespmem:v52+s19+$0x0], $0xffff;
	v30 =	vmov v55  }
0x187: {  	v42 =	vor.u32 v5, v42;
	v51 =	vld.idx.msk [tilespmem:v51+s19+$0x0], $0xffff;
	[tilespmem:s26+$0xC00] =	vst v48  }
0x188: {  	[tilespmem:s0+$0x480] =	vst v45;
	v44 =	vld.idx.msk [tilespmem:v44+s19+$0x0], $0xffff;
	v45 =	vor.u32 v19, v31  }
0x189: {  	v41 =	vor.u32 v5, v41;
	[tilespmem:s23+$0x500] =	vst v53;
	v48 =	vld.idx.msk [tilespmem:v54+s19+$0x0], $0xffff  }
0x18a: {  	v52 =	vor.u32 v7, v28;
	v46 =	vld.idx.msk [tilespmem:v46+s19+$0x0], $0xffff;
	[tilespmem:s14+$0xA00] =	vst v49;
	v49 =	vor.u32 v20, v32  }
0x18b: {  	[tilespmem:s29+$0x500] =	vst v50;
	v50 =	vor.u32 v19, v26;
	v43 =	vld.idx.msk [tilespmem:v43+s19+$0x0], $0xffff  }
0x18c: {  	v40 =	vor.u32 v5, v40;
	v42 =	vld.idx.msk [tilespmem:v42+s19+$0x0], $0xffff;
	[tilespmem:s15+$0xC00] =	vst v47  }
0x18d: {  	v47 =	vor.u32 v16, v27;
	[tilespmem:s16+$0x600] =	vst v51;
	v45 =	vld.idx.msk [tilespmem:v45+s19+$0x0], $0xffff  }
0x18e: {  	v41 =	vld.idx.msk [tilespmem:v41+s19+$0x0], $0xffff;
	[tilespmem:s26+$0xC80] =	vst v44  }
0x18f: {  	v44 =	vor.u32 v6, v29;
	[tilespmem:s13+$0xC00] =	vst v48;
	v48 =	vld.idx.msk [tilespmem:v49+s19+$0x0], $0xffff  }
0x190: {  	v49 =	vor.u32 v6, v30;
	[tilespmem:s0+$0x500] =	vst v46;
	v46 =	vld.idx.msk [tilespmem:v50+s19+$0x0], $0xffff  }
0x191: {  	v40 =	vld.idx.msk [tilespmem:v40+s19+$0x0], $0xffff;
	[tilespmem:s14+$0xA80] =	vst v43;
	v43 =	vor.u32 v21, v32  }
0x192: {  	[tilespmem:s29+$0x580] =	vst v42;
	v42 =	vor.u32 v20, v26;
	v47 =	vld.idx.msk [tilespmem:v47+s19+$0x0], $0xffff  }
0x193: {  	v51 =	vor.u32 v6, v34;
	v50 =	vld.idx.msk [tilespmem:v52+s19+$0x0], $0xffff;
	[tilespmem:s15+$0xC80] =	vst v45  }
0x194: {  	[tilespmem:s23+$0x580] =	vst v41;
	v41 =	vld.idx.msk [tilespmem:v44+s19+$0x0], $0xffff;
	v44 =	vor.u32 v20, v31  }
0x195: {  	v45 =	vld.idx.msk [tilespmem:v49+s19+$0x0], $0xffff;
	v49 =	vor.u32 v17, v27;
	[tilespmem:s26+$0xD00] =	vst v48  }
0x196: {  	v48 =	vor.u32 v7, v29;
	[tilespmem:s13+$0xC80] =	vst v46;
	v43 =	vld.idx.msk [tilespmem:v43+s19+$0x0], $0xffff  }
0x197: {  	v46 =	vor.u32 v7, v30;
	[tilespmem:s0+$0x580] =	vst v40;
	v40 =	vld.idx.msk [tilespmem:v42+s19+$0x0], $0xffff  }
0x198: {  	v42 =	vld.idx.msk [tilespmem:v51+s19+$0x0], $0xffff;
	[tilespmem:s14+$0xB00] =	vst v47;
	v47 =	vor.u32 v22, v32  }
0x199: {  	[tilespmem:s16+$0x680] =	vst v50;
	v50 =	vor.u32 v8, v28;
	v44 =	vld.idx.msk [tilespmem:v44+s19+$0x0], $0xffff  }
0x19a: {  	v51 =	vor.u32 v7, v34;
	[tilespmem:s29+$0x600] =	vst v41;
	v41 =	vld.idx.msk [tilespmem:v49+s19+$0x0], $0xffff  }
0x19b: {  	[tilespmem:s23+$0x600] =	vst v45;
	v45 =	vld.idx.msk [tilespmem:v48+s19+$0x0], $0xffff;
	v48 =	vor.u32 v21, v31  }
0x19c: {  	v49 =	vor.u32 v18, v27;
	v46 =	vld.idx.msk [tilespmem:v46+s19+$0x0], $0xffff;
	[tilespmem:s26+$0xD80] =	vst v43  }
0x19d: {  	v43 =	vor.u32 v8, v29;
	[tilespmem:s13+$0xD00] =	vst v40;
	v40 =	vld.idx.msk [tilespmem:v47+s19+$0x0], $0xffff  }
0x19e: {  	v47 =	vld.idx.msk [tilespmem:v50+s19+$0x0], $0xffff;
	v50 =	vor.u32 v8, v30;
	[tilespmem:s0+$0x600] =	vst v42  }
0x19f: {  	v42 =	vld.idx.msk [tilespmem:v51+s19+$0x0], $0xffff;
	v51 =	vor.u32 v23, v32;
	[tilespmem:s15+$0xD00] =	vst v44  }
0x1a0: {  	v44 =	vor.u32 v9, v28;
	[tilespmem:s14+$0xB80] =	vst v41;
	v41 =	vld.idx.msk [tilespmem:v48+s19+$0x0], $0xffff  }
0x1a1: {  	v48 =	vor.u32 v8, v34;
	[tilespmem:s29+$0x680] =	vst v45;
	v45 =	vld.idx.msk [tilespmem:v49+s19+$0x0], $0xffff  }
0x1a2: {  	[tilespmem:s23+$0x680] =	vst v46;
	v43 =	vld.idx.msk [tilespmem:v43+s19+$0x0], $0xffff;
	v46 =	vor.u32 v22, v31  }
0x1a3: {  	v49 =	vld.idx.msk [tilespmem:v50+s19+$0x0], $0xffff;
	v50 =	vor.u32 v19, v27;
	[tilespmem:s26+$0xE00] =	vst v40  }
0x1a4: {  	v40 =	vor.u32 v9, v29;
	[tilespmem:s16+$0x700] =	vst v47;
	v47 =	vld.idx.msk [tilespmem:v51+s19+$0x0], $0xffff  }
0x1a5: {  	v51 =	vor.u32 v9, v30;
	v44 =	vld.idx.msk [tilespmem:v44+s19+$0x0], $0xffff;
	[tilespmem:s0+$0x680] =	vst v42  }
0x1a6: {  	v42 =	vld.idx.msk [tilespmem:v48+s19+$0x0], $0xffff;
	v48 =	vor.u32 v24, v32;
	[tilespmem:s15+$0xD80] =	vst v41  }
0x1a7: {  	v41 =	vor.u32 v10, v28;
	[tilespmem:s14+$0xC00] =	vst v45;
	v45 =	vld.idx.msk [tilespmem:v46+s19+$0x0], $0xffff  }
0x1a8: {  	v46 =	vor.u32 v9, v34;
	[tilespmem:s29+$0x700] =	vst v43;
	v43 =	vld.idx.msk [tilespmem:v50+s19+$0x0], $0xffff  }
0x1a9: {  	[tilespmem:s23+$0x700] =	vst v49;
	v40 =	vld.idx.msk [tilespmem:v40+s19+$0x0], $0xffff;
	v49 =	vor.u32 v23, v31  }
0x1aa: {  	v50 =	vld.idx.msk [tilespmem:v51+s19+$0x0], $0xffff;
	v51 =	vor.u32 v20, v27;
	[tilespmem:s26+$0xE80] =	vst v47  }
0x1ab: {  	[tilespmem:s16+$0x780] =	vst v44;
	v44 =	vor.u32 v10, v29;
	v47 =	vld.idx.msk [tilespmem:v48+s19+$0x0], $0xffff  }
0x1ac: {  	v48 =	vor.u32 v10, v30;
	v41 =	vld.idx.msk [tilespmem:v41+s19+$0x0], $0xffff;
	[tilespmem:s0+$0x700] =	vst v42  }
0x1ad: {  	v42 =	vld.idx.msk [tilespmem:v46+s19+$0x0], $0xffff;
	v46 =	vor.u32 v25, v32;
	[tilespmem:s15+$0xE00] =	vst v45;
	v32 =	vmov v39  }
0x1ae: {  	v39 =	vor.u32 v11, v28;
	[tilespmem:s14+$0xC80] =	vst v43;
	v43 =	vld.idx.msk [tilespmem:v49+s19+$0x0], $0xffff  }
0x1af: {  	v45 =	vor.u32 v10, v34;
	[tilespmem:s29+$0x780] =	vst v40;
	v40 =	vld.idx.msk [tilespmem:v51+s19+$0x0], $0xffff  }
0x1b0: {  	v49 =	vor.u32 v21, v26;
	[tilespmem:s23+$0x780] =	vst v50;
	v44 =	vld.idx.msk [tilespmem:v44+s19+$0x0], $0xffff  }
0x1b1: {  	v50 =	vor.u32 v21, v27;
	v48 =	vld.idx.msk [tilespmem:v48+s19+$0x0], $0xffff;
	[tilespmem:s26+$0xF00] =	vst v47  }
0x1b2: {  	[tilespmem:s16+$0x800] =	vst v41;
	v41 =	vor.u32 v11, v29;
	v46 =	vld.idx.msk [tilespmem:v46+s19+$0x0], $0xffff  }
0x1b3: {  	v47 =	vor.u32 v11, v30;
	v39 =	vld.idx.msk [tilespmem:v39+s19+$0x0], $0xffff;
	[tilespmem:s0+$0x780] =	vst v42  }
0x1b4: {  	v42 =	vld.idx.msk [tilespmem:v45+s19+$0x0], $0xffff;
	[tilespmem:s15+$0xE80] =	vst v43;
	v43 =	vor.u32 v24, v31  }
0x1b5: {  	v45 =	vor.u32 v12, v28;
	v49 =	vld.idx.msk [tilespmem:v49+s19+$0x0], $0xffff;
	[tilespmem:s14+$0xD00] =	vst v40  }
0x1b6: {  	v40 =	vor.u32 v11, v34;
	[tilespmem:s29+$0x800] =	vst v44;
	v50 =	vld.idx.msk [tilespmem:v50+s19+$0x0], $0xffff  }
0x1b7: {  	[tilespmem:s23+$0x800] =	vst v48;
	v48 =	vld.idx.msk [tilespmem:v41+s19+$0x0], $0xffff;
	v41 =	vor.u32 v22, v26  }
0x1b8: {  	v52 =	vor.u32 v22, v27;
	v51 =	vld.idx.msk [tilespmem:v47+s19+$0x0], $0xffff;
	[tilespmem:s26+$0xF80] =	vst v46;
	s26 =	smov.u32 s0  }
0x1b9: {  	v46 =	vor.u32 v12, v29;
	[tilespmem:s16+$0x880] =	vst v39;
	v39 =	vld.idx.msk [tilespmem:v43+s19+$0x0], $0xffff  }
.Ltmp0:
0x1ba: {  	v44 =	vld.idx.msk [tilespmem:v45+s19+$0x0], $0xffff;
	[tilespmem:s26+$0x800] =	vst v42;
	(pc) =	sbr.rel @p1 .LBB2_3-.Ltmp0, $4  }
0x1bb: {  	v47 =	vor.u32 v25, v31;
	v31 =	vmov v38;
	v40 =	vld.idx.msk [tilespmem:v40+s19+$0x0], $0xffff;
	[tilespmem:s13+$0xD80] =	vst v49  }
0x1bc: {  	v38 =	vor.u32 v13, v28;
	v41 =	vld.idx.msk [tilespmem:v41+s19+$0x0], $0xffff;
	[tilespmem:s14+$0xD80] =	vst v50  }
0x1bd: {  	v45 =	vor.u32 v12, v34;
	[tilespmem:s29+$0x880] =	vst v48;
	v43 =	vld.idx.msk [tilespmem:v52+s19+$0x0], $0xffff  }
0x1be: {  	[tilespmem:s23+$0x880] =	vst v51;
	v42 =	vld.idx.msk [tilespmem:v46+s19+$0x0], $0xffff;
	v46 =	vor.u32 v23, v26  }
0x1bf: {  	_ =	sdelay $0x1  }
0x1c0: {  	v62 =	vor.u32 v12, v30  }
0x1c1: {  	[tilespmem:s26+$0x880] =	vst v40  }
0x1c2: {  	v40 =	vld.idx.msk [tilespmem:v45+s19+$0x0], $0xffff  }
0x1c3: {  	[tilespmem:s15+$0xF00] =	vst v39;
	v48 =	vor.u32 v13, v34  }
0x1c4: {  	[tilespmem:s16+$0x900] =	vst v44;
	v49 =	vor.u32 v13, v29;
	v39 =	vld.idx.msk [tilespmem:v47+s19+$0x0], $0xffff  }
0x1c5: {  	[tilespmem:s13+$0xE00] =	vst v41;
	v50 =	vld.idx.msk [tilespmem:v62+s19+$0x0], $0xffff  }
0x1c6: {  	v51 =	vor.u32 v13, v30;
	v63 =	vld.idx.msk [tilespmem:v38+s19+$0x0], $0xffff;
	[tilespmem:s14+$0xE00] =	vst v43  }
0x1c7: {  	v38 =	vld.idx.msk [tilespmem:v46+s19+$0x0], $0xffff;
	[tilespmem:s26+$0x900] =	vst v40  }
0x1c8: {  	[tilespmem:s29+$0x900] =	vst v42;
	v40 =	vld.idx.msk [tilespmem:v48+s19+$0x0], $0xffff  }
0x1c9: {  	v52 =	vor.u32 v14, v34;
	v41 =	vld.idx.msk [tilespmem:v49+s19+$0x0], $0xffff  }
0x1ca: {  	v53 =	vor.u32 v14, v29;
	[tilespmem:s23+$0x900] =	vst v50  }
0x1cb: {  	v54 =	vor.u32 v14, v28;
	v44 =	vld.idx.msk [tilespmem:v51+s19+$0x0], $0xffff  }
0x1cc: {  	v55 =	vor.u32 v14, v30  }
0x1cd: {  	[tilespmem:s26+$0x980] =	vst v40  }
0x1ce: {  	[tilespmem:s29+$0x980] =	vst v41;
	v40 =	vld.idx.msk [tilespmem:v52+s19+$0x0], $0xffff  }
0x1cf: {  	v56 =	vor.u32 v15, v34;
	[tilespmem:s16+$0x980] =	vst v63;
	v41 =	vld.idx.msk [tilespmem:v53+s19+$0x0], $0xffff  }
0x1d0: {  	v29 =	vor.u32 v15, v29;
	v57 =	vld.idx.msk [tilespmem:v54+s19+$0x0], $0xffff;
	[tilespmem:s23+$0x980] =	vst v44  }
0x1d1: {  	v28 =	vor.u32 v15, v28;
	v58 =	vld.idx.msk [tilespmem:v55+s19+$0x0], $0xffff  }
0x1d2: {  	v30 =	vor.u32 v15, v30  }
0x1d3: {  	[tilespmem:s26+$0xA00] =	vst v40  }
0x1d4: {  	[tilespmem:s29+$0xA00] =	vst v41;
	v34 =	vld.idx.msk [tilespmem:v56+s19+$0x0], $0xffff  }
0x1d5: {  	v59 =	vor.u32 v16, v32;
	[tilespmem:s16+$0xA00] =	vst v57;
	v29 =	vld.idx.msk [tilespmem:v29+s19+$0x0], $0xffff  }
0x1d6: {  	v60 =	vor.u32 v16, v31;
	v28 =	vld.idx.msk [tilespmem:v28+s19+$0x0], $0xffff;
	[tilespmem:s23+$0xA00] =	vst v58  }
0x1d7: {  	v61 =	vor.u32 v16, v35;
	v30 =	vld.idx.msk [tilespmem:v30+s19+$0x0], $0xffff  }
0x1d8: {  	v62 =	vor.u32 v16, v36  }
0x1d9: {  	[tilespmem:s26+$0xA80] =	vst v34  }
0x1da: {  	[tilespmem:s29+$0xA80] =	vst v29;
	v34 =	vld.idx.msk [tilespmem:v59+s19+$0x0], $0xffff  }
0x1db: {  	[tilespmem:s16+$0xA80] =	vst v28;
	v29 =	vor.u32 v17, v32;
	v28 =	vld.idx.msk [tilespmem:v60+s19+$0x0], $0xffff  }
0x1dc: {  	v45 =	vor.u32 v17, v31;
	v63 =	vld.idx.msk [tilespmem:v61+s19+$0x0], $0xffff;
	[tilespmem:s23+$0xA80] =	vst v30  }
0x1dd: {  	v30 =	vor.u32 v17, v35;
	v46 =	vld.idx.msk [tilespmem:v62+s19+$0x0], $0xffff  }
0x1de: {  	v47 =	vor.u32 v17, v36  }
0x1df: {  	[tilespmem:s26+$0xB00] =	vst v34  }
0x1e0: {  	[tilespmem:s29+$0xB00] =	vst v28;
	v29 =	vld.idx.msk [tilespmem:v29+s19+$0x0], $0xffff  }
0x1e1: {  	[tilespmem:s16+$0xB00] =	vst v63;
	v28 =	vor.u32 v18, v32;
	v48 =	vld.idx.msk [tilespmem:v45+s19+$0x0], $0xffff  }
0x1e2: {  	v49 =	vor.u32 v18, v31;
	v30 =	vld.idx.msk [tilespmem:v30+s19+$0x0], $0xffff;
	[tilespmem:s23+$0xB00] =	vst v46  }
0x1e3: {  	v50 =	vor.u32 v18, v35;
	v42 =	vld.idx.msk [tilespmem:v47+s19+$0x0], $0xffff  }
0x1e4: {  	v51 =	vor.u32 v18, v36  }
0x1e5: {  	[tilespmem:s26+$0xB80] =	vst v29  }
0x1e6: {  	[tilespmem:s29+$0xB80] =	vst v48;
	v28 =	vld.idx.msk [tilespmem:v28+s19+$0x0], $0xffff  }
0x1e7: {  	v29 =	vor.u32 v19, v32;
	[tilespmem:s16+$0xB80] =	vst v30;
	v30 =	vld.idx.msk [tilespmem:v49+s19+$0x0], $0xffff  }
0x1e8: {  	v52 =	vor.u32 v19, v31;
	v53 =	vld.idx.msk [tilespmem:v50+s19+$0x0], $0xffff;
	[tilespmem:s23+$0xB80] =	vst v42  }
0x1e9: {  	v54 =	vor.u32 v19, v35;
	v42 =	vld.idx.msk [tilespmem:v51+s19+$0x0], $0xffff  }
0x1ea: {  	v55 =	vor.u32 v19, v36  }
0x1eb: {  	[tilespmem:s26+$0xC00] =	vst v28  }
0x1ec: {  	[tilespmem:s29+$0xC00] =	vst v30;
	v28 =	vld.idx.msk [tilespmem:v29+s19+$0x0], $0xffff  }
0x1ed: {  	v29 =	vor.u32 v20, v32;
	v30 =	vld.idx.msk [tilespmem:v52+s19+$0x0], $0xffff;
	[tilespmem:s16+$0xC00] =	vst v53  }
0x1ee: {  	v57 =	vor.u32 v20, v31;
	v56 =	vld.idx.msk [tilespmem:v54+s19+$0x0], $0xffff;
	[tilespmem:s23+$0xC00] =	vst v42  }
0x1ef: {  	v58 =	vor.u32 v20, v35;
	v42 =	vld.idx.msk [tilespmem:v55+s19+$0x0], $0xffff  }
0x1f0: {  	v59 =	vor.u32 v20, v36  }
0x1f1: {  	[tilespmem:s26+$0xC80] =	vst v28  }
0x1f2: {  	[tilespmem:s29+$0xC80] =	vst v30;
	v28 =	vld.idx.msk [tilespmem:v29+s19+$0x0], $0xffff  }
0x1f3: {  	v29 =	vor.u32 v21, v32;
	[tilespmem:s16+$0xC80] =	vst v56;
	v30 =	vld.idx.msk [tilespmem:v57+s19+$0x0], $0xffff  }
0x1f4: {  	v60 =	vor.u32 v21, v31;
	v34 =	vld.idx.msk [tilespmem:v58+s19+$0x0], $0xffff;
	[tilespmem:s23+$0xC80] =	vst v42  }
0x1f5: {  	v62 =	vor.u32 v21, v35;
	v61 =	vld.idx.msk [tilespmem:v59+s19+$0x0], $0xffff  }
0x1f6: {  	v63 =	vor.u32 v21, v36  }
0x1f7: {  	[tilespmem:s26+$0xD00] =	vst v28  }
0x1f8: {  	[tilespmem:s29+$0xD00] =	vst v30;
	v28 =	vld.idx.msk [tilespmem:v29+s19+$0x0], $0xffff  }
0x1f9: {  	v29 =	vor.u32 v22, v32;
	[tilespmem:s16+$0xD00] =	vst v34;
	v30 =	vld.idx.msk [tilespmem:v60+s19+$0x0], $0xffff  }
0x1fa: {  	v45 =	vor.u32 v22, v31;
	v46 =	vld.idx.msk [tilespmem:v62+s19+$0x0], $0xffff;
	[tilespmem:s23+$0xD00] =	vst v61  }
0x1fb: {  	v47 =	vor.u32 v22, v35;
	v41 =	vld.idx.msk [tilespmem:v63+s19+$0x0], $0xffff  }
0x1fc: {  	v48 =	vor.u32 v22, v36  }
0x1fd: {  	[tilespmem:s26+$0xD80] =	vst v28  }
0x1fe: {  	[tilespmem:s29+$0xD80] =	vst v30;
	v28 =	vld.idx.msk [tilespmem:v29+s19+$0x0], $0xffff  }
0x1ff: {  	v29 =	vor.u32 v23, v32;
	v30 =	vld.idx.msk [tilespmem:v45+s19+$0x0], $0xffff;
	[tilespmem:s16+$0xD80] =	vst v46  }
0x200: {  	v49 =	vor.u32 v23, v31;
	v40 =	vld.idx.msk [tilespmem:v47+s19+$0x0], $0xffff;
	[tilespmem:s23+$0xD80] =	vst v41  }
0x201: {  	v50 =	vor.u32 v23, v35;
	v41 =	vld.idx.msk [tilespmem:v48+s19+$0x0], $0xffff  }
0x202: {  	[tilespmem:s15+$0xF80] =	vst v39  }
0x203: {  	v33 =	vld.idx.msk [tilespmem:v33+s19+$0x0], $0xffff;
	v51 =	vor.u32 v24, v26;
	[tilespmem:s26+$0xE00] =	vst v28  }
0x204: {  	v28 =	vor.u32 v24, v27;
	[tilespmem:s29+$0xE00] =	vst v30;
	v29 =	vld.idx.msk [tilespmem:v29+s19+$0x0], $0xffff  }
0x205: {  	v30 =	vor.u32 v24, v32;
	v34 =	vld.idx.msk [tilespmem:v49+s19+$0x0], $0xffff;
	[tilespmem:s16+$0xE00] =	vst v40  }
0x206: {  	v52 =	vor.u32 v24, v31;
	v42 =	vld.idx.msk [tilespmem:v50+s19+$0x0], $0xffff;
	[tilespmem:s23+$0xE00] =	vst v41  }
0x207: {  	[tilespmem:s13+$0xE80] =	vst v38;
	v53 =	vor.u32 v24, v35;
	v37 =	vld.idx.msk [tilespmem:v37+s19+$0x0], $0xffff  }
0x208: {  	[tilespmem:s14+$0xE80] =	vst v33;
	v54 =	vor.u32 v24, v36;
	v39 =	vld.idx.msk [tilespmem:v51+s19+$0x0], $0xffff  }
0x209: {  	v26 =	vor.u32 v25, v26;
	v28 =	vld.idx.msk [tilespmem:v28+s19+$0x0], $0xffff;
	[tilespmem:s26+$0xE80] =	vst v29  }
0x20a: {  	v27 =	vor.u32 v25, v27;
	[tilespmem:s29+$0xE80] =	vst v34;
	v29 =	vld.idx.msk [tilespmem:v30+s19+$0x0], $0xffff  }
0x20b: {  	v30 =	vor.u32 v25, v32;
	v55 =	vld.idx.msk [tilespmem:v52+s19+$0x0], $0xffff;
	[tilespmem:s16+$0xE80] =	vst v42  }
0x20c: {  	v31 =	vor.u32 v25, v31;
	v56 =	vld.idx.msk [tilespmem:v53+s19+$0x0], $0xffff;
	[tilespmem:s23+$0xE80] =	vst v37  }
0x20d: {  	v57 =	vor.u32 v25, v35;
	[tilespmem:s13+$0xF00] =	vst v39;
	v33 =	vld.idx.msk [tilespmem:v54+s19+$0x0], $0xffff  }
0x20e: {  	v26 =	vld.idx.msk [tilespmem:v26+s19+$0x0], $0xffff;
	[tilespmem:s14+$0xF00] =	vst v28;
	v28 =	vor.u32 v25, v36  }
0x20f: {  	v27 =	vld.idx.msk [tilespmem:v27+s19+$0x0], $0xffff;
	[tilespmem:s26+$0xF00] =	vst v29  }
0x210: {  	[tilespmem:s29+$0xF00] =	vst v55;
	v29 =	vld.idx.msk [tilespmem:v30+s19+$0x0], $0xffff  }
0x211: {  	v30 =	vld.idx.msk [tilespmem:v31+s19+$0x0], $0xffff;
	[tilespmem:s16+$0xF00] =	vst v56  }
0x212: {  	v31 =	vld.idx.msk [tilespmem:v57+s19+$0x0], $0xffff;
	[tilespmem:s23+$0xF00] =	vst v33  }
0x213: {  	[tilespmem:s13+$0xF80] =	vst v26;
	v26 =	vld.idx.msk [tilespmem:v28+s19+$0x0], $0xffff  }
0x214: {  	[tilespmem:s14+$0xF80] =	vst v27  }
0x215: {  	[tilespmem:s26+$0xF80] =	vst v29  }
0x216: {  	[tilespmem:s29+$0xF80] =	vst v30  }
0x217: {  	[tilespmem:s16+$0xF80] =	vst v31  }
0x218: {  	s1 =	simm.s32 $0x5;
	[tilespmem:s23+$0xF80] =	vst v26  }
0x219: {  	_ =	swait.ge [sflag:s1], $0x400  }
0x21a: {  	[sflag:s1] =	ssyncset.done $0x0  }
0x21b: {  	[sflag:s1] =	ssyncadd.s32 $0xFFFFFC00  }
0x21c: {  	_ =	swait.ge [sflag:s1], $0x400  }
0x21d: {  	[sflag:s1] =	ssyncset.done $0x0  }
0x21e: {  	[sflag:s1] =	ssyncadd.s32 $0xFFFFFC00  }
0x21f: {  	_ =	swait.ge [sflag:s1], $0x400  }
0x220: {  	[sflag:s1] =	ssyncset.done $0x0  }
0x221: {  	[sflag:s1] =	ssyncadd.s32 $0xFFFFFC00  }
0x222: {  	_ =	swait.ge [sflag:s1], $0x400  }
0x223: {  	[sflag:s1] =	ssyncset.done $0x0  }
0x224: {  	[sflag:s1] =	ssyncadd.s32 $0xFFFFFC00  }
0x225: {  	_ =	swait.ge [sflag:s1], $0x400  }
0x226: {  	[sflag:s1] =	ssyncset.done $0x0  }
0x227: {  	[sflag:s1] =	ssyncadd.s32 $0xFFFFFC00  }
0x228: {  	s0 =	sshll.u32 s11, $0x15;
	_ =	swait.ge [sflag:s1], $0x400  }
0x229: {  	s25 =	simm.s32 $0x400;
	s24 =	rddreg [dreg:$0x4];
	[sflag:s1] =	ssyncset.done $0x0  }
0x22a: {  	s8 =	rddreg [dreg:$0x8];
	s0 =	sor.u32 s24, s0;
	[sflag:s1] =	ssyncadd.s32 $0xFFFFFC00  }
0x22b: {  	s7 =	simm.s32 $0x2000;
	s0 =	sshrl.u32 s0, $0x3;
	s1 =	rddreg [dreg:$0x2]  }
0x22c: {  	s2 =	simm.s32 $0x8000;
	s9 =	rddreg [dreg:$0x13];
	s0 =	sadd.s32 s1, s0  }
0x22d: {  	[hbm4b:s0+s25] =	stream.strided.scatter [tilespmem:s7], [sflag:$0x3], $0x8000, s2, s25, $0x38;
	[tilespmem:$0x12600] =	vst v63  }
0x22e: {  	s0 =	sadd.s32 s9, s8  }
0x22f: {  	s10 =	simm.s32 $0x0;
	s21 =	rddreg [dreg:$0x0];
	s0 =	sshrl.u32 s0, $0x3  }
0x230: {  	s12 =	simm.s32 $0xC8000;
	s14 =	simm.s32 $0x2;
	s0 =	sadd.s32 s21, s0  }
0x231: {  	[tilespmem:s10], [sflag:$0x1] =	stream.strided.gather [hbm4b:s0+s25], $0x1000, s12, s25, $0x38;
	[tilespmem:$0x12600] =	vst v63  }
0x232: {  	s13 =	sshll.u32 s11, $0x4;
	_ =	swait.ge [sflag:s14], $0x1000  }
0x233: {  	s13 =	sor.u32 $0x8, s13;
	[sflag:s14] =	ssyncset.done $0x0  }
0x234: {  	s15 =	sshll.u32 s13, $0xC;
	s0 =	simm.s32 @!p0 $0x4;
	[sflag:s14] =	ssyncadd.s32 $0xFFFFF000  }
0x235: {  	s1 =	sor.u32 s24, s15;
	_ =	swait.ge @!p0 [sflag:s0], $0x8000  }
0x236: {  	s16 =	simm.s32 $0xA000;
	s1 =	sshrl.u32 s1, $0x3;
	[sflag:s0] =	ssyncset.done @!p0 $0x0  }
0x237: {  	s3 =	sadd.s32 s21, s1;
	[sflag:s0] =	ssyncadd.s32 @!p0 $0xFFFF8000;
	s0 =	simm.s32 $0x0  }
0x238: {  	[tilespmem:s16], [sflag:$0x6] =	stream.linear.gather [hbm4b:s3+s0], $0x80, $0x38;
	[tilespmem:$0x12600] =	vst v63  }
0x239: {  	s18 =	simm.s32 $0xB000;
	s17 =	sadd.s32 $0x10, s3  }
0x23a: {  	[tilespmem:s18], [sflag:$0x6] =	stream.linear.gather [hbm4b:s17+s0], $0x80, $0x38;
	[tilespmem:$0x12600] =	vst v63  }
0x23b: {  	s22 =	simm.s32 $0xC000;
	s20 =	sadd.s32 $0x20, s3  }
0x23c: {  	[tilespmem:s22], [sflag:$0x6] =	stream.linear.gather [hbm4b:s20+s0], $0x80, $0x38;
	[tilespmem:$0x12600] =	vst v63  }
0x23d: {  	s26 =	simm.s32 $0xD000;
	s23 =	sadd.s32 $0x30, s3  }
0x23e: {  	[tilespmem:s26], [sflag:$0x6] =	stream.linear.gather [hbm4b:s23+s0], $0x80, $0x38;
	[tilespmem:$0x12600] =	vst v63  }
0x23f: {  	s5 =	simm.s32 $0xE000;
	s4 =	sadd.s32 $0x40, s3  }
0x240: {  	[tilespmem:s5], [sflag:$0x6] =	stream.linear.gather [hbm4b:s4+s0], $0x80, $0x38;
	[tilespmem:$0x12600] =	vst v63  }
0x241: {  	s7 =	simm.s32 $0xF000;
	s6 =	sadd.s32 $0x50, s3  }
0x242: {  	[tilespmem:s7], [sflag:$0x6] =	stream.linear.gather [hbm4b:s6+s0], $0x80, $0x38;
	[tilespmem:$0x12600] =	vst v63  }
0x243: {  	s9 =	simm.s32 $0x10000;
	s8 =	sadd.s32 $0x60, s3  }
0x244: {  	[tilespmem:s9], [sflag:$0x6] =	stream.linear.gather [hbm4b:s8+s0], $0x80, $0x38;
	[tilespmem:$0x12600] =	vst v63  }
0x245: {  	s10 =	sadd.s32 $0x70, s3;
	s12 =	simm.s32 $0x11000  }
0x246: {  	[tilespmem:s12], [sflag:$0x6] =	stream.linear.gather [hbm4b:s10+s0], $0x80, $0x38;
	[tilespmem:$0x12600] =	vst v63  }
0x247: {  	s15 =	simm.s32 $0xA080;
	s14 =	sadd.s32 $0x19000, s3  }
0x248: {  	[tilespmem:s15], [sflag:$0x6] =	stream.linear.gather [hbm4b:s14+s0], $0x80, $0x38;
	[tilespmem:$0x12600] =	vst v63  }
0x249: {  	s16 =	sadd.s32 $0x10, s14;
	s4 =	simm.s32 $0xB080  }
0x24a: {  	[tilespmem:s4], [sflag:$0x6] =	stream.linear.gather [hbm4b:s16+s0], $0x80, $0x38;
	[tilespmem:$0x12600] =	vst v63  }
0x24b: {  	s17 =	sadd.s32 $0x20, s14;
	s18 =	simm.s32 $0xC080  }
0x24c: {  	[tilespmem:s18], [sflag:$0x6] =	stream.linear.gather [hbm4b:s17+s0], $0x80, $0x38;
	[tilespmem:$0x12600] =	vst v63  }
0x24d: {  	s20 =	sadd.s32 $0x30, s14;
	s22 =	simm.s32 $0xD080  }
0x24e: {  	[tilespmem:s22], [sflag:$0x6] =	stream.linear.gather [hbm4b:s20+s0], $0x80, $0x38;
	[tilespmem:$0x12600] =	vst v63  }
0x24f: {  	s23 =	sadd.s32 $0x40, s14;
	s26 =	simm.s32 $0xE080  }
0x250: {  	[tilespmem:s26], [sflag:$0x6] =	stream.linear.gather [hbm4b:s23+s0], $0x80, $0x38;
	[tilespmem:$0x12600] =	vst v63  }
0x251: {  	s5 =	simm.s32 $0xF080;
	s4 =	sadd.s32 $0x50, s14  }
0x252: {  	[tilespmem:s5], [sflag:$0x6] =	stream.linear.gather [hbm4b:s4+s0], $0x80, $0x38;
	[tilespmem:$0x12600] =	vst v63  }
0x253: {  	s6 =	sadd.s32 $0x60, s14;
	s7 =	simm.s32 $0x10080  }
0x254: {  	[tilespmem:s7], [sflag:$0x6] =	stream.linear.gather [hbm4b:s6+s0], $0x80, $0x38;
	[tilespmem:$0x12600] =	vst v63  }
0x255: {  	s1 =	sadd.s32 $0x70, s14;
	s8 =	simm.s32 $0x11080  }
0x256: {  	[tilespmem:s8], [sflag:$0x6] =	stream.linear.gather [hbm4b:s1+s0], $0x80, $0x38;
	[tilespmem:$0x12600] =	vst v63  }
0x257: {  	s9 =	sadd.s32 $0x32000, s3;
	s10 =	simm.s32 $0xA100  }
0x258: {  	[tilespmem:s10], [sflag:$0x6] =	stream.linear.gather [hbm4b:s9+s0], $0x80, $0x38;
	[tilespmem:$0x12600] =	vst v63  }
0x259: {  	s12 =	sadd.s32 $0x10, s9;
	s14 =	simm.s32 $0xB100  }
0x25a: {  	[tilespmem:s14], [sflag:$0x6] =	stream.linear.gather [hbm4b:s12+s0], $0x80, $0x38;
	[tilespmem:$0x12600] =	vst v63  }
0x25b: {  	s15 =	sadd.s32 $0x20, s9;
	s16 =	simm.s32 $0xC100  }
0x25c: {  	[tilespmem:s16], [sflag:$0x6] =	stream.linear.gather [hbm4b:s15+s0], $0x80, $0x38;
	[tilespmem:$0x12600] =	vst v63  }
0x25d: {  	s17 =	sadd.s32 $0x30, s9;
	s18 =	simm.s32 $0xD100  }
0x25e: {  	[tilespmem:s18], [sflag:$0x6] =	stream.linear.gather [hbm4b:s17+s0], $0x80, $0x38;
	[tilespmem:$0x12600] =	vst v63  }
0x25f: {  	s20 =	sadd.s32 $0x40, s9;
	s22 =	simm.s32 $0xE100  }
0x260: {  	[tilespmem:s22], [sflag:$0x6] =	stream.linear.gather [hbm4b:s20+s0], $0x80, $0x38;
	[tilespmem:$0x12600] =	vst v63  }
0x261: {  	s23 =	sadd.s32 $0x50, s9;
	s26 =	simm.s32 $0xF100  }
0x262: {  	[tilespmem:s26], [sflag:$0x6] =	stream.linear.gather [hbm4b:s23+s0], $0x80, $0x38;
	[tilespmem:$0x12600] =	vst v63  }
0x263: {  	s4 =	sadd.s32 $0x60, s9;
	s5 =	simm.s32 $0x10100  }
0x264: {  	[tilespmem:s5], [sflag:$0x6] =	stream.linear.gather [hbm4b:s4+s0], $0x80, $0x38;
	[tilespmem:$0x12600] =	vst v63  }
0x265: {  	s6 =	simm.s32 $0x11100;
	s1 =	sadd.s32 $0x70, s9  }
0x266: {  	[tilespmem:s6], [sflag:$0x6] =	stream.linear.gather [hbm4b:s1+s0], $0x80, $0x38;
	[tilespmem:$0x12600] =	vst v63  }
0x267: {  	s7 =	sadd.s32 $0x4B000, s3;
	s8 =	simm.s32 $0xA180  }
0x268: {  	[tilespmem:s8], [sflag:$0x6] =	stream.linear.gather [hbm4b:s7+s0], $0x80, $0x38;
	[tilespmem:$0x12600] =	vst v63  }
0x269: {  	s9 =	sadd.s32 $0x10, s7;
	s10 =	simm.s32 $0xB180  }
0x26a: {  	[tilespmem:s10], [sflag:$0x6] =	stream.linear.gather [hbm4b:s9+s0], $0x80, $0x38;
	[tilespmem:$0x12600] =	vst v63  }
0x26b: {  	s12 =	sadd.s32 $0x20, s7;
	s14 =	simm.s32 $0xC180  }
0x26c: {  	[tilespmem:s14], [sflag:$0x6] =	stream.linear.gather [hbm4b:s12+s0], $0x80, $0x38;
	[tilespmem:$0x12600] =	vst v63  }
0x26d: {  	s15 =	sadd.s32 $0x30, s7;
	s16 =	simm.s32 $0xD180  }
0x26e: {  	[tilespmem:s16], [sflag:$0x6] =	stream.linear.gather [hbm4b:s15+s0], $0x80, $0x38;
	[tilespmem:$0x12600] =	vst v63  }
0x26f: {  	s17 =	sadd.s32 $0x40, s7;
	s18 =	simm.s32 $0xE180  }
0x270: {  	[tilespmem:s18], [sflag:$0x6] =	stream.linear.gather [hbm4b:s17+s0], $0x80, $0x38;
	[tilespmem:$0x12600] =	vst v63  }
0x271: {  	s20 =	sadd.s32 $0x50, s7;
	s22 =	simm.s32 $0xF180  }
0x272: {  	[tilespmem:s22], [sflag:$0x6] =	stream.linear.gather [hbm4b:s20+s0], $0x80, $0x38;
	[tilespmem:$0x12600] =	vst v63  }
0x273: {  	s23 =	sadd.s32 $0x60, s7;
	s26 =	simm.s32 $0x10180  }
0x274: {  	[tilespmem:s26], [sflag:$0x6] =	stream.linear.gather [hbm4b:s23+s0], $0x80, $0x38;
	[tilespmem:$0x12600] =	vst v63  }
0x275: {  	s5 =	simm.s32 $0x11180;
	s1 =	sadd.s32 $0x70, s7  }
0x276: {  	[tilespmem:s5], [sflag:$0x6] =	stream.linear.gather [hbm4b:s1+s0], $0x80, $0x38;
	[tilespmem:$0x12600] =	vst v63  }
0x277: {  	s6 =	sadd.s32 $0x64000, s3;
	s7 =	simm.s32 $0xA200  }
0x278: {  	[tilespmem:s7], [sflag:$0x6] =	stream.linear.gather [hbm4b:s6+s0], $0x80, $0x38;
	[tilespmem:$0x12600] =	vst v63  }
0x279: {  	s8 =	sadd.s32 $0x10, s6;
	s9 =	simm.s32 $0xB200  }
0x27a: {  	[tilespmem:s9], [sflag:$0x6] =	stream.linear.gather [hbm4b:s8+s0], $0x80, $0x38;
	[tilespmem:$0x12600] =	vst v63  }
0x27b: {  	s10 =	sadd.s32 $0x20, s6;
	s12 =	simm.s32 $0xC200  }
0x27c: {  	[tilespmem:s12], [sflag:$0x6] =	stream.linear.gather [hbm4b:s10+s0], $0x80, $0x38;
	[tilespmem:$0x12600] =	vst v63  }
0x27d: {  	s14 =	sadd.s32 $0x30, s6;
	s15 =	simm.s32 $0xD200  }
0x27e: {  	[tilespmem:s15], [sflag:$0x6] =	stream.linear.gather [hbm4b:s14+s0], $0x80, $0x38;
	[tilespmem:$0x12600] =	vst v63  }
0x27f: {  	s16 =	sadd.s32 $0x40, s6;
	s17 =	simm.s32 $0xE200  }
0x280: {  	[tilespmem:s17], [sflag:$0x6] =	stream.linear.gather [hbm4b:s16+s0], $0x80, $0x38;
	[tilespmem:$0x12600] =	vst v63  }
0x281: {  	s18 =	sadd.s32 $0x50, s6;
	s20 =	simm.s32 $0xF200  }
0x282: {  	[tilespmem:s20], [sflag:$0x6] =	stream.linear.gather [hbm4b:s18+s0], $0x80, $0x38;
	[tilespmem:$0x12600] =	vst v63  }
0x283: {  	s22 =	sadd.s32 $0x60, s6;
	s23 =	simm.s32 $0x10200  }
0x284: {  	[tilespmem:s23], [sflag:$0x6] =	stream.linear.gather [hbm4b:s22+s0], $0x80, $0x38;
	[tilespmem:$0x12600] =	vst v63  }
0x285: {  	s26 =	simm.s32 $0x11200;
	s1 =	sadd.s32 $0x70, s6  }
0x286: {  	[tilespmem:s26], [sflag:$0x6] =	stream.linear.gather [hbm4b:s1+s0], $0x80, $0x38;
	[tilespmem:$0x12600] =	vst v63  }
0x287: {  	s4 =	sadd.s32 $0x7D000, s3;
	s5 =	simm.s32 $0xA280  }
0x288: {  	[tilespmem:s5], [sflag:$0x6] =	stream.linear.gather [hbm4b:s4+s0], $0x80, $0x38;
	[tilespmem:$0x12600] =	vst v63  }
0x289: {  	s6 =	sadd.s32 $0x10, s4;
	s7 =	simm.s32 $0xB280  }
0x28a: {  	[tilespmem:s7], [sflag:$0x6] =	stream.linear.gather [hbm4b:s6+s0], $0x80, $0x38;
	[tilespmem:$0x12600] =	vst v63  }
0x28b: {  	s8 =	sadd.s32 $0x20, s4;
	s9 =	simm.s32 $0xC280  }
0x28c: {  	[tilespmem:s9], [sflag:$0x6] =	stream.linear.gather [hbm4b:s8+s0], $0x80, $0x38;
	[tilespmem:$0x12600] =	vst v63  }
0x28d: {  	s10 =	sadd.s32 $0x30, s4;
	s12 =	simm.s32 $0xD280  }
0x28e: {  	[tilespmem:s12], [sflag:$0x6] =	stream.linear.gather [hbm4b:s10+s0], $0x80, $0x38;
	[tilespmem:$0x12600] =	vst v63  }
0x28f: {  	s14 =	sadd.s32 $0x40, s4;
	s15 =	simm.s32 $0xE280  }
0x290: {  	[tilespmem:s15], [sflag:$0x6] =	stream.linear.gather [hbm4b:s14+s0], $0x80, $0x38;
	[tilespmem:$0x12600] =	vst v63  }
0x291: {  	s16 =	sadd.s32 $0x50, s4;
	s17 =	simm.s32 $0xF280  }
0x292: {  	[tilespmem:s17], [sflag:$0x6] =	stream.linear.gather [hbm4b:s16+s0], $0x80, $0x38;
	[tilespmem:$0x12600] =	vst v63  }
0x293: {  	s18 =	sadd.s32 $0x60, s4;
	s20 =	simm.s32 $0x10280  }
0x294: {  	[tilespmem:s20], [sflag:$0x6] =	stream.linear.gather [hbm4b:s18+s0], $0x80, $0x38;
	[tilespmem:$0x12600] =	vst v63  }
0x295: {  	s22 =	simm.s32 $0x11280;
	s23 =	simm.s32 $0x0;
	s1 =	sadd.s32 $0x70, s4  }
0x296: {  	[tilespmem:s22], [sflag:$0x6] =	stream.linear.gather [hbm4b:s1+s0], $0x80, $0x38;
	[tilespmem:$0x12600] =	vst v63  }
0x297: {  	s1 =	sand.u32 $0x3FFFFF80, s23  }
0x298: {  	s0 =	sand.u32 $0x40, s0;
	s26 =	sadd.s32 $0x1000, s1  }
0x299: {  	s6 =	sor.u32 $0x10, s0;
	s5 =	sor.u32 s0, s26  }
0x29a: {  	s3 =	sor.u32 $0x30, s0;
	s7 =	sor.u32 s6, s26;
	v27 =	vld [tilespmem:s5+$0x0]  }
0x29b: {  	s4 =	sor.u32 $0x20, s0;
	s8 =	sor.u32 s3, s26;
	v28 =	vld [tilespmem:s7+$0x0]  }
0x29c: {  	s2 =	sor.u32 s4, s26;
	v26 =	vld [tilespmem:s8+$0x0]  }
0x29d: {  	v29 =	vld [tilespmem:s2+$0x0];
	_ =	sdelay $0x1  }
0x29e: {  	v27 =	vtrunc.f32 v27  }
0x29f: {  	s9 =	sadd.s32 $0x1400, s1;
	v28 =	vtrunc.f32 v28;
	v27 =	vcvt.f32.s32 v27  }
0x2a0: {  	s12 =	sor.u32 s6, s9;
	v28 =	vcvt.f32.s32 v28  }
0x2a1: {  	s10 =	sor.u32 s4, s9;
	v31 =	vld [tilespmem:s12+$0x0];
	v26 =	vtrunc.f32 v26;
	v29 =	vtrunc.f32 v29;
	v27 =	vshll.u32 v27, $0x9  }
0x2a2: {  	s15 =	sadd.s32 $0x1800, s1;
	s14 =	sor.u32 s3, s9;
	v30 =	vld [tilespmem:s10+$0x0];
	v60 =	vor.u32 v0, v27;
	v27 =	vshll.u32 v28, $0x9;
	v28 =	vcvt.f32.s32 v29  }
0x2a3: {  	s16 =	sor.u32 s6, s15;
	v58 =	vld [tilespmem:s14+$0x0];
	v26 =	vcvt.f32.s32 v26  }
0x2a4: {  	s20 =	sor.u32 s3, s15;
	v35 =	vld [tilespmem:s16+$0x0];
	v29 =	vor.u32 v0, v27;
	v28 =	vshll.u32 v28, $0x9  }
0x2a5: {  	s1 =	sadd.s32 $0x1C00, s1;
	s2 =	sor.u32 s0, s9;
	v39 =	vld [tilespmem:s20+$0x0];
	v26 =	vshll.u32 v26, $0x9;
	v28 =	vor.u32 v0, v28  }
0x2a6: {  	s26 =	sor.u32 s4, s1;
	v59 =	vld [tilespmem:s2+$0x0];
	v31 =	vtrunc.f32 v31;
	v26 =	vor.u32 v0, v26  }
0x2a7: {  	v33 =	vld [tilespmem:s26+$0x0];
	s5 =	sor.u32 s4, s15;
	v30 =	vtrunc.f32 v30;
	v31 =	vcvt.f32.s32 v31  }
0x2a8: {  	v49 =	vld [tilespmem:s5+$0x0];
	v32 =	vtrunc.f32 v58;
	v30 =	vcvt.f32.s32 v30  }
0x2a9: {  	v32 =	vcvt.f32.s32 v32;
	v31 =	vshll.u32 v31, $0x9;
	v61 =	vld.idx.msk [tilespmem:v29+s19+$0x0], $0xffff  }
0x2aa: {  	s22 =	simm.s32 $0x0;
	v30 =	vshll.u32 v30, $0x9;
	v62 =	vor.u32 v1, v31;
	v28 =	vld.idx.msk [tilespmem:v28+s19+$0x0], $0xffff  }
0x2ab: {  	s23 =	sand.u32 $0x3FFFF000, s22;
	s17 =	sor.u32 s6, s1;
	v32 =	vshll.u32 v32, $0x9;
	v48 =	vor.u32 v1, v30;
	v26 =	vld.idx.msk [tilespmem:v26+s19+$0x0], $0xffff;
	v29 =	vtrunc.f32 v59  }
0x2ac: {  	s2 =	sadd.s32 $0xA000, s23;
	v63 =	vor.u32 v1, v32;
	v27 =	vld [tilespmem:s17+$0x0];
	v47 =	vcvt.f32.s32 v29  }
0x2ad: {  	s8 =	sor.u32 s3, s1;
	s14 =	sor.u32 s6, s2;
	v34 =	vld.idx.msk [tilespmem:v60+s19+$0x0], $0xffff  }
0x2ae: {  	s16 =	sor.u32 s4, s2;
	v29 =	vld [tilespmem:s8+$0x0];
	v41 =	vshll.u32 v47, $0x9;
	[tilespmem:s14+$0x300] =	vst v61  }
0x2af: {  	s18 =	sor.u32 s0, s15;
	s15 =	sor.u32 s3, s2;
	v50 =	vor.u32 v1, v41;
	v38 =	vld.idx.msk [tilespmem:v62+s19+$0x0], $0xffff;
	[tilespmem:s16+$0x300] =	vst v28  }
0x2b0: {  	v51 =	vor.u32 v2, v31;
	[tilespmem:s15+$0x300] =	vst v26;
	v42 =	vld.idx.msk [tilespmem:v48+s19+$0x0], $0xffff  }
0x2b1: {  	v53 =	vor.u32 v2, v30;
	v28 =	vld.idx.msk [tilespmem:v63+s19+$0x0], $0xffff  }
0x2b2: {  	v37 =	vld [tilespmem:s18+$0x0];
	s1 =	sor.u32 s0, s1;
	s23 =	sor.u32 s0, s2;
	v52 =	vor.u32 v2, v32  }
0x2b3: {  	v26 =	vld [tilespmem:s1+$0x0];
	[tilespmem:s23+$0x300] =	vst v34  }
0x2b4: {  	v34 =	vld.idx.msk [tilespmem:v50+s19+$0x0], $0xffff;
	[tilespmem:s14+$0x380] =	vst v38  }
0x2b5: {  	v54 =	vor.u32 v2, v41;
	v38 =	vld.idx.msk [tilespmem:v51+s19+$0x0], $0xffff;
	[tilespmem:s16+$0x380] =	vst v42  }
0x2b6: {  	[tilespmem:s15+$0x380] =	vst v28;
	v28 =	vor.u32 v3, v31;
	v56 =	vld.idx.msk [tilespmem:v53+s19+$0x0], $0xffff  }
0x2b7: {  	v57 =	vor.u32 v3, v30;
	v40 =	vld.idx.msk [tilespmem:v52+s19+$0x0], $0xffff  }
0x2b8: {  	v55 =	vor.u32 v3, v32  }
0x2b9: {  	[tilespmem:s23+$0x380] =	vst v34  }
0x2ba: {  	v34 =	vld.idx.msk [tilespmem:v54+s19+$0x0], $0xffff;
	[tilespmem:s14+$0x400] =	vst v38  }
0x2bb: {  	v58 =	vor.u32 v3, v41;
	v28 =	vld.idx.msk [tilespmem:v28+s19+$0x0], $0xffff;
	[tilespmem:s16+$0x400] =	vst v56  }
0x2bc: {  	v59 =	vor.u32 v4, v31;
	[tilespmem:s15+$0x400] =	vst v40;
	v44 =	vld.idx.msk [tilespmem:v57+s19+$0x0], $0xffff  }
0x2bd: {  	v61 =	vor.u32 v4, v30;
	v40 =	vld.idx.msk [tilespmem:v55+s19+$0x0], $0xffff  }
0x2be: {  	v60 =	vor.u32 v4, v32  }
0x2bf: {  	[tilespmem:s23+$0x400] =	vst v34  }
0x2c0: {  	v34 =	vld.idx.msk [tilespmem:v58+s19+$0x0], $0xffff;
	[tilespmem:s14+$0x480] =	vst v28  }
0x2c1: {  	v28 =	vor.u32 v4, v41;
	v62 =	vld.idx.msk [tilespmem:v59+s19+$0x0], $0xffff;
	[tilespmem:s16+$0x480] =	vst v44  }
0x2c2: {  	v31 =	vor.u32 v5, v31;
	[tilespmem:s15+$0x480] =	vst v40;
	v45 =	vld.idx.msk [tilespmem:v61+s19+$0x0], $0xffff  }
0x2c3: {  	v30 =	vor.u32 v5, v30;
	v63 =	vld.idx.msk [tilespmem:v60+s19+$0x0], $0xffff  }
0x2c4: {  	v35 =	vtrunc.f32 v35;
	v32 =	vor.u32 v5, v32  }
0x2c5: {  	v35 =	vcvt.f32.s32 v35;
	v47 =	vtrunc.f32 v49;
	[tilespmem:s23+$0x480] =	vst v34  }
0x2c6: {  	v39 =	vtrunc.f32 v39;
	v49 =	vcvt.f32.s32 v47;
	v48 =	vld.idx.msk [tilespmem:v28+s19+$0x0], $0xffff;
	[tilespmem:s14+$0x500] =	vst v62  }
0x2c7: {  	v46 =	vcvt.f32.s32 v39;
	v50 =	vor.u32 v5, v41;
	v28 =	vshll.u32 v35, $0x9;
	v31 =	vld.idx.msk [tilespmem:v31+s19+$0x0], $0xffff;
	[tilespmem:s16+$0x500] =	vst v45  }
0x2c8: {  	v52 =	vtrunc.f32 v37;
	v37 =	vshll.u32 v49, $0x9;
	v51 =	vor.u32 v6, v28;
	[tilespmem:s15+$0x500] =	vst v63;
	v30 =	vld.idx.msk [tilespmem:v30+s19+$0x0], $0xffff  }
0x2c9: {  	v36 =	vshll.u32 v46, $0x9;
	v55 =	vor.u32 v6, v37;
	v32 =	vld.idx.msk [tilespmem:v32+s19+$0x0], $0xffff  }
0x2ca: {  	v53 =	vor.u32 v6, v36;
	v54 =	vcvt.f32.s32 v52  }
0x2cb: {  	[tilespmem:s23+$0x500] =	vst v48  }
0x2cc: {  	v35 =	vshll.u32 v54, $0x9;
	v39 =	vld.idx.msk [tilespmem:v50+s19+$0x0], $0xffff;
	[tilespmem:s14+$0x580] =	vst v31  }
0x2cd: {  	v31 =	vor.u32 v6, v35;
	v34 =	vld.idx.msk [tilespmem:v51+s19+$0x0], $0xffff;
	[tilespmem:s16+$0x580] =	vst v30  }
0x2ce: {  	v56 =	vor.u32 v7, v28;
	[tilespmem:s15+$0x580] =	vst v32;
	v38 =	vld.idx.msk [tilespmem:v55+s19+$0x0], $0xffff  }
0x2cf: {  	v58 =	vor.u32 v7, v37;
	v30 =	vld.idx.msk [tilespmem:v53+s19+$0x0], $0xffff  }
0x2d0: {  	v57 =	vor.u32 v7, v36  }
0x2d1: {  	[tilespmem:s23+$0x580] =	vst v39  }
0x2d2: {  	s29 =	simm.s32 $0x40;
	s8 =	simm.s32 $0x40;
	v31 =	vld.idx.msk [tilespmem:v31+s19+$0x0], $0xffff;
	[tilespmem:s14+$0x600] =	vst v34  }
0x2d3: {  	s6 =	sand.u32 $0x40, s29;
	s1 =	sand.u32 $0x3FFFFF80, s8;
	v59 =	vor.u32 v7, v35;
	v32 =	vld.idx.msk [tilespmem:v56+s19+$0x0], $0xffff;
	[tilespmem:s16+$0x600] =	vst v38  }
0x2d4: {  	s4 =	sor.u32 $0x20, s6;
	s10 =	sadd.s32 $0x1400, s1;
	v60 =	vor.u32 v8, v28;
	[tilespmem:s15+$0x600] =	vst v30;
	v61 =	vld.idx.msk [tilespmem:v58+s19+$0x0], $0xffff  }
0x2d5: {  	s0 =	sor.u32 $0x10, s6;
	s9 =	sadd.s32 $0x1000, s1;
	s17 =	sor.u32 s4, s10;
	v63 =	vor.u32 v8, v37;
	v30 =	vld.idx.msk [tilespmem:v57+s19+$0x0], $0xffff  }
0x2d6: {  	s12 =	sor.u32 s0, s9;
	v42 =	vld [tilespmem:s17+$0x0];
	v62 =	vor.u32 v8, v36  }
0x2d7: {  	v41 =	vld [tilespmem:s12+$0x0];
	[tilespmem:s23+$0x600] =	vst v31  }
0x2d8: {  	v31 =	vld.idx.msk [tilespmem:v59+s19+$0x0], $0xffff;
	[tilespmem:s14+$0x680] =	vst v32  }
0x2d9: {  	v44 =	vor.u32 v8, v35;
	v45 =	vld.idx.msk [tilespmem:v60+s19+$0x0], $0xffff;
	[tilespmem:s16+$0x680] =	vst v61  }
0x2da: {  	s8 =	sadd.s32 $0x1800, s1;
	v46 =	vor.u32 v9, v28;
	[tilespmem:s15+$0x680] =	vst v30;
	v39 =	vld.idx.msk [tilespmem:v63+s19+$0x0], $0xffff  }
0x2db: {  	s3 =	sor.u32 $0x30, s6;
	s18 =	sor.u32 s6, s9;
	s12 =	sor.u32 s6, s8;
	v48 =	vor.u32 v9, v37;
	v30 =	vld.idx.msk [tilespmem:v62+s19+$0x0], $0xffff  }
0x2dc: {  	v47 =	vor.u32 v9, v36;
	s20 =	sor.u32 s3, s9;
	s2 =	sor.u32 s4, s9;
	s9 =	sor.u32 s0, s8;
	v40 =	vld [tilespmem:s12+$0x0]  }
0x2dd: {  	v38 =	vld [tilespmem:s9+$0x0];
	[tilespmem:s23+$0x680] =	vst v31  }
0x2de: {  	v31 =	vld.idx.msk [tilespmem:v44+s19+$0x0], $0xffff;
	[tilespmem:s14+$0x700] =	vst v45  }
0x2df: {  	v49 =	vor.u32 v9, v35;
	v34 =	vld.idx.msk [tilespmem:v46+s19+$0x0], $0xffff;
	[tilespmem:s16+$0x700] =	vst v39  }
0x2e0: {  	v50 =	vor.u32 v10, v28;
	[tilespmem:s15+$0x700] =	vst v30;
	v39 =	vld.idx.msk [tilespmem:v48+s19+$0x0], $0xffff  }
0x2e1: {  	v52 =	vor.u32 v10, v37;
	v30 =	vld.idx.msk [tilespmem:v47+s19+$0x0], $0xffff  }
0x2e2: {  	v51 =	vor.u32 v10, v36;
	v61 =	vld [tilespmem:s18+$0x0]  }
0x2e3: {  	v63 =	vld [tilespmem:s20+$0x0];
	[tilespmem:s23+$0x700] =	vst v31  }
0x2e4: {  	v31 =	vld.idx.msk [tilespmem:v49+s19+$0x0], $0xffff;
	[tilespmem:s14+$0x780] =	vst v34  }
0x2e5: {  	s1 =	sadd.s32 $0x1C00, s1;
	s22 =	sor.u32 s6, s10;
	v53 =	vor.u32 v10, v35;
	v34 =	vld.idx.msk [tilespmem:v50+s19+$0x0], $0xffff;
	[tilespmem:s16+$0x780] =	vst v39  }
0x2e6: {  	s26 =	sor.u32 s0, s10;
	s5 =	sor.u32 s3, s10;
	s10 =	sor.u32 s0, s1;
	v54 =	vor.u32 v11, v28;
	[tilespmem:s15+$0x780] =	vst v30;
	v39 =	vld.idx.msk [tilespmem:v52+s19+$0x0], $0xffff  }
0x2e7: {  	v56 =	vor.u32 v11, v37;
	s18 =	sor.u32 s6, s1;
	s20 =	sor.u32 s4, s1;
	s1 =	sor.u32 s3, s1;
	v30 =	vld.idx.msk [tilespmem:v51+s19+$0x0], $0xffff  }
0x2e8: {  	v55 =	vor.u32 v11, v36;
	v32 =	vld [tilespmem:s1+$0x0]  }
0x2e9: {  	v46 =	vld [tilespmem:s22+$0x0];
	[tilespmem:s23+$0x780] =	vst v31  }
0x2ea: {  	v31 =	vld.idx.msk [tilespmem:v53+s19+$0x0], $0xffff;
	[tilespmem:s14+$0x800] =	vst v34  }
0x2eb: {  	v57 =	vld.idx.msk [tilespmem:v54+s19+$0x0], $0xffff;
	[tilespmem:s16+$0x800] =	vst v39  }
0x2ec: {  	v59 =	vor.u32 v11, v35;
	[tilespmem:s15+$0x800] =	vst v30;
	v58 =	vld.idx.msk [tilespmem:v56+s19+$0x0], $0xffff  }
0x2ed: {  	v30 =	vld.idx.msk [tilespmem:v55+s19+$0x0], $0xffff;
	v56 =	vor.u32 v12, v37  }
0x2ee: {  	v62 =	vor.u32 v12, v36;
	v47 =	vld [tilespmem:s26+$0x0]  }
0x2ef: {  	v50 =	vld [tilespmem:s5+$0x0];
	[tilespmem:s23+$0x800] =	vst v31  }
0x2f0: {  	v34 =	vld [tilespmem:s18+$0x0];
	[tilespmem:s14+$0x880] =	vst v57  }
0x2f1: {  	v60 =	vor.u32 v12, v28;
	v48 =	vld.idx.msk [tilespmem:v59+s19+$0x0], $0xffff;
	[tilespmem:s16+$0x880] =	vst v58  }
0x2f2: {  	v52 =	vor.u32 v12, v35;
	[tilespmem:s15+$0x880] =	vst v30;
	v57 =	vld.idx.msk [tilespmem:v56+s19+$0x0], $0xffff  }
0x2f3: {  	v51 =	vor.u32 v13, v37;
	v43 =	vld.idx.msk [tilespmem:v62+s19+$0x0], $0xffff  }
0x2f4: {  	s17 =	sor.u32 s3, s8;
	v54 =	vor.u32 v13, v36;
	v58 =	vld [tilespmem:s2+$0x0]  }
0x2f5: {  	v39 =	vld [tilespmem:s17+$0x0]  }
0x2f6: {  	v31 =	vtrunc.f32 v61;
	v49 =	vld.idx.msk [tilespmem:v60+s19+$0x0], $0xffff;
	[tilespmem:s23+$0x880] =	vst v48  }
0x2f7: {  	v44 =	vtrunc.f32 v63;
	v53 =	vcvt.f32.s32 v31;
	v52 =	vld.idx.msk [tilespmem:v52+s19+$0x0], $0xffff;
	[tilespmem:s16+$0x900] =	vst v57  }
0x2f8: {  	v61 =	vcvt.f32.s32 v44;
	[tilespmem:s15+$0x900] =	vst v43;
	v57 =	vor.u32 v13, v35;
	v51 =	vld.idx.msk [tilespmem:v51+s19+$0x0], $0xffff  }
0x2f9: {  	v59 =	vshll.u32 v53, $0x9;
	v60 =	vor.u32 v14, v37;
	v62 =	vtrunc.f32 v58;
	v63 =	vld.idx.msk [tilespmem:v54+s19+$0x0], $0xffff  }
0x2fa: {  	v31 =	vld [tilespmem:s20+$0x0];
	v53 =	vor.u32 v0, v59;
	v43 =	vshll.u32 v61, $0x9;
	v44 =	vcvt.f32.s32 v62  }
0x2fb: {  	v41 =	vtrunc.f32 v41;
	s22 =	sor.u32 s4, s8;
	v46 =	vtrunc.f32 v46;
	v30 =	vld [tilespmem:s10+$0x0];
	v43 =	vor.u32 v0, v43  }
0x2fc: {  	v59 =	vcvt.f32.s32 v41;
	v41 =	vld [tilespmem:s22+$0x0];
	v58 =	vor.u32 v14, v36;
	v44 =	vshll.u32 v44, $0x9;
	[tilespmem:s23+$0x900] =	vst v52  }
0x2fd: {  	v46 =	vcvt.f32.s32 v46;
	v44 =	vor.u32 v0, v44;
	v62 =	vld.idx.msk [tilespmem:v57+s19+$0x0], $0xffff;
	[tilespmem:s16+$0x980] =	vst v51  }
0x2fe: {  	[tilespmem:s15+$0x980] =	vst v63;
	v63 =	vor.u32 v14, v35;
	v48 =	vld.idx.msk [tilespmem:v60+s19+$0x0], $0xffff  }
0x2ff: {  	v46 =	vshll.u32 v46, $0x9;
	v51 =	vld.idx.msk [tilespmem:v53+s19+$0x0], $0xffff;
	v53 =	vor.u32 v15, v37;
	v60 =	vtrunc.f32 v42  }
0x300: {  	s26 =	simm.s32 $0x800;
	v61 =	vor.u32 v1, v46;
	v52 =	vshll.u32 v59, $0x9;
	v43 =	vld.idx.msk [tilespmem:v43+s19+$0x0], $0xffff;
	v37 =	vcvt.f32.s32 v60  }
0x301: {  	v33 =	vtrunc.f32 v33;
	s1 =	sand.u32 $0x3FFFF000, s26;
	[tilespmem:s14+$0x900] =	vst v49;
	v52 =	vor.u32 v0, v52;
	v49 =	vld.idx.msk [tilespmem:v58+s19+$0x0], $0xffff  }
0x302: {  	v33 =	vcvt.f32.s32 v33;
	s1 =	sadd.s32 $0xA000, s1;
	v36 =	vor.u32 v15, v36;
	v44 =	vld.idx.msk [tilespmem:v44+s19+$0x0], $0xffff;
	v56 =	vshll.u32 v37, $0x9;
	[tilespmem:s23+$0x980] =	vst v62  }
0x303: {  	s30 =	sor.u32 s6, s1;
	v59 =	vtrunc.f32 v47;
	v60 =	vor.u32 v1, v56;
	v63 =	vld.idx.msk [tilespmem:v63+s19+$0x0], $0xffff;
	[tilespmem:s16+$0xA00] =	vst v48  }
0x304: {  	v35 =	vor.u32 v15, v35;
	v37 =	vshll.u32 v33, $0x9;
	v33 =	vcvt.f32.s32 v59;
	[tilespmem:s30+$0x300] =	vst v51;
	v47 =	vld.idx.msk [tilespmem:v53+s19+$0x0], $0xffff  }
0x305: {  	v29 =	vtrunc.f32 v29;
	v50 =	vtrunc.f32 v50;
	v42 =	vld.idx.msk [tilespmem:v61+s19+$0x0], $0xffff;
	v61 =	vor.u32 v16, v37  }
0x306: {  	s31 =	sor.u32 s4, s1;
	v50 =	vcvt.f32.s32 v50;
	v57 =	vld.idx.msk [tilespmem:v52+s19+$0x0], $0xffff;
	v62 =	vor.u32 v2, v46;
	[tilespmem:s15+$0xA00] =	vst v49;
	v33 =	vshll.u32 v33, $0x9  }
0x307: {  	v29 =	vcvt.f32.s32 v29;
	v59 =	vtrunc.f32 v26;
	v54 =	vld.idx.msk [tilespmem:v36+s19+$0x0], $0xffff;
	v58 =	vor.u32 v1, v33;
	[tilespmem:s31+$0x300] =	vst v44  }
0x308: {  	v55 =	vor.u32 v13, v28;
	v50 =	vshll.u32 v50, $0x9;
	v36 =	vcvt.f32.s32 v59;
	v44 =	vld.idx.msk [tilespmem:v60+s19+$0x0], $0xffff;
	[tilespmem:s23+$0xA00] =	vst v63  }
0x309: {  	v26 =	vshll.u32 v29, $0x9;
	v29 =	vor.u32 v1, v50;
	v35 =	vld.idx.msk [tilespmem:v35+s19+$0x0], $0xffff;
	[tilespmem:s16+$0xA80] =	vst v47  }
0x30a: {  	s26 =	sor.u32 s0, s1;
	v36 =	vshll.u32 v36, $0x9;
	v60 =	vor.u32 v16, v26;
	[tilespmem:s30+$0x380] =	vst v42;
	v42 =	vld.idx.msk [tilespmem:v61+s19+$0x0], $0xffff  }
0x30b: {  	s28 =	sor.u32 s3, s1;
	[tilespmem:s26+$0x300] =	vst v57;
	v57 =	vor.u32 v16, v36;
	v61 =	vld.idx.msk [tilespmem:v62+s19+$0x0], $0xffff  }
0x30c: {  	[tilespmem:s28+$0x300] =	vst v43;
	v49 =	vld.idx.msk [tilespmem:v58+s19+$0x0], $0xffff;
	v62 =	vor.u32 v2, v56  }
0x30d: {  	v55 =	vld.idx.msk [tilespmem:v55+s19+$0x0], $0xffff;
	[tilespmem:s15+$0xA80] =	vst v54;
	v58 =	vor.u32 v2, v33  }
0x30e: {  	v29 =	vld.idx.msk [tilespmem:v29+s19+$0x0], $0xffff;
	v63 =	vor.u32 v3, v46;
	[tilespmem:s31+$0x380] =	vst v44  }
0x30f: {  	v59 =	vor.u32 v2, v50;
	v60 =	vld.idx.msk [tilespmem:v60+s19+$0x0], $0xffff;
	[tilespmem:s23+$0xA80] =	vst v35  }
0x310: {  	v43 =	vld.idx.msk [tilespmem:v57+s19+$0x0], $0xffff;
	[tilespmem:s30+$0x400] =	vst v61;
	v61 =	vor.u32 v14, v28  }
0x311: {  	[tilespmem:s26+$0x380] =	vst v49;
	v45 =	vld.idx.msk [tilespmem:v62+s19+$0x0], $0xffff;
	v62 =	vor.u32 v17, v37  }
0x312: {  	[tilespmem:s14+$0x980] =	vst v55;
	v52 =	vld.idx.msk [tilespmem:v58+s19+$0x0], $0xffff;
	v58 =	vor.u32 v17, v36  }
0x313: {  	[tilespmem:s28+$0x380] =	vst v29;
	v48 =	vld.idx.msk [tilespmem:v63+s19+$0x0], $0xffff;
	v63 =	vor.u32 v3, v56  }
0x314: {  	v29 =	vld.idx.msk [tilespmem:v59+s19+$0x0], $0xffff;
	v57 =	vor.u32 v4, v46;
	[tilespmem:s16+$0xB00] =	vst v42  }
0x315: {  	v59 =	vor.u32 v3, v33;
	[tilespmem:s15+$0xB00] =	vst v60;
	v60 =	vld.idx.msk [tilespmem:v61+s19+$0x0], $0xffff  }
0x316: {  	[tilespmem:s23+$0xB00] =	vst v43;
	v61 =	vor.u32 v3, v50;
	v35 =	vld.idx.msk [tilespmem:v62+s19+$0x0], $0xffff  }
0x317: {  	v28 =	vor.u32 v15, v28;
	[tilespmem:s31+$0x400] =	vst v45;
	v42 =	vld.idx.msk [tilespmem:v58+s19+$0x0], $0xffff  }
0x318: {  	v62 =	vor.u32 v18, v37;
	[tilespmem:s30+$0x480] =	vst v48;
	v45 =	vld.idx.msk [tilespmem:v63+s19+$0x0], $0xffff  }
0x319: {  	[tilespmem:s26+$0x400] =	vst v52;
	v58 =	vor.u32 v18, v36;
	v48 =	vld.idx.msk [tilespmem:v57+s19+$0x0], $0xffff  }
0x31a: {  	v27 =	vtrunc.f32 v27;
	[tilespmem:s28+$0x400] =	vst v29;
	v63 =	vor.u32 v4, v56;
	v57 =	vld.idx.msk [tilespmem:v59+s19+$0x0], $0xffff  }
0x31b: {  	v27 =	vcvt.f32.s32 v27;
	v46 =	vor.u32 v5, v46;
	v29 =	vld.idx.msk [tilespmem:v61+s19+$0x0], $0xffff;
	[tilespmem:s14+$0xA00] =	vst v60  }
0x31c: {  	v59 =	vor.u32 v4, v33;
	[tilespmem:s16+$0xB80] =	vst v35;
	v60 =	vld.idx.msk [tilespmem:v28+s19+$0x0], $0xffff  }
0x31d: {  	v27 =	vshll.u32 v27, $0x9;
	v61 =	vor.u32 v4, v50;
	[tilespmem:s23+$0xB80] =	vst v42;
	v62 =	vld.idx.msk [tilespmem:v62+s19+$0x0], $0xffff  }
0x31e: {  	v54 =	vor.u32 v16, v27;
	[tilespmem:s31+$0x480] =	vst v45;
	v47 =	vld.idx.msk [tilespmem:v58+s19+$0x0], $0xffff  }
0x31f: {  	v55 =	vor.u32 v19, v37;
	v28 =	vtrunc.f32 v40;
	[tilespmem:s30+$0x500] =	vst v48;
	v63 =	vld.idx.msk [tilespmem:v63+s19+$0x0], $0xffff  }
0x320: {  	v28 =	vcvt.f32.s32 v28;
	[tilespmem:s26+$0x480] =	vst v57;
	v57 =	vor.u32 v5, v56;
	v46 =	vld.idx.msk [tilespmem:v46+s19+$0x0], $0xffff  }
0x321: {  	v44 =	vld.idx.msk [tilespmem:v59+s19+$0x0], $0xffff;
	v59 =	vor.u32 v19, v36;
	[tilespmem:s28+$0x480] =	vst v29  }
0x322: {  	v33 =	vor.u32 v5, v33;
	v28 =	vshll.u32 v28, $0x9;
	v29 =	vld.idx.msk [tilespmem:v61+s19+$0x0], $0xffff;
	[tilespmem:s14+$0xA80] =	vst v60  }
0x323: {  	v58 =	vor.u32 v6, v28;
	v60 =	vtrunc.f32 v41;
	[tilespmem:s16+$0xC00] =	vst v62;
	v61 =	vld.idx.msk [tilespmem:v54+s19+$0x0], $0xffff  }
0x324: {  	v62 =	vor.u32 v5, v50;
	v35 =	vcvt.f32.s32 v60;
	[tilespmem:s31+$0x500] =	vst v63;
	v42 =	vld.idx.msk [tilespmem:v55+s19+$0x0], $0xffff  }
0x325: {  	[tilespmem:s23+$0xC00] =	vst v47;
	v63 =	vor.u32 v17, v27;
	v43 =	vld.idx.msk [tilespmem:v57+s19+$0x0], $0xffff  }
0x326: {  	v38 =	vtrunc.f32 v38;
	v52 =	vor.u32 v20, v37;
	[tilespmem:s26+$0x500] =	vst v44;
	v54 =	vld.idx.msk [tilespmem:v59+s19+$0x0], $0xffff;
	v35 =	vshll.u32 v35, $0x9  }
0x327: {  	v38 =	vcvt.f32.s32 v38;
	v39 =	vtrunc.f32 v39;
	[tilespmem:s30+$0x580] =	vst v46;
	v56 =	vld.idx.msk [tilespmem:v33+s19+$0x0], $0xffff;
	v53 =	vor.u32 v6, v35  }
0x328: {  	v39 =	vcvt.f32.s32 v39;
	v46 =	vld.idx.msk [tilespmem:v58+s19+$0x0], $0xffff;
	v58 =	vor.u32 v20, v36;
	[tilespmem:s28+$0x500] =	vst v29  }
0x329: {  	v55 =	vor.u32 v7, v28;
	v29 =	vshll.u32 v38, $0x9;
	v57 =	vld.idx.msk [tilespmem:v62+s19+$0x0], $0xffff;
	[tilespmem:s14+$0xB00] =	vst v61  }
0x32a: {  	v33 =	vshll.u32 v39, $0x9;
	v59 =	vor.u32 v6, v29;
	[tilespmem:s16+$0xC80] =	vst v42;
	v41 =	vld.idx.msk [tilespmem:v63+s19+$0x0], $0xffff  }
0x32b: {  	v60 =	vor.u32 v6, v33;
	[tilespmem:s31+$0x580] =	vst v43;
	v61 =	vld.idx.msk [tilespmem:v52+s19+$0x0], $0xffff  }
0x32c: {  	v63 =	vor.u32 v18, v27;
	[tilespmem:s23+$0xC80] =	vst v54;
	v62 =	vld.idx.msk [tilespmem:v53+s19+$0x0], $0xffff  }
0x32d: {  	[tilespmem:s30+$0x600] =	vst v46;
	v53 =	vor.u32 v21, v37;
	v40 =	vld.idx.msk [tilespmem:v58+s19+$0x0], $0xffff  }
0x32e: {  	v54 =	vor.u32 v7, v35;
	[tilespmem:s26+$0x580] =	vst v56;
	v52 =	vld.idx.msk [tilespmem:v55+s19+$0x0], $0xffff  }
0x32f: {  	v56 =	vor.u32 v21, v36;
	v39 =	vld.idx.msk [tilespmem:v59+s19+$0x0], $0xffff;
	[tilespmem:s28+$0x580] =	vst v57  }
0x330: {  	v55 =	vor.u32 v8, v28;
	v38 =	vld.idx.msk [tilespmem:v60+s19+$0x0], $0xffff;
	[tilespmem:s14+$0xB80] =	vst v41  }
0x331: {  	v57 =	vor.u32 v7, v29;
	[tilespmem:s16+$0xD00] =	vst v61;
	v46 =	vld.idx.msk [tilespmem:v63+s19+$0x0], $0xffff  }
0x332: {  	v58 =	vor.u32 v7, v33;
	[tilespmem:s31+$0x600] =	vst v62;
	v44 =	vld.idx.msk [tilespmem:v53+s19+$0x0], $0xffff  }
0x333: {  	v59 =	vor.u32 v19, v27;
	[tilespmem:s23+$0xD00] =	vst v40;
	v45 =	vld.idx.msk [tilespmem:v54+s19+$0x0], $0xffff  }
0x334: {  	v61 =	vor.u32 v22, v37;
	[tilespmem:s30+$0x680] =	vst v52;
	v63 =	vld.idx.msk [tilespmem:v56+s19+$0x0], $0xffff  }
0x335: {  	v62 =	vor.u32 v8, v35;
	v60 =	vld.idx.msk [tilespmem:v55+s19+$0x0], $0xffff;
	[tilespmem:s26+$0x600] =	vst v39  }
0x336: {  	v53 =	vor.u32 v22, v36;
	v41 =	vld.idx.msk [tilespmem:v57+s19+$0x0], $0xffff;
	[tilespmem:s28+$0x600] =	vst v38  }
0x337: {  	v52 =	vor.u32 v9, v28;
	v38 =	vld.idx.msk [tilespmem:v58+s19+$0x0], $0xffff;
	[tilespmem:s14+$0xC00] =	vst v46  }
0x338: {  	v54 =	vor.u32 v8, v29;
	v47 =	vld.idx.msk [tilespmem:v59+s19+$0x0], $0xffff;
	[tilespmem:s16+$0xD80] =	vst v44  }
0x339: {  	v55 =	vor.u32 v8, v33;
	[tilespmem:s31+$0x680] =	vst v45;
	v40 =	vld.idx.msk [tilespmem:v61+s19+$0x0], $0xffff  }
0x33a: {  	v56 =	vor.u32 v20, v27;
	[tilespmem:s23+$0xD80] =	vst v63;
	v45 =	vld.idx.msk [tilespmem:v62+s19+$0x0], $0xffff  }
0x33b: {  	v57 =	vor.u32 v23, v37;
	[tilespmem:s30+$0x700] =	vst v60;
	v59 =	vld.idx.msk [tilespmem:v53+s19+$0x0], $0xffff  }
0x33c: {  	v53 =	vor.u32 v17, v26;
	v42 =	vld.idx.msk [tilespmem:v52+s19+$0x0], $0xffff;
	[tilespmem:s26+$0x680] =	vst v41  }
0x33d: {  	v58 =	vor.u32 v9, v35;
	v46 =	vld.idx.msk [tilespmem:v54+s19+$0x0], $0xffff;
	[tilespmem:s28+$0x680] =	vst v38  }
0x33e: {  	v61 =	vor.u32 v23, v36;
	v38 =	vld.idx.msk [tilespmem:v55+s19+$0x0], $0xffff;
	[tilespmem:s14+$0xC80] =	vst v47  }
0x33f: {  	v60 =	vor.u32 v10, v28;
	v48 =	vld.idx.msk [tilespmem:v56+s19+$0x0], $0xffff;
	[tilespmem:s16+$0xE00] =	vst v40  }
0x340: {  	v62 =	vor.u32 v9, v29;
	[tilespmem:s31+$0x700] =	vst v45;
	v39 =	vld.idx.msk [tilespmem:v57+s19+$0x0], $0xffff  }
0x341: {  	v63 =	vor.u32 v9, v33;
	[tilespmem:s23+$0xE00] =	vst v59;
	v59 =	vld.idx.msk [tilespmem:v53+s19+$0x0], $0xffff  }
0x342: {  	v55 =	vor.u32 v21, v27;
	[tilespmem:s30+$0x780] =	vst v42;
	v52 =	vld.idx.msk [tilespmem:v58+s19+$0x0], $0xffff  }
0x343: {  	v54 =	vor.u32 v24, v37;
	v44 =	vld.idx.msk [tilespmem:v61+s19+$0x0], $0xffff;
	[tilespmem:s26+$0x700] =	vst v46  }
0x344: {  	v57 =	vor.u32 v24, v36;
	v43 =	vld.idx.msk [tilespmem:v60+s19+$0x0], $0xffff;
	[tilespmem:s28+$0x700] =	vst v38  }
0x345: {  	v56 =	vor.u32 v11, v28;
	v47 =	vld.idx.msk [tilespmem:v62+s19+$0x0], $0xffff;
	[tilespmem:s14+$0xD00] =	vst v48  }
0x346: {  	v62 =	vor.u32 v18, v26;
	v38 =	vld.idx.msk [tilespmem:v63+s19+$0x0], $0xffff;
	[tilespmem:s16+$0xE80] =	vst v39  }
0x347: {  	v58 =	vor.u32 v10, v29;
	v61 =	vld.idx.msk [tilespmem:v55+s19+$0x0], $0xffff;
	[tilespmem:s31+$0x780] =	vst v52  }
0x348: {  	v60 =	vor.u32 v10, v33;
	v41 =	vld.idx.msk [tilespmem:v54+s19+$0x0], $0xffff;
	[tilespmem:s23+$0xE80] =	vst v44  }
0x349: {  	v52 =	vor.u32 v10, v35;
	[tilespmem:s30+$0x800] =	vst v43;
	v40 =	vld.idx.msk [tilespmem:v57+s19+$0x0], $0xffff  }
0x34a: {  	v53 =	vor.u32 v22, v27;
	[tilespmem:s15+$0xB80] =	vst v59;
	v63 =	vld.idx.msk [tilespmem:v56+s19+$0x0], $0xffff  }
0x34b: {  	v36 =	vor.u32 v25, v36;
	[tilespmem:s26+$0x780] =	vst v47;
	v56 =	vld.idx.msk [tilespmem:v62+s19+$0x0], $0xffff  }
0x34c: {  	v54 =	vor.u32 v12, v28;
	v48 =	vld.idx.msk [tilespmem:v58+s19+$0x0], $0xffff;
	[tilespmem:s28+$0x780] =	vst v38  }
0x34d: {  	v55 =	vor.u32 v11, v29;
	v42 =	vld.idx.msk [tilespmem:v60+s19+$0x0], $0xffff;
	[tilespmem:s14+$0xD80] =	vst v61  }
0x34e: {  	v60 =	vor.u32 v19, v26;
	[tilespmem:s16+$0xF00] =	vst v41;
	v57 =	vld.idx.msk [tilespmem:v52+s19+$0x0], $0xffff  }
0x34f: {  	v58 =	vor.u32 v11, v33;
	v59 =	vld.idx.msk [tilespmem:v53+s19+$0x0], $0xffff;
	[tilespmem:s23+$0xF00] =	vst v40  }
0x350: {  	v32 =	vtrunc.f32 v32;
	v61 =	vor.u32 v11, v35;
	[tilespmem:s30+$0x880] =	vst v63;
	v38 =	vld.idx.msk [tilespmem:v36+s19+$0x0], $0xffff  }
0x351: {  	v32 =	vcvt.f32.s32 v32;
	v62 =	vor.u32 v23, v27;
	v47 =	vld.idx.msk [tilespmem:v54+s19+$0x0], $0xffff;
	[tilespmem:s26+$0x800] =	vst v48  }
0x352: {  	v34 =	vtrunc.f32 v34;
	v31 =	vtrunc.f32 v31;
	v39 =	vor.u32 v25, v37;
	[tilespmem:s15+$0xC00] =	vst v56;
	v43 =	vld.idx.msk [tilespmem:v55+s19+$0x0], $0xffff  }
0x353: {  	v32 =	vshll.u32 v32, $0x9;
	v31 =	vcvt.f32.s32 v31;
	v30 =	vtrunc.f32 v30;
	[tilespmem:s28+$0x800] =	vst v42;
	v40 =	vld.idx.msk [tilespmem:v60+s19+$0x0], $0xffff  }
0x354: {  	v30 =	vcvt.f32.s32 v30;
	v45 =	vor.u32 v12, v29;
	v63 =	vcvt.f32.s32 v34;
	v42 =	vld.idx.msk [tilespmem:v58+s19+$0x0], $0xffff;
	[tilespmem:s31+$0x800] =	vst v57  }
0x355: {  	v31 =	vshll.u32 v31, $0x9;
	v46 =	vor.u32 v12, v33;
	v41 =	vor.u32 v20, v26;
	[tilespmem:s14+$0xE00] =	vst v59;
	v44 =	vld.idx.msk [tilespmem:v61+s19+$0x0], $0xffff  }
0x356: {  	s0 =	simm.s32 $0x4;
	v34 =	vshll.u32 v30, $0x9;
	v36 =	vor.u32 v12, v35;
	v30 =	vshll.u32 v63, $0x9;
	v37 =	vld.idx.msk [tilespmem:v62+s19+$0x0], $0xffff;
	[tilespmem:s30+$0x900] =	vst v47  }
.LBB2_5:
0x357: {  	s0 =	sadd.s32 $0x4, s0;
	[tilespmem:s23+$0xF80] =	vst v38;
	v38 =	vld.idx.msk [tilespmem:v39+s19+$0x0], $0xffff;
	s23 =	smov.u32 s30  }
0x358: {  	s29 =	sadd.s32 $0x40, s29;
	s1 =	sshll.u32 s0, $0x4;
	s2 =	sshll.u32 s0, $0x9;
	[tilespmem:s26+$0x880] =	vst v43  }
0x359: {  	s30 =	sand.u32 $0x40, s29;
	s17 =	sand.u32 $0x3FFFFF80, s1;
	s1 =	sand.u32 $0x3FFFF000, s2;
	v39 =	vld.idx.msk [tilespmem:v45+s19+$0x0], $0xffff;
	[tilespmem:s28+$0x880] =	vst v42  }
0x35a: {  	s3 =	sor.u32 $0x10, s30;
	s2 =	sadd.s32 $0x1000, s17;
	s6 =	sadd.s32 $0xA000, s1;
	v42 =	vld.idx.msk [tilespmem:v46+s19+$0x0], $0xffff;
	[tilespmem:s15+$0xC80] =	vst v40  }
0x35b: {  	s7 =	sor.u32 $0x30, s30;
	s1 =	sadd.s32 $0x1400, s17;
	s5 =	sadd.s32 $0x1C00, s17;
	[tilespmem:s31+$0x880] =	vst v44;
	v40 =	vld.idx.msk [tilespmem:v41+s19+$0x0], $0xffff  }
0x35c: {  	s4 =	sor.u32 $0x20, s30;
	s8 =	sor.u32 s3, s2;
	s12 =	sor.u32 s7, s1;
	v36 =	vld.idx.msk [tilespmem:v36+s19+$0x0], $0xffff;
	[tilespmem:s14+$0xE80] =	vst v37  }
0x35d: {  	s20 =	sor.u32 s30, s1;
	v41 =	vor.u32 v13, v33;
	v37 =	vld [tilespmem:s8+$0x0];
	s8 =	sor.u32 s3, s1;
	s1 =	sor.u32 s4, s1;
	[tilespmem:s16+$0xF80] =	vst v38  }
0x35e: {  	v43 =	vor.u32 v13, v35;
	s9 =	sor.u32 s30, s2;
	s18 =	sor.u32 s30, s5;
	v38 =	vld [tilespmem:s1+$0x0];
	s1 =	sor.u32 s7, s2  }
0x35f: {  	s22 =	sor.u32 s3, s5;
	s10 =	sor.u32 s7, s5;
	s2 =	sor.u32 s4, s2;
	v44 =	vld [tilespmem:s9+$0x0];
	[tilespmem:s26+$0x900] =	vst v39  }
0x360: {  	p0 =	slt.u32 s0, $0x3C;
	s16 =	smov.u32 s31;
	s9 =	sor.u32 s4, s5;
	v39 =	vld [tilespmem:s1+$0x0];
	[tilespmem:s28+$0x900] =	vst v42  }
0x361: {  	v42 =	vld [tilespmem:s20+$0x0];
	[tilespmem:s15+$0xD00] =	vst v40  }
0x362: {  	v40 =	vor.u32 v21, v26;
	[tilespmem:s16+$0x900] =	vst v36;
	v36 =	vld.idx.msk [tilespmem:v41+s19+$0x0], $0xffff  }
0x363: {  	v41 =	vor.u32 v13, v29;
	v38 =	vtrunc.f32 v38;
	v43 =	vld.idx.msk [tilespmem:v43+s19+$0x0], $0xffff  }
0x364: {  	v46 =	vor.u32 v14, v33;
	v44 =	vtrunc.f32 v44;
	v45 =	vld [tilespmem:s8+$0x0];
	v38 =	vcvt.f32.s32 v38  }
0x365: {  	v49 =	vor.u32 v24, v27;
	v44 =	vcvt.f32.s32 v44;
	v47 =	vld [tilespmem:s2+$0x0];
	v48 =	vtrunc.f32 v39  }
0x366: {  	v42 =	vtrunc.f32 v42;
	v39 =	vshll.u32 v38, $0x9;
	v38 =	vcvt.f32.s32 v48;
	v48 =	vld [tilespmem:s12+$0x0]  }
0x367: {  	s1 =	sadd.s32 $0x1800, s17;
	v37 =	vtrunc.f32 v37;
	v42 =	vcvt.f32.s32 v42;
	v44 =	vshll.u32 v44, $0x9;
	v40 =	vld.idx.msk [tilespmem:v40+s19+$0x0], $0xffff  }
0x368: {  	s5 =	sor.u32 s3, s1;
	s31 =	sor.u32 s4, s1;
	v37 =	vcvt.f32.s32 v37;
	s2 =	sor.u32 s30, s1;
	v38 =	vshll.u32 v38, $0x9;
	v50 =	vld.idx.msk [tilespmem:v41+s19+$0x0], $0xffff;
	[tilespmem:s28+$0x980] =	vst v36  }
0x369: {  	v36 =	vtrunc.f32 v45;
	v38 =	vor.u32 v0, v38;
	[tilespmem:s16+$0x980] =	vst v43;
	v43 =	vld.idx.msk [tilespmem:v46+s19+$0x0], $0xffff;
	v45 =	vor.u32 v22, v26  }
0x36a: {  	v37 =	vshll.u32 v37, $0x9;
	v44 =	vor.u32 v0, v44;
	v36 =	vcvt.f32.s32 v36;
	v46 =	vld.idx.msk [tilespmem:v49+s19+$0x0], $0xffff  }
0x36b: {  	v37 =	vor.u32 v0, v37;
	v47 =	vtrunc.f32 v47;
	v49 =	vld [tilespmem:s5+$0x0];
	v48 =	vtrunc.f32 v48  }
0x36c: {  	v47 =	vcvt.f32.s32 v47;
	v41 =	vshll.u32 v36, $0x9;
	v36 =	vld [tilespmem:s22+$0x0];
	v48 =	vcvt.f32.s32 v48  }
0x36d: {  	v52 =	vor.u32 v25, v27;
	v27 =	vmov v34;
	v51 =	vld [tilespmem:s2+$0x0];
	[tilespmem:s15+$0xD80] =	vst v40  }
0x36e: {  	v34 =	vshll.u32 v47, $0x9;
	v40 =	vshll.u32 v48, $0x9;
	v47 =	vld.idx.msk [tilespmem:v38+s19+$0x0], $0xffff;
	[tilespmem:s26+$0x980] =	vst v50  }
0x36f: {  	v48 =	vor.u32 v14, v35;
	v38 =	vld.idx.msk [tilespmem:v44+s19+$0x0], $0xffff;
	v44 =	vor.u32 v1, v40;
	[tilespmem:s28+$0xA00] =	vst v43  }
0x370: {  	v43 =	vtrunc.f32 v49;
	[tilespmem:s14+$0xF00] =	vst v46;
	v45 =	vld.idx.msk [tilespmem:v45+s19+$0x0], $0xffff;
	v46 =	vor.u32 v23, v26  }
0x371: {  	s1 =	sor.u32 s7, s1;
	v43 =	vcvt.f32.s32 v43;
	v36 =	vtrunc.f32 v36;
	v49 =	vld.idx.msk [tilespmem:v37+s19+$0x0], $0xffff;
	v37 =	vor.u32 v13, v28  }
0x372: {  	v42 =	vshll.u32 v42, $0x9;
	v50 =	vtrunc.f32 v51;
	v51 =	vor.u32 v1, v41;
	v52 =	vld.idx.msk [tilespmem:v52+s19+$0x0], $0xffff  }
0x373: {  	v53 =	vor.u32 v1, v42;
	v54 =	vor.u32 v2, v42;
	v50 =	vcvt.f32.s32 v50;
	v55 =	vld [tilespmem:s1+$0x0]  }
0x374: {  	v36 =	vcvt.f32.s32 v36;
	v43 =	vshll.u32 v43, $0x9;
	v48 =	vld.idx.msk [tilespmem:v48+s19+$0x0], $0xffff  }
0x375: {  	v57 =	vor.u32 v0, v34;
	s1 =	sor.u32 s3, s6;
	v50 =	vshll.u32 v50, $0x9;
	v56 =	vld [tilespmem:s18+$0x0]  }
0x376: {  	s30 =	sor.u32 s30, s6;
	v35 =	vor.u32 v15, v35;
	v58 =	vor.u32 v2, v40;
	v34 =	vshll.u32 v36, $0x9;
	v36 =	vld.idx.msk [tilespmem:v37+s19+$0x0], $0xffff;
	[tilespmem:s15+$0xE00] =	vst v45  }
0x377: {  	v37 =	vor.u32 v15, v33;
	[tilespmem:s30+$0x300] =	vst v38;
	v45 =	vld.idx.msk [tilespmem:v46+s19+$0x0], $0xffff  }
0x378: {  	v46 =	vld.idx.msk [tilespmem:v53+s19+$0x0], $0xffff;
	v33 =	vtrunc.f32 v55;
	v53 =	vor.u32 v14, v28;
	[tilespmem:s14+$0xF80] =	vst v52;
	s14 =	smov.u32 s26;
	s26 =	smov.u32 s1  }
0x379: {  	v52 =	vor.u32 v2, v41;
	v55 =	vld [tilespmem:s9+$0x0];
	v33 =	vcvt.f32.s32 v33  }
0x37a: {  	v38 =	vtrunc.f32 v56;
	v56 =	vld.idx.msk [tilespmem:v57+s19+$0x0], $0xffff;
	[tilespmem:s16+$0xA00] =	vst v48  }
0x37b: {  	v48 =	vor.u32 v24, v26;
	v38 =	vcvt.f32.s32 v38;
	v33 =	vshll.u32 v33, $0x9;
	v35 =	vld.idx.msk [tilespmem:v35+s19+$0x0], $0xffff  }
0x37c: {  	v57 =	vor.u32 v1, v39;
	[tilespmem:s23+$0x980] =	vst v36;
	v36 =	vld.idx.msk [tilespmem:v37+s19+$0x0], $0xffff  }
0x37d: {  	v60 =	vor.u32 v16, v31;
	v59 =	vor.u32 v3, v40;
	v38 =	vshll.u32 v38, $0x9;
	v53 =	vld.idx.msk [tilespmem:v53+s19+$0x0], $0xffff;
	[tilespmem:s15+$0xE80] =	vst v45  }
0x37e: {  	v37 =	vtrunc.f32 v55;
	v45 =	vld [tilespmem:s10+$0x0]  }
0x37f: {  	v55 =	vor.u32 v15, v28;
	v28 =	vmov v50;
	[tilespmem:s30+$0x380] =	vst v46;
	v46 =	vld [tilespmem:s31+$0x0];
	v37 =	vcvt.f32.s32 v37;
	s31 =	sor.u32 s4, s6  }
0x380: {  	v50 =	vor.u32 v3, v41;
	[tilespmem:s31+$0x300] =	vst v56;
	v48 =	vld.idx.msk [tilespmem:v48+s19+$0x0], $0xffff  }
0x381: {  	v56 =	vor.u32 v3, v42;
	v37 =	vshll.u32 v37, $0x9;
	v57 =	vld.idx.msk [tilespmem:v57+s19+$0x0], $0xffff;
	[tilespmem:s16+$0xA80] =	vst v35  }
0x382: {  	v61 =	vor.u32 v25, v26;
	v26 =	vmov v32;
	v60 =	vld.idx.msk [tilespmem:v60+s19+$0x0], $0xffff;
	[tilespmem:s28+$0xA80] =	vst v36;
	v36 =	vor.u32 v16, v32  }
0x383: {  	v62 =	vor.u32 v2, v39;
	v54 =	vld.idx.msk [tilespmem:v54+s19+$0x0], $0xffff;
	v32 =	vtrunc.f32 v45;
	[tilespmem:s23+$0xA00] =	vst v53  }
0x384: {  	s1 =	sor.u32 s7, s6;
	v45 =	vor.u32 v4, v40;
	[tilespmem:s26+$0x300] =	vst v49;
	v35 =	vtrunc.f32 v46;
	v32 =	vcvt.f32.s32 v32;
	v46 =	vld.idx.msk [tilespmem:v55+s19+$0x0], $0xffff  }
0x385: {  	v49 =	vld.idx.msk [tilespmem:v51+s19+$0x0], $0xffff;
	v35 =	vcvt.f32.s32 v35;
	[tilespmem:s1+$0x300] =	vst v47  }
0x386: {  	v47 =	vor.u32 v16, v30;
	v32 =	vshll.u32 v32, $0x9;
	v44 =	vld.idx.msk [tilespmem:v44+s19+$0x0], $0xffff;
	[tilespmem:s15+$0xF00] =	vst v48  }
0x387: {  	v48 =	vor.u32 v4, v41;
	v35 =	vshll.u32 v35, $0x9;
	[tilespmem:s31+$0x380] =	vst v57;
	v51 =	vld.idx.msk [tilespmem:v36+s19+$0x0], $0xffff  }
0x388: {  	v53 =	vor.u32 v4, v42;
	v36 =	vor.u32 v12, v35;
	[tilespmem:s16+$0xB00] =	vst v60;
	v55 =	vld.idx.msk [tilespmem:v61+s19+$0x0], $0xffff  }
0x389: {  	v57 =	vor.u32 v14, v29;
	[tilespmem:s30+$0x400] =	vst v54;
	v54 =	vld.idx.msk [tilespmem:v62+s19+$0x0], $0xffff  }
0x38a: {  	v60 =	vor.u32 v3, v39;
	v56 =	vld.idx.msk [tilespmem:v56+s19+$0x0], $0xffff;
	[tilespmem:s23+$0xA80] =	vst v46;
	v46 =	vor.u32 v17, v31  }
0x38b: {  	[tilespmem:s26+$0x380] =	vst v49;
	v47 =	vld.idx.msk [tilespmem:v47+s19+$0x0], $0xffff  }
0x38c: {  	v49 =	vld.idx.msk [tilespmem:v52+s19+$0x0], $0xffff;
	[tilespmem:s1+$0x380] =	vst v44  }
0x38d: {  	v52 =	vor.u32 v17, v30;
	v44 =	vld.idx.msk [tilespmem:v58+s19+$0x0], $0xffff;
	[tilespmem:s28+$0xB00] =	vst v51  }
0x38e: {  	v41 =	vor.u32 v5, v41;
	v51 =	vld.idx.msk [tilespmem:v57+s19+$0x0], $0xffff;
	[tilespmem:s15+$0xF80] =	vst v55;
	s15 =	smov.u32 s28;
	s28 =	smov.u32 s1  }
0x38f: {  	[tilespmem:s31+$0x400] =	vst v54;
	v46 =	vld.idx.msk [tilespmem:v46+s19+$0x0], $0xffff  }
0x390: {  	v55 =	vor.u32 v15, v29;
	v29 =	vmov v43;
	[tilespmem:s30+$0x480] =	vst v56;
	v54 =	vld.idx.msk [tilespmem:v60+s19+$0x0], $0xffff  }
0x391: {  	v43 =	vld.idx.msk [tilespmem:v53+s19+$0x0], $0xffff;
	v53 =	vor.u32 v4, v39;
	[tilespmem:s23+$0xB00] =	vst v47;
	v47 =	vor.u32 v18, v31  }
0x392: {  	[tilespmem:s26+$0x400] =	vst v49;
	v49 =	vld.idx.msk [tilespmem:v52+s19+$0x0], $0xffff  }
0x393: {  	v42 =	vor.u32 v5, v42;
	v50 =	vld.idx.msk [tilespmem:v50+s19+$0x0], $0xffff;
	[tilespmem:s28+$0x400] =	vst v44  }
0x394: {  	v52 =	vor.u32 v18, v30;
	v44 =	vld.idx.msk [tilespmem:v59+s19+$0x0], $0xffff;
	[tilespmem:s14+$0xA00] =	vst v51  }
0x395: {  	v51 =	vld.idx.msk [tilespmem:v55+s19+$0x0], $0xffff;
	[tilespmem:s16+$0xB80] =	vst v46  }
0x396: {  	[tilespmem:s31+$0x480] =	vst v54;
	v46 =	vld.idx.msk [tilespmem:v47+s19+$0x0], $0xffff  }
0x397: {  	v47 =	vor.u32 v16, v27;
	[tilespmem:s30+$0x500] =	vst v43;
	v43 =	vld.idx.msk [tilespmem:v53+s19+$0x0], $0xffff  }
0x398: {  	v42 =	vld.idx.msk [tilespmem:v42+s19+$0x0], $0xffff;
	[tilespmem:s23+$0xB80] =	vst v49;
	v49 =	vor.u32 v19, v31  }
0x399: {  	v39 =	vor.u32 v5, v39;
	[tilespmem:s26+$0x480] =	vst v50;
	v50 =	vld.idx.msk [tilespmem:v52+s19+$0x0], $0xffff  }
0x39a: {  	v52 =	vor.u32 v6, v28;
	v48 =	vld.idx.msk [tilespmem:v48+s19+$0x0], $0xffff;
	[tilespmem:s28+$0x480] =	vst v44  }
0x39b: {  	v44 =	vld.idx.msk [tilespmem:v45+s19+$0x0], $0xffff;
	v45 =	vor.u32 v19, v30;
	[tilespmem:s14+$0xA80] =	vst v51  }
0x39c: {  	v47 =	vld.idx.msk [tilespmem:v47+s19+$0x0], $0xffff;
	[tilespmem:s16+$0xC00] =	vst v46  }
0x39d: {  	v40 =	vor.u32 v5, v40;
	[tilespmem:s31+$0x500] =	vst v43;
	v43 =	vld.idx.msk [tilespmem:v49+s19+$0x0], $0xffff  }
0x39e: {  	[tilespmem:s30+$0x580] =	vst v42;
	v39 =	vld.idx.msk [tilespmem:v39+s19+$0x0], $0xffff;
	v42 =	vor.u32 v17, v27  }
0x39f: {  	v49 =	vor.u32 v6, v35;
	v46 =	vld.idx.msk [tilespmem:v52+s19+$0x0], $0xffff;
	[tilespmem:s23+$0xC00] =	vst v50;
	v50 =	vor.u32 v20, v31  }
0x3a0: {  	[tilespmem:s26+$0x500] =	vst v48;
	v45 =	vld.idx.msk [tilespmem:v45+s19+$0x0], $0xffff  }
0x3a1: {  	v48 =	vor.u32 v7, v28;
	v41 =	vld.idx.msk [tilespmem:v41+s19+$0x0], $0xffff;
	[tilespmem:s28+$0x500] =	vst v44  }
0x3a2: {  	v44 =	vor.u32 v20, v30;
	v40 =	vld.idx.msk [tilespmem:v40+s19+$0x0], $0xffff;
	[tilespmem:s14+$0xB00] =	vst v47  }
0x3a3: {  	v47 =	vor.u32 v6, v29;
	v42 =	vld.idx.msk [tilespmem:v42+s19+$0x0], $0xffff;
	[tilespmem:s16+$0xC80] =	vst v43  }
0x3a4: {  	[tilespmem:s31+$0x580] =	vst v39;
	v39 =	vor.u32 v6, v33;
	v43 =	vld.idx.msk [tilespmem:v50+s19+$0x0], $0xffff  }
0x3a5: {  	[tilespmem:s30+$0x600] =	vst v46;
	v46 =	vld.idx.msk [tilespmem:v49+s19+$0x0], $0xffff;
	v49 =	vor.u32 v18, v27  }
0x3a6: {  	v50 =	vor.u32 v7, v35;
	v48 =	vld.idx.msk [tilespmem:v48+s19+$0x0], $0xffff;
	[tilespmem:s23+$0xC80] =	vst v45;
	v45 =	vor.u32 v21, v31  }
0x3a7: {  	[tilespmem:s26+$0x580] =	vst v41;
	v41 =	vld.idx.msk [tilespmem:v44+s19+$0x0], $0xffff  }
0x3a8: {  	v44 =	vor.u32 v8, v28;
	v47 =	vld.idx.msk [tilespmem:v47+s19+$0x0], $0xffff;
	[tilespmem:s28+$0x580] =	vst v40  }
0x3a9: {  	v40 =	vor.u32 v21, v30;
	v39 =	vld.idx.msk [tilespmem:v39+s19+$0x0], $0xffff;
	[tilespmem:s14+$0xB80] =	vst v42  }
0x3aa: {  	v42 =	vor.u32 v7, v29;
	v49 =	vld.idx.msk [tilespmem:v49+s19+$0x0], $0xffff;
	[tilespmem:s16+$0xD00] =	vst v43  }
0x3ab: {  	v43 =	vor.u32 v7, v33;
	[tilespmem:s31+$0x600] =	vst v46;
	v45 =	vld.idx.msk [tilespmem:v45+s19+$0x0], $0xffff  }
0x3ac: {  	[tilespmem:s30+$0x680] =	vst v48;
	v46 =	vld.idx.msk [tilespmem:v50+s19+$0x0], $0xffff;
	v48 =	vor.u32 v19, v27  }
0x3ad: {  	v50 =	vor.u32 v8, v35;
	v44 =	vld.idx.msk [tilespmem:v44+s19+$0x0], $0xffff;
	[tilespmem:s23+$0xD00] =	vst v41;
	v41 =	vor.u32 v22, v31  }
0x3ae: {  	[tilespmem:s26+$0x600] =	vst v47;
	v40 =	vld.idx.msk [tilespmem:v40+s19+$0x0], $0xffff  }
0x3af: {  	v47 =	vor.u32 v9, v28;
	v42 =	vld.idx.msk [tilespmem:v42+s19+$0x0], $0xffff;
	[tilespmem:s28+$0x600] =	vst v39  }
0x3b0: {  	v39 =	vld.idx.msk [tilespmem:v43+s19+$0x0], $0xffff;
	v43 =	vor.u32 v22, v30;
	[tilespmem:s14+$0xC00] =	vst v49  }
0x3b1: {  	v49 =	vor.u32 v8, v29;
	v48 =	vld.idx.msk [tilespmem:v48+s19+$0x0], $0xffff;
	[tilespmem:s16+$0xD80] =	vst v45  }
0x3b2: {  	v45 =	vor.u32 v8, v33;
	[tilespmem:s31+$0x680] =	vst v46;
	v41 =	vld.idx.msk [tilespmem:v41+s19+$0x0], $0xffff  }
0x3b3: {  	v46 =	vor.u32 v20, v27;
	[tilespmem:s30+$0x700] =	vst v44;
	v44 =	vld.idx.msk [tilespmem:v50+s19+$0x0], $0xffff  }
0x3b4: {  	v50 =	vor.u32 v9, v35;
	v47 =	vld.idx.msk [tilespmem:v47+s19+$0x0], $0xffff;
	[tilespmem:s23+$0xD80] =	vst v40;
	v40 =	vor.u32 v23, v31  }
0x3b5: {  	[tilespmem:s26+$0x680] =	vst v42;
	v42 =	vld.idx.msk [tilespmem:v43+s19+$0x0], $0xffff  }
0x3b6: {  	v43 =	vor.u32 v10, v28;
	v49 =	vld.idx.msk [tilespmem:v49+s19+$0x0], $0xffff;
	[tilespmem:s28+$0x680] =	vst v39  }
0x3b7: {  	v39 =	vld.idx.msk [tilespmem:v45+s19+$0x0], $0xffff;
	v45 =	vor.u32 v23, v30;
	[tilespmem:s14+$0xC80] =	vst v48  }
0x3b8: {  	v48 =	vor.u32 v9, v29;
	v46 =	vld.idx.msk [tilespmem:v46+s19+$0x0], $0xffff;
	[tilespmem:s16+$0xE00] =	vst v41  }
0x3b9: {  	v41 =	vor.u32 v9, v33;
	[tilespmem:s31+$0x700] =	vst v44;
	v40 =	vld.idx.msk [tilespmem:v40+s19+$0x0], $0xffff  }
0x3ba: {  	[tilespmem:s30+$0x780] =	vst v47;
	v44 =	vld.idx.msk [tilespmem:v50+s19+$0x0], $0xffff;
	v47 =	vor.u32 v17, v26  }
0x3bb: {  	v43 =	vld.idx.msk [tilespmem:v43+s19+$0x0], $0xffff;
	[tilespmem:s23+$0xE00] =	vst v42;
	v42 =	vor.u32 v24, v31  }
0x3bc: {  	[tilespmem:s26+$0x700] =	vst v49;
	v45 =	vld.idx.msk [tilespmem:v45+s19+$0x0], $0xffff;
	v49 =	vor.u32 v21, v27  }
0x3bd: {  	v50 =	vor.u32 v11, v28;
	v48 =	vld.idx.msk [tilespmem:v48+s19+$0x0], $0xffff;
	[tilespmem:s28+$0x700] =	vst v39  }
0x3be: {  	v39 =	vld.idx.msk [tilespmem:v41+s19+$0x0], $0xffff;
	v41 =	vor.u32 v24, v30;
	[tilespmem:s14+$0xD00] =	vst v46  }
0x3bf: {  	v46 =	vor.u32 v10, v29;
	[tilespmem:s16+$0xE80] =	vst v40;
	v40 =	vld.idx.msk [tilespmem:v47+s19+$0x0], $0xffff  }
0x3c0: {  	[tilespmem:s31+$0x780] =	vst v44;
	v44 =	vor.u32 v10, v33;
	v42 =	vld.idx.msk [tilespmem:v42+s19+$0x0], $0xffff  }
0x3c1: {  	v47 =	vor.u32 v18, v26;
	[tilespmem:s30+$0x800] =	vst v43;
	v43 =	vld.idx.msk [tilespmem:v49+s19+$0x0], $0xffff  }
0x3c2: {  	v49 =	vld.idx.msk [tilespmem:v50+s19+$0x0], $0xffff;
	v50 =	vor.u32 v10, v35;
	[tilespmem:s23+$0xE80] =	vst v45  }
0x3c3: {  	v45 =	vor.u32 v22, v27;
	[tilespmem:s26+$0x780] =	vst v48;
	v41 =	vld.idx.msk [tilespmem:v41+s19+$0x0], $0xffff  }
0x3c4: {  	v48 =	vor.u32 v12, v28;
	v46 =	vld.idx.msk [tilespmem:v46+s19+$0x0], $0xffff;
	[tilespmem:s28+$0x780] =	vst v39  }
0x3c5: {  	v39 =	vld.idx.msk [tilespmem:v44+s19+$0x0], $0xffff;
	v44 =	vor.u32 v25, v30;
	[tilespmem:s15+$0xB80] =	vst v40;
	v30 =	vmov v38  }
0x3c6: {  	v40 =	vor.u32 v11, v29;
	[tilespmem:s16+$0xF00] =	vst v42;
	v47 =	vld.idx.msk [tilespmem:v47+s19+$0x0], $0xffff  }
0x3c7: {  	v42 =	vor.u32 v11, v33;
	v50 =	vld.idx.msk [tilespmem:v50+s19+$0x0], $0xffff;
	[tilespmem:s14+$0xD80] =	vst v43  }
0x3c8: {  	v51 =	vor.u32 v19, v26;
	[tilespmem:s30+$0x880] =	vst v49;
	v49 =	vld.idx.msk [tilespmem:v45+s19+$0x0], $0xffff  }
0x3c9: {  	v52 =	vor.u32 v11, v35;
	v48 =	vld.idx.msk [tilespmem:v48+s19+$0x0], $0xffff;
	[tilespmem:s23+$0xF00] =	vst v41  }
0x3ca: {  	v41 =	vor.u32 v23, v27;
	[tilespmem:s26+$0x800] =	vst v46;
	v38 =	vld.idx.msk [tilespmem:v44+s19+$0x0], $0xffff  }
.Ltmp1:
0x3cb: {  	v43 =	vld.idx.msk [tilespmem:v40+s19+$0x0], $0xffff;
	[tilespmem:s28+$0x800] =	vst v39;
	v39 =	vor.u32 v25, v31;
	v31 =	vmov v37;
	(pc) =	sbr.rel @p0 .LBB2_5-.Ltmp1, $4  }
0x3cc: {  	v42 =	vld.idx.msk [tilespmem:v42+s19+$0x0], $0xffff;
	[tilespmem:s15+$0xC00] =	vst v47  }
0x3cd: {  	v45 =	vor.u32 v12, v29;
	[tilespmem:s31+$0x800] =	vst v50;
	v40 =	vld.idx.msk [tilespmem:v51+s19+$0x0], $0xffff  }
0x3ce: {  	v46 =	vor.u32 v12, v33;
	v44 =	vld.idx.msk [tilespmem:v52+s19+$0x0], $0xffff;
	[tilespmem:s14+$0xE00] =	vst v49  }
0x3cf: {  	[tilespmem:s30+$0x900] =	vst v48;
	v37 =	vld.idx.msk [tilespmem:v41+s19+$0x0], $0xffff;
	v41 =	vor.u32 v20, v26  }
0x3d0: {  	_ =	sdelay $0x2  }
0x3d1: {  	[tilespmem:s26+$0x880] =	vst v43  }
0x3d2: {  	v56 =	vor.u32 v13, v28;
	v57 =	vld.idx.msk [tilespmem:v45+s19+$0x0], $0xffff;
	[tilespmem:s28+$0x880] =	vst v42  }
0x3d3: {  	v60 =	vor.u32 v13, v29;
	v59 =	vld.idx.msk [tilespmem:v46+s19+$0x0], $0xffff;
	[tilespmem:s31+$0x880] =	vst v44  }
0x3d4: {  	v47 =	vor.u32 v13, v33;
	v36 =	vld.idx.msk [tilespmem:v36+s19+$0x0], $0xffff  }
0x3d5: {  	v58 =	vor.u32 v13, v35;
	_ =	sdelay $0x1  }
0x3d6: {  	v61 =	vld.idx.msk [tilespmem:v56+s19+$0x0], $0xffff;
	[tilespmem:s26+$0x900] =	vst v57  }
0x3d7: {  	v62 =	vor.u32 v14, v28;
	[tilespmem:s28+$0x900] =	vst v59;
	v44 =	vld.idx.msk [tilespmem:v60+s19+$0x0], $0xffff  }
0x3d8: {  	v53 =	vor.u32 v14, v29;
	v52 =	vld.idx.msk [tilespmem:v47+s19+$0x0], $0xffff;
	[tilespmem:s31+$0x900] =	vst v36  }
0x3d9: {  	v48 =	vor.u32 v14, v33;
	v42 =	vld.idx.msk [tilespmem:v58+s19+$0x0], $0xffff  }
0x3da: {  	v63 =	vor.u32 v14, v35  }
0x3db: {  	[tilespmem:s30+$0x980] =	vst v61  }
0x3dc: {  	v36 =	vld.idx.msk [tilespmem:v62+s19+$0x0], $0xffff;
	[tilespmem:s26+$0x980] =	vst v44  }
0x3dd: {  	v54 =	vor.u32 v15, v28;
	[tilespmem:s28+$0x980] =	vst v52;
	v56 =	vld.idx.msk [tilespmem:v53+s19+$0x0], $0xffff  }
0x3de: {  	v58 =	vor.u32 v15, v29;
	v57 =	vld.idx.msk [tilespmem:v48+s19+$0x0], $0xffff;
	[tilespmem:s31+$0x980] =	vst v42  }
0x3df: {  	v59 =	vor.u32 v15, v33;
	v42 =	vld.idx.msk [tilespmem:v63+s19+$0x0], $0xffff  }
0x3e0: {  	v55 =	vor.u32 v15, v35  }
0x3e1: {  	[tilespmem:s30+$0xA00] =	vst v36  }
0x3e2: {  	v28 =	vld.idx.msk [tilespmem:v54+s19+$0x0], $0xffff;
	[tilespmem:s26+$0xA00] =	vst v56  }
0x3e3: {  	v60 =	vor.u32 v16, v30;
	[tilespmem:s28+$0xA00] =	vst v57;
	v29 =	vld.idx.msk [tilespmem:v58+s19+$0x0], $0xffff  }
0x3e4: {  	v62 =	vor.u32 v16, v34;
	v33 =	vld.idx.msk [tilespmem:v59+s19+$0x0], $0xffff;
	[tilespmem:s31+$0xA00] =	vst v42  }
0x3e5: {  	v63 =	vor.u32 v16, v32;
	v35 =	vld.idx.msk [tilespmem:v55+s19+$0x0], $0xffff  }
0x3e6: {  	v61 =	vor.u32 v16, v31  }
0x3e7: {  	[tilespmem:s30+$0xA80] =	vst v28  }
0x3e8: {  	v28 =	vld.idx.msk [tilespmem:v60+s19+$0x0], $0xffff;
	[tilespmem:s26+$0xA80] =	vst v29  }
0x3e9: {  	v48 =	vor.u32 v17, v30;
	[tilespmem:s28+$0xA80] =	vst v33;
	v50 =	vld.idx.msk [tilespmem:v62+s19+$0x0], $0xffff  }
0x3ea: {  	v52 =	vor.u32 v17, v34;
	v51 =	vld.idx.msk [tilespmem:v63+s19+$0x0], $0xffff;
	[tilespmem:s31+$0xA80] =	vst v35  }
0x3eb: {  	v53 =	vor.u32 v17, v32;
	v35 =	vld.idx.msk [tilespmem:v61+s19+$0x0], $0xffff  }
0x3ec: {  	v49 =	vor.u32 v17, v31  }
0x3ed: {  	[tilespmem:s30+$0xB00] =	vst v28  }
0x3ee: {  	v28 =	vld.idx.msk [tilespmem:v48+s19+$0x0], $0xffff;
	[tilespmem:s26+$0xB00] =	vst v50  }
0x3ef: {  	v54 =	vor.u32 v18, v30;
	[tilespmem:s28+$0xB00] =	vst v51;
	v56 =	vld.idx.msk [tilespmem:v52+s19+$0x0], $0xffff  }
0x3f0: {  	v57 =	vor.u32 v18, v34;
	v58 =	vld.idx.msk [tilespmem:v53+s19+$0x0], $0xffff;
	[tilespmem:s31+$0xB00] =	vst v35  }
0x3f1: {  	v59 =	vor.u32 v18, v32;
	v29 =	vld.idx.msk [tilespmem:v49+s19+$0x0], $0xffff  }
0x3f2: {  	v55 =	vor.u32 v18, v31  }
0x3f3: {  	[tilespmem:s30+$0xB80] =	vst v28  }
0x3f4: {  	v28 =	vld.idx.msk [tilespmem:v54+s19+$0x0], $0xffff;
	[tilespmem:s26+$0xB80] =	vst v56  }
0x3f5: {  	v60 =	vor.u32 v19, v30;
	v36 =	vld.idx.msk [tilespmem:v57+s19+$0x0], $0xffff;
	[tilespmem:s28+$0xB80] =	vst v58  }
0x3f6: {  	v62 =	vor.u32 v19, v34;
	v43 =	vld.idx.msk [tilespmem:v59+s19+$0x0], $0xffff;
	[tilespmem:s31+$0xB80] =	vst v29  }
0x3f7: {  	v63 =	vor.u32 v19, v32;
	v29 =	vld.idx.msk [tilespmem:v55+s19+$0x0], $0xffff  }
0x3f8: {  	v61 =	vor.u32 v19, v31  }
0x3f9: {  	[tilespmem:s30+$0xC00] =	vst v28  }
0x3fa: {  	v28 =	vld.idx.msk [tilespmem:v60+s19+$0x0], $0xffff;
	[tilespmem:s26+$0xC00] =	vst v36  }
0x3fb: {  	v45 =	vor.u32 v20, v30;
	v36 =	vld.idx.msk [tilespmem:v62+s19+$0x0], $0xffff;
	[tilespmem:s28+$0xC00] =	vst v43  }
0x3fc: {  	v47 =	vor.u32 v20, v34;
	v43 =	vld.idx.msk [tilespmem:v63+s19+$0x0], $0xffff;
	[tilespmem:s31+$0xC00] =	vst v29  }
0x3fd: {  	[tilespmem:s15+$0xC80] =	vst v40;
	v48 =	vor.u32 v20, v32;
	v29 =	vld.idx.msk [tilespmem:v61+s19+$0x0], $0xffff  }
0x3fe: {  	v46 =	vor.u32 v20, v31;
	v41 =	vld.idx.msk [tilespmem:v41+s19+$0x0], $0xffff  }
0x3ff: {  	v49 =	vor.u32 v21, v26;
	[tilespmem:s30+$0xC80] =	vst v28  }
0x400: {  	v50 =	vld.idx.msk [tilespmem:v45+s19+$0x0], $0xffff;
	[tilespmem:s26+$0xC80] =	vst v36  }
0x401: {  	v52 =	vor.u32 v21, v30;
	v42 =	vld.idx.msk [tilespmem:v47+s19+$0x0], $0xffff;
	[tilespmem:s28+$0xC80] =	vst v43  }
0x402: {  	v54 =	vor.u32 v21, v34;
	v40 =	vld.idx.msk [tilespmem:v48+s19+$0x0], $0xffff;
	[tilespmem:s31+$0xC80] =	vst v29  }
0x403: {  	[tilespmem:s15+$0xD00] =	vst v41;
	v55 =	vor.u32 v21, v32;
	v51 =	vld.idx.msk [tilespmem:v46+s19+$0x0], $0xffff  }
0x404: {  	v53 =	vor.u32 v21, v31;
	v28 =	vld.idx.msk [tilespmem:v49+s19+$0x0], $0xffff  }
0x405: {  	v56 =	vor.u32 v22, v26;
	[tilespmem:s30+$0xD00] =	vst v50  }
0x406: {  	v57 =	vld.idx.msk [tilespmem:v52+s19+$0x0], $0xffff;
	[tilespmem:s26+$0xD00] =	vst v42  }
0x407: {  	v59 =	vor.u32 v22, v30;
	v43 =	vld.idx.msk [tilespmem:v54+s19+$0x0], $0xffff;
	[tilespmem:s28+$0xD00] =	vst v40  }
0x408: {  	v61 =	vor.u32 v22, v34;
	v40 =	vld.idx.msk [tilespmem:v55+s19+$0x0], $0xffff;
	[tilespmem:s31+$0xD00] =	vst v51  }
0x409: {  	v62 =	vor.u32 v22, v32;
	[tilespmem:s15+$0xD80] =	vst v28;
	v58 =	vld.idx.msk [tilespmem:v53+s19+$0x0], $0xffff  }
0x40a: {  	[tilespmem:s23+$0xF80] =	vst v38;
	v60 =	vor.u32 v22, v31;
	v29 =	vld.idx.msk [tilespmem:v56+s19+$0x0], $0xffff  }
0x40b: {  	v63 =	vor.u32 v23, v26;
	[tilespmem:s30+$0xD80] =	vst v57  }
0x40c: {  	v51 =	vor.u32 v24, v27;
	v45 =	vld.idx.msk [tilespmem:v59+s19+$0x0], $0xffff;
	[tilespmem:s26+$0xD80] =	vst v43  }
0x40d: {  	v47 =	vor.u32 v23, v30;
	v38 =	vld.idx.msk [tilespmem:v61+s19+$0x0], $0xffff;
	[tilespmem:s28+$0xD80] =	vst v40  }
0x40e: {  	v49 =	vor.u32 v23, v34;
	v28 =	vld.idx.msk [tilespmem:v62+s19+$0x0], $0xffff;
	[tilespmem:s31+$0xD80] =	vst v58  }
0x40f: {  	v50 =	vor.u32 v23, v32;
	[tilespmem:s15+$0xE00] =	vst v29;
	v46 =	vld.idx.msk [tilespmem:v60+s19+$0x0], $0xffff  }
0x410: {  	[tilespmem:s14+$0xE80] =	vst v37;
	v48 =	vor.u32 v23, v31;
	v33 =	vld.idx.msk [tilespmem:v63+s19+$0x0], $0xffff  }
0x411: {  	v52 =	vor.u32 v24, v26;
	v58 =	vld.idx.msk [tilespmem:v51+s19+$0x0], $0xffff;
	[tilespmem:s30+$0xE00] =	vst v45  }
0x412: {  	v27 =	vor.u32 v25, v27;
	v53 =	vld.idx.msk [tilespmem:v47+s19+$0x0], $0xffff;
	[tilespmem:s26+$0xE00] =	vst v38  }
0x413: {  	v55 =	vor.u32 v24, v30;
	v37 =	vld.idx.msk [tilespmem:v49+s19+$0x0], $0xffff;
	[tilespmem:s28+$0xE00] =	vst v28  }
0x414: {  	v57 =	vor.u32 v24, v34;
	v29 =	vld.idx.msk [tilespmem:v50+s19+$0x0], $0xffff;
	[tilespmem:s31+$0xE00] =	vst v46  }
0x415: {  	v59 =	vor.u32 v24, v32;
	[tilespmem:s15+$0xE80] =	vst v33;
	v54 =	vld.idx.msk [tilespmem:v48+s19+$0x0], $0xffff  }
0x416: {  	v56 =	vor.u32 v24, v31;
	v35 =	vld.idx.msk [tilespmem:v52+s19+$0x0], $0xffff;
	[tilespmem:s14+$0xF00] =	vst v58  }
0x417: {  	v27 =	vld.idx.msk [tilespmem:v27+s19+$0x0], $0xffff;
	[tilespmem:s30+$0xE80] =	vst v53  }
0x418: {  	v26 =	vor.u32 v25, v26;
	v36 =	vld.idx.msk [tilespmem:v55+s19+$0x0], $0xffff;
	[tilespmem:s26+$0xE80] =	vst v37  }
0x419: {  	v60 =	vor.u32 v25, v30;
	v28 =	vld.idx.msk [tilespmem:v57+s19+$0x0], $0xffff;
	[tilespmem:s28+$0xE80] =	vst v29  }
0x41a: {  	v62 =	vor.u32 v25, v34;
	v33 =	vld.idx.msk [tilespmem:v59+s19+$0x0], $0xffff;
	[tilespmem:s31+$0xE80] =	vst v54  }
0x41b: {  	v63 =	vor.u32 v25, v32;
	[tilespmem:s15+$0xF00] =	vst v35;
	v38 =	vld.idx.msk [tilespmem:v56+s19+$0x0], $0xffff  }
0x41c: {  	v39 =	vld.idx.msk [tilespmem:v39+s19+$0x0], $0xffff;
	v61 =	vor.u32 v25, v31;
	[tilespmem:s14+$0xF80] =	vst v27  }
0x41d: {  	v26 =	vld.idx.msk [tilespmem:v26+s19+$0x0], $0xffff;
	[tilespmem:s30+$0xF00] =	vst v36  }
0x41e: {  	v30 =	vld.idx.msk [tilespmem:v60+s19+$0x0], $0xffff;
	[tilespmem:s26+$0xF00] =	vst v28  }
0x41f: {  	v28 =	vld.idx.msk [tilespmem:v62+s19+$0x0], $0xffff;
	[tilespmem:s28+$0xF00] =	vst v33  }
0x420: {  	v27 =	vld.idx.msk [tilespmem:v63+s19+$0x0], $0xffff;
	[tilespmem:s31+$0xF00] =	vst v38  }
0x421: {  	[tilespmem:s16+$0xF80] =	vst v39;
	v31 =	vld.idx.msk [tilespmem:v61+s19+$0x0], $0xffff  }
0x422: {  	[tilespmem:s15+$0xF80] =	vst v26  }
0x423: {  	[tilespmem:s30+$0xF80] =	vst v30  }
0x424: {  	[tilespmem:s26+$0xF80] =	vst v28  }
0x425: {  	[tilespmem:s28+$0xF80] =	vst v27  }
0x426: {  	s1 =	simm.s32 $0x6;
	[tilespmem:s31+$0xF80] =	vst v31  }
0x427: {  	_ =	swait.ge [sflag:s1], $0x400  }
0x428: {  	[sflag:s1] =	ssyncset.done $0x0  }
0x429: {  	[sflag:s1] =	ssyncadd.s32 $0xFFFFFC00  }
0x42a: {  	_ =	swait.ge [sflag:s1], $0x400  }
0x42b: {  	[sflag:s1] =	ssyncset.done $0x0  }
0x42c: {  	[sflag:s1] =	ssyncadd.s32 $0xFFFFFC00  }
0x42d: {  	_ =	swait.ge [sflag:s1], $0x400  }
0x42e: {  	[sflag:s1] =	ssyncset.done $0x0  }
0x42f: {  	[sflag:s1] =	ssyncadd.s32 $0xFFFFFC00  }
0x430: {  	_ =	swait.ge [sflag:s1], $0x400  }
0x431: {  	[sflag:s1] =	ssyncset.done $0x0  }
0x432: {  	[sflag:s1] =	ssyncadd.s32 $0xFFFFFC00  }
0x433: {  	_ =	swait.ge [sflag:s1], $0x400  }
0x434: {  	[sflag:s1] =	ssyncset.done $0x0  }
0x435: {  	[sflag:s1] =	ssyncadd.s32 $0xFFFFFC00  }
0x436: {  	p0 =	seq.s32 s11, $0xB;
	_ =	swait.ge [sflag:s1], $0x400  }
.Ltmp2:
0x437: {  	s0 =	sshll.u32 s13, $0x11;
	[sflag:s1] =	ssyncset.done $0x0;
	(pc) =	sbr.rel @p0 .LBB2_8-.Ltmp2, $4  }
0x438: {  	s0 =	sor.u32 s24, s0;
	[sflag:s1] =	ssyncadd.s32 $0xFFFFFC00  }
0x439: {  	s0 =	sshrl.u32 s0, $0x3;
	s1 =	rddreg [dreg:$0x2]  }
0x43a: {  	s2 =	simm.s32 $0xA000;
	s31 =	simm.s32 $0x8000;
	s0 =	sadd.s32 s1, s0  }
0x43b: {  	[hbm4b:s0+s25] =	stream.strided.scatter [tilespmem:s2], [sflag:$0x4], $0x8000, s31, s25, $0x38;
	[tilespmem:$0x12600] =	vst v63  }
0x43c: {  	s0 =	rddreg [dreg:$0x9]  }
.Ltmp3:
0x43d: {  	s1 =	rddreg [dreg:$0x13];
	(pc) =	sbr.rel .LBB2_2-.Ltmp3, $4  }
0x43e: {  	s0 =	sadd.s32 s1, s0  }
0x43f: {  	s31 =	simm.s32 $0xC8000;
	s0 =	sshrl.u32 s0, $0x3  }
0x440: {  	s2 =	simm.s32 $0x1000;
	s11 =	sadd.s32 $0x1, s11;
	s0 =	sadd.s32 s21, s0  }
0x441: {  	[tilespmem:s2], [sflag:$0x2] =	stream.strided.gather [hbm4b:s0+s25], $0x1000, s31, s25, $0x38;
	[tilespmem:$0x12600] =	vst v63  }
.LBB2_8:
0x442: {  	s0 =	simm.s32 $0x1  }
0x443: {  	_ =	swait.ge [sflag:s0], $0x1000  }
0x444: {  	[sflag:s0] =	ssyncset.done $0x0  }
0x445: {  	s30 =	simm.s32 $0x3;
	[sflag:s0] =	ssyncadd.s32 $0xFFFFF000  }
0x446: {  	_ =	swait.ge [sflag:s30], $0x8000  }
0x447: {  	s1 =	simm.s32 $0x2000;
	[sflag:s30] =	ssyncset.done $0x0  }
0x448: {  	s0 =	simm.s32 $0x0;
	s2 =	rddreg [dreg:$0xa];
	[sflag:s30] =	ssyncadd.s32 $0xFFFF8000  }
0x449: {  	[tilespmem:s1], [sflag:$0x5] =	stream.linear.gather [hbm4b:s2+s0], $0x80, $0x38;
	[tilespmem:$0x12600] =	vst v63  }
0x44a: {  	s3 =	simm.s32 $0x3000;
	s25 =	sadd.s32 $0x10, s2  }
0x44b: {  	[tilespmem:s3], [sflag:$0x5] =	stream.linear.gather [hbm4b:s25+s0], $0x80, $0x38;
	[tilespmem:$0x12600] =	vst v63  }
0x44c: {  	s28 =	simm.s32 $0x4000;
	s26 =	sadd.s32 $0x20, s2  }
0x44d: {  	[tilespmem:s28], [sflag:$0x5] =	stream.linear.gather [hbm4b:s26+s0], $0x80, $0x38;
	[tilespmem:$0x12600] =	vst v63  }
0x44e: {  	s31 =	simm.s32 $0x5000;
	s29 =	sadd.s32 $0x30, s2  }
0x44f: {  	[tilespmem:s31], [sflag:$0x5] =	stream.linear.gather [hbm4b:s29+s0], $0x80, $0x38;
	[tilespmem:$0x12600] =	vst v63  }
0x450: {  	s4 =	simm.s32 $0x6000;
	s3 =	sadd.s32 $0x40, s2  }
0x451: {  	[tilespmem:s4], [sflag:$0x5] =	stream.linear.gather [hbm4b:s3+s0], $0x80, $0x38;
	[tilespmem:$0x12600] =	vst v63  }
0x452: {  	s6 =	simm.s32 $0x7000;
	s5 =	sadd.s32 $0x50, s2  }
0x453: {  	[tilespmem:s6], [sflag:$0x5] =	stream.linear.gather [hbm4b:s5+s0], $0x80, $0x38;
	[tilespmem:$0x12600] =	vst v63  }
0x454: {  	s8 =	simm.s32 $0x8000;
	s7 =	sadd.s32 $0x60, s2  }
0x455: {  	[tilespmem:s8], [sflag:$0x5] =	stream.linear.gather [hbm4b:s7+s0], $0x80, $0x38;
	[tilespmem:$0x12600] =	vst v63  }
0x456: {  	s10 =	simm.s32 $0x9000;
	s9 =	sadd.s32 $0x70, s2  }
0x457: {  	[tilespmem:s10], [sflag:$0x5] =	stream.linear.gather [hbm4b:s9+s0], $0x80, $0x38;
	[tilespmem:$0x12600] =	vst v63  }
0x458: {  	s12 =	simm.s32 $0x2080;
	s11 =	rddreg [dreg:$0xb]  }
0x459: {  	[tilespmem:s12], [sflag:$0x5] =	stream.linear.gather [hbm4b:s11+s0], $0x80, $0x38;
	[tilespmem:$0x12600] =	vst v63  }
0x45a: {  	s14 =	simm.s32 $0x3080;
	s13 =	sadd.s32 $0x10, s11  }
0x45b: {  	[tilespmem:s14], [sflag:$0x5] =	stream.linear.gather [hbm4b:s13+s0], $0x80, $0x38;
	[tilespmem:$0x12600] =	vst v63  }
0x45c: {  	s16 =	simm.s32 $0x4080;
	s15 =	sadd.s32 $0x20, s11  }
0x45d: {  	[tilespmem:s16], [sflag:$0x5] =	stream.linear.gather [hbm4b:s15+s0], $0x80, $0x38;
	[tilespmem:$0x12600] =	vst v63  }
0x45e: {  	s18 =	simm.s32 $0x5080;
	s17 =	sadd.s32 $0x30, s11  }
0x45f: {  	[tilespmem:s18], [sflag:$0x5] =	stream.linear.gather [hbm4b:s17+s0], $0x80, $0x38;
	[tilespmem:$0x12600] =	vst v63  }
0x460: {  	s21 =	simm.s32 $0x6080;
	s20 =	sadd.s32 $0x40, s11  }
0x461: {  	[tilespmem:s21], [sflag:$0x5] =	stream.linear.gather [hbm4b:s20+s0], $0x80, $0x38;
	[tilespmem:$0x12600] =	vst v63  }
0x462: {  	s23 =	simm.s32 $0x7080;
	s22 =	sadd.s32 $0x50, s11  }
0x463: {  	[tilespmem:s23], [sflag:$0x5] =	stream.linear.gather [hbm4b:s22+s0], $0x80, $0x38;
	[tilespmem:$0x12600] =	vst v63  }
0x464: {  	s24 =	sadd.s32 $0x60, s11;
	s25 =	simm.s32 $0x8080  }
0x465: {  	[tilespmem:s25], [sflag:$0x5] =	stream.linear.gather [hbm4b:s24+s0], $0x80, $0x38;
	[tilespmem:$0x12600] =	vst v63  }
0x466: {  	s26 =	sadd.s32 $0x70, s11;
	s28 =	simm.s32 $0x9080  }
0x467: {  	[tilespmem:s28], [sflag:$0x5] =	stream.linear.gather [hbm4b:s26+s0], $0x80, $0x38;
	[tilespmem:$0x12600] =	vst v63  }
0x468: {  	s29 =	rddreg [dreg:$0xc];
	s31 =	simm.s32 $0x2100  }
0x469: {  	[tilespmem:s31], [sflag:$0x5] =	stream.linear.gather [hbm4b:s29+s0], $0x80, $0x38;
	[tilespmem:$0x12600] =	vst v63  }
0x46a: {  	s3 =	sadd.s32 $0x10, s29;
	s4 =	simm.s32 $0x3100  }
0x46b: {  	[tilespmem:s4], [sflag:$0x5] =	stream.linear.gather [hbm4b:s3+s0], $0x80, $0x38;
	[tilespmem:$0x12600] =	vst v63  }
0x46c: {  	s5 =	sadd.s32 $0x20, s29;
	s6 =	simm.s32 $0x4100  }
0x46d: {  	[tilespmem:s6], [sflag:$0x5] =	stream.linear.gather [hbm4b:s5+s0], $0x80, $0x38;
	[tilespmem:$0x12600] =	vst v63  }
0x46e: {  	s7 =	sadd.s32 $0x30, s29;
	s8 =	simm.s32 $0x5100  }
0x46f: {  	[tilespmem:s8], [sflag:$0x5] =	stream.linear.gather [hbm4b:s7+s0], $0x80, $0x38;
	[tilespmem:$0x12600] =	vst v63  }
0x470: {  	s9 =	sadd.s32 $0x40, s29;
	s10 =	simm.s32 $0x6100  }
0x471: {  	[tilespmem:s10], [sflag:$0x5] =	stream.linear.gather [hbm4b:s9+s0], $0x80, $0x38;
	[tilespmem:$0x12600] =	vst v63  }
0x472: {  	s11 =	sadd.s32 $0x50, s29;
	s12 =	simm.s32 $0x7100  }
0x473: {  	[tilespmem:s12], [sflag:$0x5] =	stream.linear.gather [hbm4b:s11+s0], $0x80, $0x38;
	[tilespmem:$0x12600] =	vst v63  }
0x474: {  	s13 =	sadd.s32 $0x60, s29;
	s14 =	simm.s32 $0x8100  }
0x475: {  	[tilespmem:s14], [sflag:$0x5] =	stream.linear.gather [hbm4b:s13+s0], $0x80, $0x38;
	[tilespmem:$0x12600] =	vst v63  }
0x476: {  	s15 =	sadd.s32 $0x70, s29;
	s16 =	simm.s32 $0x9100  }
0x477: {  	[tilespmem:s16], [sflag:$0x5] =	stream.linear.gather [hbm4b:s15+s0], $0x80, $0x38;
	[tilespmem:$0x12600] =	vst v63  }
0x478: {  	s17 =	rddreg [dreg:$0xd];
	s18 =	simm.s32 $0x2180  }
0x479: {  	[tilespmem:s18], [sflag:$0x5] =	stream.linear.gather [hbm4b:s17+s0], $0x80, $0x38;
	[tilespmem:$0x12600] =	vst v63  }
0x47a: {  	s20 =	sadd.s32 $0x10, s17;
	s21 =	simm.s32 $0x3180  }
0x47b: {  	[tilespmem:s21], [sflag:$0x5] =	stream.linear.gather [hbm4b:s20+s0], $0x80, $0x38;
	[tilespmem:$0x12600] =	vst v63  }
0x47c: {  	s22 =	sadd.s32 $0x20, s17;
	s23 =	simm.s32 $0x4180  }
0x47d: {  	[tilespmem:s23], [sflag:$0x5] =	stream.linear.gather [hbm4b:s22+s0], $0x80, $0x38;
	[tilespmem:$0x12600] =	vst v63  }
0x47e: {  	s24 =	sadd.s32 $0x30, s17;
	s25 =	simm.s32 $0x5180  }
0x47f: {  	[tilespmem:s25], [sflag:$0x5] =	stream.linear.gather [hbm4b:s24+s0], $0x80, $0x38;
	[tilespmem:$0x12600] =	vst v63  }
0x480: {  	s26 =	sadd.s32 $0x40, s17;
	s28 =	simm.s32 $0x6180  }
0x481: {  	[tilespmem:s28], [sflag:$0x5] =	stream.linear.gather [hbm4b:s26+s0], $0x80, $0x38;
	[tilespmem:$0x12600] =	vst v63  }
0x482: {  	s29 =	sadd.s32 $0x50, s17;
	s31 =	simm.s32 $0x7180  }
0x483: {  	[tilespmem:s31], [sflag:$0x5] =	stream.linear.gather [hbm4b:s29+s0], $0x80, $0x38;
	[tilespmem:$0x12600] =	vst v63  }
0x484: {  	s3 =	sadd.s32 $0x60, s17;
	s4 =	simm.s32 $0x8180  }
0x485: {  	[tilespmem:s4], [sflag:$0x5] =	stream.linear.gather [hbm4b:s3+s0], $0x80, $0x38;
	[tilespmem:$0x12600] =	vst v63  }
0x486: {  	s5 =	sadd.s32 $0x70, s17;
	s6 =	simm.s32 $0x9180  }
0x487: {  	[tilespmem:s6], [sflag:$0x5] =	stream.linear.gather [hbm4b:s5+s0], $0x80, $0x38;
	[tilespmem:$0x12600] =	vst v63  }
0x488: {  	s7 =	rddreg [dreg:$0xe];
	s8 =	simm.s32 $0x2200  }
0x489: {  	[tilespmem:s8], [sflag:$0x5] =	stream.linear.gather [hbm4b:s7+s0], $0x80, $0x38;
	[tilespmem:$0x12600] =	vst v63  }
0x48a: {  	s9 =	sadd.s32 $0x10, s7;
	s10 =	simm.s32 $0x3200  }
0x48b: {  	[tilespmem:s10], [sflag:$0x5] =	stream.linear.gather [hbm4b:s9+s0], $0x80, $0x38;
	[tilespmem:$0x12600] =	vst v63  }
0x48c: {  	s11 =	sadd.s32 $0x20, s7;
	s12 =	simm.s32 $0x4200  }
0x48d: {  	[tilespmem:s12], [sflag:$0x5] =	stream.linear.gather [hbm4b:s11+s0], $0x80, $0x38;
	[tilespmem:$0x12600] =	vst v63  }
0x48e: {  	s13 =	sadd.s32 $0x30, s7;
	s14 =	simm.s32 $0x5200  }
0x48f: {  	[tilespmem:s14], [sflag:$0x5] =	stream.linear.gather [hbm4b:s13+s0], $0x80, $0x38;
	[tilespmem:$0x12600] =	vst v63  }
0x490: {  	s15 =	sadd.s32 $0x40, s7;
	s16 =	simm.s32 $0x6200  }
0x491: {  	[tilespmem:s16], [sflag:$0x5] =	stream.linear.gather [hbm4b:s15+s0], $0x80, $0x38;
	[tilespmem:$0x12600] =	vst v63  }
0x492: {  	s17 =	sadd.s32 $0x50, s7;
	s18 =	simm.s32 $0x7200  }
0x493: {  	[tilespmem:s18], [sflag:$0x5] =	stream.linear.gather [hbm4b:s17+s0], $0x80, $0x38;
	[tilespmem:$0x12600] =	vst v63  }
0x494: {  	s20 =	sadd.s32 $0x60, s7;
	s21 =	simm.s32 $0x8200  }
0x495: {  	[tilespmem:s21], [sflag:$0x5] =	stream.linear.gather [hbm4b:s20+s0], $0x80, $0x38;
	[tilespmem:$0x12600] =	vst v63  }
0x496: {  	s22 =	sadd.s32 $0x70, s7;
	s23 =	simm.s32 $0x9200  }
0x497: {  	[tilespmem:s23], [sflag:$0x5] =	stream.linear.gather [hbm4b:s22+s0], $0x80, $0x38;
	[tilespmem:$0x12600] =	vst v63  }
0x498: {  	s24 =	rddreg [dreg:$0xf];
	s25 =	simm.s32 $0x2280  }
0x499: {  	[tilespmem:s25], [sflag:$0x5] =	stream.linear.gather [hbm4b:s24+s0], $0x80, $0x38;
	[tilespmem:$0x12600] =	vst v63  }
0x49a: {  	s26 =	sadd.s32 $0x10, s24;
	s28 =	simm.s32 $0x3280  }
0x49b: {  	[tilespmem:s28], [sflag:$0x5] =	stream.linear.gather [hbm4b:s26+s0], $0x80, $0x38;
	[tilespmem:$0x12600] =	vst v63  }
0x49c: {  	s29 =	sadd.s32 $0x20, s24;
	s31 =	simm.s32 $0x4280  }
0x49d: {  	[tilespmem:s31], [sflag:$0x5] =	stream.linear.gather [hbm4b:s29+s0], $0x80, $0x38;
	[tilespmem:$0x12600] =	vst v63  }
0x49e: {  	s4 =	sadd.s32 $0x30, s24;
	s5 =	simm.s32 $0x5280  }
0x49f: {  	[tilespmem:s5], [sflag:$0x5] =	stream.linear.gather [hbm4b:s4+s0], $0x80, $0x38;
	[tilespmem:$0x12600] =	vst v63  }
0x4a0: {  	s6 =	sadd.s32 $0x40, s24;
	s7 =	simm.s32 $0x6280  }
0x4a1: {  	[tilespmem:s7], [sflag:$0x5] =	stream.linear.gather [hbm4b:s6+s0], $0x80, $0x38;
	[tilespmem:$0x12600] =	vst v63  }
0x4a2: {  	s8 =	sadd.s32 $0x50, s24;
	s9 =	simm.s32 $0x7280  }
0x4a3: {  	[tilespmem:s9], [sflag:$0x5] =	stream.linear.gather [hbm4b:s8+s0], $0x80, $0x38;
	[tilespmem:$0x12600] =	vst v63  }
0x4a4: {  	s10 =	sadd.s32 $0x60, s24;
	s11 =	simm.s32 $0x8280  }
0x4a5: {  	[tilespmem:s11], [sflag:$0x5] =	stream.linear.gather [hbm4b:s10+s0], $0x80, $0x38;
	[tilespmem:$0x12600] =	vst v63  }
0x4a6: {  	s12 =	sadd.s32 $0x70, s24;
	s13 =	simm.s32 $0x9280  }
0x4a7: {  	[tilespmem:s13], [sflag:$0x5] =	stream.linear.gather [hbm4b:s12+s0], $0x80, $0x38;
	[tilespmem:$0x12600] =	vst v63  }
0x4a8: {  	s14 =	simm.s32 $0x0;
	s0 =	sand.u32 $0x40, s0  }
0x4a9: {  	s1 =	sand.u32 $0x3FFFFF80, s14;
	s15 =	sor.u32 $0x30, s0  }
0x4aa: {  	s16 =	sor.u32 s15, s1  }
0x4ab: {  	s17 =	sor.u32 s0, s1;
	v26 =	vld [tilespmem:s16+$0x0]  }
0x4ac: {  	s4 =	sor.u32 $0x20, s0;
	v27 =	vld [tilespmem:s17+$0x0]  }
0x4ad: {  	s18 =	sor.u32 s4, s1  }
0x4ae: {  	v28 =	vld [tilespmem:s18+$0x0]  }
0x4af: {  	s5 =	sadd.s32 $0x400, s1  }
0x4b0: {  	s20 =	sor.u32 s15, s5;
	v26 =	vtrunc.f32 v26  }
0x4b1: {  	s6 =	sor.u32 s0, s5;
	v29 =	vld [tilespmem:s20+$0x0];
	v27 =	vtrunc.f32 v27;
	v26 =	vcvt.f32.s32 v26  }
0x4b2: {  	v30 =	vld [tilespmem:s6+$0x0];
	v27 =	vcvt.f32.s32 v27  }
0x4b3: {  	s21 =	sor.u32 $0x10, s0;
	s7 =	sor.u32 s4, s5;
	v28 =	vtrunc.f32 v28;
	v26 =	vshll.u32 v26, $0x9  }
0x4b4: {  	s22 =	sor.u32 s21, s1;
	v31 =	vld [tilespmem:s7+$0x0];
	v28 =	vcvt.f32.s32 v28;
	v27 =	vshll.u32 v27, $0x9;
	v26 =	vor.u32 v0, v26  }
0x4b5: {  	s23 =	sadd.s32 $0xC00, s1;
	s5 =	sor.u32 s21, s5;
	s1 =	sadd.s32 $0x800, s1;
	v32 =	vld [tilespmem:s22+$0x0];
	v27 =	vor.u32 v0, v27  }
0x4b6: {  	v33 =	vld [tilespmem:s5+$0x0];
	s8 =	sor.u32 s15, s1;
	v29 =	vtrunc.f32 v29;
	v28 =	vshll.u32 v28, $0x9  }
0x4b7: {  	s29 =	sor.u32 s0, s1;
	v37 =	vld [tilespmem:s8+$0x0];
	v29 =	vcvt.f32.s32 v29;
	v34 =	vor.u32 v0, v28;
	v28 =	vtrunc.f32 v30  }
0x4b8: {  	v56 =	vld [tilespmem:s29+$0x0];
	v36 =	vcvt.f32.s32 v28  }
0x4b9: {  	v31 =	vtrunc.f32 v31;
	v29 =	vshll.u32 v29, $0x9;
	v35 =	vld.idx.msk [tilespmem:v26+s19+$0x0], $0xffff  }
0x4ba: {  	s25 =	simm.s32 $0x0;
	s31 =	sor.u32 s4, s1;
	v31 =	vcvt.f32.s32 v31;
	v30 =	vor.u32 v1, v29;
	v36 =	vshll.u32 v36, $0x9;
	v27 =	vld.idx.msk [tilespmem:v27+s19+$0x0], $0xffff  }
0x4bb: {  	s26 =	sand.u32 $0x3FFFF000, s25;
	v41 =	vld [tilespmem:s31+$0x0];
	v38 =	vor.u32 v1, v36  }
0x4bc: {  	s28 =	sor.u32 s15, s23;
	s5 =	sadd.s32 $0x2000, s26;
	v31 =	vshll.u32 v31, $0x9;
	v34 =	vld.idx.msk [tilespmem:v34+s19+$0x0], $0xffff  }
0x4bd: {  	s24 =	sor.u32 s0, s23;
	s13 =	sor.u32 s15, s5;
	v55 =	vor.u32 v1, v31;
	v28 =	vld [tilespmem:s28+$0x0]  }
0x4be: {  	s11 =	sor.u32 s0, s5;
	v32 =	vtrunc.f32 v32;
	v26 =	vld [tilespmem:s24+$0x0];
	[tilespmem:s13+$0x300] =	vst v35  }
0x4bf: {  	[tilespmem:s11+$0x300] =	vst v27;
	v39 =	vld.idx.msk [tilespmem:v30+s19+$0x0], $0xffff;
	v30 =	vcvt.f32.s32 v32  }
0x4c0: {  	s8 =	sor.u32 s4, s23;
	s0 =	sor.u32 s4, s5;
	v40 =	vor.u32 v2, v29;
	v38 =	vld.idx.msk [tilespmem:v38+s19+$0x0], $0xffff  }
0x4c1: {  	v57 =	vor.u32 v2, v36;
	v42 =	vshll.u32 v30, $0x9;
	v30 =	vld [tilespmem:s8+$0x0];
	[tilespmem:s0+$0x300] =	vst v34  }
0x4c2: {  	v42 =	vor.u32 v0, v42;
	v35 =	vld.idx.msk [tilespmem:v55+s19+$0x0], $0xffff  }
0x4c3: {  	v58 =	vor.u32 v2, v31  }
0x4c4: {  	v27 =	vtrunc.f32 v33;
	[tilespmem:s13+$0x380] =	vst v39  }
0x4c5: {  	v59 =	vcvt.f32.s32 v27;
	[tilespmem:s11+$0x380] =	vst v38;
	v39 =	vld.idx.msk [tilespmem:v40+s19+$0x0], $0xffff  }
0x4c6: {  	v43 =	vor.u32 v3, v29;
	v34 =	vld.idx.msk [tilespmem:v57+s19+$0x0], $0xffff  }
0x4c7: {  	v61 =	vor.u32 v3, v36;
	v40 =	vshll.u32 v59, $0x9;
	v42 =	vld.idx.msk [tilespmem:v42+s19+$0x0], $0xffff;
	[tilespmem:s0+$0x380] =	vst v35  }
0x4c8: {  	s1 =	sor.u32 s21, s1;
	v60 =	vor.u32 v1, v40;
	v33 =	vld.idx.msk [tilespmem:v58+s19+$0x0], $0xffff  }
0x4c9: {  	s9 =	sor.u32 s21, s23;
	v44 =	vld [tilespmem:s1+$0x0];
	v62 =	vor.u32 v3, v31  }
0x4ca: {  	v27 =	vld [tilespmem:s9+$0x0];
	[tilespmem:s13+$0x400] =	vst v39  }
0x4cb: {  	s12 =	sor.u32 s21, s5;
	[tilespmem:s11+$0x400] =	vst v34;
	v43 =	vld.idx.msk [tilespmem:v43+s19+$0x0], $0xffff  }
0x4cc: {  	v45 =	vor.u32 v4, v29;
	v35 =	vld.idx.msk [tilespmem:v61+s19+$0x0], $0xffff;
	[tilespmem:s12+$0x300] =	vst v42  }
0x4cd: {  	v46 =	vor.u32 v4, v36;
	v38 =	vld.idx.msk [tilespmem:v60+s19+$0x0], $0xffff;
	[tilespmem:s0+$0x400] =	vst v33  }
0x4ce: {  	v63 =	vor.u32 v2, v40;
	v39 =	vld.idx.msk [tilespmem:v62+s19+$0x0], $0xffff  }
0x4cf: {  	v47 =	vor.u32 v4, v31  }
0x4d0: {  	[tilespmem:s13+$0x480] =	vst v43  }
0x4d1: {  	[tilespmem:s11+$0x480] =	vst v35;
	v43 =	vld.idx.msk [tilespmem:v45+s19+$0x0], $0xffff  }
0x4d2: {  	v29 =	vor.u32 v5, v29;
	v33 =	vld.idx.msk [tilespmem:v46+s19+$0x0], $0xffff;
	[tilespmem:s12+$0x380] =	vst v38  }
0x4d3: {  	v50 =	vor.u32 v5, v36;
	v38 =	vld.idx.msk [tilespmem:v63+s19+$0x0], $0xffff;
	[tilespmem:s0+$0x480] =	vst v39  }
0x4d4: {  	v37 =	vtrunc.f32 v37;
	v49 =	vor.u32 v3, v40;
	v39 =	vld.idx.msk [tilespmem:v47+s19+$0x0], $0xffff  }
0x4d5: {  	v48 =	vcvt.f32.s32 v37;
	v31 =	vor.u32 v5, v31;
	v32 =	vtrunc.f32 v56  }
0x4d6: {  	v32 =	vcvt.f32.s32 v32;
	[tilespmem:s13+$0x500] =	vst v43  }
0x4d7: {  	v34 =	vshll.u32 v48, $0x9;
	[tilespmem:s11+$0x500] =	vst v33;
	v29 =	vld.idx.msk [tilespmem:v29+s19+$0x0], $0xffff  }
0x4d8: {  	v52 =	vtrunc.f32 v41;
	v36 =	vshll.u32 v32, $0x9;
	v51 =	vor.u32 v6, v34;
	v33 =	vld.idx.msk [tilespmem:v50+s19+$0x0], $0xffff;
	[tilespmem:s12+$0x400] =	vst v38  }
0x4d9: {  	v53 =	vcvt.f32.s32 v52;
	v55 =	vor.u32 v6, v36;
	v35 =	vld.idx.msk [tilespmem:v49+s19+$0x0], $0xffff;
	[tilespmem:s0+$0x500] =	vst v39  }
0x4da: {  	v31 =	vld.idx.msk [tilespmem:v31+s19+$0x0], $0xffff  }
0x4db: {  	s10 =	simm.s32 $0x40;
	v54 =	vor.u32 v4, v40;
	v38 =	vshll.u32 v53, $0x9  }
0x4dc: {  	s23 =	simm.s32 $0x40;
	s1 =	sand.u32 $0x3FFFFF80, s10;
	[tilespmem:s13+$0x580] =	vst v29;
	v29 =	vor.u32 v6, v38  }
0x4dd: {  	s14 =	sand.u32 $0x40, s23;
	s31 =	sadd.s32 $0x400, s1;
	[tilespmem:s11+$0x580] =	vst v33;
	v56 =	vld.idx.msk [tilespmem:v51+s19+$0x0], $0xffff  }
0x4de: {  	s20 =	sadd.s32 $0xC00, s1;
	s5 =	sor.u32 s14, s1;
	s10 =	sor.u32 $0x30, s14;
	v57 =	vor.u32 v7, v34;
	v33 =	vld.idx.msk [tilespmem:v55+s19+$0x0], $0xffff;
	[tilespmem:s12+$0x480] =	vst v35  }
0x4df: {  	s3 =	sor.u32 $0x20, s14;
	s16 =	sor.u32 s10, s1;
	s9 =	sor.u32 $0x10, s14;
	[tilespmem:s0+$0x580] =	vst v31;
	v31 =	vor.u32 v7, v36  }
0x4e0: {  	s15 =	sor.u32 s9, s1;
	s8 =	sor.u32 s3, s1;
	s1 =	sadd.s32 $0x800, s1;
	v32 =	vld.idx.msk [tilespmem:v54+s19+$0x0], $0xffff  }
0x4e1: {  	s26 =	sor.u32 s14, s1;
	v58 =	vor.u32 v5, v40;
	v59 =	vld.idx.msk [tilespmem:v29+s19+$0x0], $0xffff  }
0x4e2: {  	v41 =	vld [tilespmem:s26+$0x0];
	v60 =	vor.u32 v7, v38;
	[tilespmem:s13+$0x600] =	vst v56  }
0x4e3: {  	v29 =	vtrunc.f32 v44;
	[tilespmem:s11+$0x600] =	vst v33;
	v61 =	vld.idx.msk [tilespmem:v57+s19+$0x0], $0xffff  }
0x4e4: {  	s28 =	sor.u32 s9, s1;
	v62 =	vor.u32 v8, v34;
	v29 =	vcvt.f32.s32 v29;
	v31 =	vld.idx.msk [tilespmem:v31+s19+$0x0], $0xffff  }
0x4e5: {  	v39 =	vld [tilespmem:s28+$0x0];
	v44 =	vor.u32 v8, v36;
	[tilespmem:s12+$0x500] =	vst v32  }
0x4e6: {  	v29 =	vshll.u32 v29, $0x9;
	v32 =	vld.idx.msk [tilespmem:v58+s19+$0x0], $0xffff;
	[tilespmem:s0+$0x600] =	vst v59  }
0x4e7: {  	v63 =	vor.u32 v6, v29;
	v37 =	vld.idx.msk [tilespmem:v60+s19+$0x0], $0xffff  }
0x4e8: {  	v45 =	vor.u32 v8, v38;
	[tilespmem:s13+$0x680] =	vst v61;
	v61 =	vld [tilespmem:s5+$0x0]  }
0x4e9: {  	v40 =	vld.idx.msk [tilespmem:v62+s19+$0x0], $0xffff;
	[tilespmem:s11+$0x680] =	vst v31  }
0x4ea: {  	s6 =	sor.u32 s3, s31;
	v46 =	vor.u32 v9, v34;
	v47 =	vld.idx.msk [tilespmem:v44+s19+$0x0], $0xffff  }
0x4eb: {  	[tilespmem:s12+$0x580] =	vst v32;
	v44 =	vld [tilespmem:s6+$0x0]  }
0x4ec: {  	v32 =	vld.idx.msk [tilespmem:v63+s19+$0x0], $0xffff;
	[tilespmem:s0+$0x680] =	vst v37  }
0x4ed: {  	v48 =	vor.u32 v9, v36;
	v37 =	vld.idx.msk [tilespmem:v45+s19+$0x0], $0xffff  }
0x4ee: {  	v45 =	vld [tilespmem:s8+$0x0];
	[tilespmem:s13+$0x700] =	vst v40  }
0x4ef: {  	v31 =	vor.u32 v7, v29;
	v40 =	vld.idx.msk [tilespmem:v46+s19+$0x0], $0xffff  }
0x4f0: {  	v49 =	vor.u32 v9, v38;
	v46 =	vld [tilespmem:s15+$0x0]  }
0x4f1: {  	[tilespmem:s11+$0x700] =	vst v47;
	v47 =	vld [tilespmem:s16+$0x0]  }
0x4f2: {  	s17 =	sor.u32 s10, s31;
	v50 =	vor.u32 v10, v34;
	v33 =	vld.idx.msk [tilespmem:v48+s19+$0x0], $0xffff  }
0x4f3: {  	v52 =	vor.u32 v10, v36;
	[tilespmem:s12+$0x600] =	vst v32;
	v48 =	vld [tilespmem:s17+$0x0]  }
0x4f4: {  	v31 =	vld.idx.msk [tilespmem:v31+s19+$0x0], $0xffff;
	[tilespmem:s0+$0x700] =	vst v37  }
0x4f5: {  	s21 =	sor.u32 s14, s20;
	v51 =	vor.u32 v8, v29;
	v37 =	vld.idx.msk [tilespmem:v49+s19+$0x0], $0xffff  }
0x4f6: {  	v53 =	vor.u32 v10, v38;
	v32 =	vld [tilespmem:s21+$0x0];
	[tilespmem:s13+$0x780] =	vst v40  }
0x4f7: {  	v40 =	vld.idx.msk [tilespmem:v50+s19+$0x0], $0xffff;
	[tilespmem:s11+$0x780] =	vst v33  }
0x4f8: {  	s18 =	sor.u32 s14, s31;
	v54 =	vor.u32 v11, v34;
	v33 =	vld.idx.msk [tilespmem:v52+s19+$0x0], $0xffff  }
0x4f9: {  	v56 =	vor.u32 v11, v36;
	v49 =	vld [tilespmem:s18+$0x0];
	[tilespmem:s12+$0x680] =	vst v31  }
0x4fa: {  	v46 =	vtrunc.f32 v46;
	v31 =	vld.idx.msk [tilespmem:v51+s19+$0x0], $0xffff;
	[tilespmem:s0+$0x780] =	vst v37  }
0x4fb: {  	s2 =	sor.u32 s9, s31;
	v46 =	vcvt.f32.s32 v46;
	v37 =	vld.idx.msk [tilespmem:v53+s19+$0x0], $0xffff  }
0x4fc: {  	v57 =	vor.u32 v11, v38;
	v47 =	vtrunc.f32 v47;
	v50 =	vld [tilespmem:s2+$0x0];
	[tilespmem:s13+$0x800] =	vst v40  }
0x4fd: {  	v55 =	vor.u32 v9, v29;
	v47 =	vcvt.f32.s32 v47;
	v46 =	vshll.u32 v46, $0x9;
	v40 =	vld.idx.msk [tilespmem:v54+s19+$0x0], $0xffff;
	[tilespmem:s11+$0x800] =	vst v33  }
0x4fe: {  	s22 =	sor.u32 s10, s20;
	v46 =	vor.u32 v0, v46;
	v35 =	vld.idx.msk [tilespmem:v56+s19+$0x0], $0xffff  }
0x4ff: {  	s25 =	sor.u32 s9, s20;
	v58 =	vor.u32 v12, v34;
	v47 =	vshll.u32 v47, $0x9;
	v33 =	vtrunc.f32 v61;
	[tilespmem:s12+$0x700] =	vst v31;
	v31 =	vld [tilespmem:s22+$0x0]  }
0x500: {  	v47 =	vor.u32 v0, v47;
	v62 =	vcvt.f32.s32 v33;
	v33 =	vld [tilespmem:s25+$0x0];
	[tilespmem:s0+$0x800] =	vst v37  }
0x501: {  	v60 =	vld.idx.msk [tilespmem:v57+s19+$0x0], $0xffff  }
0x502: {  	v51 =	vor.u32 v12, v38;
	v59 =	vld.idx.msk [tilespmem:v55+s19+$0x0], $0xffff  }
0x503: {  	v52 =	vor.u32 v10, v29;
	v46 =	vld.idx.msk [tilespmem:v46+s19+$0x0], $0xffff;
	[tilespmem:s13+$0x880] =	vst v40  }
0x504: {  	v53 =	vor.u32 v12, v36;
	v40 =	vld.idx.msk [tilespmem:v58+s19+$0x0], $0xffff  }
0x505: {  	s24 =	sor.u32 s10, s1;
	v54 =	vor.u32 v13, v34;
	v47 =	vld.idx.msk [tilespmem:v47+s19+$0x0], $0xffff;
	v55 =	vshll.u32 v62, $0x9  }
0x506: {  	v37 =	vld [tilespmem:s24+$0x0];
	v63 =	vor.u32 v0, v55;
	[tilespmem:s0+$0x880] =	vst v60  }
0x507: {  	[tilespmem:s12+$0x780] =	vst v59;
	v57 =	vld.idx.msk [tilespmem:v51+s19+$0x0], $0xffff  }
0x508: {  	[tilespmem:s11+$0x880] =	vst v35;
	v58 =	vor.u32 v13, v38;
	v59 =	vtrunc.f32 v49;
	v51 =	vld.idx.msk [tilespmem:v52+s19+$0x0], $0xffff  }
0x509: {  	v60 =	vor.u32 v11, v29;
	v52 =	vld.idx.msk [tilespmem:v53+s19+$0x0], $0xffff;
	[tilespmem:s13+$0x900] =	vst v40;
	v40 =	vcvt.f32.s32 v59  }
0x50a: {  	v45 =	vtrunc.f32 v45;
	v62 =	vor.u32 v13, v36;
	v61 =	vld.idx.msk [tilespmem:v54+s19+$0x0], $0xffff  }
0x50b: {  	s1 =	sor.u32 s3, s1;
	v45 =	vcvt.f32.s32 v45;
	v43 =	vld.idx.msk [tilespmem:v63+s19+$0x0], $0xffff;
	v63 =	vor.u32 v14, v34;
	v55 =	vshll.u32 v40, $0x9  }
0x50c: {  	s29 =	simm.s32 $0x800;
	v40 =	vld [tilespmem:s1+$0x0];
	[tilespmem:s0+$0x900] =	vst v57;
	v57 =	vor.u32 v1, v55  }
0x50d: {  	v45 =	vshll.u32 v45, $0x9;
	s1 =	sand.u32 $0x3FFFF000, s29;
	[tilespmem:s12+$0x800] =	vst v51;
	v56 =	vld.idx.msk [tilespmem:v58+s19+$0x0], $0xffff  }
0x50e: {  	v45 =	vor.u32 v0, v45;
	s1 =	sadd.s32 $0x2000, s1;
	[tilespmem:s11+$0x900] =	vst v52;
	v49 =	vld.idx.msk [tilespmem:v60+s19+$0x0], $0xffff  }
0x50f: {  	v50 =	vtrunc.f32 v50;
	v59 =	vor.u32 v14, v38;
	s14 =	sor.u32 s14, s1;
	v52 =	vld.idx.msk [tilespmem:v62+s19+$0x0], $0xffff;
	[tilespmem:s13+$0x980] =	vst v61  }
0x510: {  	[tilespmem:s14+$0x300] =	vst v43;
	v60 =	vtrunc.f32 v48;
	v62 =	vor.u32 v14, v36;
	v61 =	vcvt.f32.s32 v50;
	v53 =	vld.idx.msk [tilespmem:v63+s19+$0x0], $0xffff  }
0x511: {  	s31 =	sor.u32 s3, s20;
	v34 =	vor.u32 v15, v34;
	v42 =	vcvt.f32.s32 v60;
	v50 =	vld.idx.msk [tilespmem:v57+s19+$0x0], $0xffff  }
0x512: {  	v44 =	vtrunc.f32 v44;
	v35 =	vld [tilespmem:s31+$0x0];
	v63 =	vor.u32 v2, v55;
	v43 =	vshll.u32 v61, $0x9;
	[tilespmem:s0+$0x980] =	vst v56  }
0x513: {  	v44 =	vcvt.f32.s32 v44;
	v60 =	vld.idx.msk [tilespmem:v45+s19+$0x0], $0xffff;
	[tilespmem:s12+$0x880] =	vst v49;
	v49 =	vshll.u32 v42, $0x9;
	v56 =	vor.u32 v1, v43  }
0x514: {  	[tilespmem:s11+$0x980] =	vst v52;
	v51 =	vld.idx.msk [tilespmem:v59+s19+$0x0], $0xffff;
	v61 =	vor.u32 v1, v49  }
0x515: {  	v30 =	vtrunc.f32 v30;
	v38 =	vor.u32 v15, v38;
	v42 =	vshll.u32 v44, $0x9;
	v48 =	vld.idx.msk [tilespmem:v62+s19+$0x0], $0xffff;
	[tilespmem:s13+$0xA00] =	vst v53  }
0x516: {  	v30 =	vcvt.f32.s32 v30;
	s15 =	sor.u32 s9, s1;
	v62 =	vor.u32 v1, v42;
	v34 =	vld.idx.msk [tilespmem:v34+s19+$0x0], $0xffff;
	[tilespmem:s14+$0x380] =	vst v50  }
0x517: {  	s26 =	sor.u32 s10, s1;
	[tilespmem:s15+$0x300] =	vst v46;
	v50 =	vld.idx.msk [tilespmem:v63+s19+$0x0], $0xffff;
	v63 =	vor.u32 v15, v36  }
0x518: {  	[tilespmem:s26+$0x300] =	vst v47;
	v36 =	vshll.u32 v30, $0x9;
	v30 =	vor.u32 v3, v55;
	v57 =	vld.idx.msk [tilespmem:v56+s19+$0x0], $0xffff  }
0x519: {  	v28 =	vtrunc.f32 v28;
	s16 =	sor.u32 s3, s1;
	v59 =	vor.u32 v2, v43;
	[tilespmem:s0+$0xA00] =	vst v51;
	v45 =	vld.idx.msk [tilespmem:v61+s19+$0x0], $0xffff  }
0x51a: {  	v28 =	vcvt.f32.s32 v28;
	[tilespmem:s16+$0x300] =	vst v60;
	v60 =	vor.u32 v2, v49;
	v51 =	vld.idx.msk [tilespmem:v38+s19+$0x0], $0xffff  }
0x51b: {  	v58 =	vor.u32 v16, v36;
	v52 =	vld.idx.msk [tilespmem:v62+s19+$0x0], $0xffff;
	[tilespmem:s11+$0xA00] =	vst v48  }
0x51c: {  	v26 =	vtrunc.f32 v26;
	v61 =	vor.u32 v12, v29;
	v38 =	vshll.u32 v28, $0x9;
	[tilespmem:s14+$0x400] =	vst v50;
	v28 =	vld.idx.msk [tilespmem:v63+s19+$0x0], $0xffff  }
0x51d: {  	v26 =	vcvt.f32.s32 v26;
	v62 =	vor.u32 v16, v38;
	[tilespmem:s15+$0x380] =	vst v57;
	v30 =	vld.idx.msk [tilespmem:v30+s19+$0x0], $0xffff  }
0x51e: {  	v63 =	vor.u32 v2, v42;
	v56 =	vld.idx.msk [tilespmem:v59+s19+$0x0], $0xffff;
	[tilespmem:s26+$0x380] =	vst v45  }
0x51f: {  	v26 =	vshll.u32 v26, $0x9;
	v59 =	vor.u32 v4, v55;
	[tilespmem:s0+$0xA80] =	vst v51;
	v48 =	vld.idx.msk [tilespmem:v60+s19+$0x0], $0xffff  }
0x520: {  	[tilespmem:s13+$0xA80] =	vst v34;
	v44 =	vld.idx.msk [tilespmem:v58+s19+$0x0], $0xffff;
	v58 =	vor.u32 v16, v26  }
0x521: {  	[tilespmem:s16+$0x380] =	vst v52;
	v46 =	vld.idx.msk [tilespmem:v61+s19+$0x0], $0xffff;
	v61 =	vor.u32 v3, v49  }
0x522: {  	v60 =	vor.u32 v17, v36;
	[tilespmem:s11+$0xA80] =	vst v28;
	v28 =	vld.idx.msk [tilespmem:v62+s19+$0x0], $0xffff  }
0x523: {  	v62 =	vor.u32 v3, v43;
	[tilespmem:s14+$0x480] =	vst v30;
	v30 =	vld.idx.msk [tilespmem:v63+s19+$0x0], $0xffff  }
0x524: {  	v63 =	vor.u32 v13, v29;
	[tilespmem:s15+$0x400] =	vst v56;
	v57 =	vld.idx.msk [tilespmem:v59+s19+$0x0], $0xffff  }
0x525: {  	[tilespmem:s26+$0x400] =	vst v48;
	v45 =	vld.idx.msk [tilespmem:v58+s19+$0x0], $0xffff;
	v58 =	vor.u32 v17, v38  }
0x526: {  	v59 =	vor.u32 v17, v26;
	[tilespmem:s0+$0xB00] =	vst v44;
	v34 =	vld.idx.msk [tilespmem:v61+s19+$0x0], $0xffff  }
0x527: {  	[tilespmem:s12+$0x900] =	vst v46;
	v52 =	vld.idx.msk [tilespmem:v60+s19+$0x0], $0xffff;
	v60 =	vor.u32 v5, v55  }
0x528: {  	v61 =	vor.u32 v18, v36;
	v46 =	vld.idx.msk [tilespmem:v62+s19+$0x0], $0xffff;
	[tilespmem:s13+$0xB00] =	vst v28  }
0x529: {  	v62 =	vor.u32 v3, v42;
	[tilespmem:s16+$0x400] =	vst v30;
	v30 =	vld.idx.msk [tilespmem:v63+s19+$0x0], $0xffff  }
0x52a: {  	v28 =	vtrunc.f32 v41;
	v63 =	vor.u32 v4, v43;
	[tilespmem:s11+$0xB00] =	vst v45;
	v45 =	vld.idx.msk [tilespmem:v58+s19+$0x0], $0xffff  }
0x52b: {  	v56 =	vor.u32 v14, v29;
	v28 =	vcvt.f32.s32 v28;
	[tilespmem:s14+$0x500] =	vst v57;
	v44 =	vld.idx.msk [tilespmem:v59+s19+$0x0], $0xffff  }
0x52c: {  	v58 =	vor.u32 v4, v49;
	v57 =	vld.idx.msk [tilespmem:v60+s19+$0x0], $0xffff;
	[tilespmem:s0+$0xB80] =	vst v52  }
0x52d: {  	v28 =	vshll.u32 v28, $0x9;
	[tilespmem:s26+$0x480] =	vst v34;
	v60 =	vor.u32 v18, v38;
	v59 =	vld.idx.msk [tilespmem:v61+s19+$0x0], $0xffff  }
0x52e: {  	v61 =	vor.u32 v6, v28;
	[tilespmem:s15+$0x480] =	vst v46;
	v62 =	vld.idx.msk [tilespmem:v62+s19+$0x0], $0xffff  }
0x52f: {  	v41 =	vld.idx.msk [tilespmem:v63+s19+$0x0], $0xffff;
	[tilespmem:s12+$0x980] =	vst v30;
	v30 =	vor.u32 v19, v36  }
0x530: {  	v63 =	vor.u32 v18, v26;
	v47 =	vld.idx.msk [tilespmem:v56+s19+$0x0], $0xffff;
	[tilespmem:s13+$0xB80] =	vst v45  }
0x531: {  	v54 =	vor.u32 v4, v42;
	v51 =	vld.idx.msk [tilespmem:v58+s19+$0x0], $0xffff;
	[tilespmem:s11+$0xB80] =	vst v44  }
0x532: {  	v29 =	vor.u32 v15, v29;
	[tilespmem:s14+$0x580] =	vst v57;
	v55 =	vld.idx.msk [tilespmem:v60+s19+$0x0], $0xffff  }
0x533: {  	v49 =	vor.u32 v5, v49;
	v48 =	vld.idx.msk [tilespmem:v61+s19+$0x0], $0xffff;
	[tilespmem:s0+$0xC00] =	vst v59  }
0x534: {  	v27 =	vtrunc.f32 v27;
	v57 =	vor.u32 v5, v43;
	[tilespmem:s16+$0x480] =	vst v62;
	v30 =	vld.idx.msk [tilespmem:v30+s19+$0x0], $0xffff  }
0x535: {  	v27 =	vcvt.f32.s32 v27;
	v56 =	vor.u32 v19, v38;
	[tilespmem:s15+$0x500] =	vst v41;
	v58 =	vld.idx.msk [tilespmem:v63+s19+$0x0], $0xffff  }
0x536: {  	v59 =	vor.u32 v20, v36;
	v45 =	vld.idx.msk [tilespmem:v54+s19+$0x0], $0xffff;
	[tilespmem:s12+$0xA00] =	vst v47  }
0x537: {  	v27 =	vshll.u32 v27, $0x9;
	v37 =	vtrunc.f32 v37;
	v60 =	vor.u32 v19, v26;
	[tilespmem:s26+$0x500] =	vst v51;
	v61 =	vld.idx.msk [tilespmem:v29+s19+$0x0], $0xffff  }
0x538: {  	v62 =	vtrunc.f32 v39;
	v63 =	vor.u32 v5, v42;
	v29 =	vcvt.f32.s32 v37;
	v52 =	vld.idx.msk [tilespmem:v49+s19+$0x0], $0xffff;
	[tilespmem:s13+$0xC00] =	vst v55  }
0x539: {  	v53 =	vor.u32 v16, v27;
	v37 =	vcvt.f32.s32 v62;
	v41 =	vld.idx.msk [tilespmem:v57+s19+$0x0], $0xffff;
	[tilespmem:s14+$0x600] =	vst v48  }
0x53a: {  	v55 =	vor.u32 v7, v28;
	v54 =	vld.idx.msk [tilespmem:v56+s19+$0x0], $0xffff;
	v29 =	vshll.u32 v29, $0x9;
	[tilespmem:s0+$0xC80] =	vst v30  }
0x53b: {  	v56 =	vtrunc.f32 v40;
	v30 =	vshll.u32 v37, $0x9;
	v57 =	vor.u32 v6, v29;
	[tilespmem:s11+$0xC00] =	vst v58;
	v58 =	vld.idx.msk [tilespmem:v59+s19+$0x0], $0xffff  }
0x53c: {  	v34 =	vcvt.f32.s32 v56;
	[tilespmem:s16+$0x500] =	vst v45;
	v59 =	vor.u32 v6, v30;
	v60 =	vld.idx.msk [tilespmem:v60+s19+$0x0], $0xffff  }
0x53d: {  	v39 =	vld.idx.msk [tilespmem:v63+s19+$0x0], $0xffff;
	[tilespmem:s12+$0xA80] =	vst v61;
	v61 =	vor.u32 v21, v36  }
0x53e: {  	v62 =	vor.u32 v20, v26;
	v34 =	vshll.u32 v34, $0x9;
	[tilespmem:s26+$0x580] =	vst v52;
	v44 =	vld.idx.msk [tilespmem:v53+s19+$0x0], $0xffff  }
0x53f: {  	v63 =	vld.idx.msk [tilespmem:v55+s19+$0x0], $0xffff;
	v52 =	vor.u32 v6, v34;
	[tilespmem:s15+$0x580] =	vst v41  }
0x540: {  	v53 =	vor.u32 v20, v38;
	[tilespmem:s13+$0xC80] =	vst v54;
	v37 =	vld.idx.msk [tilespmem:v57+s19+$0x0], $0xffff  }
0x541: {  	v54 =	vor.u32 v17, v27;
	v43 =	vld.idx.msk [tilespmem:v59+s19+$0x0], $0xffff;
	[tilespmem:s0+$0xD00] =	vst v58  }
0x542: {  	v55 =	vor.u32 v7, v29;
	[tilespmem:s11+$0xC80] =	vst v60;
	v56 =	vld.idx.msk [tilespmem:v61+s19+$0x0], $0xffff  }
0x543: {  	v57 =	vor.u32 v7, v30;
	[tilespmem:s16+$0x580] =	vst v39;
	v58 =	vld.idx.msk [tilespmem:v62+s19+$0x0], $0xffff  }
0x544: {  	v61 =	vor.u32 v8, v28;
	v59 =	vld.idx.msk [tilespmem:v52+s19+$0x0], $0xffff;
	[tilespmem:s12+$0xB00] =	vst v44  }
0x545: {  	v60 =	vor.u32 v22, v36;
	[tilespmem:s14+$0x680] =	vst v63;
	v41 =	vld.idx.msk [tilespmem:v53+s19+$0x0], $0xffff  }
0x546: {  	v62 =	vor.u32 v7, v34;
	v63 =	vld.idx.msk [tilespmem:v54+s19+$0x0], $0xffff;
	[tilespmem:s26+$0x600] =	vst v37  }
0x547: {  	v52 =	vor.u32 v21, v38;
	[tilespmem:s15+$0x600] =	vst v43;
	v40 =	vld.idx.msk [tilespmem:v55+s19+$0x0], $0xffff  }
0x548: {  	v53 =	vor.u32 v18, v27;
	v46 =	vld.idx.msk [tilespmem:v57+s19+$0x0], $0xffff;
	[tilespmem:s0+$0xD80] =	vst v56  }
0x549: {  	v54 =	vor.u32 v8, v29;
	[tilespmem:s11+$0xD00] =	vst v58;
	v56 =	vld.idx.msk [tilespmem:v61+s19+$0x0], $0xffff  }
0x54a: {  	v57 =	vor.u32 v8, v30;
	v55 =	vld.idx.msk [tilespmem:v60+s19+$0x0], $0xffff;
	[tilespmem:s16+$0x600] =	vst v59  }
0x54b: {  	[tilespmem:s13+$0xD00] =	vst v41;
	v59 =	vor.u32 v9, v28;
	v42 =	vld.idx.msk [tilespmem:v62+s19+$0x0], $0xffff  }
0x54c: {  	v58 =	vor.u32 v23, v36;
	[tilespmem:s12+$0xB80] =	vst v63;
	v60 =	vld.idx.msk [tilespmem:v52+s19+$0x0], $0xffff  }
0x54d: {  	v61 =	vor.u32 v8, v34;
	v62 =	vld.idx.msk [tilespmem:v53+s19+$0x0], $0xffff;
	[tilespmem:s26+$0x680] =	vst v40  }
0x54e: {  	v63 =	vor.u32 v22, v38;
	[tilespmem:s15+$0x680] =	vst v46;
	v45 =	vld.idx.msk [tilespmem:v54+s19+$0x0], $0xffff  }
0x54f: {  	v52 =	vor.u32 v19, v27;
	[tilespmem:s14+$0x700] =	vst v56;
	v47 =	vld.idx.msk [tilespmem:v57+s19+$0x0], $0xffff  }
0x550: {  	v53 =	vor.u32 v9, v29;
	[tilespmem:s0+$0xE00] =	vst v55;
	v41 =	vld.idx.msk [tilespmem:v59+s19+$0x0], $0xffff  }
0x551: {  	v55 =	vor.u32 v9, v30;
	v54 =	vld.idx.msk [tilespmem:v58+s19+$0x0], $0xffff;
	[tilespmem:s16+$0x680] =	vst v42  }
0x552: {  	v57 =	vor.u32 v10, v28;
	[tilespmem:s13+$0xD80] =	vst v60;
	v42 =	vld.idx.msk [tilespmem:v61+s19+$0x0], $0xffff  }
0x553: {  	v56 =	vor.u32 v24, v36;
	[tilespmem:s12+$0xC00] =	vst v62;
	v58 =	vld.idx.msk [tilespmem:v63+s19+$0x0], $0xffff  }
0x554: {  	v59 =	vor.u32 v9, v34;
	v60 =	vld.idx.msk [tilespmem:v52+s19+$0x0], $0xffff;
	[tilespmem:s26+$0x700] =	vst v45  }
0x555: {  	v61 =	vor.u32 v23, v38;
	[tilespmem:s15+$0x700] =	vst v47;
	v39 =	vld.idx.msk [tilespmem:v53+s19+$0x0], $0xffff  }
0x556: {  	v63 =	vor.u32 v20, v27;
	[tilespmem:s14+$0x780] =	vst v41;
	v62 =	vld.idx.msk [tilespmem:v55+s19+$0x0], $0xffff  }
0x557: {  	v52 =	vor.u32 v10, v29;
	[tilespmem:s0+$0xE80] =	vst v54;
	v37 =	vld.idx.msk [tilespmem:v57+s19+$0x0], $0xffff  }
0x558: {  	v53 =	vor.u32 v10, v30;
	v43 =	vld.idx.msk [tilespmem:v56+s19+$0x0], $0xffff;
	[tilespmem:s16+$0x700] =	vst v42  }
0x559: {  	v54 =	vor.u32 v11, v28;
	[tilespmem:s13+$0xE00] =	vst v58;
	v42 =	vld.idx.msk [tilespmem:v59+s19+$0x0], $0xffff  }
0x55a: {  	v58 =	vor.u32 v21, v26;
	[tilespmem:s12+$0xC80] =	vst v60;
	v55 =	vld.idx.msk [tilespmem:v61+s19+$0x0], $0xffff  }
0x55b: {  	v36 =	vor.u32 v25, v36;
	v57 =	vld.idx.msk [tilespmem:v63+s19+$0x0], $0xffff;
	[tilespmem:s26+$0x780] =	vst v39  }
0x55c: {  	v56 =	vor.u32 v10, v34;
	[tilespmem:s15+$0x780] =	vst v62;
	v41 =	vld.idx.msk [tilespmem:v52+s19+$0x0], $0xffff  }
0x55d: {  	v45 =	vor.u32 v24, v38;
	[tilespmem:s14+$0x800] =	vst v37;
	v44 =	vld.idx.msk [tilespmem:v53+s19+$0x0], $0xffff  }
0x55e: {  	v59 =	vor.u32 v21, v27;
	[tilespmem:s0+$0xF00] =	vst v43;
	v40 =	vld.idx.msk [tilespmem:v54+s19+$0x0], $0xffff  }
0x55f: {  	v60 =	vor.u32 v11, v29;
	v47 =	vld.idx.msk [tilespmem:v58+s19+$0x0], $0xffff;
	[tilespmem:s16+$0x780] =	vst v42  }
0x560: {  	v61 =	vor.u32 v11, v30;
	v36 =	vld.idx.msk [tilespmem:v36+s19+$0x0], $0xffff;
	[tilespmem:s13+$0xE80] =	vst v55  }
0x561: {  	v62 =	vor.u32 v12, v28;
	v42 =	vld.idx.msk [tilespmem:v56+s19+$0x0], $0xffff;
	[tilespmem:s12+$0xD00] =	vst v57  }
0x562: {  	v57 =	vor.u32 v22, v26;
	v39 =	vld.idx.msk [tilespmem:v45+s19+$0x0], $0xffff;
	[tilespmem:s26+$0x800] =	vst v41  }
0x563: {  	v31 =	vtrunc.f32 v31;
	v63 =	vor.u32 v11, v34;
	v41 =	vld.idx.msk [tilespmem:v59+s19+$0x0], $0xffff;
	[tilespmem:s15+$0x800] =	vst v44  }
0x564: {  	v31 =	vcvt.f32.s32 v31;
	v59 =	vor.u32 v22, v27;
	v56 =	vld.idx.msk [tilespmem:v60+s19+$0x0], $0xffff;
	[tilespmem:s14+$0x880] =	vst v40  }
0x565: {  	v32 =	vtrunc.f32 v32;
	[tilespmem:s11+$0xD80] =	vst v47;
	v58 =	vld.idx.msk [tilespmem:v61+s19+$0x0], $0xffff;
	v61 =	vor.u32 v12, v29  }
0x566: {  	v32 =	vcvt.f32.s32 v32;
	v33 =	vtrunc.f32 v33;
	v31 =	vshll.u32 v31, $0x9;
	[tilespmem:s0+$0xF80] =	vst v36;
	v43 =	vld.idx.msk [tilespmem:v62+s19+$0x0], $0xffff  }
0x567: {  	v60 =	vcvt.f32.s32 v33;
	v62 =	vtrunc.f32 v35;
	[tilespmem:s16+$0x800] =	vst v42;
	v40 =	vld.idx.msk [tilespmem:v57+s19+$0x0], $0xffff;
	v42 =	vor.u32 v25, v38  }
0x568: {  	v45 =	vor.u32 v13, v28;
	v33 =	vor.u32 v23, v27;
	v44 =	vld.idx.msk [tilespmem:v63+s19+$0x0], $0xffff;
	v63 =	vcvt.f32.s32 v62;
	[tilespmem:s12+$0xD80] =	vst v41  }
0x569: {  	v47 =	vor.u32 v12, v34;
	v35 =	vshll.u32 v32, $0x9;
	v36 =	vshll.u32 v60, $0x9;
	[tilespmem:s26+$0x880] =	vst v56;
	v38 =	vld.idx.msk [tilespmem:v59+s19+$0x0], $0xffff  }
0x56a: {  	s0 =	simm.s32 $0x4;
	v37 =	vor.u32 v23, v36;
	v41 =	vor.u32 v23, v26;
	v32 =	vshll.u32 v63, $0x9;
	[tilespmem:s15+$0x880] =	vst v58;
	v46 =	vld.idx.msk [tilespmem:v61+s19+$0x0], $0xffff  }
.LBB2_9:
0x56b: {  	s0 =	sadd.s32 $0x4, s0;
	[tilespmem:s13+$0xF00] =	vst v39  }
0x56c: {  	s23 =	sadd.s32 $0x40, s23;
	s1 =	sshll.u32 s0, $0x4;
	s2 =	sshll.u32 s0, $0x9;
	[tilespmem:s14+$0x900] =	vst v43;
	v39 =	vld.idx.msk [tilespmem:v42+s19+$0x0], $0xffff  }
0x56d: {  	s18 =	sand.u32 $0x40, s23;
	s1 =	sand.u32 $0x3FFFFF80, s1;
	s2 =	sand.u32 $0x3FFFF000, s2;
	v42 =	vld.idx.msk [tilespmem:v45+s19+$0x0], $0xffff;
	[tilespmem:s16+$0x880] =	vst v44  }
0x56e: {  	v44 =	vor.u32 v13, v29;
	s5 =	sadd.s32 $0x400, s1;
	s3 =	sadd.s32 $0xC00, s1;
	s4 =	sadd.s32 $0x2000, s2;
	v43 =	vld.idx.msk [tilespmem:v47+s19+$0x0], $0xffff;
	[tilespmem:s11+$0xE00] =	vst v40  }
0x56f: {  	s6 =	sor.u32 $0x20, s18;
	s2 =	sor.u32 s18, s1;
	s8 =	sadd.s32 $0x800, s1;
	v40 =	vld.idx.msk [tilespmem:v41+s19+$0x0], $0xffff;
	[tilespmem:s12+$0xE00] =	vst v38  }
0x570: {  	s28 =	sor.u32 $0x30, s18;
	s9 =	sor.u32 s6, s1;
	s20 =	sor.u32 s18, s5;
	[tilespmem:s26+$0x900] =	vst v46;
	v38 =	vld.idx.msk [tilespmem:v33+s19+$0x0], $0xffff;
	v33 =	vmov v37  }
0x571: {  	s10 =	sor.u32 $0x10, s18;
	s21 =	sor.u32 s28, s1;
	v41 =	vor.u32 v24, v26;
	v37 =	vld [tilespmem:s2+$0x0];
	s2 =	sor.u32 s6, s5  }
0x572: {  	s1 =	sor.u32 s10, s1;
	s24 =	sor.u32 s10, s5;
	s17 =	sor.u32 s28, s3;
	v45 =	vld [tilespmem:s2+$0x0];
	[tilespmem:s13+$0xF80] =	vst v39  }
0x573: {  	s7 =	sor.u32 s10, s8;
	s29 =	sor.u32 s10, s3;
	s25 =	sor.u32 s28, s8;
	[tilespmem:s14+$0x980] =	vst v42;
	v39 =	vld.idx.msk [tilespmem:v44+s19+$0x0], $0xffff;
	v42 =	vor.u32 v24, v27  }
0x574: {  	s22 =	sor.u32 s18, s8;
	s2 =	sor.u32 s18, s3;
	s3 =	sor.u32 s6, s3;
	v44 =	vld [tilespmem:s9+$0x0];
	[tilespmem:s16+$0x900] =	vst v43  }
0x575: {  	p0 =	slt.u32 s0, $0x3C;
	s13 =	smov.u32 s26;
	s9 =	sor.u32 s6, s8;
	v43 =	vld [tilespmem:s1+$0x0];
	[tilespmem:s11+$0xE80] =	vst v40  }
0x576: {  	v40 =	vld.idx.msk [tilespmem:v41+s19+$0x0], $0xffff;
	[tilespmem:s12+$0xE80] =	vst v38  }
0x577: {  	s1 =	sor.u32 s28, s5;
	v38 =	vld [tilespmem:s21+$0x0]  }
0x578: {  	v37 =	vtrunc.f32 v37;
	v41 =	vor.u32 v25, v26;
	v26 =	vmov v35;
	v42 =	vld.idx.msk [tilespmem:v42+s19+$0x0], $0xffff  }
0x579: {  	v46 =	vor.u32 v13, v34;
	v35 =	vcvt.f32.s32 v37;
	v37 =	vtrunc.f32 v44;
	v44 =	vld [tilespmem:s1+$0x0];
	[tilespmem:s13+$0x980] =	vst v39  }
0x57a: {  	v47 =	vor.u32 v25, v27;
	v27 =	vmovc v36;
	v39 =	vld [tilespmem:s20+$0x0];
	v43 =	vtrunc.f32 v43;
	v37 =	vcvt.f32.s32 v37  }
0x57b: {  	v48 =	vor.u32 v14, v29;
	v35 =	vshll.u32 v35, $0x9;
	v36 =	vcvt.f32.s32 v43;
	v43 =	vld [tilespmem:s24+$0x0]  }
0x57c: {  	v35 =	vor.u32 v0, v35;
	v49 =	vld [tilespmem:s2+$0x0];
	v37 =	vshll.u32 v37, $0x9;
	v38 =	vtrunc.f32 v38;
	[tilespmem:s11+$0xF00] =	vst v40  }
0x57d: {  	v36 =	vshll.u32 v36, $0x9;
	v37 =	vor.u32 v0, v37;
	v38 =	vcvt.f32.s32 v38;
	v50 =	vld.idx.msk [tilespmem:v41+s19+$0x0], $0xffff  }
0x57e: {  	v40 =	vtrunc.f32 v45;
	v41 =	vtrunc.f32 v44;
	v44 =	vld.idx.msk [tilespmem:v46+s19+$0x0], $0xffff;
	[tilespmem:s12+$0xF00] =	vst v42  }
0x57f: {  	v40 =	vcvt.f32.s32 v40;
	v39 =	vtrunc.f32 v39;
	v38 =	vshll.u32 v38, $0x9;
	v45 =	vld.idx.msk [tilespmem:v47+s19+$0x0], $0xffff  }
0x580: {  	v39 =	vcvt.f32.s32 v39;
	v42 =	vtrunc.f32 v43;
	v46 =	vld.idx.msk [tilespmem:v48+s19+$0x0], $0xffff  }
0x581: {  	v40 =	vshll.u32 v40, $0x9;
	v47 =	vld.idx.msk [tilespmem:v35+s19+$0x0], $0xffff;
	v35 =	vcvt.f32.s32 v42;
	v42 =	vcvt.f32.s32 v41  }
0x582: {  	s1 =	sor.u32 s18, s4;
	v43 =	vshll.u32 v39, $0x9;
	v39 =	vtrunc.f32 v49;
	v48 =	vld.idx.msk [tilespmem:v37+s19+$0x0], $0xffff;
	v37 =	vor.u32 v14, v34  }
0x583: {  	v49 =	vor.u32 v1, v43;
	v41 =	vshll.u32 v35, $0x9;
	v42 =	vshll.u32 v42, $0x9;
	v51 =	vld [tilespmem:s17+$0x0];
	[tilespmem:s11+$0xF80] =	vst v50;
	s11 =	smov.u32 s14;
	s14 =	smov.u32 s1  }
0x584: {  	v36 =	vor.u32 v0, v36;
	v35 =	vcvt.f32.s32 v39;
	v39 =	vor.u32 v1, v41;
	v50 =	vld [tilespmem:s25+$0x0];
	[tilespmem:s16+$0x980] =	vst v44  }
0x585: {  	s26 =	sor.u32 s28, s4;
	v38 =	vor.u32 v0, v38;
	v44 =	vld [tilespmem:s29+$0x0];
	[tilespmem:s12+$0xF80] =	vst v45;
	s12 =	smov.u32 s15  }
0x586: {  	v52 =	vor.u32 v14, v28;
	v35 =	vshll.u32 v35, $0x9;
	v45 =	vld [tilespmem:s22+$0x0];
	[tilespmem:s13+$0xA00] =	vst v46  }
0x587: {  	s15 =	sor.u32 s10, s4;
	[tilespmem:s14+$0x300] =	vst v47;
	v37 =	vld.idx.msk [tilespmem:v37+s19+$0x0], $0xffff  }
0x588: {  	v46 =	vld.idx.msk [tilespmem:v49+s19+$0x0], $0xffff;
	v47 =	vtrunc.f32 v51  }
0x589: {  	v49 =	vld.idx.msk [tilespmem:v36+s19+$0x0], $0xffff;
	v36 =	vtrunc.f32 v50;
	v47 =	vcvt.f32.s32 v47  }
0x58a: {  	v50 =	vor.u32 v2, v43;
	v44 =	vtrunc.f32 v44;
	v36 =	vcvt.f32.s32 v36;
	v51 =	vld.idx.msk [tilespmem:v38+s19+$0x0], $0xffff  }
0x58b: {  	v34 =	vor.u32 v15, v34;
	v38 =	vtrunc.f32 v45;
	v45 =	vor.u32 v2, v41;
	v52 =	vld.idx.msk [tilespmem:v52+s19+$0x0], $0xffff  }
0x58c: {  	v53 =	vcvt.f32.s32 v38;
	v54 =	vld [tilespmem:s7+$0x0];
	v55 =	vshll.u32 v36, $0x9;
	v38 =	vshll.u32 v47, $0x9  }
0x58d: {  	v56 =	vor.u32 v1, v42;
	v36 =	vcvt.f32.s32 v44;
	v47 =	vor.u32 v1, v40;
	v44 =	vld [tilespmem:s9+$0x0];
	[tilespmem:s16+$0xA00] =	vst v37  }
0x58e: {  	v53 =	vshll.u32 v53, $0x9;
	[tilespmem:s14+$0x380] =	vst v46;
	v46 =	vld [tilespmem:s3+$0x0]  }
0x58f: {  	v36 =	vshll.u32 v36, $0x9;
	v50 =	vld.idx.msk [tilespmem:v50+s19+$0x0], $0xffff;
	[tilespmem:s15+$0x300] =	vst v49;
	v49 =	vor.u32 v15, v29;
	v29 =	vmov v55  }
0x590: {  	s28 =	sor.u32 s6, s4;
	v37 =	vor.u32 v23, v36;
	[tilespmem:s26+$0x300] =	vst v51;
	v51 =	vor.u32 v15, v28;
	v55 =	vld.idx.msk [tilespmem:v34+s19+$0x0], $0xffff;
	v28 =	vmov v53  }
0x591: {  	v53 =	vor.u32 v3, v43;
	v34 =	vtrunc.f32 v54;
	v54 =	vld.idx.msk [tilespmem:v39+s19+$0x0], $0xffff;
	[tilespmem:s28+$0x300] =	vst v48;
	v48 =	vor.u32 v16, v32  }
0x592: {  	v57 =	vor.u32 v3, v41;
	v34 =	vcvt.f32.s32 v34;
	v39 =	vtrunc.f32 v44;
	v44 =	vld.idx.msk [tilespmem:v56+s19+$0x0], $0xffff;
	[tilespmem:s11+$0xA00] =	vst v52  }
0x593: {  	v39 =	vcvt.f32.s32 v39;
	v46 =	vtrunc.f32 v46;
	v47 =	vld.idx.msk [tilespmem:v47+s19+$0x0], $0xffff  }
0x594: {  	v56 =	vor.u32 v2, v42;
	v52 =	vshll.u32 v34, $0x9;
	v46 =	vcvt.f32.s32 v46;
	v49 =	vld.idx.msk [tilespmem:v49+s19+$0x0], $0xffff  }
0x595: {  	[tilespmem:s14+$0x400] =	vst v50;
	v34 =	vshll.u32 v39, $0x9;
	v50 =	vld.idx.msk [tilespmem:v51+s19+$0x0], $0xffff;
	v51 =	vor.u32 v12, v30  }
0x596: {  	v53 =	vld.idx.msk [tilespmem:v53+s19+$0x0], $0xffff;
	v39 =	vshll.u32 v46, $0x9;
	[tilespmem:s16+$0xA80] =	vst v55;
	v46 =	vor.u32 v16, v31  }
0x597: {  	[tilespmem:s15+$0x380] =	vst v54;
	v54 =	vor.u32 v2, v40;
	v48 =	vld.idx.msk [tilespmem:v48+s19+$0x0], $0xffff  }
0x598: {  	v45 =	vld.idx.msk [tilespmem:v45+s19+$0x0], $0xffff;
	[tilespmem:s26+$0x380] =	vst v44;
	v44 =	vor.u32 v16, v26  }
0x599: {  	v58 =	vor.u32 v4, v41;
	v55 =	vor.u32 v4, v43;
	[tilespmem:s28+$0x380] =	vst v47;
	v47 =	vld.idx.msk [tilespmem:v56+s19+$0x0], $0xffff  }
0x59a: {  	v56 =	vor.u32 v17, v32;
	v51 =	vld.idx.msk [tilespmem:v51+s19+$0x0], $0xffff;
	[tilespmem:s13+$0xA80] =	vst v49  }
0x59b: {  	v49 =	vor.u32 v3, v42;
	[tilespmem:s11+$0xA80] =	vst v50;
	v46 =	vld.idx.msk [tilespmem:v46+s19+$0x0], $0xffff  }
0x59c: {  	[tilespmem:s14+$0x480] =	vst v53;
	v50 =	vld.idx.msk [tilespmem:v54+s19+$0x0], $0xffff  }
0x59d: {  	v53 =	vor.u32 v13, v30;
	v44 =	vld.idx.msk [tilespmem:v44+s19+$0x0], $0xffff;
	[tilespmem:s16+$0xB00] =	vst v48  }
0x59e: {  	v48 =	vld.idx.msk [tilespmem:v55+s19+$0x0], $0xffff;
	[tilespmem:s15+$0x400] =	vst v45;
	v45 =	vor.u32 v17, v31  }
0x59f: {  	[tilespmem:s26+$0x400] =	vst v47;
	v47 =	vor.u32 v17, v26;
	v54 =	vld.idx.msk [tilespmem:v56+s19+$0x0], $0xffff  }
0x5a0: {  	v43 =	vor.u32 v5, v43;
	v55 =	vor.u32 v3, v40;
	v49 =	vld.idx.msk [tilespmem:v49+s19+$0x0], $0xffff;
	[tilespmem:s12+$0x900] =	vst v51  }
0x5a1: {  	v56 =	vor.u32 v18, v32;
	v51 =	vld.idx.msk [tilespmem:v57+s19+$0x0], $0xffff;
	[tilespmem:s13+$0xB00] =	vst v46  }
0x5a2: {  	[tilespmem:s28+$0x400] =	vst v50;
	v46 =	vld.idx.msk [tilespmem:v53+s19+$0x0], $0xffff  }
0x5a3: {  	[tilespmem:s11+$0xB00] =	vst v44;
	v44 =	vld.idx.msk [tilespmem:v45+s19+$0x0], $0xffff  }
0x5a4: {  	[tilespmem:s14+$0x500] =	vst v48;
	v45 =	vld.idx.msk [tilespmem:v47+s19+$0x0], $0xffff;
	v47 =	vor.u32 v14, v30  }
0x5a5: {  	v48 =	vor.u32 v4, v42;
	v43 =	vld.idx.msk [tilespmem:v43+s19+$0x0], $0xffff;
	[tilespmem:s16+$0xB80] =	vst v54  }
0x5a6: {  	v50 =	vor.u32 v6, v28;
	v53 =	vor.u32 v18, v31;
	[tilespmem:s26+$0x480] =	vst v49;
	v49 =	vld.idx.msk [tilespmem:v56+s19+$0x0], $0xffff  }
0x5a7: {  	[tilespmem:s15+$0x480] =	vst v51;
	v51 =	vld.idx.msk [tilespmem:v55+s19+$0x0], $0xffff  }
0x5a8: {  	v54 =	vld.idx.msk [tilespmem:v58+s19+$0x0], $0xffff;
	[tilespmem:s12+$0x980] =	vst v46;
	v46 =	vor.u32 v19, v32  }
0x5a9: {  	v55 =	vor.u32 v18, v26;
	v47 =	vld.idx.msk [tilespmem:v47+s19+$0x0], $0xffff;
	[tilespmem:s13+$0xB80] =	vst v44  }
0x5aa: {  	v44 =	vor.u32 v4, v40;
	v48 =	vld.idx.msk [tilespmem:v48+s19+$0x0], $0xffff;
	[tilespmem:s11+$0xB80] =	vst v45  }
0x5ab: {  	[tilespmem:s14+$0x580] =	vst v43;
	v43 =	vor.u32 v15, v30;
	v45 =	vld.idx.msk [tilespmem:v53+s19+$0x0], $0xffff;
	v30 =	vmov v52  }
0x5ac: {  	v42 =	vor.u32 v5, v42;
	v50 =	vld.idx.msk [tilespmem:v50+s19+$0x0], $0xffff;
	[tilespmem:s16+$0xC00] =	vst v49  }
0x5ad: {  	v49 =	vor.u32 v19, v31;
	[tilespmem:s28+$0x480] =	vst v51;
	v46 =	vld.idx.msk [tilespmem:v46+s19+$0x0], $0xffff  }
0x5ae: {  	v41 =	vor.u32 v5, v41;
	[tilespmem:s15+$0x500] =	vst v54;
	v51 =	vld.idx.msk [tilespmem:v55+s19+$0x0], $0xffff  }
0x5af: {  	v52 =	vor.u32 v7, v28;
	v44 =	vld.idx.msk [tilespmem:v44+s19+$0x0], $0xffff;
	[tilespmem:s12+$0xA00] =	vst v47;
	v47 =	vor.u32 v20, v32  }
0x5b0: {  	[tilespmem:s26+$0x500] =	vst v48;
	v48 =	vor.u32 v19, v26;
	v43 =	vld.idx.msk [tilespmem:v43+s19+$0x0], $0xffff  }
0x5b1: {  	v40 =	vor.u32 v5, v40;
	v42 =	vld.idx.msk [tilespmem:v42+s19+$0x0], $0xffff;
	[tilespmem:s13+$0xC00] =	vst v45  }
0x5b2: {  	v45 =	vor.u32 v16, v27;
	[tilespmem:s14+$0x600] =	vst v50;
	v49 =	vld.idx.msk [tilespmem:v49+s19+$0x0], $0xffff  }
0x5b3: {  	v41 =	vld.idx.msk [tilespmem:v41+s19+$0x0], $0xffff;
	[tilespmem:s16+$0xC80] =	vst v46  }
0x5b4: {  	v46 =	vor.u32 v6, v29;
	[tilespmem:s11+$0xC00] =	vst v51;
	v47 =	vld.idx.msk [tilespmem:v47+s19+$0x0], $0xffff  }
0x5b5: {  	v50 =	vor.u32 v6, v30;
	[tilespmem:s28+$0x500] =	vst v44;
	v44 =	vld.idx.msk [tilespmem:v48+s19+$0x0], $0xffff  }
0x5b6: {  	v40 =	vld.idx.msk [tilespmem:v40+s19+$0x0], $0xffff;
	[tilespmem:s12+$0xA80] =	vst v43;
	v43 =	vor.u32 v21, v32  }
0x5b7: {  	[tilespmem:s26+$0x580] =	vst v42;
	v42 =	vor.u32 v20, v26;
	v45 =	vld.idx.msk [tilespmem:v45+s19+$0x0], $0xffff  }
0x5b8: {  	v51 =	vor.u32 v6, v34;
	v48 =	vld.idx.msk [tilespmem:v52+s19+$0x0], $0xffff;
	[tilespmem:s13+$0xC80] =	vst v49  }
0x5b9: {  	[tilespmem:s15+$0x580] =	vst v41;
	v41 =	vld.idx.msk [tilespmem:v46+s19+$0x0], $0xffff;
	v46 =	vor.u32 v20, v31  }
0x5ba: {  	v49 =	vld.idx.msk [tilespmem:v50+s19+$0x0], $0xffff;
	v50 =	vor.u32 v17, v27;
	[tilespmem:s16+$0xD00] =	vst v47  }
0x5bb: {  	v47 =	vor.u32 v7, v29;
	[tilespmem:s11+$0xC80] =	vst v44;
	v43 =	vld.idx.msk [tilespmem:v43+s19+$0x0], $0xffff  }
0x5bc: {  	v44 =	vor.u32 v7, v30;
	[tilespmem:s28+$0x580] =	vst v40;
	v40 =	vld.idx.msk [tilespmem:v42+s19+$0x0], $0xffff  }
0x5bd: {  	v42 =	vld.idx.msk [tilespmem:v51+s19+$0x0], $0xffff;
	[tilespmem:s12+$0xB00] =	vst v45;
	v45 =	vor.u32 v22, v32  }
0x5be: {  	[tilespmem:s14+$0x680] =	vst v48;
	v48 =	vor.u32 v8, v28;
	v46 =	vld.idx.msk [tilespmem:v46+s19+$0x0], $0xffff  }
0x5bf: {  	v51 =	vor.u32 v7, v34;
	[tilespmem:s26+$0x600] =	vst v41;
	v41 =	vld.idx.msk [tilespmem:v50+s19+$0x0], $0xffff  }
0x5c0: {  	[tilespmem:s15+$0x600] =	vst v49;
	v47 =	vld.idx.msk [tilespmem:v47+s19+$0x0], $0xffff;
	v49 =	vor.u32 v21, v31  }
0x5c1: {  	v50 =	vor.u32 v18, v27;
	v44 =	vld.idx.msk [tilespmem:v44+s19+$0x0], $0xffff;
	[tilespmem:s16+$0xD80] =	vst v43  }
0x5c2: {  	v43 =	vor.u32 v8, v29;
	[tilespmem:s11+$0xD00] =	vst v40;
	v40 =	vld.idx.msk [tilespmem:v45+s19+$0x0], $0xffff  }
0x5c3: {  	v45 =	vld.idx.msk [tilespmem:v48+s19+$0x0], $0xffff;
	v48 =	vor.u32 v8, v30;
	[tilespmem:s28+$0x600] =	vst v42  }
0x5c4: {  	v42 =	vld.idx.msk [tilespmem:v51+s19+$0x0], $0xffff;
	v51 =	vor.u32 v23, v32;
	[tilespmem:s13+$0xD00] =	vst v46  }
0x5c5: {  	v46 =	vor.u32 v9, v28;
	[tilespmem:s12+$0xB80] =	vst v41;
	v41 =	vld.idx.msk [tilespmem:v49+s19+$0x0], $0xffff  }
0x5c6: {  	v49 =	vor.u32 v8, v34;
	[tilespmem:s26+$0x680] =	vst v47;
	v47 =	vld.idx.msk [tilespmem:v50+s19+$0x0], $0xffff  }
0x5c7: {  	[tilespmem:s15+$0x680] =	vst v44;
	v43 =	vld.idx.msk [tilespmem:v43+s19+$0x0], $0xffff;
	v44 =	vor.u32 v22, v31  }
0x5c8: {  	v50 =	vor.u32 v19, v27;
	v48 =	vld.idx.msk [tilespmem:v48+s19+$0x0], $0xffff;
	[tilespmem:s16+$0xE00] =	vst v40  }
0x5c9: {  	v40 =	vor.u32 v9, v29;
	[tilespmem:s14+$0x700] =	vst v45;
	v45 =	vld.idx.msk [tilespmem:v51+s19+$0x0], $0xffff  }
0x5ca: {  	v51 =	vor.u32 v9, v30;
	v46 =	vld.idx.msk [tilespmem:v46+s19+$0x0], $0xffff;
	[tilespmem:s28+$0x680] =	vst v42  }
0x5cb: {  	v42 =	vld.idx.msk [tilespmem:v49+s19+$0x0], $0xffff;
	v49 =	vor.u32 v24, v32;
	[tilespmem:s13+$0xD80] =	vst v41  }
0x5cc: {  	v41 =	vor.u32 v10, v28;
	[tilespmem:s12+$0xC00] =	vst v47;
	v44 =	vld.idx.msk [tilespmem:v44+s19+$0x0], $0xffff  }
0x5cd: {  	v47 =	vor.u32 v9, v34;
	[tilespmem:s26+$0x700] =	vst v43;
	v43 =	vld.idx.msk [tilespmem:v50+s19+$0x0], $0xffff  }
0x5ce: {  	[tilespmem:s15+$0x700] =	vst v48;
	v40 =	vld.idx.msk [tilespmem:v40+s19+$0x0], $0xffff;
	v48 =	vor.u32 v23, v31  }
0x5cf: {  	v50 =	vld.idx.msk [tilespmem:v51+s19+$0x0], $0xffff;
	v51 =	vor.u32 v20, v27;
	[tilespmem:s16+$0xE80] =	vst v45  }
0x5d0: {  	v45 =	vor.u32 v10, v29;
	[tilespmem:s14+$0x780] =	vst v46;
	v46 =	vld.idx.msk [tilespmem:v49+s19+$0x0], $0xffff  }
0x5d1: {  	v49 =	vor.u32 v10, v30;
	v41 =	vld.idx.msk [tilespmem:v41+s19+$0x0], $0xffff;
	[tilespmem:s28+$0x700] =	vst v42  }
0x5d2: {  	v42 =	vld.idx.msk [tilespmem:v47+s19+$0x0], $0xffff;
	v47 =	vor.u32 v25, v32;
	[tilespmem:s13+$0xE00] =	vst v44;
	v32 =	vmov v39  }
0x5d3: {  	v39 =	vor.u32 v11, v28;
	[tilespmem:s12+$0xC80] =	vst v43;
	v43 =	vld.idx.msk [tilespmem:v48+s19+$0x0], $0xffff  }
0x5d4: {  	v44 =	vor.u32 v10, v34;
	[tilespmem:s26+$0x780] =	vst v40;
	v40 =	vld.idx.msk [tilespmem:v51+s19+$0x0], $0xffff  }
0x5d5: {  	v48 =	vor.u32 v21, v26;
	[tilespmem:s15+$0x780] =	vst v50;
	v45 =	vld.idx.msk [tilespmem:v45+s19+$0x0], $0xffff  }
0x5d6: {  	v50 =	vor.u32 v21, v27;
	v49 =	vld.idx.msk [tilespmem:v49+s19+$0x0], $0xffff;
	[tilespmem:s16+$0xF00] =	vst v46  }
0x5d7: {  	[tilespmem:s14+$0x800] =	vst v41;
	v41 =	vor.u32 v11, v29;
	v46 =	vld.idx.msk [tilespmem:v47+s19+$0x0], $0xffff  }
0x5d8: {  	v47 =	vor.u32 v11, v30;
	v39 =	vld.idx.msk [tilespmem:v39+s19+$0x0], $0xffff;
	[tilespmem:s28+$0x780] =	vst v42  }
0x5d9: {  	v42 =	vld.idx.msk [tilespmem:v44+s19+$0x0], $0xffff;
	[tilespmem:s13+$0xE80] =	vst v43;
	v43 =	vor.u32 v24, v31  }
0x5da: {  	v44 =	vor.u32 v12, v28;
	v48 =	vld.idx.msk [tilespmem:v48+s19+$0x0], $0xffff;
	[tilespmem:s12+$0xD00] =	vst v40  }
0x5db: {  	v40 =	vor.u32 v11, v34;
	[tilespmem:s26+$0x800] =	vst v45;
	v50 =	vld.idx.msk [tilespmem:v50+s19+$0x0], $0xffff  }
0x5dc: {  	[tilespmem:s15+$0x800] =	vst v49;
	v41 =	vld.idx.msk [tilespmem:v41+s19+$0x0], $0xffff;
	v49 =	vor.u32 v22, v26  }
0x5dd: {  	v52 =	vor.u32 v22, v27;
	v51 =	vld.idx.msk [tilespmem:v47+s19+$0x0], $0xffff;
	[tilespmem:s16+$0xF80] =	vst v46;
	s16 =	smov.u32 s28  }
0x5de: {  	v46 =	vor.u32 v12, v29;
	[tilespmem:s14+$0x880] =	vst v39;
	v39 =	vld.idx.msk [tilespmem:v43+s19+$0x0], $0xffff  }
.Ltmp4:
0x5df: {  	v43 =	vld.idx.msk [tilespmem:v44+s19+$0x0], $0xffff;
	[tilespmem:s16+$0x800] =	vst v42;
	(pc) =	sbr.rel @p0 .LBB2_9-.Ltmp4, $4  }
0x5e0: {  	v42 =	vor.u32 v25, v31;
	v31 =	vmov v38;
	v44 =	vld.idx.msk [tilespmem:v40+s19+$0x0], $0xffff;
	[tilespmem:s11+$0xD80] =	vst v48  }
0x5e1: {  	v45 =	vor.u32 v13, v28;
	v40 =	vld.idx.msk [tilespmem:v49+s19+$0x0], $0xffff;
	[tilespmem:s12+$0xD80] =	vst v50  }
0x5e2: {  	v47 =	vor.u32 v12, v34;
	[tilespmem:s26+$0x880] =	vst v41;
	v38 =	vld.idx.msk [tilespmem:v52+s19+$0x0], $0xffff  }
0x5e3: {  	v41 =	vor.u32 v23, v26;
	[tilespmem:s15+$0x880] =	vst v51;
	v46 =	vld.idx.msk [tilespmem:v46+s19+$0x0], $0xffff  }
0x5e4: {  	v48 =	vor.u32 v12, v30;
	_ =	sdelay $0x2  }
0x5e5: {  	[tilespmem:s16+$0x880] =	vst v44  }
0x5e6: {  	v49 =	vor.u32 v13, v29;
	v44 =	vld.idx.msk [tilespmem:v47+s19+$0x0], $0xffff  }
0x5e7: {  	v57 =	vor.u32 v13, v34;
	v48 =	vld.idx.msk [tilespmem:v48+s19+$0x0], $0xffff  }
0x5e8: {  	v50 =	vor.u32 v13, v30  }
0x5e9: {  	[tilespmem:s14+$0x900] =	vst v43  }
0x5ea: {  	v45 =	vld.idx.msk [tilespmem:v45+s19+$0x0], $0xffff;
	[tilespmem:s26+$0x900] =	vst v46  }
0x5eb: {  	v61 =	vor.u32 v14, v28;
	v58 =	vld.idx.msk [tilespmem:v49+s19+$0x0], $0xffff;
	[tilespmem:s16+$0x900] =	vst v44  }
0x5ec: {  	v60 =	vor.u32 v14, v29;
	v44 =	vld.idx.msk [tilespmem:v57+s19+$0x0], $0xffff;
	[tilespmem:s15+$0x900] =	vst v48  }
0x5ed: {  	v59 =	vor.u32 v14, v34;
	v62 =	vld.idx.msk [tilespmem:v50+s19+$0x0], $0xffff  }
0x5ee: {  	v63 =	vor.u32 v14, v30  }
0x5ef: {  	[tilespmem:s14+$0x980] =	vst v45  }
0x5f0: {  	v45 =	vld.idx.msk [tilespmem:v61+s19+$0x0], $0xffff;
	[tilespmem:s26+$0x980] =	vst v58  }
0x5f1: {  	v55 =	vor.u32 v15, v28;
	v52 =	vld.idx.msk [tilespmem:v60+s19+$0x0], $0xffff;
	[tilespmem:s16+$0x980] =	vst v44  }
0x5f2: {  	v54 =	vor.u32 v15, v29;
	v51 =	vld.idx.msk [tilespmem:v59+s19+$0x0], $0xffff;
	[tilespmem:s15+$0x980] =	vst v62  }
0x5f3: {  	v53 =	vor.u32 v15, v34;
	v56 =	vld.idx.msk [tilespmem:v63+s19+$0x0], $0xffff  }
0x5f4: {  	v57 =	vor.u32 v15, v30  }
0x5f5: {  	[tilespmem:s14+$0xA00] =	vst v45  }
0x5f6: {  	v28 =	vld.idx.msk [tilespmem:v55+s19+$0x0], $0xffff;
	[tilespmem:s26+$0xA00] =	vst v52  }
0x5f7: {  	v60 =	vor.u32 v16, v35;
	v29 =	vld.idx.msk [tilespmem:v54+s19+$0x0], $0xffff;
	[tilespmem:s16+$0xA00] =	vst v51  }
0x5f8: {  	v59 =	vor.u32 v16, v31;
	v34 =	vld.idx.msk [tilespmem:v53+s19+$0x0], $0xffff;
	[tilespmem:s15+$0xA00] =	vst v56  }
0x5f9: {  	v58 =	vor.u32 v16, v32;
	v30 =	vld.idx.msk [tilespmem:v57+s19+$0x0], $0xffff  }
0x5fa: {  	v61 =	vor.u32 v16, v36  }
0x5fb: {  	[tilespmem:s14+$0xA80] =	vst v28  }
0x5fc: {  	v48 =	vld.idx.msk [tilespmem:v60+s19+$0x0], $0xffff;
	[tilespmem:s26+$0xA80] =	vst v29  }
0x5fd: {  	v50 =	vor.u32 v17, v35;
	v63 =	vld.idx.msk [tilespmem:v59+s19+$0x0], $0xffff;
	[tilespmem:s16+$0xA80] =	vst v34  }
0x5fe: {  	v49 =	vor.u32 v17, v31;
	v34 =	vld.idx.msk [tilespmem:v58+s19+$0x0], $0xffff;
	[tilespmem:s15+$0xA80] =	vst v30  }
0x5ff: {  	v62 =	vor.u32 v17, v32;
	v51 =	vld.idx.msk [tilespmem:v61+s19+$0x0], $0xffff  }
0x600: {  	v52 =	vor.u32 v17, v36  }
0x601: {  	[tilespmem:s14+$0xB00] =	vst v48  }
0x602: {  	[tilespmem:s26+$0xB00] =	vst v63;
	v30 =	vld.idx.msk [tilespmem:v50+s19+$0x0], $0xffff  }
0x603: {  	v56 =	vor.u32 v18, v35;
	v54 =	vld.idx.msk [tilespmem:v49+s19+$0x0], $0xffff;
	[tilespmem:s16+$0xB00] =	vst v34  }
0x604: {  	v55 =	vor.u32 v18, v31;
	v29 =	vld.idx.msk [tilespmem:v62+s19+$0x0], $0xffff;
	[tilespmem:s15+$0xB00] =	vst v51  }
0x605: {  	v53 =	vor.u32 v18, v32;
	v45 =	vld.idx.msk [tilespmem:v52+s19+$0x0], $0xffff  }
0x606: {  	v57 =	vor.u32 v18, v36  }
0x607: {  	[tilespmem:s14+$0xB80] =	vst v30  }
0x608: {  	[tilespmem:s26+$0xB80] =	vst v54;
	v61 =	vld.idx.msk [tilespmem:v56+s19+$0x0], $0xffff  }
0x609: {  	v62 =	vor.u32 v19, v35;
	v59 =	vld.idx.msk [tilespmem:v55+s19+$0x0], $0xffff;
	[tilespmem:s16+$0xB80] =	vst v29  }
0x60a: {  	v60 =	vor.u32 v19, v31;
	v28 =	vld.idx.msk [tilespmem:v53+s19+$0x0], $0xffff;
	[tilespmem:s15+$0xB80] =	vst v45  }
0x60b: {  	v58 =	vor.u32 v19, v32;
	v45 =	vld.idx.msk [tilespmem:v57+s19+$0x0], $0xffff  }
0x60c: {  	v63 =	vor.u32 v19, v36  }
0x60d: {  	[tilespmem:s14+$0xC00] =	vst v61  }
0x60e: {  	[tilespmem:s26+$0xC00] =	vst v59;
	v49 =	vld.idx.msk [tilespmem:v62+s19+$0x0], $0xffff  }
0x60f: {  	v51 =	vor.u32 v20, v35;
	v30 =	vld.idx.msk [tilespmem:v60+s19+$0x0], $0xffff;
	[tilespmem:s16+$0xC00] =	vst v28  }
0x610: {  	v50 =	vor.u32 v20, v31;
	v28 =	vld.idx.msk [tilespmem:v58+s19+$0x0], $0xffff;
	[tilespmem:s15+$0xC00] =	vst v45  }
0x611: {  	v48 =	vor.u32 v20, v32;
	v45 =	vld.idx.msk [tilespmem:v63+s19+$0x0], $0xffff  }
0x612: {  	v52 =	vor.u32 v20, v36  }
0x613: {  	[tilespmem:s14+$0xC80] =	vst v49  }
0x614: {  	[tilespmem:s26+$0xC80] =	vst v30;
	v34 =	vld.idx.msk [tilespmem:v51+s19+$0x0], $0xffff  }
0x615: {  	v56 =	vor.u32 v21, v35;
	v30 =	vld.idx.msk [tilespmem:v50+s19+$0x0], $0xffff;
	[tilespmem:s16+$0xC80] =	vst v28  }
0x616: {  	v54 =	vor.u32 v21, v31;
	v28 =	vld.idx.msk [tilespmem:v48+s19+$0x0], $0xffff;
	[tilespmem:s15+$0xC80] =	vst v45  }
0x617: {  	v53 =	vor.u32 v21, v32;
	v55 =	vld.idx.msk [tilespmem:v52+s19+$0x0], $0xffff  }
0x618: {  	v57 =	vor.u32 v21, v36  }
0x619: {  	[tilespmem:s14+$0xD00] =	vst v34  }
0x61a: {  	[tilespmem:s26+$0xD00] =	vst v30;
	v60 =	vld.idx.msk [tilespmem:v56+s19+$0x0], $0xffff  }
0x61b: {  	v62 =	vor.u32 v22, v35;
	v30 =	vld.idx.msk [tilespmem:v54+s19+$0x0], $0xffff;
	[tilespmem:s16+$0xD00] =	vst v28  }
0x61c: {  	v59 =	vor.u32 v22, v31;
	v28 =	vld.idx.msk [tilespmem:v53+s19+$0x0], $0xffff;
	[tilespmem:s15+$0xD00] =	vst v55  }
0x61d: {  	[tilespmem:s13+$0xF00] =	vst v39;
	v58 =	vor.u32 v22, v32;
	v61 =	vld.idx.msk [tilespmem:v57+s19+$0x0], $0xffff  }
0x61e: {  	[tilespmem:s11+$0xE00] =	vst v40;
	v63 =	vor.u32 v22, v36  }
0x61f: {  	v42 =	vld.idx.msk [tilespmem:v42+s19+$0x0], $0xffff;
	[tilespmem:s14+$0xD80] =	vst v60  }
0x620: {  	[tilespmem:s26+$0xD80] =	vst v30;
	v43 =	vld.idx.msk [tilespmem:v62+s19+$0x0], $0xffff  }
0x621: {  	v48 =	vor.u32 v23, v35;
	v30 =	vld.idx.msk [tilespmem:v59+s19+$0x0], $0xffff;
	[tilespmem:s16+$0xD80] =	vst v28  }
0x622: {  	v46 =	vor.u32 v23, v31;
	v28 =	vld.idx.msk [tilespmem:v58+s19+$0x0], $0xffff;
	[tilespmem:s15+$0xD80] =	vst v61  }
0x623: {  	[tilespmem:s12+$0xE00] =	vst v38;
	v45 =	vor.u32 v23, v32;
	v47 =	vld.idx.msk [tilespmem:v63+s19+$0x0], $0xffff  }
0x624: {  	[tilespmem:s13+$0xF80] =	vst v42;
	v49 =	vld.idx.msk [tilespmem:v41+s19+$0x0], $0xffff  }
0x625: {  	v33 =	vld.idx.msk [tilespmem:v33+s19+$0x0], $0xffff;
	v50 =	vor.u32 v24, v26;
	[tilespmem:s14+$0xE00] =	vst v43  }
0x626: {  	v51 =	vor.u32 v24, v27;
	[tilespmem:s26+$0xE00] =	vst v30;
	v39 =	vld.idx.msk [tilespmem:v48+s19+$0x0], $0xffff  }
0x627: {  	v54 =	vor.u32 v24, v35;
	v34 =	vld.idx.msk [tilespmem:v46+s19+$0x0], $0xffff;
	[tilespmem:s16+$0xE00] =	vst v28  }
0x628: {  	v53 =	vor.u32 v24, v31;
	v29 =	vld.idx.msk [tilespmem:v45+s19+$0x0], $0xffff;
	[tilespmem:s15+$0xE00] =	vst v47  }
0x629: {  	[tilespmem:s11+$0xE80] =	vst v49;
	v52 =	vor.u32 v24, v32;
	v37 =	vld.idx.msk [tilespmem:v37+s19+$0x0], $0xffff  }
0x62a: {  	[tilespmem:s12+$0xE80] =	vst v33;
	v40 =	vld.idx.msk [tilespmem:v50+s19+$0x0], $0xffff;
	v55 =	vor.u32 v24, v36  }
0x62b: {  	v26 =	vor.u32 v25, v26;
	v28 =	vld.idx.msk [tilespmem:v51+s19+$0x0], $0xffff;
	[tilespmem:s14+$0xE80] =	vst v39  }
0x62c: {  	v27 =	vor.u32 v25, v27;
	[tilespmem:s26+$0xE80] =	vst v34;
	v59 =	vld.idx.msk [tilespmem:v54+s19+$0x0], $0xffff  }
0x62d: {  	v60 =	vor.u32 v25, v35;
	v57 =	vld.idx.msk [tilespmem:v53+s19+$0x0], $0xffff;
	[tilespmem:s16+$0xE80] =	vst v29  }
0x62e: {  	v58 =	vor.u32 v25, v31;
	v29 =	vld.idx.msk [tilespmem:v52+s19+$0x0], $0xffff;
	[tilespmem:s15+$0xE80] =	vst v37  }
0x62f: {  	v56 =	vor.u32 v25, v32;
	[tilespmem:s11+$0xF00] =	vst v40;
	v33 =	vld.idx.msk [tilespmem:v55+s19+$0x0], $0xffff  }
0x630: {  	v26 =	vld.idx.msk [tilespmem:v26+s19+$0x0], $0xffff;
	v61 =	vor.u32 v25, v36;
	[tilespmem:s12+$0xF00] =	vst v28  }
0x631: {  	v27 =	vld.idx.msk [tilespmem:v27+s19+$0x0], $0xffff;
	[tilespmem:s14+$0xF00] =	vst v59  }
0x632: {  	[tilespmem:s26+$0xF00] =	vst v57;
	v63 =	vld.idx.msk [tilespmem:v60+s19+$0x0], $0xffff  }
0x633: {  	v62 =	vld.idx.msk [tilespmem:v58+s19+$0x0], $0xffff;
	[tilespmem:s16+$0xF00] =	vst v29  }
0x634: {  	v29 =	vld.idx.msk [tilespmem:v56+s19+$0x0], $0xffff;
	[tilespmem:s15+$0xF00] =	vst v33  }
0x635: {  	[tilespmem:s11+$0xF80] =	vst v26;
	v26 =	vld.idx.msk [tilespmem:v61+s19+$0x0], $0xffff  }
0x636: {  	[tilespmem:s12+$0xF80] =	vst v27  }
0x637: {  	[tilespmem:s14+$0xF80] =	vst v63  }
0x638: {  	[tilespmem:s26+$0xF80] =	vst v62  }
0x639: {  	[tilespmem:s16+$0xF80] =	vst v29  }
0x63a: {  	s0 =	simm.s32 $0x5;
	[tilespmem:s15+$0xF80] =	vst v26  }
0x63b: {  	_ =	swait.ge [sflag:s0], $0x400  }
0x63c: {  	[sflag:s0] =	ssyncset.done $0x0  }
0x63d: {  	[sflag:s0] =	ssyncadd.s32 $0xFFFFFC00  }
0x63e: {  	_ =	swait.ge [sflag:s0], $0x400  }
0x63f: {  	[sflag:s0] =	ssyncset.done $0x0  }
0x640: {  	[sflag:s0] =	ssyncadd.s32 $0xFFFFFC00  }
0x641: {  	_ =	swait.ge [sflag:s0], $0x400  }
0x642: {  	[sflag:s0] =	ssyncset.done $0x0  }
0x643: {  	[sflag:s0] =	ssyncadd.s32 $0xFFFFFC00  }
0x644: {  	_ =	swait.ge [sflag:s0], $0x400  }
0x645: {  	[sflag:s0] =	ssyncset.done $0x0  }
0x646: {  	[sflag:s0] =	ssyncadd.s32 $0xFFFFFC00  }
0x647: {  	_ =	swait.ge [sflag:s0], $0x400  }
0x648: {  	[sflag:s0] =	ssyncset.done $0x0  }
0x649: {  	[sflag:s0] =	ssyncadd.s32 $0xFFFFFC00  }
0x64a: {  	s2 =	simm.s32 $0x400;
	_ =	swait.ge [sflag:s0], $0x400  }
0x64b: {  	s1 =	simm.s32 $0x2000;
	s3 =	simm.s32 $0x8000;
	[sflag:s0] =	ssyncset.done $0x0  }
0x64c: {  	s28 =	simm.s32 $0x4;
	s26 =	rddreg [dreg:$0x10];
	[sflag:s0] =	ssyncadd.s32 $0xFFFFFC00  }
0x64d: {  	[hbm4b:s26+s2] =	stream.strided.scatter [tilespmem:s1], [sflag:$0x3], $0x8000, s3, s2, $0x38;
	[tilespmem:$0x12600] =	vst v63  }
0x64e: {  	_ =	swait.ge [sflag:s28], $0x8000  }
0x64f: {  	[sflag:s28] =	ssyncset.done $0x0  }
0x650: {  	[sflag:s28] =	ssyncadd.s32 $0xFFFF8000  }
0x651: {  	_ =	swait.ge [sflag:s30], $0x8000  }
0x652: {  	s29 =	rddreg [dreg:$0x12]  }
0x653: {  	s31 =	rddreg [dreg:$0x11];
	s1 =	sadd.s32 $0x1, s29  }
0x654: {  	p0 =	sne.s32 s1, s31  }
.Ltmp5:
0x655: {  	_ = 	snop;
	(pc) =	sbr.rel @p0 .LBB2_1-.Ltmp5, $4  }
0x656: {  	_ = 	snop  }
0x657: {  	[sflag:s30] =	ssyncset.done $0x0  }
0x658: {  	s24 =	rddreg [dreg:$0x4];
	[sflag:s30] =	ssyncadd.s32 $0xFFFF8000  }
0x659: {  	s21 =	rddreg [dreg:$0x0]  }
0x65a: {  	_ =	sfence.sel $0x180000  }
0x65b: {  	[bflag:$0x0] =	sbarrier.arrive $0xFFFF  }
0x65c: {  	_ =	strace $0x90000047  }
0x65d: {  	s0 =	stileid.u32;
	[bflag:$0x2] =	sbarrier.arrive $0xFFFF  }
0x65e: {  	p0 =	sne.s32 s0, $0x0;
	s0 =	rddreg [dreg:$0x3]  }
0x65f: {  	s0 =	sadd.s32 @!p0 $0x100000, s0  }
0x660: {  	[sflag:s0] =	ssyncadd.tile.s32 @!p0 $0x1;
	_ =	shalt  }
.Lfunc_end2:
_tile_overlayer_lowered:
.L_overlay_start_2:
0x661: {  	(tag) =	ssettag $0x2  }
0x662: {  	s0 =	rddreg [dreg:$0x0];
	s2 =	stileid.u32  }
0x663: {  	s1 =	rddreg [dreg:$0x1];
	p0 =	sne.s32 s2, $0x0  }
0x664: {  	s3 =	rddreg [dreg:$0x2];
	[bflag:$0x3] =	sbarrier.arrive $0xFFFF;
	s2 =	simm.s32 @!p0 $0x1C07  }
0x665: {  	[timem:s3], [sflag:s2] =	dma.local @!p0 [hbm:s0], s1  }
0x666: {  	s0 =	simm.s32 @!p0 $0x7  }
0x667: {  	_ =	swait.ge @!p0 [sflag:s0], s1  }
0x668: {  	s1 =	ssub.s32 @!p0 $0x0, s1;
	[sflag:s0] =	ssyncset.done @!p0 $0x0  }
0x669: {  	[sflag:s0] =	ssyncadd.s32 @!p0 s1  }
0x66a: {  	[bflag:$0x3] =	sbarrier.arrive $0xFFFF  }
0x66b: {  	_ =	shalt  }

</sc_bundles>
